<compile_context>
chip_gen: v7x
topology: tpu7x:2x2x1
jax: 0.10.2.dev20260603
libtpu: 0.0.44.dev20260713+nightly
codegen_flags: <defaults>
</compile_context>

<pallas_src>
import functools

import jax
import jax.numpy as jnp
from jax import lax
from jax.experimental import pallas as pl
from jax.experimental.pallas import tpu as pltpu
from jax.experimental.pallas import tpu_sc as plsc

N = 10000
E = 320000
D = 128
S = 64
TWO_E = 2 * E

NC, NS, L = 2, 16, 16
NW = NC * NS
NPAD = 10240
C = 128
NCH = 80
EPW = NCH * C
EPAD = EPW * NW
NCH2 = 158
EPW2 = NCH2 * C
EPAD2 = EPW2 * NW

BLK = 1024
GRID = NPAD // BLK
FROWS = EPAD2 // C
FGRID = 4
FBLK = FROWS // FGRID
POS_ROWS = E // C
VALID_ROWS = TWO_E // C


def _sc_segment_sum_body(hm_hbm, srcp_hbm, dstp_hbm, zeros_hbm, out_hbm,
                         srcA, dstA, srcB, dstB, rowsA, rowsB, acc_sh,
                         semA, semB):
    cid = lax.axis_index("c")
    sid = lax.axis_index("s")
    wid = sid * NC + cid
    base0 = wid * EPW
    zrows = NPAD // NS
    pltpu.sync_copy(zeros_hbm, acc_sh.at[pl.ds(sid * zrows, zrows)])
    plsc.subcore_barrier()

    def load_idx(c, sbuf, dbuf):
        pltpu.sync_copy(srcp_hbm.at[pl.ds(base0 + c * C, C)], sbuf)
        pltpu.sync_copy(dstp_hbm.at[pl.ds(base0 + c * C, C)], dbuf)

    load_idx(0, srcA, dstA)
    pltpu.async_copy(hm_hbm.at[srcA], rowsA, semA)

    def body(k, carry):
        c0 = 2 * k
        load_idx(c0 + 1, srcB, dstB)
        pltpu.async_copy(hm_hbm.at[srcB], rowsB, semB)
        pltpu.make_async_copy(hm_hbm.at[srcA], rowsA, semA).wait()
        pltpu.sync_copy(rowsA, acc_sh.at[dstA], add=True)
        load_idx(c0 + 2, srcA, dstA)
        pltpu.async_copy(hm_hbm.at[srcA], rowsA, semA)
        pltpu.make_async_copy(hm_hbm.at[srcB], rowsB, semB).wait()
        pltpu.sync_copy(rowsB, acc_sh.at[dstB], add=True)
        return carry

    lax.fori_loop(0, NCH // 2, body, 0)
    pltpu.make_async_copy(hm_hbm.at[srcA], rowsA, semA).wait()
    plsc.subcore_barrier()
    rpw = NPAD // NS
    pltpu.sync_copy(acc_sh.at[pl.ds(sid * rpw, rpw)],
                    out_hbm.at[cid, pl.ds(sid * rpw, rpw)])


def _sc_edge_dot_body(z_hbm, zw2_hbm, u_hbm, v_hbm, out_hbm,
                      uA, vA, uB, vB, ubA, vbA, ubB, vbB, ev,
                      sAu, sAv, sBu, sBv):
    cid = lax.axis_index("c")
    sid = lax.axis_index("s")
    wid = sid * NC + cid
    base0 = wid * EPW2
    iota = lax.iota(jnp.int32, L)
    rows = [iota + g * L for g in range(C // L)]
    zero16 = jnp.zeros((L,), jnp.float32)

    def load_idx(c, ubuf, vbuf):
        pltpu.sync_copy(u_hbm.at[pl.ds(base0 + c * C, C)], ubuf)
        pltpu.sync_copy(v_hbm.at[pl.ds(base0 + c * C, C)], vbuf)

    def start_gather(ubuf, vbuf, ub, vb, su, sv):
        pltpu.async_copy(z_hbm.at[ubuf], ub, su)
        pltpu.async_copy(zw2_hbm.at[vbuf], vb, sv)

    def wait_gather(ubuf, vbuf, ub, vb, su, sv):
        pltpu.make_async_copy(z_hbm.at[ubuf], ub, su).wait()
        pltpu.make_async_copy(zw2_hbm.at[vbuf], vb, sv).wait()

    def compute(ub, vb, c):
        @plsc.parallel_loop(0, S, unroll=8,
                            carry=tuple(zero16 for _ in range(C // L)))
        def accs(s, acc):
            col = jnp.full((L,), 0, jnp.int32) + s
            return tuple(
                acc[g]
                + plsc.load_gather(ub, [rows[g], col])
                * plsc.load_gather(vb, [rows[g], col])
                for g in range(C // L))

        for g in range(C // L):
            ev[pl.ds(g * L, L)] = accs[g]
        pltpu.sync_copy(ev, out_hbm.at[pl.ds(base0 + c * C, C)])

    load_idx(0, uA, vA)
    start_gather(uA, vA, ubA, vbA, sAu, sAv)

    def body(k, carry):
        c0 = 2 * k
        load_idx(c0 + 1, uB, vB)
        start_gather(uB, vB, ubB, vbB, sBu, sBv)
        wait_gather(uA, vA, ubA, vbA, sAu, sAv)
        compute(ubA, vbA, c0)
        load_idx(c0 + 2, uA, vA)
        start_gather(uA, vA, ubA, vbA, sAu, sAv)
        wait_gather(uB, vB, ubB, vbB, sBu, sBv)
        compute(ubB, vbB, c0 + 1)
        return carry

    lax.fori_loop(0, NCH2 // 2, body, 0)
    wait_gather(uA, vA, ubA, vbA, sAu, sAv)


@functools.cache
def _sc_kernels():
    mesh = plsc.VectorSubcoreMesh(core_axis_name="c", subcore_axis_name="s",
                                  num_cores=NC, num_subcores=NS)
    params = pltpu.CompilerParams(use_tc_tiling_on_sc=False,
                                  needs_layout_passes=False)
    seg = pl.kernel(
        _sc_segment_sum_body,
        out_type=jax.ShapeDtypeStruct((NC, NPAD, S), jnp.float32),
        mesh=mesh,
        scratch_types=[
            pltpu.VMEM((C,), jnp.int32),
            pltpu.VMEM((C,), jnp.int32),
            pltpu.VMEM((C,), jnp.int32),
            pltpu.VMEM((C,), jnp.int32),
            pltpu.VMEM((C, S), jnp.float32),
            pltpu.VMEM((C, S), jnp.float32),
            pltpu.VMEM_SHARED((NPAD, S), jnp.float32),
            pltpu.SemaphoreType.DMA,
            pltpu.SemaphoreType.DMA,
        ],
        compiler_params=params,
    )
    edot = pl.kernel(
        _sc_edge_dot_body,
        out_type=jax.ShapeDtypeStruct((EPAD2,), jnp.float32),
        mesh=mesh,
        scratch_types=[
            pltpu.VMEM((C,), jnp.int32),
            pltpu.VMEM((C,), jnp.int32),
            pltpu.VMEM((C,), jnp.int32),
            pltpu.VMEM((C,), jnp.int32),
            pltpu.VMEM((C, S), jnp.float32),
            pltpu.VMEM((C, S), jnp.float32),
            pltpu.VMEM((C, S), jnp.float32),
            pltpu.VMEM((C, S), jnp.float32),
            pltpu.VMEM((C,), jnp.float32),
            pltpu.SemaphoreType.DMA,
            pltpu.SemaphoreType.DMA,
            pltpu.SemaphoreType.DMA,
            pltpu.SemaphoreType.DMA,
        ],
        compiler_params=params,
    )
    return seg, edot



def _tc_in_body(x_ref, wi_ref, wm_ref, h_ref, hm_ref):
    h = jnp.dot(x_ref[...], wi_ref[...], preferred_element_type=jnp.float32)
    h_ref[...] = h
    hm_ref[...] = jnp.dot(h, wm_ref[...], preferred_element_type=jnp.float32)


_tc_in = pl.pallas_call(
    _tc_in_body,
    grid=(GRID,),
    in_specs=[
        pl.BlockSpec((BLK, D), lambda i: (i, 0)),
        pl.BlockSpec((D, S), lambda i: (0, 0)),
        pl.BlockSpec((S, S), lambda i: (0, 0)),
    ],
    out_specs=[pl.BlockSpec((BLK, S), lambda i: (i, 0)),
               pl.BlockSpec((BLK, S), lambda i: (i, 0))],
    out_shape=[jax.ShapeDtypeStruct((NPAD, S), jnp.float32),
               jax.ShapeDtypeStruct((NPAD, S), jnp.float32)],
)


def _tc_round_body(h_ref, m_ref, wm_ref, h_out, hm_out):
    hn = jnp.maximum(h_ref[...] + m_ref[0] + m_ref[1], 0.0)
    h_out[...] = hn
    hm_out[...] = jnp.dot(hn, wm_ref[...], preferred_element_type=jnp.float32)


_tc_round = pl.pallas_call(
    _tc_round_body,
    grid=(GRID,),
    in_specs=[
        pl.BlockSpec((BLK, S), lambda i: (i, 0)),
        pl.BlockSpec((2, BLK, S), lambda i: (0, i, 0)),
        pl.BlockSpec((S, S), lambda i: (0, 0)),
    ],
    out_specs=[pl.BlockSpec((BLK, S), lambda i: (i, 0)),
               pl.BlockSpec((BLK, S), lambda i: (i, 0))],
    out_shape=[jax.ShapeDtypeStruct((NPAD, S), jnp.float32),
               jax.ShapeDtypeStruct((NPAD, S), jnp.float32)],
)


def _tc_post_body(h_ref, m_ref, eps_ref, wmu_ref, wls_ref, wdec_ref,
                  z_ref, zw2_ref, kl_ref):
    hf = jnp.maximum(h_ref[...] + m_ref[0] + m_ref[1], 0.0)
    mu = jnp.dot(hf, wmu_ref[...], preferred_element_type=jnp.float32)
    ls = jnp.dot(hf, wls_ref[...], preferred_element_type=jnp.float32)
    std = jnp.exp(ls)
    z = mu + eps_ref[...] * std
    z_ref[...] = z
    zw = z * wdec_ref[...][:, 0][None, :]
    zw2_ref[0] = -zw
    zw2_ref[1] = zw

    @pl.when(pl.program_id(0) == 0)
    def _():
        kl_ref[...] = jnp.zeros((1, 1), jnp.float32)

    klb = jnp.sum(0.5 * (mu * mu + std * std - 1.0) - ls)
    kl_ref[...] += jnp.full((1, 1), klb, jnp.float32)


_tc_post = pl.pallas_call(
    _tc_post_body,
    grid=(GRID,),
    in_specs=[
        pl.BlockSpec((BLK, S), lambda i: (i, 0)),
        pl.BlockSpec((2, BLK, S), lambda i: (0, i, 0)),
        pl.BlockSpec((BLK, S), lambda i: (i, 0)),
        pl.BlockSpec((S, S), lambda i: (0, 0)),
        pl.BlockSpec((S, S), lambda i: (0, 0)),
        pl.BlockSpec((S, 1), lambda i: (0, 0)),
    ],
    out_specs=[pl.BlockSpec((BLK, S), lambda i: (i, 0)),
               pl.BlockSpec((2, BLK, S), lambda i: (0, i, 0)),
               pl.BlockSpec((1, 1), lambda i: (0, 0))],
    out_shape=[jax.ShapeDtypeStruct((NPAD, S), jnp.float32),
               jax.ShapeDtypeStruct((2, NPAD, S), jnp.float32),
               jax.ShapeDtypeStruct((1, 1), jnp.float32)],
)


def _tc_final_body(ell_ref, kl_ref, b_ref, out_ref, acc_ref):
    i = pl.program_id(0)
    row = i * FBLK + lax.broadcasted_iota(jnp.int32, (FBLK, C), 0)
    bv = b_ref[0, 0]
    adj = jnp.where(row < POS_ROWS, -bv, bv)
    term = -jax.nn.softplus(ell_ref[...] + adj)
    sblk = jnp.sum(jnp.where(row < VALID_ROWS, term, 0.0))

    @pl.when(i == 0)
    def _():
        acc_ref[0] = 0.0

    acc_ref[0] += sblk

    @pl.when(i == FGRID - 1)
    def _():
        loss = -(acc_ref[0] / TWO_E - kl_ref[0, 0] / N)
        out_ref[...] = jnp.full((1, 1), loss, jnp.float32)


_tc_final = pl.pallas_call(
    _tc_final_body,
    grid=(FGRID,),
    in_specs=[
        pl.BlockSpec((FBLK, C), lambda i: (i, 0)),
        pl.BlockSpec((1, 1), lambda i: (0, 0)),
        pl.BlockSpec((1, 1), lambda i: (0, 0)),
    ],
    out_specs=pl.BlockSpec((1, 1), lambda i: (0, 0)),
    out_shape=jax.ShapeDtypeStruct((1, 1), jnp.float32),
    scratch_shapes=[pltpu.SMEM((1,), jnp.float32)],
)



def kernel(x, edge_index, neg_idx, batch, eps, W_in, W_msg, W_mu, W_logstd,
           W_dec, b_dec):
    f32 = jnp.float32
    src = edge_index[0]
    dst = edge_index[1]
    nu = neg_idx[0]
    nv = neg_idx[1]

    padr = jnp.full((EPAD + C - E,), N, jnp.int32)
    srcp = jnp.concatenate([src, padr])
    dstp = jnp.concatenate([dst, padr])
    pad2 = jnp.full((EPAD2 + C - TWO_E,), N, jnp.int32)
    u_idx = jnp.concatenate([src, nu, pad2])
    v_idx = jnp.concatenate([dst, nv + NPAD, pad2])

    x_pad = jnp.zeros((NPAD, D), f32).at[:N].set(x)
    eps_pad = jnp.zeros((NPAD, S), f32).at[:N].set(eps)
    zeros_blk = jnp.zeros((NPAD // NS, S), f32)
    _sc_segment_sum, _sc_edge_dot = _sc_kernels()

    h, hm = _tc_in(x_pad, W_in, W_msg)
    for _ in range(2):
        m2 = _sc_segment_sum(hm, srcp, dstp, zeros_blk)
        h, hm = _tc_round(h, m2, W_msg)
    m2 = _sc_segment_sum(hm, srcp, dstp, zeros_blk)
    z, zw2, kl = _tc_post(h, m2, eps_pad, W_mu, W_logstd, W_dec)
    ell = _sc_edge_dot(z, zw2.reshape(2 * NPAD, S), u_idx, v_idx)
    loss = _tc_final(ell.reshape(FROWS, C), kl, b_dec.reshape(1, 1))
    return loss.reshape(())

# --- scband reference (transcript-rebuilt; emitter-appended) ---
"""Pipeline reference for scband-graph-vae-43757126812205 (READ-ONLY COPY).

The authoritative reference and input builder live on the scoring server;
editing this copy changes nothing except your own understanding.
"""

import jax, jax.numpy as jnp
import numpy as np

N = 10000
E = 320000
D = 128
S = 64
R = 3


def setup_inputs(seed: int = 0) -> dict:
    key = jax.random.key(seed)
    ks = jax.random.split(key, 10)
    x = jax.random.normal(ks[0], (N, D), dtype=jnp.float32)
    edge_index = jax.random.randint(ks[1], (2, E), 0, N, dtype=jnp.int32)
    neg_idx = jax.random.randint(ks[2], (2, E), 0, N, dtype=jnp.int32)
    batch = jnp.zeros((N,), dtype=jnp.int32)
    eps = jax.random.normal(ks[3], (N, S), dtype=jnp.float32)
    W_in = jax.random.normal(ks[4], (D, S), dtype=jnp.float32) / np.sqrt(D)
    W_msg = jax.random.normal(ks[5], (S, S), dtype=jnp.float32) / np.sqrt(S)
    W_mu = jax.random.normal(ks[6], (S, S), dtype=jnp.float32) / np.sqrt(S)
    W_logstd = jax.random.normal(ks[7], (S, S), dtype=jnp.float32) / np.sqrt(S) * 0.1
    W_dec = jax.random.normal(ks[8], (S, 1), dtype=jnp.float32) / np.sqrt(S)
    b_dec = jnp.zeros((1,), dtype=jnp.float32)
    return {"x": x, "edge_index": edge_index, "neg_idx": neg_idx, "batch": batch,
            "eps": eps, "W_in": W_in, "W_msg": W_msg, "W_mu": W_mu,
            "W_logstd": W_logstd, "W_dec": W_dec, "b_dec": b_dec}


def reference(x, edge_index, neg_idx, batch, eps, W_in, W_msg, W_mu, W_logstd, W_dec, b_dec):
    src = edge_index[0]
    dst = edge_index[1]
    # Encoder: message-passing GNN producing q = Normal(mu, std) per node
    h = x @ W_in
    for _ in range(R):
        m = jax.ops.segment_sum((h @ W_msg)[src], dst, num_segments=N)
        h = jax.nn.relu(h + m)
    mu = h @ W_mu
    logstd = h @ W_logstd
    std = jnp.exp(logstd)
    # z = q.rsample()
    z = mu + eps * std
    # True edges: Bernoulli(logits=decoder_net(zu*zv)).log_prob(1) = -softplus(-logit)
    zu = z[src]
    zv = z[dst]
    logits_true = ((zu * zv) @ W_dec + b_dec)[:, 0]
    true_log_probs = -jax.nn.softplus(-logits_true)
    # Negative samples (vectorized equivalent of the per-graph combination loop):
    # log(1 - exp(log_prob(1))) = log(1 - sigmoid(logit)) = -softplus(logit)
    nu = neg_idx[0]
    nv = neg_idx[1]
    logits_false = ((z[nu] * z[nv]) @ W_dec + b_dec)[:, 0]
    false_log_probs = -jax.nn.softplus(logits_false)
    recon_loss = jnp.mean(jnp.concatenate([true_log_probs, false_log_probs]))
    # KL(N(mu, std) || N(0, 1)) summed over latent dims, meaned over nodes
    kl_per_node = jnp.sum(0.5 * (mu ** 2 + std ** 2 - 1.0) - logstd, axis=-1)
    kl_div = jnp.mean(kl_per_node)
    elbo = recon_loss - kl_div
    return -elbo

if __name__ == "__main__":
    import jax
    _d = setup_inputs()
    print(jax.jit(kernel)(*tuple(_d.values())))

</pallas_src>

<mosaic_0001>
#map = affine_map<(d0, d1) -> (0, 0)>
#map1 = affine_map<(d0, d1) -> (0)>
#map2 = affine_map<(d0, d1) -> (0, 0, 0)>
module attributes {stable_mosaic.version = 14 : i64} {
  func.func @_sc_segment_sum_body(%arg0: i32, %arg1: i32, %arg2: memref<10240x64xf32, #tpu.memory_space<hbm>>, %arg3: memref<327808xi32, #tpu.memory_space<hbm>>, %arg4: memref<327808xi32, #tpu.memory_space<hbm>>, %arg5: memref<640x64xf32, #tpu.memory_space<hbm>>, %arg6: memref<2x10240x64xf32, #tpu.memory_space<hbm>>, %arg7: memref<128xi32, #tpu.memory_space<vmem>>, %arg8: memref<128xi32, #tpu.memory_space<vmem>>, %arg9: memref<128xi32, #tpu.memory_space<vmem>>, %arg10: memref<128xi32, #tpu.memory_space<vmem>>, %arg11: memref<128x64xf32, #tpu.memory_space<vmem>>, %arg12: memref<128x64xf32, #tpu.memory_space<vmem>>, %arg13: memref<10240x64xf32, #tpu.memory_space<vmem_shared>>, %arg14: memref<!tpu.dma_semaphore, #tpu.memory_space<semaphore_mem>>, %arg15: memref<!tpu.dma_semaphore, #tpu.memory_space<semaphore_mem>>) attributes {dimension_semantics = [#tpu.dimension_semantics<core_parallel>, #tpu.dimension_semantics<subcore_parallel>], iteration_bounds = array<i64: 2, 16>, scalar_prefetch = 0 : i64, scratch_operands = 9 : i64, tpu.core_type = #tpu.core_type<sc_vector_subcore>, window_params = [{transform_indices = #map}, {transform_indices = #map1}, {transform_indices = #map1}, {transform_indices = #map}, {transform_indices = #map2}]} {
    %mul3A = arith.constant 2 : i32
    %mul3A_0 = arith.muli %arg1, %mul3A : i32
    %add3A = arith.addi %mul3A_0, %arg0 : i32
    %mul3A_1 = arith.constant 10240 : i32
    %mul3A_2 = arith.muli %add3A, %mul3A_1 : i32
    %mul3A_3 = arith.constant 640 : i32
    %mul3A_4 = arith.muli %arg1, %mul3A_3 : i32
    "tpu.region"() ({
      %run_scoped3A = tpu.sem_alloc : memref<!tpu.dma_semaphore, #tpu.memory_space<semaphore_mem>>
      %dma_start3A_23 = arith.constant 0 : i32
      %dma_start3A_24 = tpu.memref_slice %arg13[%mul3A_4, %dma_start3A_23] : memref<10240x64xf32, #tpu.memory_space<vmem_shared>> -> memref<640x64xf32, #tpu.memory_space<vmem_shared>>
      tpu.enqueue_dma source(%arg5 : memref<640x64xf32, #tpu.memory_space<hbm>>) target(%dma_start3A_24 : memref<640x64xf32, #tpu.memory_space<vmem_shared>>) target_semaphore(%run_scoped3A : memref<!tpu.dma_semaphore, #tpu.memory_space<semaphore_mem>>)
      %dma_wait3A_25 = arith.constant 0 : i32
      %dma_wait3A_26 = tpu.memref_slice %arg13[%mul3A_4, %dma_wait3A_25] : memref<10240x64xf32, #tpu.memory_space<vmem_shared>> -> memref<640x64xf32, #tpu.memory_space<vmem_shared>>
      tpu.wait_dma2 semaphore(%run_scoped3A : memref<!tpu.dma_semaphore, #tpu.memory_space<semaphore_mem>>) src(%arg5 : memref<640x64xf32, #tpu.memory_space<hbm>>) dst(%dma_wait3A_26 : memref<640x64xf32, #tpu.memory_space<vmem_shared>>)
      tpu.yield
    }) : () -> ()
    %barrier3A = arith.constant 0 : index
    tpu.barrier barrier_id(%barrier3A)
    %add3A_5 = arith.constant 0 : i32
    %add3A_6 = arith.addi %mul3A_2, %add3A_5 : i32
    "tpu.region"() ({
      %run_scoped3A = tpu.sem_alloc : memref<!tpu.dma_semaphore, #tpu.memory_space<semaphore_mem>>
      %dma_start3A_23 = tpu.memref_slice %arg3[%add3A_6] : memref<327808xi32, #tpu.memory_space<hbm>> -> memref<128xi32, #tpu.memory_space<hbm>>
      %dma_start3A_24 = tpu.memref_slice %arg3[%add3A_6] : memref<327808xi32, #tpu.memory_space<hbm>> -> memref<128xi32, #tpu.memory_space<hbm>>
      tpu.enqueue_dma source(%dma_start3A_24 : memref<128xi32, #tpu.memory_space<hbm>>) target(%arg7 : memref<128xi32, #tpu.memory_space<vmem>>) target_semaphore(%run_scoped3A : memref<!tpu.dma_semaphore, #tpu.memory_space<semaphore_mem>>)
      %dma_wait3A_25 = tpu.memref_slice %arg3[%add3A_6] : memref<327808xi32, #tpu.memory_space<hbm>> -> memref<128xi32, #tpu.memory_space<hbm>>
      %dma_wait3A_26 = tpu.memref_slice %arg3[%add3A_6] : memref<327808xi32, #tpu.memory_space<hbm>> -> memref<128xi32, #tpu.memory_space<hbm>>
      tpu.wait_dma2 semaphore(%run_scoped3A : memref<!tpu.dma_semaphore, #tpu.memory_space<semaphore_mem>>) src(%dma_wait3A_26 : memref<128xi32, #tpu.memory_space<hbm>>) dst(%arg7 : memref<128xi32, #tpu.memory_space<vmem>>)
      tpu.yield
    }) : () -> ()
    %add3A_7 = arith.constant 0 : i32
    %add3A_8 = arith.addi %mul3A_2, %add3A_7 : i32
    "tpu.region"() ({
      %run_scoped3A = tpu.sem_alloc : memref<!tpu.dma_semaphore, #tpu.memory_space<semaphore_mem>>
      %dma_start3A_23 = tpu.memref_slice %arg4[%add3A_8] : memref<327808xi32, #tpu.memory_space<hbm>> -> memref<128xi32, #tpu.memory_space<hbm>>
      %dma_start3A_24 = tpu.memref_slice %arg4[%add3A_8] : memref<327808xi32, #tpu.memory_space<hbm>> -> memref<128xi32, #tpu.memory_space<hbm>>
      tpu.enqueue_dma source(%dma_start3A_24 : memref<128xi32, #tpu.memory_space<hbm>>) target(%arg8 : memref<128xi32, #tpu.memory_space<vmem>>) target_semaphore(%run_scoped3A : memref<!tpu.dma_semaphore, #tpu.memory_space<semaphore_mem>>)
      %dma_wait3A_25 = tpu.memref_slice %arg4[%add3A_8] : memref<327808xi32, #tpu.memory_space<hbm>> -> memref<128xi32, #tpu.memory_space<hbm>>
      %dma_wait3A_26 = tpu.memref_slice %arg4[%add3A_8] : memref<327808xi32, #tpu.memory_space<hbm>> -> memref<128xi32, #tpu.memory_space<hbm>>
      tpu.wait_dma2 semaphore(%run_scoped3A : memref<!tpu.dma_semaphore, #tpu.memory_space<semaphore_mem>>) src(%dma_wait3A_26 : memref<128xi32, #tpu.memory_space<hbm>>) dst(%arg8 : memref<128xi32, #tpu.memory_space<vmem>>)
      tpu.yield
    }) : () -> ()
    %dma_start3A = arith.constant 0 : i32
    %dma_start3A_9 = arith.constant 0 : i32
    %dma_start3A_10 = tpu.memref_slice %arg2[%dma_start3A, %dma_start3A_9] : memref<10240x64xf32, #tpu.memory_space<hbm>> -> memref<10240x64xf32, #tpu.memory_space<hbm>>
    tpu.enqueue_indirect_dma source(%dma_start3A_10 : memref<10240x64xf32, #tpu.memory_space<hbm>>) target(%arg11 : memref<128x64xf32, #tpu.memory_space<vmem>>) offsets(%arg7 : memref<128xi32, #tpu.memory_space<vmem>>) semaphore(%arg14 : memref<!tpu.dma_semaphore, #tpu.memory_space<semaphore_mem>>)
    %scan3A = arith.constant 0 : i32
    %scan3A_11 = arith.constant 0 : i32
    %scan3A_12 = arith.constant 40 : i32
    %scan3A_13 = arith.addi %scan3A_11, %scan3A_12 : i32
    %scan3A_14 = arith.constant 1 : i32
    scf.for %scan3A_23 = %scan3A_11 to %scan3A_13 step %scan3A_14  : i32 {
      %mul3A_24 = arith.constant 2 : i32
      %mul3A_25 = arith.muli %mul3A_24, %scan3A_23 : i32
      %add3A_26 = arith.constant 1 : i32
      %add3A_27 = arith.addi %mul3A_25, %add3A_26 : i32
      %mul3A_28 = arith.constant 128 : i32
      %mul3A_29 = arith.muli %add3A_27, %mul3A_28 : i32
      %add3A_30 = arith.addi %mul3A_2, %mul3A_29 : i32
      "tpu.region"() ({
        %run_scoped3A = tpu.sem_alloc : memref<!tpu.dma_semaphore, #tpu.memory_space<semaphore_mem>>
        %dma_start3A_54 = tpu.memref_slice %arg3[%add3A_30] : memref<327808xi32, #tpu.memory_space<hbm>> -> memref<128xi32, #tpu.memory_space<hbm>>
        %dma_start3A_55 = tpu.memref_slice %arg3[%add3A_30] : memref<327808xi32, #tpu.memory_space<hbm>> -> memref<128xi32, #tpu.memory_space<hbm>>
        tpu.enqueue_dma source(%dma_start3A_55 : memref<128xi32, #tpu.memory_space<hbm>>) target(%arg9 : memref<128xi32, #tpu.memory_space<vmem>>) target_semaphore(%run_scoped3A : memref<!tpu.dma_semaphore, #tpu.memory_space<semaphore_mem>>)
        %dma_wait3A_56 = tpu.memref_slice %arg3[%add3A_30] : memref<327808xi32, #tpu.memory_space<hbm>> -> memref<128xi32, #tpu.memory_space<hbm>>
        %dma_wait3A_57 = tpu.memref_slice %arg3[%add3A_30] : memref<327808xi32, #tpu.memory_space<hbm>> -> memref<128xi32, #tpu.memory_space<hbm>>
        tpu.wait_dma2 semaphore(%run_scoped3A : memref<!tpu.dma_semaphore, #tpu.memory_space<semaphore_mem>>) src(%dma_wait3A_57 : memref<128xi32, #tpu.memory_space<hbm>>) dst(%arg9 : memref<128xi32, #tpu.memory_space<vmem>>)
        tpu.yield
      }) : () -> ()
      %mul3A_31 = arith.constant 128 : i32
      %mul3A_32 = arith.muli %add3A_27, %mul3A_31 : i32
      %add3A_33 = arith.addi %mul3A_2, %mul3A_32 : i32
      "tpu.region"() ({
        %run_scoped3A = tpu.sem_alloc : memref<!tpu.dma_semaphore, #tpu.memory_space<semaphore_mem>>
        %dma_start3A_54 = tpu.memref_slice %arg4[%add3A_33] : memref<327808xi32, #tpu.memory_space<hbm>> -> memref<128xi32, #tpu.memory_space<hbm>>
        %dma_start3A_55 = tpu.memref_slice %arg4[%add3A_33] : memref<327808xi32, #tpu.memory_space<hbm>> -> memref<128xi32, #tpu.memory_space<hbm>>
        tpu.enqueue_dma source(%dma_start3A_55 : memref<128xi32, #tpu.memory_space<hbm>>) target(%arg10 : memref<128xi32, #tpu.memory_space<vmem>>) target_semaphore(%run_scoped3A : memref<!tpu.dma_semaphore, #tpu.memory_space<semaphore_mem>>)
        %dma_wait3A_56 = tpu.memref_slice %arg4[%add3A_33] : memref<327808xi32, #tpu.memory_space<hbm>> -> memref<128xi32, #tpu.memory_space<hbm>>
        %dma_wait3A_57 = tpu.memref_slice %arg4[%add3A_33] : memref<327808xi32, #tpu.memory_space<hbm>> -> memref<128xi32, #tpu.memory_space<hbm>>
        tpu.wait_dma2 semaphore(%run_scoped3A : memref<!tpu.dma_semaphore, #tpu.memory_space<semaphore_mem>>) src(%dma_wait3A_57 : memref<128xi32, #tpu.memory_space<hbm>>) dst(%arg10 : memref<128xi32, #tpu.memory_space<vmem>>)
        tpu.yield
      }) : () -> ()
      %dma_start3A_34 = arith.constant 0 : i32
      %dma_start3A_35 = arith.constant 0 : i32
      %dma_start3A_36 = tpu.memref_slice %arg2[%dma_start3A_34, %dma_start3A_35] : memref<10240x64xf32, #tpu.memory_space<hbm>> -> memref<10240x64xf32, #tpu.memory_space<hbm>>
      tpu.enqueue_indirect_dma source(%dma_start3A_36 : memref<10240x64xf32, #tpu.memory_space<hbm>>) target(%arg12 : memref<128x64xf32, #tpu.memory_space<vmem>>) offsets(%arg9 : memref<128xi32, #tpu.memory_space<vmem>>) semaphore(%arg15 : memref<!tpu.dma_semaphore, #tpu.memory_space<semaphore_mem>>)
      %dma_wait3A_37 = arith.constant 0 : i32
      %dma_wait3A_38 = arith.constant 0 : i32
      %dma_wait3A_39 = tpu.memref_slice %arg2[%dma_wait3A_37, %dma_wait3A_38] : memref<10240x64xf32, #tpu.memory_space<hbm>> -> memref<10240x64xf32, #tpu.memory_space<hbm>>
      tpu.wait_indirect_dma semaphore(%arg14 : memref<!tpu.dma_semaphore, #tpu.memory_space<semaphore_mem>>) src(%dma_wait3A_39 : memref<10240x64xf32, #tpu.memory_space<hbm>>) dst(%arg11 : memref<128x64xf32, #tpu.memory_space<vmem>>)
      "tpu.region"() ({
        %run_scoped3A = tpu.sem_alloc : memref<!tpu.dma_semaphore, #tpu.memory_space<semaphore_mem>>
        %dma_start3A_54 = arith.constant 0 : i32
        %dma_start3A_55 = arith.constant 0 : i32
        %dma_start3A_56 = tpu.memref_slice %arg13[%dma_start3A_54, %dma_start3A_55] : memref<10240x64xf32, #tpu.memory_space<vmem_shared>> -> memref<10240x64xf32, #tpu.memory_space<vmem_shared>>
        tpu.enqueue_indirect_dma source(%arg11 : memref<128x64xf32, #tpu.memory_space<vmem>>) target(%dma_start3A_56 : memref<10240x64xf32, #tpu.memory_space<vmem_shared>>) offsets(%arg8 : memref<128xi32, #tpu.memory_space<vmem>>) semaphore(%run_scoped3A : memref<!tpu.dma_semaphore, #tpu.memory_space<semaphore_mem>>) {add = true}
        %dma_wait3A_57 = arith.constant 0 : i32
        %dma_wait3A_58 = arith.constant 0 : i32
        %dma_wait3A_59 = tpu.memref_slice %arg13[%dma_wait3A_57, %dma_wait3A_58] : memref<10240x64xf32, #tpu.memory_space<vmem_shared>> -> memref<10240x64xf32, #tpu.memory_space<vmem_shared>>
        tpu.wait_indirect_dma semaphore(%run_scoped3A : memref<!tpu.dma_semaphore, #tpu.memory_space<semaphore_mem>>) src(%arg11 : memref<128x64xf32, #tpu.memory_space<vmem>>) dst(%dma_wait3A_59 : memref<10240x64xf32, #tpu.memory_space<vmem_shared>>)
        tpu.yield
      }) : () -> ()
      %add3A_40 = arith.constant 2 : i32
      %add3A_41 = arith.addi %mul3A_25, %add3A_40 : i32
      %mul3A_42 = arith.constant 128 : i32
      %mul3A_43 = arith.muli %add3A_41, %mul3A_42 : i32
      %add3A_44 = arith.addi %mul3A_2, %mul3A_43 : i32
      "tpu.region"() ({
        %run_scoped3A = tpu.sem_alloc : memref<!tpu.dma_semaphore, #tpu.memory_space<semaphore_mem>>
        %dma_start3A_54 = tpu.memref_slice %arg3[%add3A_44] : memref<327808xi32, #tpu.memory_space<hbm>> -> memref<128xi32, #tpu.memory_space<hbm>>
        %dma_start3A_55 = tpu.memref_slice %arg3[%add3A_44] : memref<327808xi32, #tpu.memory_space<hbm>> -> memref<128xi32, #tpu.memory_space<hbm>>
        tpu.enqueue_dma source(%dma_start3A_55 : memref<128xi32, #tpu.memory_space<hbm>>) target(%arg7 : memref<128xi32, #tpu.memory_space<vmem>>) target_semaphore(%run_scoped3A : memref<!tpu.dma_semaphore, #tpu.memory_space<semaphore_mem>>)
        %dma_wait3A_56 = tpu.memref_slice %arg3[%add3A_44] : memref<327808xi32, #tpu.memory_space<hbm>> -> memref<128xi32, #tpu.memory_space<hbm>>
        %dma_wait3A_57 = tpu.memref_slice %arg3[%add3A_44] : memref<327808xi32, #tpu.memory_space<hbm>> -> memref<128xi32, #tpu.memory_space<hbm>>
        tpu.wait_dma2 semaphore(%run_scoped3A : memref<!tpu.dma_semaphore, #tpu.memory_space<semaphore_mem>>) src(%dma_wait3A_57 : memref<128xi32, #tpu.memory_space<hbm>>) dst(%arg7 : memref<128xi32, #tpu.memory_space<vmem>>)
        tpu.yield
      }) : () -> ()
      %mul3A_45 = arith.constant 128 : i32
      %mul3A_46 = arith.muli %add3A_41, %mul3A_45 : i32
      %add3A_47 = arith.addi %mul3A_2, %mul3A_46 : i32
      "tpu.region"() ({
        %run_scoped3A = tpu.sem_alloc : memref<!tpu.dma_semaphore, #tpu.memory_space<semaphore_mem>>
        %dma_start3A_54 = tpu.memref_slice %arg4[%add3A_47] : memref<327808xi32, #tpu.memory_space<hbm>> -> memref<128xi32, #tpu.memory_space<hbm>>
        %dma_start3A_55 = tpu.memref_slice %arg4[%add3A_47] : memref<327808xi32, #tpu.memory_space<hbm>> -> memref<128xi32, #tpu.memory_space<hbm>>
        tpu.enqueue_dma source(%dma_start3A_55 : memref<128xi32, #tpu.memory_space<hbm>>) target(%arg8 : memref<128xi32, #tpu.memory_space<vmem>>) target_semaphore(%run_scoped3A : memref<!tpu.dma_semaphore, #tpu.memory_space<semaphore_mem>>)
        %dma_wait3A_56 = tpu.memref_slice %arg4[%add3A_47] : memref<327808xi32, #tpu.memory_space<hbm>> -> memref<128xi32, #tpu.memory_space<hbm>>
        %dma_wait3A_57 = tpu.memref_slice %arg4[%add3A_47] : memref<327808xi32, #tpu.memory_space<hbm>> -> memref<128xi32, #tpu.memory_space<hbm>>
        tpu.wait_dma2 semaphore(%run_scoped3A : memref<!tpu.dma_semaphore, #tpu.memory_space<semaphore_mem>>) src(%dma_wait3A_57 : memref<128xi32, #tpu.memory_space<hbm>>) dst(%arg8 : memref<128xi32, #tpu.memory_space<vmem>>)
        tpu.yield
      }) : () -> ()
      %dma_start3A_48 = arith.constant 0 : i32
      %dma_start3A_49 = arith.constant 0 : i32
      %dma_start3A_50 = tpu.memref_slice %arg2[%dma_start3A_48, %dma_start3A_49] : memref<10240x64xf32, #tpu.memory_space<hbm>> -> memref<10240x64xf32, #tpu.memory_space<hbm>>
      tpu.enqueue_indirect_dma source(%dma_start3A_50 : memref<10240x64xf32, #tpu.memory_space<hbm>>) target(%arg11 : memref<128x64xf32, #tpu.memory_space<vmem>>) offsets(%arg7 : memref<128xi32, #tpu.memory_space<vmem>>) semaphore(%arg14 : memref<!tpu.dma_semaphore, #tpu.memory_space<semaphore_mem>>)
      %dma_wait3A_51 = arith.constant 0 : i32
      %dma_wait3A_52 = arith.constant 0 : i32
      %dma_wait3A_53 = tpu.memref_slice %arg2[%dma_wait3A_51, %dma_wait3A_52] : memref<10240x64xf32, #tpu.memory_space<hbm>> -> memref<10240x64xf32, #tpu.memory_space<hbm>>
      tpu.wait_indirect_dma semaphore(%arg15 : memref<!tpu.dma_semaphore, #tpu.memory_space<semaphore_mem>>) src(%dma_wait3A_53 : memref<10240x64xf32, #tpu.memory_space<hbm>>) dst(%arg12 : memref<128x64xf32, #tpu.memory_space<vmem>>)
      "tpu.region"() ({
        %run_scoped3A = tpu.sem_alloc : memref<!tpu.dma_semaphore, #tpu.memory_space<semaphore_mem>>
        %dma_start3A_54 = arith.constant 0 : i32
        %dma_start3A_55 = arith.constant 0 : i32
        %dma_start3A_56 = tpu.memref_slice %arg13[%dma_start3A_54, %dma_start3A_55] : memref<10240x64xf32, #tpu.memory_space<vmem_shared>> -> memref<10240x64xf32, #tpu.memory_space<vmem_shared>>
        tpu.enqueue_indirect_dma source(%arg12 : memref<128x64xf32, #tpu.memory_space<vmem>>) target(%dma_start3A_56 : memref<10240x64xf32, #tpu.memory_space<vmem_shared>>) offsets(%arg10 : memref<128xi32, #tpu.memory_space<vmem>>) semaphore(%run_scoped3A : memref<!tpu.dma_semaphore, #tpu.memory_space<semaphore_mem>>) {add = true}
        %dma_wait3A_57 = arith.constant 0 : i32
        %dma_wait3A_58 = arith.constant 0 : i32
        %dma_wait3A_59 = tpu.memref_slice %arg13[%dma_wait3A_57, %dma_wait3A_58] : memref<10240x64xf32, #tpu.memory_space<vmem_shared>> -> memref<10240x64xf32, #tpu.memory_space<vmem_shared>>
        tpu.wait_indirect_dma semaphore(%run_scoped3A : memref<!tpu.dma_semaphore, #tpu.memory_space<semaphore_mem>>) src(%arg12 : memref<128x64xf32, #tpu.memory_space<vmem>>) dst(%dma_wait3A_59 : memref<10240x64xf32, #tpu.memory_space<vmem_shared>>)
        tpu.yield
      }) : () -> ()
    }
    %scan3A_15 = arith.constant 40 : i32
    %dma_wait3A = arith.constant 0 : i32
    %dma_wait3A_16 = arith.constant 0 : i32
    %dma_wait3A_17 = tpu.memref_slice %arg2[%dma_wait3A, %dma_wait3A_16] : memref<10240x64xf32, #tpu.memory_space<hbm>> -> memref<10240x64xf32, #tpu.memory_space<hbm>>
    tpu.wait_indirect_dma semaphore(%arg14 : memref<!tpu.dma_semaphore, #tpu.memory_space<semaphore_mem>>) src(%dma_wait3A_17 : memref<10240x64xf32, #tpu.memory_space<hbm>>) dst(%arg11 : memref<128x64xf32, #tpu.memory_space<vmem>>)
    %barrier3A_18 = arith.constant 0 : index
    tpu.barrier barrier_id(%barrier3A_18)
    %mul3A_19 = arith.constant 640 : i32
    %mul3A_20 = arith.muli %arg1, %mul3A_19 : i32
    %mul3A_21 = arith.constant 640 : i32
    %mul3A_22 = arith.muli %arg1, %mul3A_21 : i32
    "tpu.region"() ({
      %run_scoped3A = tpu.sem_alloc : memref<!tpu.dma_semaphore, #tpu.memory_space<semaphore_mem>>
      %dma_start3A_23 = arith.constant 0 : i32
      %dma_start3A_24 = tpu.memref_slice %arg6[%arg0, %mul3A_22, %dma_start3A_23] : memref<2x10240x64xf32, #tpu.memory_space<hbm>> -> memref<1x640x64xf32, #tpu.memory_space<hbm>>
      %dma_start3A_25 = tpu.memref_squeeze %dma_start3A_24 : memref<1x640x64xf32, #tpu.memory_space<hbm>> -> memref<640x64xf32, #tpu.memory_space<hbm>>
      %dma_start3A_26 = arith.constant 0 : i32
      %dma_start3A_27 = tpu.memref_slice %arg13[%mul3A_20, %dma_start3A_26] : memref<10240x64xf32, #tpu.memory_space<vmem_shared>> -> memref<640x64xf32, #tpu.memory_space<vmem_shared>>
      tpu.enqueue_dma source(%dma_start3A_27 : memref<640x64xf32, #tpu.memory_space<vmem_shared>>) target(%dma_start3A_25 : memref<640x64xf32, #tpu.memory_space<hbm>>) target_semaphore(%run_scoped3A : memref<!tpu.dma_semaphore, #tpu.memory_space<semaphore_mem>>)
      %dma_wait3A_28 = arith.constant 0 : i32
      %dma_wait3A_29 = tpu.memref_slice %arg6[%arg0, %mul3A_22, %dma_wait3A_28] : memref<2x10240x64xf32, #tpu.memory_space<hbm>> -> memref<1x640x64xf32, #tpu.memory_space<hbm>>
      %dma_wait3A_30 = tpu.memref_squeeze %dma_wait3A_29 : memref<1x640x64xf32, #tpu.memory_space<hbm>> -> memref<640x64xf32, #tpu.memory_space<hbm>>
      %dma_wait3A_31 = arith.constant 0 : i32
      %dma_wait3A_32 = tpu.memref_slice %arg13[%mul3A_20, %dma_wait3A_31] : memref<10240x64xf32, #tpu.memory_space<vmem_shared>> -> memref<640x64xf32, #tpu.memory_space<vmem_shared>>
      tpu.wait_dma2 semaphore(%run_scoped3A : memref<!tpu.dma_semaphore, #tpu.memory_space<semaphore_mem>>) src(%dma_wait3A_32 : memref<640x64xf32, #tpu.memory_space<vmem_shared>>) dst(%dma_wait3A_30 : memref<640x64xf32, #tpu.memory_space<hbm>>)
      tpu.yield
    }) : () -> ()
    return
  }
}

#map = affine_map<(d0, d1) -> (0, 0)>
#map1 = affine_map<(d0, d1) -> (0)>
#map2 = affine_map<(d0, d1) -> (0, 0, 0)>
module attributes {stable_mosaic.version = 14 : i64} {
  func.func @_sc_segment_sum_body(%arg0: i32, %arg1: i32, %arg2: memref<10240x64xf32, #tpu.memory_space<hbm>>, %arg3: memref<327808xi32, #tpu.memory_space<hbm>>, %arg4: memref<327808xi32, #tpu.memory_space<hbm>>, %arg5: memref<640x64xf32, #tpu.memory_space<hbm>>, %arg6: memref<2x10240x64xf32, #tpu.memory_space<hbm>>, %arg7: memref<128xi32, #tpu.memory_space<vmem>>, %arg8: memref<128xi32, #tpu.memory_space<vmem>>, %arg9: memref<128xi32, #tpu.memory_space<vmem>>, %arg10: memref<128xi32, #tpu.memory_space<vmem>>, %arg11: memref<128x64xf32, #tpu.memory_space<vmem>>, %arg12: memref<128x64xf32, #tpu.memory_space<vmem>>, %arg13: memref<10240x64xf32, #tpu.memory_space<vmem_shared>>, %arg14: memref<!tpu.dma_semaphore, #tpu.memory_space<semaphore_mem>>, %arg15: memref<!tpu.dma_semaphore, #tpu.memory_space<semaphore_mem>>) attributes {dimension_semantics = [#tpu.dimension_semantics<core_parallel>, #tpu.dimension_semantics<subcore_parallel>], iteration_bounds = array<i64: 2, 16>, scalar_prefetch = 0 : i64, scratch_operands = 9 : i64, tpu.core_type = #tpu.core_type<sc_vector_subcore>, window_params = [{transform_indices = #map}, {transform_indices = #map1}, {transform_indices = #map1}, {transform_indices = #map}, {transform_indices = #map2}]} {
    %mul3A = arith.constant 2 : i32
    %mul3A_0 = arith.muli %arg1, %mul3A : i32
    %add3A = arith.addi %mul3A_0, %arg0 : i32
    %mul3A_1 = arith.constant 10240 : i32
    %mul3A_2 = arith.muli %add3A, %mul3A_1 : i32
    %mul3A_3 = arith.constant 640 : i32
    %mul3A_4 = arith.muli %arg1, %mul3A_3 : i32
    "tpu.region"() ({
      %run_scoped3A = tpu.sem_alloc : memref<!tpu.dma_semaphore, #tpu.memory_space<semaphore_mem>>
      %dma_start3A_23 = arith.constant 0 : i32
      %dma_start3A_24 = tpu.memref_slice %arg13[%mul3A_4, %dma_start3A_23] : memref<10240x64xf32, #tpu.memory_space<vmem_shared>> -> memref<640x64xf32, #tpu.memory_space<vmem_shared>>
      tpu.enqueue_dma source(%arg5 : memref<640x64xf32, #tpu.memory_space<hbm>>) target(%dma_start3A_24 : memref<640x64xf32, #tpu.memory_space<vmem_shared>>) target_semaphore(%run_scoped3A : memref<!tpu.dma_semaphore, #tpu.memory_space<semaphore_mem>>)
      %dma_wait3A_25 = arith.constant 0 : i32
      %dma_wait3A_26 = tpu.memref_slice %arg13[%mul3A_4, %dma_wait3A_25] : memref<10240x64xf32, #tpu.memory_space<vmem_shared>> -> memref<640x64xf32, #tpu.memory_space<vmem_shared>>
      tpu.wait_dma2 semaphore(%run_scoped3A : memref<!tpu.dma_semaphore, #tpu.memory_space<semaphore_mem>>) src(%arg5 : memref<640x64xf32, #tpu.memory_space<hbm>>) dst(%dma_wait3A_26 : memref<640x64xf32, #tpu.memory_space<vmem_shared>>)
      tpu.yield
    }) : () -> ()
    %barrier3A = arith.constant 0 : index
    tpu.barrier barrier_id(%barrier3A)
    %add3A_5 = arith.constant 0 : i32
    %add3A_6 = arith.addi %mul3A_2, %add3A_5 : i32
    "tpu.region"() ({
      %run_scoped3A = tpu.sem_alloc : memref<!tpu.dma_semaphore, #tpu.memory_space<semaphore_mem>>
      %dma_start3A_23 = tpu.memref_slice %arg3[%add3A_6] : memref<327808xi32, #tpu.memory_space<hbm>> -> memref<128xi32, #tpu.memory_space<hbm>>
      %dma_start3A_24 = tpu.memref_slice %arg3[%add3A_6] : memref<327808xi32, #tpu.memory_space<hbm>> -> memref<128xi32, #tpu.memory_space<hbm>>
      tpu.enqueue_dma source(%dma_start3A_24 : memref<128xi32, #tpu.memory_space<hbm>>) target(%arg7 : memref<128xi32, #tpu.memory_space<vmem>>) target_semaphore(%run_scoped3A : memref<!tpu.dma_semaphore, #tpu.memory_space<semaphore_mem>>)
      %dma_wait3A_25 = tpu.memref_slice %arg3[%add3A_6] : memref<327808xi32, #tpu.memory_space<hbm>> -> memref<128xi32, #tpu.memory_space<hbm>>
      %dma_wait3A_26 = tpu.memref_slice %arg3[%add3A_6] : memref<327808xi32, #tpu.memory_space<hbm>> -> memref<128xi32, #tpu.memory_space<hbm>>
      tpu.wait_dma2 semaphore(%run_scoped3A : memref<!tpu.dma_semaphore, #tpu.memory_space<semaphore_mem>>) src(%dma_wait3A_26 : memref<128xi32, #tpu.memory_space<hbm>>) dst(%arg7 : memref<128xi32, #tpu.memory_space<vmem>>)
      tpu.yield
    }) : () -> ()
    %add3A_7 = arith.constant 0 : i32
    %add3A_8 = arith.addi %mul3A_2, %add3A_7 : i32
    "tpu.region"() ({
      %run_scoped3A = tpu.sem_alloc : memref<!tpu.dma_semaphore, #tpu.memory_space<semaphore_mem>>
      %dma_start3A_23 = tpu.memref_slice %arg4[%add3A_8] : memref<327808xi32, #tpu.memory_space<hbm>> -> memref<128xi32, #tpu.memory_space<hbm>>
      %dma_start3A_24 = tpu.memref_slice %arg4[%add3A_8] : memref<327808xi32, #tpu.memory_space<hbm>> -> memref<128xi32, #tpu.memory_space<hbm>>
      tpu.enqueue_dma source(%dma_start3A_24 : memref<128xi32, #tpu.memory_space<hbm>>) target(%arg8 : memref<128xi32, #tpu.memory_space<vmem>>) target_semaphore(%run_scoped3A : memref<!tpu.dma_semaphore, #tpu.memory_space<semaphore_mem>>)
      %dma_wait3A_25 = tpu.memref_slice %arg4[%add3A_8] : memref<327808xi32, #tpu.memory_space<hbm>> -> memref<128xi32, #tpu.memory_space<hbm>>
      %dma_wait3A_26 = tpu.memref_slice %arg4[%add3A_8] : memref<327808xi32, #tpu.memory_space<hbm>> -> memref<128xi32, #tpu.memory_space<hbm>>
      tpu.wait_dma2 semaphore(%run_scoped3A : memref<!tpu.dma_semaphore, #tpu.memory_space<semaphore_mem>>) src(%dma_wait3A_26 : memref<128xi32, #tpu.memory_space<hbm>>) dst(%arg8 : memref<128xi32, #tpu.memory_space<vmem>>)
      tpu.yield
    }) : () -> ()
    %dma_start3A = arith.constant 0 : i32
    %dma_start3A_9 = arith.constant 0 : i32
    %dma_start3A_10 = tpu.memref_slice %arg2[%dma_start3A, %dma_start3A_9] : memref<10240x64xf32, #tpu.memory_space<hbm>> -> memref<10240x64xf32, #tpu.memory_space<hbm>>
    tpu.enqueue_indirect_dma source(%dma_start3A_10 : memref<10240x64xf32, #tpu.memory_space<hbm>>) target(%arg11 : memref<128x64xf32, #tpu.memory_space<vmem>>) offsets(%arg7 : memref<128xi32, #tpu.memory_space<vmem>>) semaphore(%arg14 : memref<!tpu.dma_semaphore, #tpu.memory_space<semaphore_mem>>)
    %scan3A = arith.constant 0 : i32
    %scan3A_11 = arith.constant 0 : i32
    %scan3A_12 = arith.constant 40 : i32
    %scan3A_13 = arith.addi %scan3A_11, %scan3A_12 : i32
    %scan3A_14 = arith.constant 1 : i32
    scf.for %scan3A_23 = %scan3A_11 to %scan3A_13 step %scan3A_14  : i32 {
      %mul3A_24 = arith.constant 2 : i32
      %mul3A_25 = arith.muli %mul3A_24, %scan3A_23 : i32
      %add3A_26 = arith.constant 1 : i32
      %add3A_27 = arith.addi %mul3A_25, %add3A_26 : i32
      %mul3A_28 = arith.constant 128 : i32
      %mul3A_29 = arith.muli %add3A_27, %mul3A_28 : i32
      %add3A_30 = arith.addi %mul3A_2, %mul3A_29 : i32
      "tpu.region"() ({
        %run_scoped3A = tpu.sem_alloc : memref<!tpu.dma_semaphore, #tpu.memory_space<semaphore_mem>>
        %dma_start3A_54 = tpu.memref_slice %arg3[%add3A_30] : memref<327808xi32, #tpu.memory_space<hbm>> -> memref<128xi32, #tpu.memory_space<hbm>>
        %dma_start3A_55 = tpu.memref_slice %arg3[%add3A_30] : memref<327808xi32, #tpu.memory_space<hbm>> -> memref<128xi32, #tpu.memory_space<hbm>>
        tpu.enqueue_dma source(%dma_start3A_55 : memref<128xi32, #tpu.memory_space<hbm>>) target(%arg9 : memref<128xi32, #tpu.memory_space<vmem>>) target_semaphore(%run_scoped3A : memref<!tpu.dma_semaphore, #tpu.memory_space<semaphore_mem>>)
        %dma_wait3A_56 = tpu.memref_slice %arg3[%add3A_30] : memref<327808xi32, #tpu.memory_space<hbm>> -> memref<128xi32, #tpu.memory_space<hbm>>
        %dma_wait3A_57 = tpu.memref_slice %arg3[%add3A_30] : memref<327808xi32, #tpu.memory_space<hbm>> -> memref<128xi32, #tpu.memory_space<hbm>>
        tpu.wait_dma2 semaphore(%run_scoped3A : memref<!tpu.dma_semaphore, #tpu.memory_space<semaphore_mem>>) src(%dma_wait3A_57 : memref<128xi32, #tpu.memory_space<hbm>>) dst(%arg9 : memref<128xi32, #tpu.memory_space<vmem>>)
        tpu.yield
      }) : () -> ()
      %mul3A_31 = arith.constant 128 : i32
      %mul3A_32 = arith.muli %add3A_27, %mul3A_31 : i32
      %add3A_33 = arith.addi %mul3A_2, %mul3A_32 : i32
      "tpu.region"() ({
        %run_scoped3A = tpu.sem_alloc : memref<!tpu.dma_semaphore, #tpu.memory_space<semaphore_mem>>
        %dma_start3A_54 = tpu.memref_slice %arg4[%add3A_33] : memref<327808xi32, #tpu.memory_space<hbm>> -> memref<128xi32, #tpu.memory_space<hbm>>
        %dma_start3A_55 = tpu.memref_slice %arg4[%add3A_33] : memref<327808xi32, #tpu.memory_space<hbm>> -> memref<128xi32, #tpu.memory_space<hbm>>
        tpu.enqueue_dma source(%dma_start3A_55 : memref<128xi32, #tpu.memory_space<hbm>>) target(%arg10 : memref<128xi32, #tpu.memory_space<vmem>>) target_semaphore(%run_scoped3A : memref<!tpu.dma_semaphore, #tpu.memory_space<semaphore_mem>>)
        %dma_wait3A_56 = tpu.memref_slice %arg4[%add3A_33] : memref<327808xi32, #tpu.memory_space<hbm>> -> memref<128xi32, #tpu.memory_space<hbm>>
        %dma_wait3A_57 = tpu.memref_slice %arg4[%add3A_33] : memref<327808xi32, #tpu.memory_space<hbm>> -> memref<128xi32, #tpu.memory_space<hbm>>
        tpu.wait_dma2 semaphore(%run_scoped3A : memref<!tpu.dma_semaphore, #tpu.memory_space<semaphore_mem>>) src(%dma_wait3A_57 : memref<128xi32, #tpu.memory_space<hbm>>) dst(%arg10 : memref<128xi32, #tpu.memory_space<vmem>>)
        tpu.yield
      }) : () -> ()
      %dma_start3A_34 = arith.constant 0 : i32
      %dma_start3A_35 = arith.constant 0 : i32
      %dma_start3A_36 = tpu.memref_slice %arg2[%dma_start3A_34, %dma_start3A_35] : memref<10240x64xf32, #tpu.memory_space<hbm>> -> memref<10240x64xf32, #tpu.memory_space<hbm>>
      tpu.enqueue_indirect_dma source(%dma_start3A_36 : memref<10240x64xf32, #tpu.memory_space<hbm>>) target(%arg12 : memref<128x64xf32, #tpu.memory_space<vmem>>) offsets(%arg9 : memref<128xi32, #tpu.memory_space<vmem>>) semaphore(%arg15 : memref<!tpu.dma_semaphore, #tpu.memory_space<semaphore_mem>>)
      %dma_wait3A_37 = arith.constant 0 : i32
      %dma_wait3A_38 = arith.constant 0 : i32
      %dma_wait3A_39 = tpu.memref_slice %arg2[%dma_wait3A_37, %dma_wait3A_38] : memref<10240x64xf32, #tpu.memory_space<hbm>> -> memref<10240x64xf32, #tpu.memory_space<hbm>>
      tpu.wait_indirect_dma semaphore(%arg14 : memref<!tpu.dma_semaphore, #tpu.memory_space<semaphore_mem>>) src(%dma_wait3A_39 : memref<10240x64xf32, #tpu.memory_space<hbm>>) dst(%arg11 : memref<128x64xf32, #tpu.memory_space<vmem>>)
      "tpu.region"() ({
        %run_scoped3A = tpu.sem_alloc : memref<!tpu.dma_semaphore, #tpu.memory_space<semaphore_mem>>
        %dma_start3A_54 = arith.constant 0 : i32
        %dma_start3A_55 = arith.constant 0 : i32
        %dma_start3A_56 = tpu.memref_slice %arg13[%dma_start3A_54, %dma_start3A_55] : memref<10240x64xf32, #tpu.memory_space<vmem_shared>> -> memref<10240x64xf32, #tpu.memory_space<vmem_shared>>
        tpu.enqueue_indirect_dma source(%arg11 : memref<128x64xf32, #tpu.memory_space<vmem>>) target(%dma_start3A_56 : memref<10240x64xf32, #tpu.memory_space<vmem_shared>>) offsets(%arg8 : memref<128xi32, #tpu.memory_space<vmem>>) semaphore(%run_scoped3A : memref<!tpu.dma_semaphore, #tpu.memory_space<semaphore_mem>>) {add = true}
        %dma_wait3A_57 = arith.constant 0 : i32
        %dma_wait3A_58 = arith.constant 0 : i32
        %dma_wait3A_59 = tpu.memref_slice %arg13[%dma_wait3A_57, %dma_wait3A_58] : memref<10240x64xf32, #tpu.memory_space<vmem_shared>> -> memref<10240x64xf32, #tpu.memory_space<vmem_shared>>
        tpu.wait_indirect_dma semaphore(%run_scoped3A : memref<!tpu.dma_semaphore, #tpu.memory_space<semaphore_mem>>) src(%arg11 : memref<128x64xf32, #tpu.memory_space<vmem>>) dst(%dma_wait3A_59 : memref<10240x64xf32, #tpu.memory_space<vmem_shared>>)
        tpu.yield
      }) : () -> ()
      %add3A_40 = arith.constant 2 : i32
      %add3A_41 = arith.addi %mul3A_25, %add3A_40 : i32
      %mul3A_42 = arith.constant 128 : i32
      %mul3A_43 = arith.muli %add3A_41, %mul3A_42 : i32
      %add3A_44 = arith.addi %mul3A_2, %mul3A_43 : i32
      "tpu.region"() ({
        %run_scoped3A = tpu.sem_alloc : memref<!tpu.dma_semaphore, #tpu.memory_space<semaphore_mem>>
        %dma_start3A_54 = tpu.memref_slice %arg3[%add3A_44] : memref<327808xi32, #tpu.memory_space<hbm>> -> memref<128xi32, #tpu.memory_space<hbm>>
        %dma_start3A_55 = tpu.memref_slice %arg3[%add3A_44] : memref<327808xi32, #tpu.memory_space<hbm>> -> memref<128xi32, #tpu.memory_space<hbm>>
        tpu.enqueue_dma source(%dma_start3A_55 : memref<128xi32, #tpu.memory_space<hbm>>) target(%arg7 : memref<128xi32, #tpu.memory_space<vmem>>) target_semaphore(%run_scoped3A : memref<!tpu.dma_semaphore, #tpu.memory_space<semaphore_mem>>)
        %dma_wait3A_56 = tpu.memref_slice %arg3[%add3A_44] : memref<327808xi32, #tpu.memory_space<hbm>> -> memref<128xi32, #tpu.memory_space<hbm>>
        %dma_wait3A_57 = tpu.memref_slice %arg3[%add3A_44] : memref<327808xi32, #tpu.memory_space<hbm>> -> memref<128xi32, #tpu.memory_space<hbm>>
        tpu.wait_dma2 semaphore(%run_scoped3A : memref<!tpu.dma_semaphore, #tpu.memory_space<semaphore_mem>>) src(%dma_wait3A_57 : memref<128xi32, #tpu.memory_space<hbm>>) dst(%arg7 : memref<128xi32, #tpu.memory_space<vmem>>)
        tpu.yield
      }) : () -> ()
      %mul3A_45 = arith.constant 128 : i32
      %mul3A_46 = arith.muli %add3A_41, %mul3A_45 : i32
      %add3A_47 = arith.addi %mul3A_2, %mul3A_46 : i32
      "tpu.region"() ({
        %run_scoped3A = tpu.sem_alloc : memref<!tpu.dma_semaphore, #tpu.memory_space<semaphore_mem>>
        %dma_start3A_54 = tpu.memref_slice %arg4[%add3A_47] : memref<327808xi32, #tpu.memory_space<hbm>> -> memref<128xi32, #tpu.memory_space<hbm>>
        %dma_start3A_55 = tpu.memref_slice %arg4[%add3A_47] : memref<327808xi32, #tpu.memory_space<hbm>> -> memref<128xi32, #tpu.memory_space<hbm>>
        tpu.enqueue_dma source(%dma_start3A_55 : memref<128xi32, #tpu.memory_space<hbm>>) target(%arg8 : memref<128xi32, #tpu.memory_space<vmem>>) target_semaphore(%run_scoped3A : memref<!tpu.dma_semaphore, #tpu.memory_space<semaphore_mem>>)
        %dma_wait3A_56 = tpu.memref_slice %arg4[%add3A_47] : memref<327808xi32, #tpu.memory_space<hbm>> -> memref<128xi32, #tpu.memory_space<hbm>>
        %dma_wait3A_57 = tpu.memref_slice %arg4[%add3A_47] : memref<327808xi32, #tpu.memory_space<hbm>> -> memref<128xi32, #tpu.memory_space<hbm>>
        tpu.wait_dma2 semaphore(%run_scoped3A : memref<!tpu.dma_semaphore, #tpu.memory_space<semaphore_mem>>) src(%dma_wait3A_57 : memref<128xi32, #tpu.memory_space<hbm>>) dst(%arg8 : memref<128xi32, #tpu.memory_space<vmem>>)
        tpu.yield
      }) : () -> ()
      %dma_start3A_48 = arith.constant 0 : i32
      %dma_start3A_49 = arith.constant 0 : i32
      %dma_start3A_50 = tpu.memref_slice %arg2[%dma_start3A_48, %dma_start3A_49] : memref<10240x64xf32, #tpu.memory_space<hbm>> -> memref<10240x64xf32, #tpu.memory_space<hbm>>
      tpu.enqueue_indirect_dma source(%dma_start3A_50 : memref<10240x64xf32, #tpu.memory_space<hbm>>) target(%arg11 : memref<128x64xf32, #tpu.memory_space<vmem>>) offsets(%arg7 : memref<128xi32, #tpu.memory_space<vmem>>) semaphore(%arg14 : memref<!tpu.dma_semaphore, #tpu.memory_space<semaphore_mem>>)
      %dma_wait3A_51 = arith.constant 0 : i32
      %dma_wait3A_52 = arith.constant 0 : i32
      %dma_wait3A_53 = tpu.memref_slice %arg2[%dma_wait3A_51, %dma_wait3A_52] : memref<10240x64xf32, #tpu.memory_space<hbm>> -> memref<10240x64xf32, #tpu.memory_space<hbm>>
      tpu.wait_indirect_dma semaphore(%arg15 : memref<!tpu.dma_semaphore, #tpu.memory_space<semaphore_mem>>) src(%dma_wait3A_53 : memref<10240x64xf32, #tpu.memory_space<hbm>>) dst(%arg12 : memref<128x64xf32, #tpu.memory_space<vmem>>)
      "tpu.region"() ({
        %run_scoped3A = tpu.sem_alloc : memref<!tpu.dma_semaphore, #tpu.memory_space<semaphore_mem>>
        %dma_start3A_54 = arith.constant 0 : i32
        %dma_start3A_55 = arith.constant 0 : i32
        %dma_start3A_56 = tpu.memref_slice %arg13[%dma_start3A_54, %dma_start3A_55] : memref<10240x64xf32, #tpu.memory_space<vmem_shared>> -> memref<10240x64xf32, #tpu.memory_space<vmem_shared>>
        tpu.enqueue_indirect_dma source(%arg12 : memref<128x64xf32, #tpu.memory_space<vmem>>) target(%dma_start3A_56 : memref<10240x64xf32, #tpu.memory_space<vmem_shared>>) offsets(%arg10 : memref<128xi32, #tpu.memory_space<vmem>>) semaphore(%run_scoped3A : memref<!tpu.dma_semaphore, #tpu.memory_space<semaphore_mem>>) {add = true}
        %dma_wait3A_57 = arith.constant 0 : i32
        %dma_wait3A_58 = arith.constant 0 : i32
        %dma_wait3A_59 = tpu.memref_slice %arg13[%dma_wait3A_57, %dma_wait3A_58] : memref<10240x64xf32, #tpu.memory_space<vmem_shared>> -> memref<10240x64xf32, #tpu.memory_space<vmem_shared>>
        tpu.wait_indirect_dma semaphore(%run_scoped3A : memref<!tpu.dma_semaphore, #tpu.memory_space<semaphore_mem>>) src(%arg12 : memref<128x64xf32, #tpu.memory_space<vmem>>) dst(%dma_wait3A_59 : memref<10240x64xf32, #tpu.memory_space<vmem_shared>>)
        tpu.yield
      }) : () -> ()
    }
    %scan3A_15 = arith.constant 40 : i32
    %dma_wait3A = arith.constant 0 : i32
    %dma_wait3A_16 = arith.constant 0 : i32
    %dma_wait3A_17 = tpu.memref_slice %arg2[%dma_wait3A, %dma_wait3A_16] : memref<10240x64xf32, #tpu.memory_space<hbm>> -> memref<10240x64xf32, #tpu.memory_space<hbm>>
    tpu.wait_indirect_dma semaphore(%arg14 : memref<!tpu.dma_semaphore, #tpu.memory_space<semaphore_mem>>) src(%dma_wait3A_17 : memref<10240x64xf32, #tpu.memory_space<hbm>>) dst(%arg11 : memref<128x64xf32, #tpu.memory_space<vmem>>)
    %barrier3A_18 = arith.constant 0 : index
    tpu.barrier barrier_id(%barrier3A_18)
    %mul3A_19 = arith.constant 640 : i32
    %mul3A_20 = arith.muli %arg1, %mul3A_19 : i32
    %mul3A_21 = arith.constant 640 : i32
    %mul3A_22 = arith.muli %arg1, %mul3A_21 : i32
    "tpu.region"() ({
      %run_scoped3A = tpu.sem_alloc : memref<!tpu.dma_semaphore, #tpu.memory_space<semaphore_mem>>
      %dma_start3A_23 = arith.constant 0 : i32
      %dma_start3A_24 = tpu.memref_slice %arg6[%arg0, %mul3A_22, %dma_start3A_23] : memref<2x10240x64xf32, #tpu.memory_space<hbm>> -> memref<1x640x64xf32, #tpu.memory_space<hbm>>
      %dma_start3A_25 = tpu.memref_squeeze %dma_start3A_24 : memref<1x640x64xf32, #tpu.memory_space<hbm>> -> memref<640x64xf32, #tpu.memory_space<hbm>>
      %dma_start3A_26 = arith.constant 0 : i32
      %dma_start3A_27 = tpu.memref_slice %arg13[%mul3A_20, %dma_start3A_26] : memref<10240x64xf32, #tpu.memory_space<vmem_shared>> -> memref<640x64xf32, #tpu.memory_space<vmem_shared>>
      tpu.enqueue_dma source(%dma_start3A_27 : memref<640x64xf32, #tpu.memory_space<vmem_shared>>) target(%dma_start3A_25 : memref<640x64xf32, #tpu.memory_space<hbm>>) target_semaphore(%run_scoped3A : memref<!tpu.dma_semaphore, #tpu.memory_space<semaphore_mem>>)
      %dma_wait3A_28 = arith.constant 0 : i32
      %dma_wait3A_29 = tpu.memref_slice %arg6[%arg0, %mul3A_22, %dma_wait3A_28] : memref<2x10240x64xf32, #tpu.memory_space<hbm>> -> memref<1x640x64xf32, #tpu.memory_space<hbm>>
      %dma_wait3A_30 = tpu.memref_squeeze %dma_wait3A_29 : memref<1x640x64xf32, #tpu.memory_space<hbm>> -> memref<640x64xf32, #tpu.memory_space<hbm>>
      %dma_wait3A_31 = arith.constant 0 : i32
      %dma_wait3A_32 = tpu.memref_slice %arg13[%mul3A_20, %dma_wait3A_31] : memref<10240x64xf32, #tpu.memory_space<vmem_shared>> -> memref<640x64xf32, #tpu.memory_space<vmem_shared>>
      tpu.wait_dma2 semaphore(%run_scoped3A : memref<!tpu.dma_semaphore, #tpu.memory_space<semaphore_mem>>) src(%dma_wait3A_32 : memref<640x64xf32, #tpu.memory_space<vmem_shared>>) dst(%dma_wait3A_30 : memref<640x64xf32, #tpu.memory_space<hbm>>)
      tpu.yield
    }) : () -> ()
    return
  }
}

#map = affine_map<(d0, d1) -> (0, 0)>
#map1 = affine_map<(d0, d1) -> (0)>
#map2 = affine_map<(d0, d1) -> (0, 0, 0)>
module attributes {stable_mosaic.version = 14 : i64} {
  func.func @_sc_segment_sum_body(%arg0: i32, %arg1: i32, %arg2: memref<10240x64xf32, #tpu.memory_space<hbm>>, %arg3: memref<327808xi32, #tpu.memory_space<hbm>>, %arg4: memref<327808xi32, #tpu.memory_space<hbm>>, %arg5: memref<640x64xf32, #tpu.memory_space<hbm>>, %arg6: memref<2x10240x64xf32, #tpu.memory_space<hbm>>, %arg7: memref<128xi32, #tpu.memory_space<vmem>>, %arg8: memref<128xi32, #tpu.memory_space<vmem>>, %arg9: memref<128xi32, #tpu.memory_space<vmem>>, %arg10: memref<128xi32, #tpu.memory_space<vmem>>, %arg11: memref<128x64xf32, #tpu.memory_space<vmem>>, %arg12: memref<128x64xf32, #tpu.memory_space<vmem>>, %arg13: memref<10240x64xf32, #tpu.memory_space<vmem_shared>>, %arg14: memref<!tpu.dma_semaphore, #tpu.memory_space<semaphore_mem>>, %arg15: memref<!tpu.dma_semaphore, #tpu.memory_space<semaphore_mem>>) attributes {dimension_semantics = [#tpu.dimension_semantics<core_parallel>, #tpu.dimension_semantics<subcore_parallel>], iteration_bounds = array<i64: 2, 16>, scalar_prefetch = 0 : i64, scratch_operands = 9 : i64, tpu.core_type = #tpu.core_type<sc_vector_subcore>, window_params = [{transform_indices = #map}, {transform_indices = #map1}, {transform_indices = #map1}, {transform_indices = #map}, {transform_indices = #map2}]} {
    %mul3A = arith.constant 2 : i32
    %mul3A_0 = arith.muli %arg1, %mul3A : i32
    %add3A = arith.addi %mul3A_0, %arg0 : i32
    %mul3A_1 = arith.constant 10240 : i32
    %mul3A_2 = arith.muli %add3A, %mul3A_1 : i32
    %mul3A_3 = arith.constant 640 : i32
    %mul3A_4 = arith.muli %arg1, %mul3A_3 : i32
    "tpu.region"() ({
      %run_scoped3A = tpu.sem_alloc : memref<!tpu.dma_semaphore, #tpu.memory_space<semaphore_mem>>
      %dma_start3A_23 = arith.constant 0 : i32
      %dma_start3A_24 = tpu.memref_slice %arg13[%mul3A_4, %dma_start3A_23] : memref<10240x64xf32, #tpu.memory_space<vmem_shared>> -> memref<640x64xf32, #tpu.memory_space<vmem_shared>>
      tpu.enqueue_dma source(%arg5 : memref<640x64xf32, #tpu.memory_space<hbm>>) target(%dma_start3A_24 : memref<640x64xf32, #tpu.memory_space<vmem_shared>>) target_semaphore(%run_scoped3A : memref<!tpu.dma_semaphore, #tpu.memory_space<semaphore_mem>>)
      %dma_wait3A_25 = arith.constant 0 : i32
      %dma_wait3A_26 = tpu.memref_slice %arg13[%mul3A_4, %dma_wait3A_25] : memref<10240x64xf32, #tpu.memory_space<vmem_shared>> -> memref<640x64xf32, #tpu.memory_space<vmem_shared>>
      tpu.wait_dma2 semaphore(%run_scoped3A : memref<!tpu.dma_semaphore, #tpu.memory_space<semaphore_mem>>) src(%arg5 : memref<640x64xf32, #tpu.memory_space<hbm>>) dst(%dma_wait3A_26 : memref<640x64xf32, #tpu.memory_space<vmem_shared>>)
      tpu.yield
    }) : () -> ()
    %barrier3A = arith.constant 0 : index
    tpu.barrier barrier_id(%barrier3A)
    %add3A_5 = arith.constant 0 : i32
    %add3A_6 = arith.addi %mul3A_2, %add3A_5 : i32
    "tpu.region"() ({
      %run_scoped3A = tpu.sem_alloc : memref<!tpu.dma_semaphore, #tpu.memory_space<semaphore_mem>>
      %dma_start3A_23 = tpu.memref_slice %arg3[%add3A_6] : memref<327808xi32, #tpu.memory_space<hbm>> -> memref<128xi32, #tpu.memory_space<hbm>>
      %dma_start3A_24 = tpu.memref_slice %arg3[%add3A_6] : memref<327808xi32, #tpu.memory_space<hbm>> -> memref<128xi32, #tpu.memory_space<hbm>>
      tpu.enqueue_dma source(%dma_start3A_24 : memref<128xi32, #tpu.memory_space<hbm>>) target(%arg7 : memref<128xi32, #tpu.memory_space<vmem>>) target_semaphore(%run_scoped3A : memref<!tpu.dma_semaphore, #tpu.memory_space<semaphore_mem>>)
      %dma_wait3A_25 = tpu.memref_slice %arg3[%add3A_6] : memref<327808xi32, #tpu.memory_space<hbm>> -> memref<128xi32, #tpu.memory_space<hbm>>
      %dma_wait3A_26 = tpu.memref_slice %arg3[%add3A_6] : memref<327808xi32, #tpu.memory_space<hbm>> -> memref<128xi32, #tpu.memory_space<hbm>>
      tpu.wait_dma2 semaphore(%run_scoped3A : memref<!tpu.dma_semaphore, #tpu.memory_space<semaphore_mem>>) src(%dma_wait3A_26 : memref<128xi32, #tpu.memory_space<hbm>>) dst(%arg7 : memref<128xi32, #tpu.memory_space<vmem>>)
      tpu.yield
    }) : () -> ()
    %add3A_7 = arith.constant 0 : i32
    %add3A_8 = arith.addi %mul3A_2, %add3A_7 : i32
    "tpu.region"() ({
      %run_scoped3A = tpu.sem_alloc : memref<!tpu.dma_semaphore, #tpu.memory_space<semaphore_mem>>
      %dma_start3A_23 = tpu.memref_slice %arg4[%add3A_8] : memref<327808xi32, #tpu.memory_space<hbm>> -> memref<128xi32, #tpu.memory_space<hbm>>
      %dma_start3A_24 = tpu.memref_slice %arg4[%add3A_8] : memref<327808xi32, #tpu.memory_space<hbm>> -> memref<128xi32, #tpu.memory_space<hbm>>
      tpu.enqueue_dma source(%dma_start3A_24 : memref<128xi32, #tpu.memory_space<hbm>>) target(%arg8 : memref<128xi32, #tpu.memory_space<vmem>>) target_semaphore(%run_scoped3A : memref<!tpu.dma_semaphore, #tpu.memory_space<semaphore_mem>>)
      %dma_wait3A_25 = tpu.memref_slice %arg4[%add3A_8] : memref<327808xi32, #tpu.memory_space<hbm>> -> memref<128xi32, #tpu.memory_space<hbm>>
      %dma_wait3A_26 = tpu.memref_slice %arg4[%add3A_8] : memref<327808xi32, #tpu.memory_space<hbm>> -> memref<128xi32, #tpu.memory_space<hbm>>
      tpu.wait_dma2 semaphore(%run_scoped3A : memref<!tpu.dma_semaphore, #tpu.memory_space<semaphore_mem>>) src(%dma_wait3A_26 : memref<128xi32, #tpu.memory_space<hbm>>) dst(%arg8 : memref<128xi32, #tpu.memory_space<vmem>>)
      tpu.yield
    }) : () -> ()
    %dma_start3A = arith.constant 0 : i32
    %dma_start3A_9 = arith.constant 0 : i32
    %dma_start3A_10 = tpu.memref_slice %arg2[%dma_start3A, %dma_start3A_9] : memref<10240x64xf32, #tpu.memory_space<hbm>> -> memref<10240x64xf32, #tpu.memory_space<hbm>>
    tpu.enqueue_indirect_dma source(%dma_start3A_10 : memref<10240x64xf32, #tpu.memory_space<hbm>>) target(%arg11 : memref<128x64xf32, #tpu.memory_space<vmem>>) offsets(%arg7 : memref<128xi32, #tpu.memory_space<vmem>>) semaphore(%arg14 : memref<!tpu.dma_semaphore, #tpu.memory_space<semaphore_mem>>)
    %scan3A = arith.constant 0 : i32
    %scan3A_11 = arith.constant 0 : i32
    %scan3A_12 = arith.constant 40 : i32
    %scan3A_13 = arith.addi %scan3A_11, %scan3A_12 : i32
    %scan3A_14 = arith.constant 1 : i32
    scf.for %scan3A_23 = %scan3A_11 to %scan3A_13 step %scan3A_14  : i32 {
      %mul3A_24 = arith.constant 2 : i32
      %mul3A_25 = arith.muli %mul3A_24, %scan3A_23 : i32
      %add3A_26 = arith.constant 1 : i32
      %add3A_27 = arith.addi %mul3A_25, %add3A_26 : i32
      %mul3A_28 = arith.constant 128 : i32
      %mul3A_29 = arith.muli %add3A_27, %mul3A_28 : i32
      %add3A_30 = arith.addi %mul3A_2, %mul3A_29 : i32
      "tpu.region"() ({
        %run_scoped3A = tpu.sem_alloc : memref<!tpu.dma_semaphore, #tpu.memory_space<semaphore_mem>>
        %dma_start3A_54 = tpu.memref_slice %arg3[%add3A_30] : memref<327808xi32, #tpu.memory_space<hbm>> -> memref<128xi32, #tpu.memory_space<hbm>>
        %dma_start3A_55 = tpu.memref_slice %arg3[%add3A_30] : memref<327808xi32, #tpu.memory_space<hbm>> -> memref<128xi32, #tpu.memory_space<hbm>>
        tpu.enqueue_dma source(%dma_start3A_55 : memref<128xi32, #tpu.memory_space<hbm>>) target(%arg9 : memref<128xi32, #tpu.memory_space<vmem>>) target_semaphore(%run_scoped3A : memref<!tpu.dma_semaphore, #tpu.memory_space<semaphore_mem>>)
        %dma_wait3A_56 = tpu.memref_slice %arg3[%add3A_30] : memref<327808xi32, #tpu.memory_space<hbm>> -> memref<128xi32, #tpu.memory_space<hbm>>
        %dma_wait3A_57 = tpu.memref_slice %arg3[%add3A_30] : memref<327808xi32, #tpu.memory_space<hbm>> -> memref<128xi32, #tpu.memory_space<hbm>>
        tpu.wait_dma2 semaphore(%run_scoped3A : memref<!tpu.dma_semaphore, #tpu.memory_space<semaphore_mem>>) src(%dma_wait3A_57 : memref<128xi32, #tpu.memory_space<hbm>>) dst(%arg9 : memref<128xi32, #tpu.memory_space<vmem>>)
        tpu.yield
      }) : () -> ()
      %mul3A_31 = arith.constant 128 : i32
      %mul3A_32 = arith.muli %add3A_27, %mul3A_31 : i32
      %add3A_33 = arith.addi %mul3A_2, %mul3A_32 : i32
      "tpu.region"() ({
        %run_scoped3A = tpu.sem_alloc : memref<!tpu.dma_semaphore, #tpu.memory_space<semaphore_mem>>
        %dma_start3A_54 = tpu.memref_slice %arg4[%add3A_33] : memref<327808xi32, #tpu.memory_space<hbm>> -> memref<128xi32, #tpu.memory_space<hbm>>
        %dma_start3A_55 = tpu.memref_slice %arg4[%add3A_33] : memref<327808xi32, #tpu.memory_space<hbm>> -> memref<128xi32, #tpu.memory_space<hbm>>
        tpu.enqueue_dma source(%dma_start3A_55 : memref<128xi32, #tpu.memory_space<hbm>>) target(%arg10 : memref<128xi32, #tpu.memory_space<vmem>>) target_semaphore(%run_scoped3A : memref<!tpu.dma_semaphore, #tpu.memory_space<semaphore_mem>>)
        %dma_wait3A_56 = tpu.memref_slice %arg4[%add3A_33] : memref<327808xi32, #tpu.memory_space<hbm>> -> memref<128xi32, #tpu.memory_space<hbm>>
        %dma_wait3A_57 = tpu.memref_slice %arg4[%add3A_33] : memref<327808xi32, #tpu.memory_space<hbm>> -> memref<128xi32, #tpu.memory_space<hbm>>
        tpu.wait_dma2 semaphore(%run_scoped3A : memref<!tpu.dma_semaphore, #tpu.memory_space<semaphore_mem>>) src(%dma_wait3A_57 : memref<128xi32, #tpu.memory_space<hbm>>) dst(%arg10 : memref<128xi32, #tpu.memory_space<vmem>>)
        tpu.yield
      }) : () -> ()
      %dma_start3A_34 = arith.constant 0 : i32
      %dma_start3A_35 = arith.constant 0 : i32
      %dma_start3A_36 = tpu.memref_slice %arg2[%dma_start3A_34, %dma_start3A_35] : memref<10240x64xf32, #tpu.memory_space<hbm>> -> memref<10240x64xf32, #tpu.memory_space<hbm>>
      tpu.enqueue_indirect_dma source(%dma_start3A_36 : memref<10240x64xf32, #tpu.memory_space<hbm>>) target(%arg12 : memref<128x64xf32, #tpu.memory_space<vmem>>) offsets(%arg9 : memref<128xi32, #tpu.memory_space<vmem>>) semaphore(%arg15 : memref<!tpu.dma_semaphore, #tpu.memory_space<semaphore_mem>>)
      %dma_wait3A_37 = arith.constant 0 : i32
      %dma_wait3A_38 = arith.constant 0 : i32
      %dma_wait3A_39 = tpu.memref_slice %arg2[%dma_wait3A_37, %dma_wait3A_38] : memref<10240x64xf32, #tpu.memory_space<hbm>> -> memref<10240x64xf32, #tpu.memory_space<hbm>>
      tpu.wait_indirect_dma semaphore(%arg14 : memref<!tpu.dma_semaphore, #tpu.memory_space<semaphore_mem>>) src(%dma_wait3A_39 : memref<10240x64xf32, #tpu.memory_space<hbm>>) dst(%arg11 : memref<128x64xf32, #tpu.memory_space<vmem>>)
      "tpu.region"() ({
        %run_scoped3A = tpu.sem_alloc : memref<!tpu.dma_semaphore, #tpu.memory_space<semaphore_mem>>
        %dma_start3A_54 = arith.constant 0 : i32
        %dma_start3A_55 = arith.constant 0 : i32
        %dma_start3A_56 = tpu.memref_slice %arg13[%dma_start3A_54, %dma_start3A_55] : memref<10240x64xf32, #tpu.memory_space<vmem_shared>> -> memref<10240x64xf32, #tpu.memory_space<vmem_shared>>
        tpu.enqueue_indirect_dma source(%arg11 : memref<128x64xf32, #tpu.memory_space<vmem>>) target(%dma_start3A_56 : memref<10240x64xf32, #tpu.memory_space<vmem_shared>>) offsets(%arg8 : memref<128xi32, #tpu.memory_space<vmem>>) semaphore(%run_scoped3A : memref<!tpu.dma_semaphore, #tpu.memory_space<semaphore_mem>>) {add = true}
        %dma_wait3A_57 = arith.constant 0 : i32
        %dma_wait3A_58 = arith.constant 0 : i32
        %dma_wait3A_59 = tpu.memref_slice %arg13[%dma_wait3A_57, %dma_wait3A_58] : memref<10240x64xf32, #tpu.memory_space<vmem_shared>> -> memref<10240x64xf32, #tpu.memory_space<vmem_shared>>
        tpu.wait_indirect_dma semaphore(%run_scoped3A : memref<!tpu.dma_semaphore, #tpu.memory_space<semaphore_mem>>) src(%arg11 : memref<128x64xf32, #tpu.memory_space<vmem>>) dst(%dma_wait3A_59 : memref<10240x64xf32, #tpu.memory_space<vmem_shared>>)
        tpu.yield
      }) : () -> ()
      %add3A_40 = arith.constant 2 : i32
      %add3A_41 = arith.addi %mul3A_25, %add3A_40 : i32
      %mul3A_42 = arith.constant 128 : i32
      %mul3A_43 = arith.muli %add3A_41, %mul3A_42 : i32
      %add3A_44 = arith.addi %mul3A_2, %mul3A_43 : i32
      "tpu.region"() ({
        %run_scoped3A = tpu.sem_alloc : memref<!tpu.dma_semaphore, #tpu.memory_space<semaphore_mem>>
        %dma_start3A_54 = tpu.memref_slice %arg3[%add3A_44] : memref<327808xi32, #tpu.memory_space<hbm>> -> memref<128xi32, #tpu.memory_space<hbm>>
        %dma_start3A_55 = tpu.memref_slice %arg3[%add3A_44] : memref<327808xi32, #tpu.memory_space<hbm>> -> memref<128xi32, #tpu.memory_space<hbm>>
        tpu.enqueue_dma source(%dma_start3A_55 : memref<128xi32, #tpu.memory_space<hbm>>) target(%arg7 : memref<128xi32, #tpu.memory_space<vmem>>) target_semaphore(%run_scoped3A : memref<!tpu.dma_semaphore, #tpu.memory_space<semaphore_mem>>)
        %dma_wait3A_56 = tpu.memref_slice %arg3[%add3A_44] : memref<327808xi32, #tpu.memory_space<hbm>> -> memref<128xi32, #tpu.memory_space<hbm>>
        %dma_wait3A_57 = tpu.memref_slice %arg3[%add3A_44] : memref<327808xi32, #tpu.memory_space<hbm>> -> memref<128xi32, #tpu.memory_space<hbm>>
        tpu.wait_dma2 semaphore(%run_scoped3A : memref<!tpu.dma_semaphore, #tpu.memory_space<semaphore_mem>>) src(%dma_wait3A_57 : memref<128xi32, #tpu.memory_space<hbm>>) dst(%arg7 : memref<128xi32, #tpu.memory_space<vmem>>)
        tpu.yield
      }) : () -> ()
      %mul3A_45 = arith.constant 128 : i32
      %mul3A_46 = arith.muli %add3A_41, %mul3A_45 : i32
      %add3A_47 = arith.addi %mul3A_2, %mul3A_46 : i32
      "tpu.region"() ({
        %run_scoped3A = tpu.sem_alloc : memref<!tpu.dma_semaphore, #tpu.memory_space<semaphore_mem>>
        %dma_start3A_54 = tpu.memref_slice %arg4[%add3A_47] : memref<327808xi32, #tpu.memory_space<hbm>> -> memref<128xi32, #tpu.memory_space<hbm>>
        %dma_start3A_55 = tpu.memref_slice %arg4[%add3A_47] : memref<327808xi32, #tpu.memory_space<hbm>> -> memref<128xi32, #tpu.memory_space<hbm>>
        tpu.enqueue_dma source(%dma_start3A_55 : memref<128xi32, #tpu.memory_space<hbm>>) target(%arg8 : memref<128xi32, #tpu.memory_space<vmem>>) target_semaphore(%run_scoped3A : memref<!tpu.dma_semaphore, #tpu.memory_space<semaphore_mem>>)
        %dma_wait3A_56 = tpu.memref_slice %arg4[%add3A_47] : memref<327808xi32, #tpu.memory_space<hbm>> -> memref<128xi32, #tpu.memory_space<hbm>>
        %dma_wait3A_57 = tpu.memref_slice %arg4[%add3A_47] : memref<327808xi32, #tpu.memory_space<hbm>> -> memref<128xi32, #tpu.memory_space<hbm>>
        tpu.wait_dma2 semaphore(%run_scoped3A : memref<!tpu.dma_semaphore, #tpu.memory_space<semaphore_mem>>) src(%dma_wait3A_57 : memref<128xi32, #tpu.memory_space<hbm>>) dst(%arg8 : memref<128xi32, #tpu.memory_space<vmem>>)
        tpu.yield
      }) : () -> ()
      %dma_start3A_48 = arith.constant 0 : i32
      %dma_start3A_49 = arith.constant 0 : i32
      %dma_start3A_50 = tpu.memref_slice %arg2[%dma_start3A_48, %dma_start3A_49] : memref<10240x64xf32, #tpu.memory_space<hbm>> -> memref<10240x64xf32, #tpu.memory_space<hbm>>
      tpu.enqueue_indirect_dma source(%dma_start3A_50 : memref<10240x64xf32, #tpu.memory_space<hbm>>) target(%arg11 : memref<128x64xf32, #tpu.memory_space<vmem>>) offsets(%arg7 : memref<128xi32, #tpu.memory_space<vmem>>) semaphore(%arg14 : memref<!tpu.dma_semaphore, #tpu.memory_space<semaphore_mem>>)
      %dma_wait3A_51 = arith.constant 0 : i32
      %dma_wait3A_52 = arith.constant 0 : i32
      %dma_wait3A_53 = tpu.memref_slice %arg2[%dma_wait3A_51, %dma_wait3A_52] : memref<10240x64xf32, #tpu.memory_space<hbm>> -> memref<10240x64xf32, #tpu.memory_space<hbm>>
      tpu.wait_indirect_dma semaphore(%arg15 : memref<!tpu.dma_semaphore, #tpu.memory_space<semaphore_mem>>) src(%dma_wait3A_53 : memref<10240x64xf32, #tpu.memory_space<hbm>>) dst(%arg12 : memref<128x64xf32, #tpu.memory_space<vmem>>)
      "tpu.region"() ({
        %run_scoped3A = tpu.sem_alloc : memref<!tpu.dma_semaphore, #tpu.memory_space<semaphore_mem>>
        %dma_start3A_54 = arith.constant 0 : i32
        %dma_start3A_55 = arith.constant 0 : i32
        %dma_start3A_56 = tpu.memref_slice %arg13[%dma_start3A_54, %dma_start3A_55] : memref<10240x64xf32, #tpu.memory_space<vmem_shared>> -> memref<10240x64xf32, #tpu.memory_space<vmem_shared>>
        tpu.enqueue_indirect_dma source(%arg12 : memref<128x64xf32, #tpu.memory_space<vmem>>) target(%dma_start3A_56 : memref<10240x64xf32, #tpu.memory_space<vmem_shared>>) offsets(%arg10 : memref<128xi32, #tpu.memory_space<vmem>>) semaphore(%run_scoped3A : memref<!tpu.dma_semaphore, #tpu.memory_space<semaphore_mem>>) {add = true}
        %dma_wait3A_57 = arith.constant 0 : i32
        %dma_wait3A_58 = arith.constant 0 : i32
        %dma_wait3A_59 = tpu.memref_slice %arg13[%dma_wait3A_57, %dma_wait3A_58] : memref<10240x64xf32, #tpu.memory_space<vmem_shared>> -> memref<10240x64xf32, #tpu.memory_space<vmem_shared>>
        tpu.wait_indirect_dma semaphore(%run_scoped3A : memref<!tpu.dma_semaphore, #tpu.memory_space<semaphore_mem>>) src(%arg12 : memref<128x64xf32, #tpu.memory_space<vmem>>) dst(%dma_wait3A_59 : memref<10240x64xf32, #tpu.memory_space<vmem_shared>>)
        tpu.yield
      }) : () -> ()
    }
    %scan3A_15 = arith.constant 40 : i32
    %dma_wait3A = arith.constant 0 : i32
    %dma_wait3A_16 = arith.constant 0 : i32
    %dma_wait3A_17 = tpu.memref_slice %arg2[%dma_wait3A, %dma_wait3A_16] : memref<10240x64xf32, #tpu.memory_space<hbm>> -> memref<10240x64xf32, #tpu.memory_space<hbm>>
    tpu.wait_indirect_dma semaphore(%arg14 : memref<!tpu.dma_semaphore, #tpu.memory_space<semaphore_mem>>) src(%dma_wait3A_17 : memref<10240x64xf32, #tpu.memory_space<hbm>>) dst(%arg11 : memref<128x64xf32, #tpu.memory_space<vmem>>)
    %barrier3A_18 = arith.constant 0 : index
    tpu.barrier barrier_id(%barrier3A_18)
    %mul3A_19 = arith.constant 640 : i32
    %mul3A_20 = arith.muli %arg1, %mul3A_19 : i32
    %mul3A_21 = arith.constant 640 : i32
    %mul3A_22 = arith.muli %arg1, %mul3A_21 : i32
    "tpu.region"() ({
      %run_scoped3A = tpu.sem_alloc : memref<!tpu.dma_semaphore, #tpu.memory_space<semaphore_mem>>
      %dma_start3A_23 = arith.constant 0 : i32
      %dma_start3A_24 = tpu.memref_slice %arg6[%arg0, %mul3A_22, %dma_start3A_23] : memref<2x10240x64xf32, #tpu.memory_space<hbm>> -> memref<1x640x64xf32, #tpu.memory_space<hbm>>
      %dma_start3A_25 = tpu.memref_squeeze %dma_start3A_24 : memref<1x640x64xf32, #tpu.memory_space<hbm>> -> memref<640x64xf32, #tpu.memory_space<hbm>>
      %dma_start3A_26 = arith.constant 0 : i32
      %dma_start3A_27 = tpu.memref_slice %arg13[%mul3A_20, %dma_start3A_26] : memref<10240x64xf32, #tpu.memory_space<vmem_shared>> -> memref<640x64xf32, #tpu.memory_space<vmem_shared>>
      tpu.enqueue_dma source(%dma_start3A_27 : memref<640x64xf32, #tpu.memory_space<vmem_shared>>) target(%dma_start3A_25 : memref<640x64xf32, #tpu.memory_space<hbm>>) target_semaphore(%run_scoped3A : memref<!tpu.dma_semaphore, #tpu.memory_space<semaphore_mem>>)
      %dma_wait3A_28 = arith.constant 0 : i32
      %dma_wait3A_29 = tpu.memref_slice %arg6[%arg0, %mul3A_22, %dma_wait3A_28] : memref<2x10240x64xf32, #tpu.memory_space<hbm>> -> memref<1x640x64xf32, #tpu.memory_space<hbm>>
      %dma_wait3A_30 = tpu.memref_squeeze %dma_wait3A_29 : memref<1x640x64xf32, #tpu.memory_space<hbm>> -> memref<640x64xf32, #tpu.memory_space<hbm>>
      %dma_wait3A_31 = arith.constant 0 : i32
      %dma_wait3A_32 = tpu.memref_slice %arg13[%mul3A_20, %dma_wait3A_31] : memref<10240x64xf32, #tpu.memory_space<vmem_shared>> -> memref<640x64xf32, #tpu.memory_space<vmem_shared>>
      tpu.wait_dma2 semaphore(%run_scoped3A : memref<!tpu.dma_semaphore, #tpu.memory_space<semaphore_mem>>) src(%dma_wait3A_32 : memref<640x64xf32, #tpu.memory_space<vmem_shared>>) dst(%dma_wait3A_30 : memref<640x64xf32, #tpu.memory_space<hbm>>)
      tpu.yield
    }) : () -> ()
    return
  }
}

#map = affine_map<(d0, d1) -> (0, 0)>
#map1 = affine_map<(d0, d1) -> (0)>
module attributes {stable_mosaic.version = 14 : i64} {
  func.func @_sc_edge_dot_body(%arg0: i32, %arg1: i32, %arg2: memref<10240x64xf32, #tpu.memory_space<hbm>>, %arg3: memref<20480x64xf32, #tpu.memory_space<hbm>>, %arg4: memref<647296xi32, #tpu.memory_space<hbm>>, %arg5: memref<647296xi32, #tpu.memory_space<hbm>>, %arg6: memref<647168xf32, #tpu.memory_space<hbm>>, %arg7: memref<128xi32, #tpu.memory_space<vmem>>, %arg8: memref<128xi32, #tpu.memory_space<vmem>>, %arg9: memref<128xi32, #tpu.memory_space<vmem>>, %arg10: memref<128xi32, #tpu.memory_space<vmem>>, %arg11: memref<128x64xf32, #tpu.memory_space<vmem>>, %arg12: memref<128x64xf32, #tpu.memory_space<vmem>>, %arg13: memref<128x64xf32, #tpu.memory_space<vmem>>, %arg14: memref<128x64xf32, #tpu.memory_space<vmem>>, %arg15: memref<128xf32, #tpu.memory_space<vmem>>, %arg16: memref<!tpu.dma_semaphore, #tpu.memory_space<semaphore_mem>>, %arg17: memref<!tpu.dma_semaphore, #tpu.memory_space<semaphore_mem>>, %arg18: memref<!tpu.dma_semaphore, #tpu.memory_space<semaphore_mem>>, %arg19: memref<!tpu.dma_semaphore, #tpu.memory_space<semaphore_mem>>) attributes {dimension_semantics = [#tpu.dimension_semantics<core_parallel>, #tpu.dimension_semantics<subcore_parallel>], iteration_bounds = array<i64: 2, 16>, scalar_prefetch = 0 : i64, scratch_operands = 13 : i64, tpu.core_type = #tpu.core_type<sc_vector_subcore>, window_params = [{transform_indices = #map}, {transform_indices = #map}, {transform_indices = #map1}, {transform_indices = #map1}, {transform_indices = #map1}]} {
    %mul3A = arith.constant 2 : i32
    %mul3A_0 = arith.muli %arg1, %mul3A : i32
    %add3A = arith.addi %mul3A_0, %arg0 : i32
    %mul3A_1 = arith.constant 20224 : i32
    %mul3A_2 = arith.muli %add3A, %mul3A_1 : i32
    %iota3A = tpu.iota {dimensions = array<i32: 0>} : vector<16xi32>
    %add3A_3 = arith.constant 0 : i32
    %add3A_4 = vector.broadcast %add3A_3 : i32 to vector<16xi32>
    %add3A_5 = arith.addi %iota3A, %add3A_4 : vector<16xi32>
    %add3A_6 = arith.constant 16 : i32
    %add3A_7 = vector.broadcast %add3A_6 : i32 to vector<16xi32>
    %add3A_8 = arith.addi %iota3A, %add3A_7 : vector<16xi32>
    %add3A_9 = arith.constant 32 : i32
    %add3A_10 = vector.broadcast %add3A_9 : i32 to vector<16xi32>
    %add3A_11 = arith.addi %iota3A, %add3A_10 : vector<16xi32>
    %add3A_12 = arith.constant 48 : i32
    %add3A_13 = vector.broadcast %add3A_12 : i32 to vector<16xi32>
    %add3A_14 = arith.addi %iota3A, %add3A_13 : vector<16xi32>
    %add3A_15 = arith.constant 64 : i32
    %add3A_16 = vector.broadcast %add3A_15 : i32 to vector<16xi32>
    %add3A_17 = arith.addi %iota3A, %add3A_16 : vector<16xi32>
    %add3A_18 = arith.constant 80 : i32
    %add3A_19 = vector.broadcast %add3A_18 : i32 to vector<16xi32>
    %add3A_20 = arith.addi %iota3A, %add3A_19 : vector<16xi32>
    %add3A_21 = arith.constant 96 : i32
    %add3A_22 = vector.broadcast %add3A_21 : i32 to vector<16xi32>
    %add3A_23 = arith.addi %iota3A, %add3A_22 : vector<16xi32>
    %add3A_24 = arith.constant 112 : i32
    %add3A_25 = vector.broadcast %add3A_24 : i32 to vector<16xi32>
    %add3A_26 = arith.addi %iota3A, %add3A_25 : vector<16xi32>
    %broadcast_in_dim3A = arith.constant 0.000000e+00 : f32
    %broadcast_in_dim3A_27 = vector.broadcast %broadcast_in_dim3A : f32 to vector<16xf32>
    %add3A_28 = arith.constant 0 : i32
    %add3A_29 = arith.addi %mul3A_2, %add3A_28 : i32
    "tpu.region"() ({
      %run_scoped3A = tpu.sem_alloc : memref<!tpu.dma_semaphore, #tpu.memory_space<semaphore_mem>>
      %dma_start3A_47 = tpu.memref_slice %arg4[%add3A_29] : memref<647296xi32, #tpu.memory_space<hbm>> -> memref<128xi32, #tpu.memory_space<hbm>>
      %dma_start3A_48 = tpu.memref_slice %arg4[%add3A_29] : memref<647296xi32, #tpu.memory_space<hbm>> -> memref<128xi32, #tpu.memory_space<hbm>>
      tpu.enqueue_dma source(%dma_start3A_48 : memref<128xi32, #tpu.memory_space<hbm>>) target(%arg7 : memref<128xi32, #tpu.memory_space<vmem>>) target_semaphore(%run_scoped3A : memref<!tpu.dma_semaphore, #tpu.memory_space<semaphore_mem>>)
      %dma_wait3A_49 = tpu.memref_slice %arg4[%add3A_29] : memref<647296xi32, #tpu.memory_space<hbm>> -> memref<128xi32, #tpu.memory_space<hbm>>
      %dma_wait3A_50 = tpu.memref_slice %arg4[%add3A_29] : memref<647296xi32, #tpu.memory_space<hbm>> -> memref<128xi32, #tpu.memory_space<hbm>>
      tpu.wait_dma2 semaphore(%run_scoped3A : memref<!tpu.dma_semaphore, #tpu.memory_space<semaphore_mem>>) src(%dma_wait3A_50 : memref<128xi32, #tpu.memory_space<hbm>>) dst(%arg7 : memref<128xi32, #tpu.memory_space<vmem>>)
      tpu.yield
    }) : () -> ()
    %add3A_30 = arith.constant 0 : i32
    %add3A_31 = arith.addi %mul3A_2, %add3A_30 : i32
    "tpu.region"() ({
      %run_scoped3A = tpu.sem_alloc : memref<!tpu.dma_semaphore, #tpu.memory_space<semaphore_mem>>
      %dma_start3A_47 = tpu.memref_slice %arg5[%add3A_31] : memref<647296xi32, #tpu.memory_space<hbm>> -> memref<128xi32, #tpu.memory_space<hbm>>
      %dma_start3A_48 = tpu.memref_slice %arg5[%add3A_31] : memref<647296xi32, #tpu.memory_space<hbm>> -> memref<128xi32, #tpu.memory_space<hbm>>
      tpu.enqueue_dma source(%dma_start3A_48 : memref<128xi32, #tpu.memory_space<hbm>>) target(%arg8 : memref<128xi32, #tpu.memory_space<vmem>>) target_semaphore(%run_scoped3A : memref<!tpu.dma_semaphore, #tpu.memory_space<semaphore_mem>>)
      %dma_wait3A_49 = tpu.memref_slice %arg5[%add3A_31] : memref<647296xi32, #tpu.memory_space<hbm>> -> memref<128xi32, #tpu.memory_space<hbm>>
      %dma_wait3A_50 = tpu.memref_slice %arg5[%add3A_31] : memref<647296xi32, #tpu.memory_space<hbm>> -> memref<128xi32, #tpu.memory_space<hbm>>
      tpu.wait_dma2 semaphore(%run_scoped3A : memref<!tpu.dma_semaphore, #tpu.memory_space<semaphore_mem>>) src(%dma_wait3A_50 : memref<128xi32, #tpu.memory_space<hbm>>) dst(%arg8 : memref<128xi32, #tpu.memory_space<vmem>>)
      tpu.yield
    }) : () -> ()
    %dma_start3A = arith.constant 0 : i32
    %dma_start3A_32 = arith.constant 0 : i32
    %dma_start3A_33 = tpu.memref_slice %arg2[%dma_start3A, %dma_start3A_32] : memref<10240x64xf32, #tpu.memory_space<hbm>> -> memref<10240x64xf32, #tpu.memory_space<hbm>>
    tpu.enqueue_indirect_dma source(%dma_start3A_33 : memref<10240x64xf32, #tpu.memory_space<hbm>>) target(%arg11 : memref<128x64xf32, #tpu.memory_space<vmem>>) offsets(%arg7 : memref<128xi32, #tpu.memory_space<vmem>>) semaphore(%arg16 : memref<!tpu.dma_semaphore, #tpu.memory_space<semaphore_mem>>)
    %dma_start3A_34 = arith.constant 0 : i32
    %dma_start3A_35 = arith.constant 0 : i32
    %dma_start3A_36 = tpu.memref_slice %arg3[%dma_start3A_34, %dma_start3A_35] : memref<20480x64xf32, #tpu.memory_space<hbm>> -> memref<20480x64xf32, #tpu.memory_space<hbm>>
    tpu.enqueue_indirect_dma source(%dma_start3A_36 : memref<20480x64xf32, #tpu.memory_space<hbm>>) target(%arg12 : memref<128x64xf32, #tpu.memory_space<vmem>>) offsets(%arg8 : memref<128xi32, #tpu.memory_space<vmem>>) semaphore(%arg17 : memref<!tpu.dma_semaphore, #tpu.memory_space<semaphore_mem>>)
    %scan3A = arith.constant 0 : i32
    %scan3A_37 = arith.constant 0 : i32
    %scan3A_38 = arith.constant 79 : i32
    %scan3A_39 = arith.addi %scan3A_37, %scan3A_38 : i32
    %scan3A_40 = arith.constant 1 : i32
    scf.for %scan3A_47 = %scan3A_37 to %scan3A_39 step %scan3A_40  : i32 {
      %mul3A_48 = arith.constant 2 : i32
      %mul3A_49 = arith.muli %mul3A_48, %scan3A_47 : i32
      %add3A_50 = arith.constant 1 : i32
      %add3A_51 = arith.addi %mul3A_49, %add3A_50 : i32
      %mul3A_52 = arith.constant 128 : i32
      %mul3A_53 = arith.muli %add3A_51, %mul3A_52 : i32
      %add3A_54 = arith.addi %mul3A_2, %mul3A_53 : i32
      "tpu.region"() ({
        %run_scoped3A = tpu.sem_alloc : memref<!tpu.dma_semaphore, #tpu.memory_space<semaphore_mem>>
        %dma_start3A_136 = tpu.memref_slice %arg4[%add3A_54] : memref<647296xi32, #tpu.memory_space<hbm>> -> memref<128xi32, #tpu.memory_space<hbm>>
        %dma_start3A_137 = tpu.memref_slice %arg4[%add3A_54] : memref<647296xi32, #tpu.memory_space<hbm>> -> memref<128xi32, #tpu.memory_space<hbm>>
        tpu.enqueue_dma source(%dma_start3A_137 : memref<128xi32, #tpu.memory_space<hbm>>) target(%arg9 : memref<128xi32, #tpu.memory_space<vmem>>) target_semaphore(%run_scoped3A : memref<!tpu.dma_semaphore, #tpu.memory_space<semaphore_mem>>)
        %dma_wait3A_138 = tpu.memref_slice %arg4[%add3A_54] : memref<647296xi32, #tpu.memory_space<hbm>> -> memref<128xi32, #tpu.memory_space<hbm>>
        %dma_wait3A_139 = tpu.memref_slice %arg4[%add3A_54] : memref<647296xi32, #tpu.memory_space<hbm>> -> memref<128xi32, #tpu.memory_space<hbm>>
        tpu.wait_dma2 semaphore(%run_scoped3A : memref<!tpu.dma_semaphore, #tpu.memory_space<semaphore_mem>>) src(%dma_wait3A_139 : memref<128xi32, #tpu.memory_space<hbm>>) dst(%arg9 : memref<128xi32, #tpu.memory_space<vmem>>)
        tpu.yield
      }) : () -> ()
      %mul3A_55 = arith.constant 128 : i32
      %mul3A_56 = arith.muli %add3A_51, %mul3A_55 : i32
      %add3A_57 = arith.addi %mul3A_2, %mul3A_56 : i32
      "tpu.region"() ({
        %run_scoped3A = tpu.sem_alloc : memref<!tpu.dma_semaphore, #tpu.memory_space<semaphore_mem>>
        %dma_start3A_136 = tpu.memref_slice %arg5[%add3A_57] : memref<647296xi32, #tpu.memory_space<hbm>> -> memref<128xi32, #tpu.memory_space<hbm>>
        %dma_start3A_137 = tpu.memref_slice %arg5[%add3A_57] : memref<647296xi32, #tpu.memory_space<hbm>> -> memref<128xi32, #tpu.memory_space<hbm>>
        tpu.enqueue_dma source(%dma_start3A_137 : memref<128xi32, #tpu.memory_space<hbm>>) target(%arg10 : memref<128xi32, #tpu.memory_space<vmem>>) target_semaphore(%run_scoped3A : memref<!tpu.dma_semaphore, #tpu.memory_space<semaphore_mem>>)
        %dma_wait3A_138 = tpu.memref_slice %arg5[%add3A_57] : memref<647296xi32, #tpu.memory_space<hbm>> -> memref<128xi32, #tpu.memory_space<hbm>>
        %dma_wait3A_139 = tpu.memref_slice %arg5[%add3A_57] : memref<647296xi32, #tpu.memory_space<hbm>> -> memref<128xi32, #tpu.memory_space<hbm>>
        tpu.wait_dma2 semaphore(%run_scoped3A : memref<!tpu.dma_semaphore, #tpu.memory_space<semaphore_mem>>) src(%dma_wait3A_139 : memref<128xi32, #tpu.memory_space<hbm>>) dst(%arg10 : memref<128xi32, #tpu.memory_space<vmem>>)
        tpu.yield
      }) : () -> ()
      %dma_start3A_58 = arith.constant 0 : i32
      %dma_start3A_59 = arith.constant 0 : i32
      %dma_start3A_60 = tpu.memref_slice %arg2[%dma_start3A_58, %dma_start3A_59] : memref<10240x64xf32, #tpu.memory_space<hbm>> -> memref<10240x64xf32, #tpu.memory_space<hbm>>
      tpu.enqueue_indirect_dma source(%dma_start3A_60 : memref<10240x64xf32, #tpu.memory_space<hbm>>) target(%arg13 : memref<128x64xf32, #tpu.memory_space<vmem>>) offsets(%arg9 : memref<128xi32, #tpu.memory_space<vmem>>) semaphore(%arg18 : memref<!tpu.dma_semaphore, #tpu.memory_space<semaphore_mem>>)
      %dma_start3A_61 = arith.constant 0 : i32
      %dma_start3A_62 = arith.constant 0 : i32
      %dma_start3A_63 = tpu.memref_slice %arg3[%dma_start3A_61, %dma_start3A_62] : memref<20480x64xf32, #tpu.memory_space<hbm>> -> memref<20480x64xf32, #tpu.memory_space<hbm>>
      tpu.enqueue_indirect_dma source(%dma_start3A_63 : memref<20480x64xf32, #tpu.memory_space<hbm>>) target(%arg14 : memref<128x64xf32, #tpu.memory_space<vmem>>) offsets(%arg10 : memref<128xi32, #tpu.memory_space<vmem>>) semaphore(%arg19 : memref<!tpu.dma_semaphore, #tpu.memory_space<semaphore_mem>>)
      %dma_wait3A_64 = arith.constant 0 : i32
      %dma_wait3A_65 = arith.constant 0 : i32
      %dma_wait3A_66 = tpu.memref_slice %arg2[%dma_wait3A_64, %dma_wait3A_65] : memref<10240x64xf32, #tpu.memory_space<hbm>> -> memref<10240x64xf32, #tpu.memory_space<hbm>>
      tpu.wait_indirect_dma semaphore(%arg16 : memref<!tpu.dma_semaphore, #tpu.memory_space<semaphore_mem>>) src(%dma_wait3A_66 : memref<10240x64xf32, #tpu.memory_space<hbm>>) dst(%arg11 : memref<128x64xf32, #tpu.memory_space<vmem>>)
      %dma_wait3A_67 = arith.constant 0 : i32
      %dma_wait3A_68 = arith.constant 0 : i32
      %dma_wait3A_69 = tpu.memref_slice %arg3[%dma_wait3A_67, %dma_wait3A_68] : memref<20480x64xf32, #tpu.memory_space<hbm>> -> memref<20480x64xf32, #tpu.memory_space<hbm>>
      tpu.wait_indirect_dma semaphore(%arg17 : memref<!tpu.dma_semaphore, #tpu.memory_space<semaphore_mem>>) src(%dma_wait3A_69 : memref<20480x64xf32, #tpu.memory_space<hbm>>) dst(%arg12 : memref<128x64xf32, #tpu.memory_space<vmem>>)
      %parallel_loop3A = arith.constant 0 : i32
      %parallel_loop3A_70 = arith.constant 64 : i32
      %parallel_loop3A_71 = arith.constant 1 : i32
      %parallel_loop3A_72:8 = scf.for %parallel_loop3A_136 = %parallel_loop3A to %parallel_loop3A_70 step %parallel_loop3A_71 iter_args(%parallel_loop3A_137 = %broadcast_in_dim3A_27, %parallel_loop3A_138 = %broadcast_in_dim3A_27, %parallel_loop3A_139 = %broadcast_in_dim3A_27, %parallel_loop3A_140 = %broadcast_in_dim3A_27, %parallel_loop3A_141 = %broadcast_in_dim3A_27, %parallel_loop3A_142 = %broadcast_in_dim3A_27, %parallel_loop3A_143 = %broadcast_in_dim3A_27, %parallel_loop3A_144 = %broadcast_in_dim3A_27) -> (vector<16xf32>, vector<16xf32>, vector<16xf32>, vector<16xf32>, vector<16xf32>, vector<16xf32>, vector<16xf32>, vector<16xf32>)  : i32 {
        %parallel_loop3A_145 = arith.constant 0 : i32
        %parallel_loop3A_146 = vector.broadcast %parallel_loop3A_145 : i32 to vector<16xi32>
        %parallel_loop3A_147 = vector.broadcast %parallel_loop3A_136 : i32 to vector<16xi32>
        %parallel_loop3A_148 = arith.addi %parallel_loop3A_146, %parallel_loop3A_147 : vector<16xi32>
        %parallel_loop3A_149 = tpu.vector_load_idx %arg11[%add3A_5, %parallel_loop3A_148] : memref<128x64xf32, #tpu.memory_space<vmem>>[vector<16xi32>, vector<16xi32>], vector<16xf32>,
        %parallel_loop3A_150 = tpu.vector_load_idx %arg12[%add3A_5, %parallel_loop3A_148] : memref<128x64xf32, #tpu.memory_space<vmem>>[vector<16xi32>, vector<16xi32>], vector<16xf32>,
        %parallel_loop3A_151 = arith.mulf %parallel_loop3A_149, %parallel_loop3A_150 : vector<16xf32>
        %parallel_loop3A_152 = arith.addf %parallel_loop3A_137, %parallel_loop3A_151 : vector<16xf32>
        %parallel_loop3A_153 = tpu.vector_load_idx %arg11[%add3A_8, %parallel_loop3A_148] : memref<128x64xf32, #tpu.memory_space<vmem>>[vector<16xi32>, vector<16xi32>], vector<16xf32>,
        %parallel_loop3A_154 = tpu.vector_load_idx %arg12[%add3A_8, %parallel_loop3A_148] : memref<128x64xf32, #tpu.memory_space<vmem>>[vector<16xi32>, vector<16xi32>], vector<16xf32>,
        %parallel_loop3A_155 = arith.mulf %parallel_loop3A_153, %parallel_loop3A_154 : vector<16xf32>
        %parallel_loop3A_156 = arith.addf %parallel_loop3A_138, %parallel_loop3A_155 : vector<16xf32>
        %parallel_loop3A_157 = tpu.vector_load_idx %arg11[%add3A_11, %parallel_loop3A_148] : memref<128x64xf32, #tpu.memory_space<vmem>>[vector<16xi32>, vector<16xi32>], vector<16xf32>,
        %parallel_loop3A_158 = tpu.vector_load_idx %arg12[%add3A_11, %parallel_loop3A_148] : memref<128x64xf32, #tpu.memory_space<vmem>>[vector<16xi32>, vector<16xi32>], vector<16xf32>,
        %parallel_loop3A_159 = arith.mulf %parallel_loop3A_157, %parallel_loop3A_158 : vector<16xf32>
        %parallel_loop3A_160 = arith.addf %parallel_loop3A_139, %parallel_loop3A_159 : vector<16xf32>
        %parallel_loop3A_161 = tpu.vector_load_idx %arg11[%add3A_14, %parallel_loop3A_148] : memref<128x64xf32, #tpu.memory_space<vmem>>[vector<16xi32>, vector<16xi32>], vector<16xf32>,
        %parallel_loop3A_162 = tpu.vector_load_idx %arg12[%add3A_14, %parallel_loop3A_148] : memref<128x64xf32, #tpu.memory_space<vmem>>[vector<16xi32>, vector<16xi32>], vector<16xf32>,
        %parallel_loop3A_163 = arith.mulf %parallel_loop3A_161, %parallel_loop3A_162 : vector<16xf32>
        %parallel_loop3A_164 = arith.addf %parallel_loop3A_140, %parallel_loop3A_163 : vector<16xf32>
        %parallel_loop3A_165 = tpu.vector_load_idx %arg11[%add3A_17, %parallel_loop3A_148] : memref<128x64xf32, #tpu.memory_space<vmem>>[vector<16xi32>, vector<16xi32>], vector<16xf32>,
        %parallel_loop3A_166 = tpu.vector_load_idx %arg12[%add3A_17, %parallel_loop3A_148] : memref<128x64xf32, #tpu.memory_space<vmem>>[vector<16xi32>, vector<16xi32>], vector<16xf32>,
        %parallel_loop3A_167 = arith.mulf %parallel_loop3A_165, %parallel_loop3A_166 : vector<16xf32>
        %parallel_loop3A_168 = arith.addf %parallel_loop3A_141, %parallel_loop3A_167 : vector<16xf32>
        %parallel_loop3A_169 = tpu.vector_load_idx %arg11[%add3A_20, %parallel_loop3A_148] : memref<128x64xf32, #tpu.memory_space<vmem>>[vector<16xi32>, vector<16xi32>], vector<16xf32>,
        %parallel_loop3A_170 = tpu.vector_load_idx %arg12[%add3A_20, %parallel_loop3A_148] : memref<128x64xf32, #tpu.memory_space<vmem>>[vector<16xi32>, vector<16xi32>], vector<16xf32>,
        %parallel_loop3A_171 = arith.mulf %parallel_loop3A_169, %parallel_loop3A_170 : vector<16xf32>
        %parallel_loop3A_172 = arith.addf %parallel_loop3A_142, %parallel_loop3A_171 : vector<16xf32>
        %parallel_loop3A_173 = tpu.vector_load_idx %arg11[%add3A_23, %parallel_loop3A_148] : memref<128x64xf32, #tpu.memory_space<vmem>>[vector<16xi32>, vector<16xi32>], vector<16xf32>,
        %parallel_loop3A_174 = tpu.vector_load_idx %arg12[%add3A_23, %parallel_loop3A_148] : memref<128x64xf32, #tpu.memory_space<vmem>>[vector<16xi32>, vector<16xi32>], vector<16xf32>,
        %parallel_loop3A_175 = arith.mulf %parallel_loop3A_173, %parallel_loop3A_174 : vector<16xf32>
        %parallel_loop3A_176 = arith.addf %parallel_loop3A_143, %parallel_loop3A_175 : vector<16xf32>
        %parallel_loop3A_177 = tpu.vector_load_idx %arg11[%add3A_26, %parallel_loop3A_148] : memref<128x64xf32, #tpu.memory_space<vmem>>[vector<16xi32>, vector<16xi32>], vector<16xf32>,
        %parallel_loop3A_178 = tpu.vector_load_idx %arg12[%add3A_26, %parallel_loop3A_148] : memref<128x64xf32, #tpu.memory_space<vmem>>[vector<16xi32>, vector<16xi32>], vector<16xf32>,
        %parallel_loop3A_179 = arith.mulf %parallel_loop3A_177, %parallel_loop3A_178 : vector<16xf32>
        %parallel_loop3A_180 = arith.addf %parallel_loop3A_144, %parallel_loop3A_179 : vector<16xf32>
        scf.yield %parallel_loop3A_152, %parallel_loop3A_156, %parallel_loop3A_160, %parallel_loop3A_164, %parallel_loop3A_168, %parallel_loop3A_172, %parallel_loop3A_176, %parallel_loop3A_180 : vector<16xf32>, vector<16xf32>, vector<16xf32>, vector<16xf32>, vector<16xf32>, vector<16xf32>, vector<16xf32>, vector<16xf32>
      } {sc.loop_unroll_factor = 8 : i64, sc.parallel_access}
      %swap3A = arith.constant 0 : index
      %swap3A_73 = tpu.vector_load %arg15[%swap3A] {strides = array<i32>} : memref<128xf32, #tpu.memory_space<vmem>>, vector<16xf32>,
      tpu.vector_store %arg15[%swap3A], %parallel_loop3A_72#0 {strides = array<i32>} : memref<128xf32, #tpu.memory_space<vmem>>, vector<16xf32>,
      %swap3A_74 = arith.constant 16 : index
      %swap3A_75 = tpu.vector_load %arg15[%swap3A_74] {strides = array<i32>} : memref<128xf32, #tpu.memory_space<vmem>>, vector<16xf32>,
      tpu.vector_store %arg15[%swap3A_74], %parallel_loop3A_72#1 {strides = array<i32>} : memref<128xf32, #tpu.memory_space<vmem>>, vector<16xf32>,
      %swap3A_76 = arith.constant 32 : index
      %swap3A_77 = tpu.vector_load %arg15[%swap3A_76] {strides = array<i32>} : memref<128xf32, #tpu.memory_space<vmem>>, vector<16xf32>,
      tpu.vector_store %arg15[%swap3A_76], %parallel_loop3A_72#2 {strides = array<i32>} : memref<128xf32, #tpu.memory_space<vmem>>, vector<16xf32>,
      %swap3A_78 = arith.constant 48 : index
      %swap3A_79 = tpu.vector_load %arg15[%swap3A_78] {strides = array<i32>} : memref<128xf32, #tpu.memory_space<vmem>>, vector<16xf32>,
      tpu.vector_store %arg15[%swap3A_78], %parallel_loop3A_72#3 {strides = array<i32>} : memref<128xf32, #tpu.memory_space<vmem>>, vector<16xf32>,
      %swap3A_80 = arith.constant 64 : index
      %swap3A_81 = tpu.vector_load %arg15[%swap3A_80] {strides = array<i32>} : memref<128xf32, #tpu.memory_space<vmem>>, vector<16xf32>,
      tpu.vector_store %arg15[%swap3A_80], %parallel_loop3A_72#4 {strides = array<i32>} : memref<128xf32, #tpu.memory_space<vmem>>, vector<16xf32>,
      %swap3A_82 = arith.constant 80 : index
      %swap3A_83 = tpu.vector_load %arg15[%swap3A_82] {strides = array<i32>} : memref<128xf32, #tpu.memory_space<vmem>>, vector<16xf32>,
      tpu.vector_store %arg15[%swap3A_82], %parallel_loop3A_72#5 {strides = array<i32>} : memref<128xf32, #tpu.memory_space<vmem>>, vector<16xf32>,
      %swap3A_84 = arith.constant 96 : index
      %swap3A_85 = tpu.vector_load %arg15[%swap3A_84] {strides = array<i32>} : memref<128xf32, #tpu.memory_space<vmem>>, vector<16xf32>,
      tpu.vector_store %arg15[%swap3A_84], %parallel_loop3A_72#6 {strides = array<i32>} : memref<128xf32, #tpu.memory_space<vmem>>, vector<16xf32>,
      %swap3A_86 = arith.constant 112 : index
      %swap3A_87 = tpu.vector_load %arg15[%swap3A_86] {strides = array<i32>} : memref<128xf32, #tpu.memory_space<vmem>>, vector<16xf32>,
      tpu.vector_store %arg15[%swap3A_86], %parallel_loop3A_72#7 {strides = array<i32>} : memref<128xf32, #tpu.memory_space<vmem>>, vector<16xf32>,
      %mul3A_88 = arith.constant 128 : i32
      %mul3A_89 = arith.muli %mul3A_49, %mul3A_88 : i32
      %add3A_90 = arith.addi %mul3A_2, %mul3A_89 : i32
      "tpu.region"() ({
        %run_scoped3A = tpu.sem_alloc : memref<!tpu.dma_semaphore, #tpu.memory_space<semaphore_mem>>
        %dma_start3A_136 = tpu.memref_slice %arg6[%add3A_90] : memref<647168xf32, #tpu.memory_space<hbm>> -> memref<128xf32, #tpu.memory_space<hbm>>
        %dma_start3A_137 = tpu.memref_slice %arg6[%add3A_90] : memref<647168xf32, #tpu.memory_space<hbm>> -> memref<128xf32, #tpu.memory_space<hbm>>
        tpu.enqueue_dma source(%arg15 : memref<128xf32, #tpu.memory_space<vmem>>) target(%dma_start3A_137 : memref<128xf32, #tpu.memory_space<hbm>>) target_semaphore(%run_scoped3A : memref<!tpu.dma_semaphore, #tpu.memory_space<semaphore_mem>>)
        %dma_wait3A_138 = tpu.memref_slice %arg6[%add3A_90] : memref<647168xf32, #tpu.memory_space<hbm>> -> memref<128xf32, #tpu.memory_space<hbm>>
        %dma_wait3A_139 = tpu.memref_slice %arg6[%add3A_90] : memref<647168xf32, #tpu.memory_space<hbm>> -> memref<128xf32, #tpu.memory_space<hbm>>
        tpu.wait_dma2 semaphore(%run_scoped3A : memref<!tpu.dma_semaphore, #tpu.memory_space<semaphore_mem>>) src(%arg15 : memref<128xf32, #tpu.memory_space<vmem>>) dst(%dma_wait3A_139 : memref<128xf32, #tpu.memory_space<hbm>>)
        tpu.yield
      }) : () -> ()
      %add3A_91 = arith.constant 2 : i32
      %add3A_92 = arith.addi %mul3A_49, %add3A_91 : i32
      %mul3A_93 = arith.constant 128 : i32
      %mul3A_94 = arith.muli %add3A_92, %mul3A_93 : i32
      %add3A_95 = arith.addi %mul3A_2, %mul3A_94 : i32
      "tpu.region"() ({
        %run_scoped3A = tpu.sem_alloc : memref<!tpu.dma_semaphore, #tpu.memory_space<semaphore_mem>>
        %dma_start3A_136 = tpu.memref_slice %arg4[%add3A_95] : memref<647296xi32, #tpu.memory_space<hbm>> -> memref<128xi32, #tpu.memory_space<hbm>>
        %dma_start3A_137 = tpu.memref_slice %arg4[%add3A_95] : memref<647296xi32, #tpu.memory_space<hbm>> -> memref<128xi32, #tpu.memory_space<hbm>>
        tpu.enqueue_dma source(%dma_start3A_137 : memref<128xi32, #tpu.memory_space<hbm>>) target(%arg7 : memref<128xi32, #tpu.memory_space<vmem>>) target_semaphore(%run_scoped3A : memref<!tpu.dma_semaphore, #tpu.memory_space<semaphore_mem>>)
        %dma_wait3A_138 = tpu.memref_slice %arg4[%add3A_95] : memref<647296xi32, #tpu.memory_space<hbm>> -> memref<128xi32, #tpu.memory_space<hbm>>
        %dma_wait3A_139 = tpu.memref_slice %arg4[%add3A_95] : memref<647296xi32, #tpu.memory_space<hbm>> -> memref<128xi32, #tpu.memory_space<hbm>>
        tpu.wait_dma2 semaphore(%run_scoped3A : memref<!tpu.dma_semaphore, #tpu.memory_space<semaphore_mem>>) src(%dma_wait3A_139 : memref<128xi32, #tpu.memory_space<hbm>>) dst(%arg7 : memref<128xi32, #tpu.memory_space<vmem>>)
        tpu.yield
      }) : () -> ()
      %mul3A_96 = arith.constant 128 : i32
      %mul3A_97 = arith.muli %add3A_92, %mul3A_96 : i32
      %add3A_98 = arith.addi %mul3A_2, %mul3A_97 : i32
      "tpu.region"() ({
        %run_scoped3A = tpu.sem_alloc : memref<!tpu.dma_semaphore, #tpu.memory_space<semaphore_mem>>
        %dma_start3A_136 = tpu.memref_slice %arg5[%add3A_98] : memref<647296xi32, #tpu.memory_space<hbm>> -> memref<128xi32, #tpu.memory_space<hbm>>
        %dma_start3A_137 = tpu.memref_slice %arg5[%add3A_98] : memref<647296xi32, #tpu.memory_space<hbm>> -> memref<128xi32, #tpu.memory_space<hbm>>
        tpu.enqueue_dma source(%dma_start3A_137 : memref<128xi32, #tpu.memory_space<hbm>>) target(%arg8 : memref<128xi32, #tpu.memory_space<vmem>>) target_semaphore(%run_scoped3A : memref<!tpu.dma_semaphore, #tpu.memory_space<semaphore_mem>>)
        %dma_wait3A_138 = tpu.memref_slice %arg5[%add3A_98] : memref<647296xi32, #tpu.memory_space<hbm>> -> memref<128xi32, #tpu.memory_space<hbm>>
        %dma_wait3A_139 = tpu.memref_slice %arg5[%add3A_98] : memref<647296xi32, #tpu.memory_space<hbm>> -> memref<128xi32, #tpu.memory_space<hbm>>
        tpu.wait_dma2 semaphore(%run_scoped3A : memref<!tpu.dma_semaphore, #tpu.memory_space<semaphore_mem>>) src(%dma_wait3A_139 : memref<128xi32, #tpu.memory_space<hbm>>) dst(%arg8 : memref<128xi32, #tpu.memory_space<vmem>>)
        tpu.yield
      }) : () -> ()
      %dma_start3A_99 = arith.constant 0 : i32
      %dma_start3A_100 = arith.constant 0 : i32
      %dma_start3A_101 = tpu.memref_slice %arg2[%dma_start3A_99, %dma_start3A_100] : memref<10240x64xf32, #tpu.memory_space<hbm>> -> memref<10240x64xf32, #tpu.memory_space<hbm>>
      tpu.enqueue_indirect_dma source(%dma_start3A_101 : memref<10240x64xf32, #tpu.memory_space<hbm>>) target(%arg11 : memref<128x64xf32, #tpu.memory_space<vmem>>) offsets(%arg7 : memref<128xi32, #tpu.memory_space<vmem>>) semaphore(%arg16 : memref<!tpu.dma_semaphore, #tpu.memory_space<semaphore_mem>>)
      %dma_start3A_102 = arith.constant 0 : i32
      %dma_start3A_103 = arith.constant 0 : i32
      %dma_start3A_104 = tpu.memref_slice %arg3[%dma_start3A_102, %dma_start3A_103] : memref<20480x64xf32, #tpu.memory_space<hbm>> -> memref<20480x64xf32, #tpu.memory_space<hbm>>
      tpu.enqueue_indirect_dma source(%dma_start3A_104 : memref<20480x64xf32, #tpu.memory_space<hbm>>) target(%arg12 : memref<128x64xf32, #tpu.memory_space<vmem>>) offsets(%arg8 : memref<128xi32, #tpu.memory_space<vmem>>) semaphore(%arg17 : memref<!tpu.dma_semaphore, #tpu.memory_space<semaphore_mem>>)
      %dma_wait3A_105 = arith.constant 0 : i32
      %dma_wait3A_106 = arith.constant 0 : i32
      %dma_wait3A_107 = tpu.memref_slice %arg2[%dma_wait3A_105, %dma_wait3A_106] : memref<10240x64xf32, #tpu.memory_space<hbm>> -> memref<10240x64xf32, #tpu.memory_space<hbm>>
      tpu.wait_indirect_dma semaphore(%arg18 : memref<!tpu.dma_semaphore, #tpu.memory_space<semaphore_mem>>) src(%dma_wait3A_107 : memref<10240x64xf32, #tpu.memory_space<hbm>>) dst(%arg13 : memref<128x64xf32, #tpu.memory_space<vmem>>)
      %dma_wait3A_108 = arith.constant 0 : i32
      %dma_wait3A_109 = arith.constant 0 : i32
      %dma_wait3A_110 = tpu.memref_slice %arg3[%dma_wait3A_108, %dma_wait3A_109] : memref<20480x64xf32, #tpu.memory_space<hbm>> -> memref<20480x64xf32, #tpu.memory_space<hbm>>
      tpu.wait_indirect_dma semaphore(%arg19 : memref<!tpu.dma_semaphore, #tpu.memory_space<semaphore_mem>>) src(%dma_wait3A_110 : memref<20480x64xf32, #tpu.memory_space<hbm>>) dst(%arg14 : memref<128x64xf32, #tpu.memory_space<vmem>>)
      %add3A_111 = arith.constant 1 : i32
      %add3A_112 = arith.addi %mul3A_49, %add3A_111 : i32
      %parallel_loop3A_113 = arith.constant 0 : i32
      %parallel_loop3A_114 = arith.constant 64 : i32
      %parallel_loop3A_115 = arith.constant 1 : i32
      %parallel_loop3A_116:8 = scf.for %parallel_loop3A_136 = %parallel_loop3A_113 to %parallel_loop3A_114 step %parallel_loop3A_115 iter_args(%parallel_loop3A_137 = %broadcast_in_dim3A_27, %parallel_loop3A_138 = %broadcast_in_dim3A_27, %parallel_loop3A_139 = %broadcast_in_dim3A_27, %parallel_loop3A_140 = %broadcast_in_dim3A_27, %parallel_loop3A_141 = %broadcast_in_dim3A_27, %parallel_loop3A_142 = %broadcast_in_dim3A_27, %parallel_loop3A_143 = %broadcast_in_dim3A_27, %parallel_loop3A_144 = %broadcast_in_dim3A_27) -> (vector<16xf32>, vector<16xf32>, vector<16xf32>, vector<16xf32>, vector<16xf32>, vector<16xf32>, vector<16xf32>, vector<16xf32>)  : i32 {
        %parallel_loop3A_145 = arith.constant 0 : i32
        %parallel_loop3A_146 = vector.broadcast %parallel_loop3A_145 : i32 to vector<16xi32>
        %parallel_loop3A_147 = vector.broadcast %parallel_loop3A_136 : i32 to vector<16xi32>
        %parallel_loop3A_148 = arith.addi %parallel_loop3A_146, %parallel_loop3A_147 : vector<16xi32>
        %parallel_loop3A_149 = tpu.vector_load_idx %arg13[%add3A_5, %parallel_loop3A_148] : memref<128x64xf32, #tpu.memory_space<vmem>>[vector<16xi32>, vector<16xi32>], vector<16xf32>,
        %parallel_loop3A_150 = tpu.vector_load_idx %arg14[%add3A_5, %parallel_loop3A_148] : memref<128x64xf32, #tpu.memory_space<vmem>>[vector<16xi32>, vector<16xi32>], vector<16xf32>,
        %parallel_loop3A_151 = arith.mulf %parallel_loop3A_149, %parallel_loop3A_150 : vector<16xf32>
        %parallel_loop3A_152 = arith.addf %parallel_loop3A_137, %parallel_loop3A_151 : vector<16xf32>
        %parallel_loop3A_153 = tpu.vector_load_idx %arg13[%add3A_8, %parallel_loop3A_148] : memref<128x64xf32, #tpu.memory_space<vmem>>[vector<16xi32>, vector<16xi32>], vector<16xf32>,
        %parallel_loop3A_154 = tpu.vector_load_idx %arg14[%add3A_8, %parallel_loop3A_148] : memref<128x64xf32, #tpu.memory_space<vmem>>[vector<16xi32>, vector<16xi32>], vector<16xf32>,
        %parallel_loop3A_155 = arith.mulf %parallel_loop3A_153, %parallel_loop3A_154 : vector<16xf32>
        %parallel_loop3A_156 = arith.addf %parallel_loop3A_138, %parallel_loop3A_155 : vector<16xf32>
        %parallel_loop3A_157 = tpu.vector_load_idx %arg13[%add3A_11, %parallel_loop3A_148] : memref<128x64xf32, #tpu.memory_space<vmem>>[vector<16xi32>, vector<16xi32>], vector<16xf32>,
        %parallel_loop3A_158 = tpu.vector_load_idx %arg14[%add3A_11, %parallel_loop3A_148] : memref<128x64xf32, #tpu.memory_space<vmem>>[vector<16xi32>, vector<16xi32>], vector<16xf32>,
        %parallel_loop3A_159 = arith.mulf %parallel_loop3A_157, %parallel_loop3A_158 : vector<16xf32>
        %parallel_loop3A_160 = arith.addf %parallel_loop3A_139, %parallel_loop3A_159 : vector<16xf32>
        %parallel_loop3A_161 = tpu.vector_load_idx %arg13[%add3A_14, %parallel_loop3A_148] : memref<128x64xf32, #tpu.memory_space<vmem>>[vector<16xi32>, vector<16xi32>], vector<16xf32>,
        %parallel_loop3A_162 = tpu.vector_load_idx %arg14[%add3A_14, %parallel_loop3A_148] : memref<128x64xf32, #tpu.memory_space<vmem>>[vector<16xi32>, vector<16xi32>], vector<16xf32>,
        %parallel_loop3A_163 = arith.mulf %parallel_loop3A_161, %parallel_loop3A_162 : vector<16xf32>
        %parallel_loop3A_164 = arith.addf %parallel_loop3A_140, %parallel_loop3A_163 : vector<16xf32>
        %parallel_loop3A_165 = tpu.vector_load_idx %arg13[%add3A_17, %parallel_loop3A_148] : memref<128x64xf32, #tpu.memory_space<vmem>>[vector<16xi32>, vector<16xi32>], vector<16xf32>,
        %parallel_loop3A_166 = tpu.vector_load_idx %arg14[%add3A_17, %parallel_loop3A_148] : memref<128x64xf32, #tpu.memory_space<vmem>>[vector<16xi32>, vector<16xi32>], vector<16xf32>,
        %parallel_loop3A_167 = arith.mulf %parallel_loop3A_165, %parallel_loop3A_166 : vector<16xf32>
        %parallel_loop3A_168 = arith.addf %parallel_loop3A_141, %parallel_loop3A_167 : vector<16xf32>
        %parallel_loop3A_169 = tpu.vector_load_idx %arg13[%add3A_20, %parallel_loop3A_148] : memref<128x64xf32, #tpu.memory_space<vmem>>[vector<16xi32>, vector<16xi32>], vector<16xf32>,
        %parallel_loop3A_170 = tpu.vector_load_idx %arg14[%add3A_20, %parallel_loop3A_148] : memref<128x64xf32, #tpu.memory_space<vmem>>[vector<16xi32>, vector<16xi32>], vector<16xf32>,
        %parallel_loop3A_171 = arith.mulf %parallel_loop3A_169, %parallel_loop3A_170 : vector<16xf32>
        %parallel_loop3A_172 = arith.addf %parallel_loop3A_142, %parallel_loop3A_171 : vector<16xf32>
        %parallel_loop3A_173 = tpu.vector_load_idx %arg13[%add3A_23, %parallel_loop3A_148] : memref<128x64xf32, #tpu.memory_space<vmem>>[vector<16xi32>, vector<16xi32>], vector<16xf32>,
        %parallel_loop3A_174 = tpu.vector_load_idx %arg14[%add3A_23, %parallel_loop3A_148] : memref<128x64xf32, #tpu.memory_space<vmem>>[vector<16xi32>, vector<16xi32>], vector<16xf32>,
        %parallel_loop3A_175 = arith.mulf %parallel_loop3A_173, %parallel_loop3A_174 : vector<16xf32>
        %parallel_loop3A_176 = arith.addf %parallel_loop3A_143, %parallel_loop3A_175 : vector<16xf32>
        %parallel_loop3A_177 = tpu.vector_load_idx %arg13[%add3A_26, %parallel_loop3A_148] : memref<128x64xf32, #tpu.memory_space<vmem>>[vector<16xi32>, vector<16xi32>], vector<16xf32>,
        %parallel_loop3A_178 = tpu.vector_load_idx %arg14[%add3A_26, %parallel_loop3A_148] : memref<128x64xf32, #tpu.memory_space<vmem>>[vector<16xi32>, vector<16xi32>], vector<16xf32>,
        %parallel_loop3A_179 = arith.mulf %parallel_loop3A_177, %parallel_loop3A_178 : vector<16xf32>
        %parallel_loop3A_180 = arith.addf %parallel_loop3A_144, %parallel_loop3A_179 : vector<16xf32>
        scf.yield %parallel_loop3A_152, %parallel_loop3A_156, %parallel_loop3A_160, %parallel_loop3A_164, %parallel_loop3A_168, %parallel_loop3A_172, %parallel_loop3A_176, %parallel_loop3A_180 : vector<16xf32>, vector<16xf32>, vector<16xf32>, vector<16xf32>, vector<16xf32>, vector<16xf32>, vector<16xf32>, vector<16xf32>
      } {sc.loop_unroll_factor = 8 : i64, sc.parallel_access}
      %swap3A_117 = arith.constant 0 : index
      %swap3A_118 = tpu.vector_load %arg15[%swap3A_117] {strides = array<i32>} : memref<128xf32, #tpu.memory_space<vmem>>, vector<16xf32>,
      tpu.vector_store %arg15[%swap3A_117], %parallel_loop3A_116#0 {strides = array<i32>} : memref<128xf32, #tpu.memory_space<vmem>>, vector<16xf32>,
      %swap3A_119 = arith.constant 16 : index
      %swap3A_120 = tpu.vector_load %arg15[%swap3A_119] {strides = array<i32>} : memref<128xf32, #tpu.memory_space<vmem>>, vector<16xf32>,
      tpu.vector_store %arg15[%swap3A_119], %parallel_loop3A_116#1 {strides = array<i32>} : memref<128xf32, #tpu.memory_space<vmem>>, vector<16xf32>,
      %swap3A_121 = arith.constant 32 : index
      %swap3A_122 = tpu.vector_load %arg15[%swap3A_121] {strides = array<i32>} : memref<128xf32, #tpu.memory_space<vmem>>, vector<16xf32>,
      tpu.vector_store %arg15[%swap3A_121], %parallel_loop3A_116#2 {strides = array<i32>} : memref<128xf32, #tpu.memory_space<vmem>>, vector<16xf32>,
      %swap3A_123 = arith.constant 48 : index
      %swap3A_124 = tpu.vector_load %arg15[%swap3A_123] {strides = array<i32>} : memref<128xf32, #tpu.memory_space<vmem>>, vector<16xf32>,
      tpu.vector_store %arg15[%swap3A_123], %parallel_loop3A_116#3 {strides = array<i32>} : memref<128xf32, #tpu.memory_space<vmem>>, vector<16xf32>,
      %swap3A_125 = arith.constant 64 : index
      %swap3A_126 = tpu.vector_load %arg15[%swap3A_125] {strides = array<i32>} : memref<128xf32, #tpu.memory_space<vmem>>, vector<16xf32>,
      tpu.vector_store %arg15[%swap3A_125], %parallel_loop3A_116#4 {strides = array<i32>} : memref<128xf32, #tpu.memory_space<vmem>>, vector<16xf32>,
      %swap3A_127 = arith.constant 80 : index
      %swap3A_128 = tpu.vector_load %arg15[%swap3A_127] {strides = array<i32>} : memref<128xf32, #tpu.memory_space<vmem>>, vector<16xf32>,
      tpu.vector_store %arg15[%swap3A_127], %parallel_loop3A_116#5 {strides = array<i32>} : memref<128xf32, #tpu.memory_space<vmem>>, vector<16xf32>,
      %swap3A_129 = arith.constant 96 : index
      %swap3A_130 = tpu.vector_load %arg15[%swap3A_129] {strides = array<i32>} : memref<128xf32, #tpu.memory_space<vmem>>, vector<16xf32>,
      tpu.vector_store %arg15[%swap3A_129], %parallel_loop3A_116#6 {strides = array<i32>} : memref<128xf32, #tpu.memory_space<vmem>>, vector<16xf32>,
      %swap3A_131 = arith.constant 112 : index
      %swap3A_132 = tpu.vector_load %arg15[%swap3A_131] {strides = array<i32>} : memref<128xf32, #tpu.memory_space<vmem>>, vector<16xf32>,
      tpu.vector_store %arg15[%swap3A_131], %parallel_loop3A_116#7 {strides = array<i32>} : memref<128xf32, #tpu.memory_space<vmem>>, vector<16xf32>,
      %mul3A_133 = arith.constant 128 : i32
      %mul3A_134 = arith.muli %add3A_112, %mul3A_133 : i32
      %add3A_135 = arith.addi %mul3A_2, %mul3A_134 : i32
      "tpu.region"() ({
        %run_scoped3A = tpu.sem_alloc : memref<!tpu.dma_semaphore, #tpu.memory_space<semaphore_mem>>
        %dma_start3A_136 = tpu.memref_slice %arg6[%add3A_135] : memref<647168xf32, #tpu.memory_space<hbm>> -> memref<128xf32, #tpu.memory_space<hbm>>
        %dma_start3A_137 = tpu.memref_slice %arg6[%add3A_135] : memref<647168xf32, #tpu.memory_space<hbm>> -> memref<128xf32, #tpu.memory_space<hbm>>
        tpu.enqueue_dma source(%arg15 : memref<128xf32, #tpu.memory_space<vmem>>) target(%dma_start3A_137 : memref<128xf32, #tpu.memory_space<hbm>>) target_semaphore(%run_scoped3A : memref<!tpu.dma_semaphore, #tpu.memory_space<semaphore_mem>>)
        %dma_wait3A_138 = tpu.memref_slice %arg6[%add3A_135] : memref<647168xf32, #tpu.memory_space<hbm>> -> memref<128xf32, #tpu.memory_space<hbm>>
        %dma_wait3A_139 = tpu.memref_slice %arg6[%add3A_135] : memref<647168xf32, #tpu.memory_space<hbm>> -> memref<128xf32, #tpu.memory_space<hbm>>
        tpu.wait_dma2 semaphore(%run_scoped3A : memref<!tpu.dma_semaphore, #tpu.memory_space<semaphore_mem>>) src(%arg15 : memref<128xf32, #tpu.memory_space<vmem>>) dst(%dma_wait3A_139 : memref<128xf32, #tpu.memory_space<hbm>>)
        tpu.yield
      }) : () -> ()
    }
    %scan3A_41 = arith.constant 79 : i32
    %dma_wait3A = arith.constant 0 : i32
    %dma_wait3A_42 = arith.constant 0 : i32
    %dma_wait3A_43 = tpu.memref_slice %arg2[%dma_wait3A, %dma_wait3A_42] : memref<10240x64xf32, #tpu.memory_space<hbm>> -> memref<10240x64xf32, #tpu.memory_space<hbm>>
    tpu.wait_indirect_dma semaphore(%arg16 : memref<!tpu.dma_semaphore, #tpu.memory_space<semaphore_mem>>) src(%dma_wait3A_43 : memref<10240x64xf32, #tpu.memory_space<hbm>>) dst(%arg11 : memref<128x64xf32, #tpu.memory_space<vmem>>)
    %dma_wait3A_44 = arith.constant 0 : i32
    %dma_wait3A_45 = arith.constant 0 : i32
    %dma_wait3A_46 = tpu.memref_slice %arg3[%dma_wait3A_44, %dma_wait3A_45] : memref<20480x64xf32, #tpu.memory_space<hbm>> -> memref<20480x64xf32, #tpu.memory_space<hbm>>
    tpu.wait_indirect_dma semaphore(%arg17 : memref<!tpu.dma_semaphore, #tpu.memory_space<semaphore_mem>>) src(%dma_wait3A_46 : memref<20480x64xf32, #tpu.memory_space<hbm>>) dst(%arg12 : memref<128x64xf32, #tpu.memory_space<vmem>>)
    return
  }
}

module attributes {stable_mosaic.version = 14 : i64} {
  func.func @_tc_in_body(%arg0: i32, %arg1: memref<1024x128xf32, #tpu.memory_space<vmem>>, %arg2: memref<128x64xf32, #tpu.memory_space<vmem>>, %arg3: memref<64x64xf32, #tpu.memory_space<vmem>>, %arg4: memref<1024x64xf32, #tpu.memory_space<vmem>>, %arg5: memref<1024x64xf32, #tpu.memory_space<vmem>>) attributes {dimension_semantics = [#tpu.dimension_semantics<arbitrary>], iteration_bounds = array<i64: 10>, scalar_prefetch = 0 : i64, scratch_operands = 0 : i64, tpu.core_type = #tpu.core_type<tc>, window_params = [{transform_indices = @transform_0, window_bounds = array<i64: 1024, 128>}, {pipeline_mode = #tpu.pipeline_mode<synchronous>, transform_indices = @transform_1, window_bounds = array<i64: 128, 64>}, {pipeline_mode = #tpu.pipeline_mode<synchronous>, transform_indices = @transform_2, window_bounds = array<i64: 64, 64>}, {transform_indices = @transform_3, window_bounds = array<i64: 1024, 64>}, {transform_indices = @transform_4, window_bounds = array<i64: 1024, 64>}]} {
    %get3A = arith.constant 0 : index
    %get3A_0 = arith.constant 0 : index
    %get3A_1 = vector.load %arg1[%get3A, %get3A_0] : memref<1024x128xf32, #tpu.memory_space<vmem>>, vector<1024x128xf32>
    %get3A_2 = arith.constant 0 : index
    %get3A_3 = arith.constant 0 : index
    %get3A_4 = vector.load %arg2[%get3A_2, %get3A_3] : memref<128x64xf32, #tpu.memory_space<vmem>>, vector<128x64xf32>
    %dot_general3A = arith.constant dense<0.000000e+00> : vector<1024x64xf32>
    %dot_general3A_5 = tpu.matmul %get3A_1, %get3A_4, %dot_general3A {dimension_numbers = #tpu.dot_dimension_numbers<[1], [0], [0], [1], [0, 0, 1, 1], [], []>, transpose_lhs_hint = false} : vector<1024x128xf32>, vector<128x64xf32>, vector<1024x64xf32> -> vector<1024x64xf32>
    %swap3A = arith.constant 0 : index
    %swap3A_6 = arith.constant 0 : index
    %swap3A_7 = vector.load %arg4[%swap3A, %swap3A_6] : memref<1024x64xf32, #tpu.memory_space<vmem>>, vector<1024x64xf32>
    tpu.vector_store %arg4[%swap3A, %swap3A_6], %dot_general3A_5 {strides = array<i32>} : memref<1024x64xf32, #tpu.memory_space<vmem>>, vector<1024x64xf32>,
    %get3A_8 = arith.constant 0 : index
    %get3A_9 = arith.constant 0 : index
    %get3A_10 = vector.load %arg3[%get3A_8, %get3A_9] : memref<64x64xf32, #tpu.memory_space<vmem>>, vector<64x64xf32>
    %dot_general3A_11 = arith.constant dense<0.000000e+00> : vector<1024x64xf32>
    %dot_general3A_12 = tpu.matmul %dot_general3A_5, %get3A_10, %dot_general3A_11 {dimension_numbers = #tpu.dot_dimension_numbers<[1], [0], [0], [1], [0, 0, 1, 1], [], []>, transpose_lhs_hint = false} : vector<1024x64xf32>, vector<64x64xf32>, vector<1024x64xf32> -> vector<1024x64xf32>
    %swap3A_13 = arith.constant 0 : index
    %swap3A_14 = arith.constant 0 : index
    %swap3A_15 = vector.load %arg5[%swap3A_13, %swap3A_14] : memref<1024x64xf32, #tpu.memory_space<vmem>>, vector<1024x64xf32>
    tpu.vector_store %arg5[%swap3A_13, %swap3A_14], %dot_general3A_12 {strides = array<i32>} : memref<1024x64xf32, #tpu.memory_space<vmem>>, vector<1024x64xf32>,
    return
  }
  func.func @transform_0(%arg0: i32) -> (i32, i32) {
    %c0_i32 = arith.constant 0 : i32
    %c0_i32_0 = arith.constant 0 : i32
    return %arg0, %c0_i32 : i32, i32
  }
  func.func @transform_1(%arg0: i32) -> (i32, i32) {
    %c0_i32 = arith.constant 0 : i32
    %c0_i32_0 = arith.constant 0 : i32
    %c0_i32_1 = arith.constant 0 : i32
    return %c0_i32, %c0_i32_0 : i32, i32
  }
  func.func @transform_2(%arg0: i32) -> (i32, i32) {
    %c0_i32 = arith.constant 0 : i32
    %c0_i32_0 = arith.constant 0 : i32
    %c0_i32_1 = arith.constant 0 : i32
    return %c0_i32, %c0_i32_0 : i32, i32
  }
  func.func @transform_3(%arg0: i32) -> (i32, i32) {
    %c0_i32 = arith.constant 0 : i32
    %c0_i32_0 = arith.constant 0 : i32
    return %arg0, %c0_i32 : i32, i32
  }
  func.func @transform_4(%arg0: i32) -> (i32, i32) {
    %c0_i32 = arith.constant 0 : i32
    %c0_i32_0 = arith.constant 0 : i32
    return %arg0, %c0_i32 : i32, i32
  }
}

module attributes {stable_mosaic.version = 14 : i64} {
  func.func @_tc_round_body(%arg0: i32, %arg1: memref<1024x64xf32, #tpu.memory_space<vmem>>, %arg2: memref<2x1024x64xf32, #tpu.memory_space<vmem>>, %arg3: memref<64x64xf32, #tpu.memory_space<vmem>>, %arg4: memref<1024x64xf32, #tpu.memory_space<vmem>>, %arg5: memref<1024x64xf32, #tpu.memory_space<vmem>>) attributes {dimension_semantics = [#tpu.dimension_semantics<arbitrary>], iteration_bounds = array<i64: 10>, scalar_prefetch = 0 : i64, scratch_operands = 0 : i64, tpu.core_type = #tpu.core_type<tc>, window_params = [{transform_indices = @transform_0, window_bounds = array<i64: 1024, 64>}, {transform_indices = @transform_1, window_bounds = array<i64: 2, 1024, 64>}, {pipeline_mode = #tpu.pipeline_mode<synchronous>, transform_indices = @transform_2, window_bounds = array<i64: 64, 64>}, {transform_indices = @transform_3, window_bounds = array<i64: 1024, 64>}, {transform_indices = @transform_4, window_bounds = array<i64: 1024, 64>}]} {
    %get3A = arith.constant 0 : index
    %get3A_0 = arith.constant 0 : index
    %get3A_1 = vector.load %arg1[%get3A, %get3A_0] : memref<1024x64xf32, #tpu.memory_space<vmem>>, vector<1024x64xf32>
    %get3A_2 = arith.constant 0 : index
    %get3A_3 = arith.constant 0 : index
    %get3A_4 = arith.constant 0 : index
    %get3A_5 = vector.load %arg2[%get3A_2, %get3A_3, %get3A_4] : memref<2x1024x64xf32, #tpu.memory_space<vmem>>, vector<1x1024x64xf32>
    %get3A_6 = vector.shape_cast %get3A_5 : vector<1x1024x64xf32> to vector<1024x64xf32>
    %add3A = arith.addf %get3A_1, %get3A_6 : vector<1024x64xf32>
    %get3A_7 = arith.constant 1 : index
    %get3A_8 = arith.constant 0 : index
    %get3A_9 = arith.constant 0 : index
    %get3A_10 = vector.load %arg2[%get3A_7, %get3A_8, %get3A_9] : memref<2x1024x64xf32, #tpu.memory_space<vmem>>, vector<1x1024x64xf32>
    %get3A_11 = vector.shape_cast %get3A_10 : vector<1x1024x64xf32> to vector<1024x64xf32>
    %add3A_12 = arith.addf %add3A, %get3A_11 : vector<1024x64xf32>
    %max3A = arith.constant 0.000000e+00 : f32
    %max3A_13 = vector.broadcast %max3A : f32 to vector<1024x64xf32>
    %max3A_14 = arith.maximumf %add3A_12, %max3A_13 : vector<1024x64xf32>
    %swap3A = arith.constant 0 : index
    %swap3A_15 = arith.constant 0 : index
    %swap3A_16 = vector.load %arg4[%swap3A, %swap3A_15] : memref<1024x64xf32, #tpu.memory_space<vmem>>, vector<1024x64xf32>
    tpu.vector_store %arg4[%swap3A, %swap3A_15], %max3A_14 {strides = array<i32>} : memref<1024x64xf32, #tpu.memory_space<vmem>>, vector<1024x64xf32>,
    %get3A_17 = arith.constant 0 : index
    %get3A_18 = arith.constant 0 : index
    %get3A_19 = vector.load %arg3[%get3A_17, %get3A_18] : memref<64x64xf32, #tpu.memory_space<vmem>>, vector<64x64xf32>
    %dot_general3A = arith.constant dense<0.000000e+00> : vector<1024x64xf32>
    %dot_general3A_20 = tpu.matmul %max3A_14, %get3A_19, %dot_general3A {dimension_numbers = #tpu.dot_dimension_numbers<[1], [0], [0], [1], [0, 0, 1, 1], [], []>, transpose_lhs_hint = false} : vector<1024x64xf32>, vector<64x64xf32>, vector<1024x64xf32> -> vector<1024x64xf32>
    %swap3A_21 = arith.constant 0 : index
    %swap3A_22 = arith.constant 0 : index
    %swap3A_23 = vector.load %arg5[%swap3A_21, %swap3A_22] : memref<1024x64xf32, #tpu.memory_space<vmem>>, vector<1024x64xf32>
    tpu.vector_store %arg5[%swap3A_21, %swap3A_22], %dot_general3A_20 {strides = array<i32>} : memref<1024x64xf32, #tpu.memory_space<vmem>>, vector<1024x64xf32>,
    return
  }
  func.func @transform_0(%arg0: i32) -> (i32, i32) {
    %c0_i32 = arith.constant 0 : i32
    %c0_i32_0 = arith.constant 0 : i32
    return %arg0, %c0_i32 : i32, i32
  }
  func.func @transform_1(%arg0: i32) -> (i32, i32, i32) {
    %c0_i32 = arith.constant 0 : i32
    %c0_i32_0 = arith.constant 0 : i32
    %c0_i32_1 = arith.constant 0 : i32
    return %c0_i32, %arg0, %c0_i32_0 : i32, i32, i32
  }
  func.func @transform_2(%arg0: i32) -> (i32, i32) {
    %c0_i32 = arith.constant 0 : i32
    %c0_i32_0 = arith.constant 0 : i32
    %c0_i32_1 = arith.constant 0 : i32
    return %c0_i32, %c0_i32_0 : i32, i32
  }
  func.func @transform_3(%arg0: i32) -> (i32, i32) {
    %c0_i32 = arith.constant 0 : i32
    %c0_i32_0 = arith.constant 0 : i32
    return %arg0, %c0_i32 : i32, i32
  }
  func.func @transform_4(%arg0: i32) -> (i32, i32) {
    %c0_i32 = arith.constant 0 : i32
    %c0_i32_0 = arith.constant 0 : i32
    return %arg0, %c0_i32 : i32, i32
  }
}

module attributes {stable_mosaic.version = 14 : i64} {
  func.func @_tc_post_body(%arg0: i32, %arg1: memref<1024x64xf32, #tpu.memory_space<vmem>>, %arg2: memref<2x1024x64xf32, #tpu.memory_space<vmem>>, %arg3: memref<1024x64xf32, #tpu.memory_space<vmem>>, %arg4: memref<64x64xf32, #tpu.memory_space<vmem>>, %arg5: memref<64x64xf32, #tpu.memory_space<vmem>>, %arg6: memref<64x1xf32, #tpu.memory_space<vmem>>, %arg7: memref<1024x64xf32, #tpu.memory_space<vmem>>, %arg8: memref<2x1024x64xf32, #tpu.memory_space<vmem>>, %arg9: memref<1x1xf32, #tpu.memory_space<vmem>>) attributes {dimension_semantics = [#tpu.dimension_semantics<arbitrary>], iteration_bounds = array<i64: 10>, scalar_prefetch = 0 : i64, scratch_operands = 0 : i64, tpu.core_type = #tpu.core_type<tc>, window_params = [{transform_indices = @transform_0, window_bounds = array<i64: 1024, 64>}, {transform_indices = @transform_1, window_bounds = array<i64: 2, 1024, 64>}, {transform_indices = @transform_2, window_bounds = array<i64: 1024, 64>}, {pipeline_mode = #tpu.pipeline_mode<synchronous>, transform_indices = @transform_3, window_bounds = array<i64: 64, 64>}, {pipeline_mode = #tpu.pipeline_mode<synchronous>, transform_indices = @transform_4, window_bounds = array<i64: 64, 64>}, {pipeline_mode = #tpu.pipeline_mode<synchronous>, transform_indices = @transform_5, window_bounds = array<i64: 64, 1>}, {transform_indices = @transform_6, window_bounds = array<i64: 1024, 64>}, {transform_indices = @transform_7, window_bounds = array<i64: 2, 1024, 64>}, {pipeline_mode = #tpu.pipeline_mode<synchronous>, transform_indices = @transform_8, window_bounds = array<i64: 1, 1>}]} {
    %get3A = arith.constant 0 : index
    %get3A_0 = arith.constant 0 : index
    %get3A_1 = vector.load %arg1[%get3A, %get3A_0] : memref<1024x64xf32, #tpu.memory_space<vmem>>, vector<1024x64xf32>
    %get3A_2 = arith.constant 0 : index
    %get3A_3 = arith.constant 0 : index
    %get3A_4 = arith.constant 0 : index
    %get3A_5 = vector.load %arg2[%get3A_2, %get3A_3, %get3A_4] : memref<2x1024x64xf32, #tpu.memory_space<vmem>>, vector<1x1024x64xf32>
    %get3A_6 = vector.shape_cast %get3A_5 : vector<1x1024x64xf32> to vector<1024x64xf32>
    %add3A = arith.addf %get3A_1, %get3A_6 : vector<1024x64xf32>
    %get3A_7 = arith.constant 1 : index
    %get3A_8 = arith.constant 0 : index
    %get3A_9 = arith.constant 0 : index
    %get3A_10 = vector.load %arg2[%get3A_7, %get3A_8, %get3A_9] : memref<2x1024x64xf32, #tpu.memory_space<vmem>>, vector<1x1024x64xf32>
    %get3A_11 = vector.shape_cast %get3A_10 : vector<1x1024x64xf32> to vector<1024x64xf32>
    %add3A_12 = arith.addf %add3A, %get3A_11 : vector<1024x64xf32>
    %max3A = arith.constant 0.000000e+00 : f32
    %max3A_13 = vector.broadcast %max3A : f32 to vector<1024x64xf32>
    %max3A_14 = arith.maximumf %add3A_12, %max3A_13 : vector<1024x64xf32>
    %get3A_15 = arith.constant 0 : index
    %get3A_16 = arith.constant 0 : index
    %get3A_17 = vector.load %arg4[%get3A_15, %get3A_16] : memref<64x64xf32, #tpu.memory_space<vmem>>, vector<64x64xf32>
    %dot_general3A = arith.constant dense<0.000000e+00> : vector<1024x64xf32>
    %dot_general3A_18 = tpu.matmul %max3A_14, %get3A_17, %dot_general3A {dimension_numbers = #tpu.dot_dimension_numbers<[1], [0], [0], [1], [0, 0, 1, 1], [], []>, transpose_lhs_hint = false} : vector<1024x64xf32>, vector<64x64xf32>, vector<1024x64xf32> -> vector<1024x64xf32>
    %get3A_19 = arith.constant 0 : index
    %get3A_20 = arith.constant 0 : index
    %get3A_21 = vector.load %arg5[%get3A_19, %get3A_20] : memref<64x64xf32, #tpu.memory_space<vmem>>, vector<64x64xf32>
    %dot_general3A_22 = arith.constant dense<0.000000e+00> : vector<1024x64xf32>
    %dot_general3A_23 = tpu.matmul %max3A_14, %get3A_21, %dot_general3A_22 {dimension_numbers = #tpu.dot_dimension_numbers<[1], [0], [0], [1], [0, 0, 1, 1], [], []>, transpose_lhs_hint = false} : vector<1024x64xf32>, vector<64x64xf32>, vector<1024x64xf32> -> vector<1024x64xf32>
    %exp3A = math.exp %dot_general3A_23 : vector<1024x64xf32>
    %get3A_24 = arith.constant 0 : index
    %get3A_25 = arith.constant 0 : index
    %get3A_26 = vector.load %arg3[%get3A_24, %get3A_25] : memref<1024x64xf32, #tpu.memory_space<vmem>>, vector<1024x64xf32>
    %mul3A = arith.mulf %get3A_26, %exp3A : vector<1024x64xf32>
    %add3A_27 = arith.addf %dot_general3A_18, %mul3A : vector<1024x64xf32>
    %swap3A = arith.constant 0 : index
    %swap3A_28 = arith.constant 0 : index
    %swap3A_29 = vector.load %arg7[%swap3A, %swap3A_28] : memref<1024x64xf32, #tpu.memory_space<vmem>>, vector<1024x64xf32>
    tpu.vector_store %arg7[%swap3A, %swap3A_28], %add3A_27 {strides = array<i32>} : memref<1024x64xf32, #tpu.memory_space<vmem>>, vector<1024x64xf32>,
    %get3A_30 = arith.constant 0 : index
    %get3A_31 = arith.constant 0 : index
    %get3A_32 = vector.load %arg6[%get3A_30, %get3A_31] : memref<64x1xf32, #tpu.memory_space<vmem>>, vector<64x1xf32>
    %squeeze3A = vector.shape_cast %get3A_32 : vector<64x1xf32> to vector<64xf32>
    %broadcast_in_dim3A = vector.shape_cast %squeeze3A : vector<64xf32> to vector<1x64xf32>
    %mul3A_33 = vector.broadcast %broadcast_in_dim3A : vector<1x64xf32> to vector<1024x64xf32>
    %mul3A_34 = arith.mulf %add3A_27, %mul3A_33 : vector<1024x64xf32>
    %neg3A = arith.constant 0.000000e+00 : f32
    %neg3A_35 = vector.broadcast %neg3A : f32 to vector<1024x64xf32>
    %neg3A_36 = arith.subf %neg3A_35, %mul3A_34 : vector<1024x64xf32>
    %swap3A_37 = arith.constant 0 : index
    %swap3A_38 = arith.constant 0 : index
    %swap3A_39 = arith.constant 0 : index
    %swap3A_40 = vector.load %arg8[%swap3A_37, %swap3A_38, %swap3A_39] : memref<2x1024x64xf32, #tpu.memory_space<vmem>>, vector<1x1024x64xf32>
    %swap3A_41 = vector.shape_cast %swap3A_40 : vector<1x1024x64xf32> to vector<1024x64xf32>
    %swap3A_42 = vector.shape_cast %neg3A_36 : vector<1024x64xf32> to vector<1x1024x64xf32>
    tpu.vector_store %arg8[%swap3A_37, %swap3A_38, %swap3A_39], %swap3A_42 {strides = array<i32>} : memref<2x1024x64xf32, #tpu.memory_space<vmem>>, vector<1x1024x64xf32>,
    %swap3A_43 = arith.constant 1 : index
    %swap3A_44 = arith.constant 0 : index
    %swap3A_45 = arith.constant 0 : index
    %swap3A_46 = vector.load %arg8[%swap3A_43, %swap3A_44, %swap3A_45] : memref<2x1024x64xf32, #tpu.memory_space<vmem>>, vector<1x1024x64xf32>
    %swap3A_47 = vector.shape_cast %swap3A_46 : vector<1x1024x64xf32> to vector<1024x64xf32>
    %swap3A_48 = vector.shape_cast %mul3A_34 : vector<1024x64xf32> to vector<1x1024x64xf32>
    tpu.vector_store %arg8[%swap3A_43, %swap3A_44, %swap3A_45], %swap3A_48 {strides = array<i32>} : memref<2x1024x64xf32, #tpu.memory_space<vmem>>, vector<1x1024x64xf32>,
    %eq3A = arith.constant 0 : i32
    %eq3A_49 = arith.cmpi eq, %arg0, %eq3A : i32
    %convert_element_type3A = arith.extui %eq3A_49 : i1 to i32
    %cond3A = arith.constant 0 : i32
    %cond3A_50 = arith.cmpi ne, %convert_element_type3A, %cond3A : i32
    scf.if %cond3A_50 {
      %broadcast_in_dim3A_72 = arith.constant 0.000000e+00 : f32
      %broadcast_in_dim3A_73 = vector.broadcast %broadcast_in_dim3A_72 : f32 to vector<1x1xf32>
      %swap3A_74 = arith.constant 0 : index
      %swap3A_75 = arith.constant 0 : index
      %swap3A_76 = vector.load %arg9[%swap3A_74, %swap3A_75] : memref<1x1xf32, #tpu.memory_space<vmem>>, vector<1x1xf32>
      tpu.vector_store %arg9[%swap3A_74, %swap3A_75], %broadcast_in_dim3A_73 {strides = array<i32>} : memref<1x1xf32, #tpu.memory_space<vmem>>, vector<1x1xf32>,
    } else {
    }
    %mul3A_51 = arith.mulf %dot_general3A_18, %dot_general3A_18 : vector<1024x64xf32>
    %mul3A_52 = arith.mulf %exp3A, %exp3A : vector<1024x64xf32>
    %add3A_53 = arith.addf %mul3A_51, %mul3A_52 : vector<1024x64xf32>
    %sub3A = arith.constant 1.000000e+00 : f32
    %sub3A_54 = vector.broadcast %sub3A : f32 to vector<1024x64xf32>
    %sub3A_55 = arith.subf %add3A_53, %sub3A_54 : vector<1024x64xf32>
    %mul3A_56 = arith.constant 5.000000e-01 : f32
    %mul3A_57 = vector.broadcast %mul3A_56 : f32 to vector<1024x64xf32>
    %mul3A_58 = arith.mulf %mul3A_57, %sub3A_55 : vector<1024x64xf32>
    %sub3A_59 = arith.subf %mul3A_58, %dot_general3A_23 : vector<1024x64xf32>
    %reduce_sum3A = vector.shape_cast %sub3A_59 : vector<1024x64xf32> to vector<1x1024x64xf32>
    %reduce_sum3A_60 = arith.constant dense<0.000000e+00> : vector<1xf32>
    %reduce_sum3A_61 = vector.multi_reduction <add>, %reduce_sum3A, %reduce_sum3A_60 [1, 2] : vector<1x1024x64xf32> to vector<1xf32>
    %reduce_sum3A_62 = vector.shape_cast %reduce_sum3A_61 : vector<1xf32> to vector<1x1x1xf32>
    %reduce_sum3A_63 = vector.extract %reduce_sum3A_62[0, 0, 0] : f32 from vector<1x1x1xf32>
    %get3A_64 = arith.constant 0 : index
    %get3A_65 = arith.constant 0 : index
    %get3A_66 = vector.load %arg9[%get3A_64, %get3A_65] : memref<1x1xf32, #tpu.memory_space<vmem>>, vector<1x1xf32>
    %broadcast_in_dim3A_67 = vector.broadcast %reduce_sum3A_63 : f32 to vector<1x1xf32>
    %add3A_68 = arith.addf %get3A_66, %broadcast_in_dim3A_67 : vector<1x1xf32>
    %swap3A_69 = arith.constant 0 : index
    %swap3A_70 = arith.constant 0 : index
    %swap3A_71 = vector.load %arg9[%swap3A_69, %swap3A_70] : memref<1x1xf32, #tpu.memory_space<vmem>>, vector<1x1xf32>
    tpu.vector_store %arg9[%swap3A_69, %swap3A_70], %add3A_68 {strides = array<i32>} : memref<1x1xf32, #tpu.memory_space<vmem>>, vector<1x1xf32>,
    return
  }
  func.func @transform_0(%arg0: i32) -> (i32, i32) {
    %c0_i32 = arith.constant 0 : i32
    %c0_i32_0 = arith.constant 0 : i32
    return %arg0, %c0_i32 : i32, i32
  }
  func.func @transform_1(%arg0: i32) -> (i32, i32, i32) {
    %c0_i32 = arith.constant 0 : i32
    %c0_i32_0 = arith.constant 0 : i32
    %c0_i32_1 = arith.constant 0 : i32
    return %c0_i32, %arg0, %c0_i32_0 : i32, i32, i32
  }
  func.func @transform_2(%arg0: i32) -> (i32, i32) {
    %c0_i32 = arith.constant 0 : i32
    %c0_i32_0 = arith.constant 0 : i32
    return %arg0, %c0_i32 : i32, i32
  }
  func.func @transform_3(%arg0: i32) -> (i32, i32) {
    %c0_i32 = arith.constant 0 : i32
    %c0_i32_0 = arith.constant 0 : i32
    %c0_i32_1 = arith.constant 0 : i32
    return %c0_i32, %c0_i32_0 : i32, i32
  }
  func.func @transform_4(%arg0: i32) -> (i32, i32) {
    %c0_i32 = arith.constant 0 : i32
    %c0_i32_0 = arith.constant 0 : i32
    %c0_i32_1 = arith.constant 0 : i32
    return %c0_i32, %c0_i32_0 : i32, i32
  }
  func.func @transform_5(%arg0: i32) -> (i32, i32) {
    %c0_i32 = arith.constant 0 : i32
    %c0_i32_0 = arith.constant 0 : i32
    %c0_i32_1 = arith.constant 0 : i32
    return %c0_i32, %c0_i32_0 : i32, i32
  }
  func.func @transform_6(%arg0: i32) -> (i32, i32) {
    %c0_i32 = arith.constant 0 : i32
    %c0_i32_0 = arith.constant 0 : i32
    return %arg0, %c0_i32 : i32, i32
  }
  func.func @transform_7(%arg0: i32) -> (i32, i32, i32) {
    %c0_i32 = arith.constant 0 : i32
    %c0_i32_0 = arith.constant 0 : i32
    %c0_i32_1 = arith.constant 0 : i32
    return %c0_i32, %arg0, %c0_i32_0 : i32, i32, i32
  }
  func.func @transform_8(%arg0: i32) -> (i32, i32) {
    %c0_i32 = arith.constant 0 : i32
    %c0_i32_0 = arith.constant 0 : i32
    %c0_i32_1 = arith.constant 0 : i32
    return %c0_i32, %c0_i32_0 : i32, i32
  }
}

module attributes {stable_mosaic.version = 14 : i64} {
  func.func @_tc_final_body(%arg0: i32, %arg1: memref<1264x128xf32, #tpu.memory_space<vmem>>, %arg2: memref<1x1xf32, #tpu.memory_space<vmem>>, %arg3: memref<1x1xf32, #tpu.memory_space<vmem>>, %arg4: memref<1x1xf32, #tpu.memory_space<vmem>>, %arg5: memref<1xf32, #tpu.memory_space<smem>>) attributes {dimension_semantics = [#tpu.dimension_semantics<arbitrary>], iteration_bounds = array<i64: 4>, scalar_prefetch = 0 : i64, scratch_operands = 1 : i64, tpu.core_type = #tpu.core_type<tc>, window_params = [{transform_indices = @transform_0, window_bounds = array<i64: 1264, 128>}, {pipeline_mode = #tpu.pipeline_mode<synchronous>, transform_indices = @transform_1, window_bounds = array<i64: 1, 1>}, {pipeline_mode = #tpu.pipeline_mode<synchronous>, transform_indices = @transform_2, window_bounds = array<i64: 1, 1>}, {pipeline_mode = #tpu.pipeline_mode<synchronous>, transform_indices = @transform_3, window_bounds = array<i64: 1, 1>}]} {
    %mul3A = arith.constant 1264 : i32
    %mul3A_0 = arith.muli %arg0, %mul3A : i32
    %iota3A = tpu.iota {dimensions = array<i32: 0>} : vector<1264x128xi32>
    %add3A = vector.broadcast %mul3A_0 : i32 to vector<1264x128xi32>
    %add3A_1 = arith.addi %add3A, %iota3A : vector<1264x128xi32>
    %get3A = arith.constant 0 : index
    %get3A_2 = arith.constant 0 : index
    %get3A_3 = vector.load %arg3[%get3A, %get3A_2] : memref<1x1xf32, #tpu.memory_space<vmem>>, vector<1x1xf32>
    %get3A_4 = vector.extract %get3A_3[0, 0] : f32 from vector<1x1xf32>
    %lt3A = arith.constant 2500 : i32
    %lt3A_5 = vector.broadcast %lt3A : i32 to vector<1264x128xi32>
    %lt3A_6 = arith.cmpi slt, %add3A_1, %lt3A_5 : vector<1264x128xi32>
    %neg3A = arith.constant 0.000000e+00 : f32
    %neg3A_7 = arith.subf %neg3A, %get3A_4 : f32
    %broadcast_in_dim3A = vector.broadcast %neg3A_7 : f32 to vector<1264x128xf32>
    %broadcast_in_dim3A_8 = vector.broadcast %get3A_4 : f32 to vector<1264x128xf32>
    %select_n3A = arith.select %lt3A_6, %broadcast_in_dim3A, %broadcast_in_dim3A_8 : vector<1264x128xi1>, vector<1264x128xf32>
    %get3A_9 = arith.constant 0 : index
    %get3A_10 = arith.constant 0 : index
    %get3A_11 = vector.load %arg1[%get3A_9, %get3A_10] : memref<1264x128xf32, #tpu.memory_space<vmem>>, vector<1264x128xf32>
    %add3A_12 = arith.addf %get3A_11, %select_n3A : vector<1264x128xf32>
    %custom_jvp_call3A = arith.constant 0.000000e+00 : f32
    %max3A = vector.broadcast %custom_jvp_call3A : f32 to vector<1264x128xf32>
    %max3A_13 = arith.maximumf %add3A_12, %max3A : vector<1264x128xf32>
    %sub3A = vector.broadcast %custom_jvp_call3A : f32 to vector<1264x128xf32>
    %sub3A_14 = arith.subf %add3A_12, %sub3A : vector<1264x128xf32>
    %ne3A = arith.cmpf one, %sub3A_14, %sub3A_14 : vector<1264x128xf32>
    %add3A_15 = vector.broadcast %custom_jvp_call3A : f32 to vector<1264x128xf32>
    %add3A_16 = arith.addf %add3A_12, %add3A_15 : vector<1264x128xf32>
    %abs3A = math.absf %sub3A_14 : vector<1264x128xf32>
    %neg3A_17 = arith.constant 0.000000e+00 : f32
    %neg3A_18 = vector.broadcast %neg3A_17 : f32 to vector<1264x128xf32>
    %neg3A_19 = arith.subf %neg3A_18, %abs3A : vector<1264x128xf32>
    %exp3A = math.exp %neg3A_19 : vector<1264x128xf32>
    %log1p3A = math.log1p %exp3A : vector<1264x128xf32>
    %add3A_20 = arith.addf %max3A_13, %log1p3A : vector<1264x128xf32>
    %select_n3A_21 = arith.select %ne3A, %add3A_16, %add3A_20 : vector<1264x128xi1>, vector<1264x128xf32>
    %neg3A_22 = arith.constant 0.000000e+00 : f32
    %neg3A_23 = vector.broadcast %neg3A_22 : f32 to vector<1264x128xf32>
    %neg3A_24 = arith.subf %neg3A_23, %select_n3A_21 : vector<1264x128xf32>
    %lt3A_25 = arith.constant 5000 : i32
    %lt3A_26 = vector.broadcast %lt3A_25 : i32 to vector<1264x128xi32>
    %lt3A_27 = arith.cmpi slt, %add3A_1, %lt3A_26 : vector<1264x128xi32>
    %jit3A = arith.constant 0.000000e+00 : f32
    %broadcast_in_dim3A_28 = vector.broadcast %jit3A : f32 to vector<1264x128xf32>
    %select_n3A_29 = arith.select %lt3A_27, %neg3A_24, %broadcast_in_dim3A_28 : vector<1264x128xi1>, vector<1264x128xf32>
    %reduce_sum3A = vector.shape_cast %select_n3A_29 : vector<1264x128xf32> to vector<1x1264x128xf32>
    %reduce_sum3A_30 = arith.constant dense<0.000000e+00> : vector<1xf32>
    %reduce_sum3A_31 = vector.multi_reduction <add>, %reduce_sum3A, %reduce_sum3A_30 [1, 2] : vector<1x1264x128xf32> to vector<1xf32>
    %reduce_sum3A_32 = vector.shape_cast %reduce_sum3A_31 : vector<1xf32> to vector<1x1x1xf32>
    %reduce_sum3A_33 = vector.extract %reduce_sum3A_32[0, 0, 0] : f32 from vector<1x1x1xf32>
    %eq3A = arith.constant 0 : i32
    %eq3A_34 = arith.cmpi eq, %arg0, %eq3A : i32
    %convert_element_type3A = arith.extui %eq3A_34 : i1 to i32
    %cond3A = arith.constant 0 : i32
    %cond3A_35 = arith.cmpi ne, %convert_element_type3A, %cond3A : i32
    scf.if %cond3A_35 {
      %swap3A_45 = arith.constant 0.000000e+00 : f32
      %swap3A_46 = arith.constant 0 : index
      %swap3A_47 = memref.load %arg5[%swap3A_46] : memref<1xf32, #tpu.memory_space<smem>>
      memref.store %swap3A_45, %arg5[%swap3A_46] : memref<1xf32, #tpu.memory_space<smem>>
    } else {
    }
    %get3A_36 = arith.constant 0 : index
    %get3A_37 = memref.load %arg5[%get3A_36] : memref<1xf32, #tpu.memory_space<smem>>
    %add3A_38 = arith.addf %get3A_37, %reduce_sum3A_33 : f32
    %swap3A = arith.constant 0 : index
    %swap3A_39 = memref.load %arg5[%swap3A] : memref<1xf32, #tpu.memory_space<smem>>
    memref.store %add3A_38, %arg5[%swap3A] : memref<1xf32, #tpu.memory_space<smem>>
    %eq3A_40 = arith.constant 3 : i32
    %eq3A_41 = arith.cmpi eq, %arg0, %eq3A_40 : i32
    %convert_element_type3A_42 = arith.extui %eq3A_41 : i1 to i32
    %cond3A_43 = arith.constant 0 : i32
    %cond3A_44 = arith.cmpi ne, %convert_element_type3A_42, %cond3A_43 : i32
    scf.if %cond3A_44 {
      %get3A_45 = arith.constant 0 : index
      %get3A_46 = memref.load %arg5[%get3A_45] : memref<1xf32, #tpu.memory_space<smem>>
      %div3A = arith.constant 6.400000e+05 : f32
      %div3A_47 = arith.divf %get3A_46, %div3A : f32
      %get3A_48 = arith.constant 0 : index
      %get3A_49 = arith.constant 0 : index
      %get3A_50 = vector.load %arg2[%get3A_48, %get3A_49] : memref<1x1xf32, #tpu.memory_space<vmem>>, vector<1x1xf32>
      %get3A_51 = vector.extract %get3A_50[0, 0] : f32 from vector<1x1xf32>
      %div3A_52 = arith.constant 1.000000e+04 : f32
      %div3A_53 = arith.divf %get3A_51, %div3A_52 : f32
      %sub3A_54 = arith.subf %div3A_47, %div3A_53 : f32
      %neg3A_55 = arith.constant 0.000000e+00 : f32
      %neg3A_56 = arith.subf %neg3A_55, %sub3A_54 : f32
      %broadcast_in_dim3A_57 = vector.broadcast %neg3A_56 : f32 to vector<1x1xf32>
      %swap3A_58 = arith.constant 0 : index
      %swap3A_59 = arith.constant 0 : index
      %swap3A_60 = vector.load %arg4[%swap3A_58, %swap3A_59] : memref<1x1xf32, #tpu.memory_space<vmem>>, vector<1x1xf32>
      tpu.vector_store %arg4[%swap3A_58, %swap3A_59], %broadcast_in_dim3A_57 {strides = array<i32>} : memref<1x1xf32, #tpu.memory_space<vmem>>, vector<1x1xf32>,
    } else {
    }
    return
  }
  func.func @transform_0(%arg0: i32) -> (i32, i32) {
    %c0_i32 = arith.constant 0 : i32
    %c0_i32_0 = arith.constant 0 : i32
    return %arg0, %c0_i32 : i32, i32
  }
  func.func @transform_1(%arg0: i32) -> (i32, i32) {
    %c0_i32 = arith.constant 0 : i32
    %c0_i32_0 = arith.constant 0 : i32
    %c0_i32_1 = arith.constant 0 : i32
    return %c0_i32, %c0_i32_0 : i32, i32
  }
  func.func @transform_2(%arg0: i32) -> (i32, i32) {
    %c0_i32 = arith.constant 0 : i32
    %c0_i32_0 = arith.constant 0 : i32
    %c0_i32_1 = arith.constant 0 : i32
    return %c0_i32, %c0_i32_0 : i32, i32
  }
  func.func @transform_3(%arg0: i32) -> (i32, i32) {
    %c0_i32 = arith.constant 0 : i32
    %c0_i32_0 = arith.constant 0 : i32
    %c0_i32_1 = arith.constant 0 : i32
    return %c0_i32, %c0_i32_0 : i32, i32
  }
}

</mosaic_0001>

<sc_bundles>
// kernel: kernel.11.cloned.1.call-start
scs
__scs_entry_jumppad:
0x0: {  	(pc) =	sbr.rel $0x88, $3  }
0x1: {  	(tag) =	ssettag $0x0;
	lr =	simm.s32 $0x1  }
0x2: {  	[smem:$0x3F97] =	sst lr;
	_ =	strace $0xD0000000  }
0x3: {  	_ = 	snop  }
0x4: {  	_ = 	snop  }
0x5: {  	_ = 	snop  }
0x6: {  	_ = 	snop  }
0x7: {  	_ = 	snop  }
__scs_overlays_trampoline_lowered:
0x8: {  	[smem:$0x3FA6] =	sst s0  }
0x9: {  	[smem:$0x3FA7] =	sst s1  }
0xa: {  	[smem:$0x3FA8] =	sst s2  }
0xb: {  	[smem:$0x3FA9] =	sst s3  }
0xc: {  	[smem:$0x3FAA] =	sst s4  }
0xd: {  	[smem:$0x3FAB] =	sst s5  }
0xe: {  	[smem:$0x3FAC] =	sst s6  }
0xf: {  	[smem:$0x3FAD] =	sst s7  }
0x10: {  	[smem:$0x3FAE] =	sst s8  }
0x11: {  	[smem:$0x3FAF] =	sst s9;
	s0 =	simm.s32 @!p0 $0x0  }
0x12: {  	s1 =	sld [smem:$0x3F95];
	s0 =	simm.s32 @p0 $0x1  }
0x13: {  	[smem:$0x3FB0] =	sst s0;
	s0 =	simm.s32 @!p1 $0x0  }
0x14: {  	s2 =	sld [smem:$0x3F94];
	s0 =	simm.s32 @p1 $0x1  }
0x15: {  	[smem:$0x3FB1] =	sst s0;
	s0 =	simm.s32 @!p2 $0x0  }
0x16: {  	s3 =	sld [smem:$0x3FDB];
	s0 =	simm.s32 @p2 $0x1  }
0x17: {  	s4 =	simm.s32 $0x1BF5;
	[smem:$0x3FB3] =	sst s0  }
0x18: {  	s0 =	sld [smem:$0x3F96];
	_ =	swait.ge [sflag:s4], $0x0  }
0x19: {  	s7 =	sld [smem:$0x3F97]  }
0x1a: {  	s8 =	sadd.s32 $0xFFFFE003, lr  }
0x1b: {  	s9 =	sadd.s32 $0xFFFFFEF7, lr;
	s5 =	simm.s32 $0xFFFFFFFF;
	p2 =	slt.u32 s8, $0xFFFFF086  }
0x1c: {  	p1 =	slt.u32 s9, $0xF7A;
	s5 =	simm.s32 @!p2 $0x0  }
0x1d: {  	s5 =	simm.s32 @p1 $0x1;
	p0 =	seq.s32 s7, s2  }
0x1e: {  	s7 =	smul.u32 @!p0 $0xF7A, s2;
	p2 =	seq.s32 @!p0 s5, $0x0  }
0x1f: {  	s9 =	smul.u32 $0xF7A, s1;
	s8 =	simm.s32 @!p0 $0x1BF5;
	p2 =	por !p2, p0  }
0x20: {  	[sflag:s8] =	ssyncset.s32 @!p0 $0xFFFFF086;
	s6 =	sadd.s32 @!p0 s3, s7;
	s7 =	simm.s32 @!p0 $0x108  }
0x21: {  	s3 =	sadd.s32 s3, s9;
	s6 =	sadd.s32 @!p0 $0x88, s6;
	s7 =	simm.s32 @p2 $0x1082  }
0x22: {  	[simem:s7], [sflag:s8] =	dma.local @!p0 [hbm:s6], $0xF7A  }
0x23: {  	s9 =	sor.u32 $0xD0000000, s2;
	s6 =	simm.s32 $0x108;
	_ =	swait.ge @!p0 [sflag:s8], $0x0  }
0x24: {  	s3 =	sadd.s32 $0x88, s3;
	s6 =	simm.s32 @!p1 $0x1082;
	[sflag:s4] =	ssyncset.s32 $0xFFFFF086  }
0x25: {  	[simem:s6], [sflag:s4] =	dma.local [hbm:s3], $0xF7A  }
0x26: {  	[smem:$0x3F97] =	sst s1;
	(tag) =	ssettag s2;
	_ =	strace s9  }
0x27: {  	s1 =	sld [smem:$0x3FA7]  }
0x28: {  	s2 =	sld [smem:$0x3FA8]  }
0x29: {  	s4 =	sld [smem:$0x3FAA]  }
0x2a: {  	p0 =	seq.s32 s5, $0x0;
	s5 =	sld [smem:$0x3FAB]  }
0x2b: {  	s6 =	sld [smem:$0x3FAC]  }
0x2c: {  	s7 =	sld [smem:$0x3FAD]  }
0x2d: {  	s3 =	simm.s32 $0x108;
	s8 =	sld [smem:$0x3FAE]  }
0x2e: {  	s3 =	simm.s32 @!p0 $0x1082;
	s9 =	sld [smem:$0x3FAF]  }
0x2f: {  	lr =	sadd.s32 s0, s3;
	s0 =	sld [smem:$0x3FA6]  }
0x30: {  	s3 =	sld [smem:$0x3FA9]  }
0x31: {  	[smem:$0x3FB2] =	sst s10  }
0x32: {  	s10 =	sld [smem:$0x3FB0];
	_ =	sdelay $0x3  }
0x33: {  	p0 =	seq.s32 s10, $0x1;
	s10 =	sld [smem:$0x3FB2];
	_ =	sdelay $0x3  }
0x34: {  	[smem:$0x3FB2] =	sst s10  }
0x35: {  	s10 =	sld [smem:$0x3FB1];
	_ =	sdelay $0x3  }
0x36: {  	p1 =	seq.s32 s10, $0x1;
	s10 =	sld [smem:$0x3FB2];
	_ =	sdelay $0x3  }
0x37: {  	[smem:$0x3FB2] =	sst s10  }
0x38: {  	s10 =	sld [smem:$0x3FB3]  }
0x39: {  	_ = 	snop;
	(pc) =	sbr.ind lr, $3  }
0x3a: {  	_ = 	snop  }
0x3b: {  	_ = 	snop  }
0x3c: {  	p2 =	seq.s32 s10, $0x1;
	s10 =	sld [smem:$0x3FB2]  }
0x3d: {  	_ =	shalt  }
0x3e: {  	_ =	shalt  }
0x3f: {  	_ =	shalt  }
0x40: {  	_ =	shalt  }
0x41: {  	_ =	shalt  }
0x42: {  	_ =	shalt  }
0x43: {  	_ =	shalt  }
0x44: {  	_ =	shalt  }
0x45: {  	_ =	shalt  }
0x46: {  	_ =	shalt  }
0x47: {  	_ =	shalt  }
0x48: {  	_ =	shalt  }
0x49: {  	_ =	shalt  }
0x4a: {  	_ =	shalt  }
0x4b: {  	_ =	shalt  }
0x4c: {  	_ =	shalt  }
0x4d: {  	_ =	shalt  }
0x4e: {  	_ =	shalt  }
0x4f: {  	_ =	shalt  }
0x50: {  	_ =	shalt  }
0x51: {  	_ =	shalt  }
0x52: {  	_ =	shalt  }
0x53: {  	_ =	shalt  }
0x54: {  	_ =	shalt  }
0x55: {  	_ =	shalt  }
0x56: {  	_ =	shalt  }
0x57: {  	_ =	shalt  }
0x58: {  	_ =	shalt  }
0x59: {  	_ =	shalt  }
0x5a: {  	_ =	shalt  }
0x5b: {  	_ =	shalt  }
0x5c: {  	_ =	shalt  }
0x5d: {  	_ =	shalt  }
0x5e: {  	_ =	shalt  }
0x5f: {  	_ =	shalt  }
0x60: {  	_ =	shalt  }
0x61: {  	_ =	shalt  }
0x62: {  	_ =	shalt  }
0x63: {  	_ =	shalt  }
0x64: {  	_ =	shalt  }
0x65: {  	_ =	shalt  }
0x66: {  	_ =	shalt  }
0x67: {  	_ =	shalt  }
0x68: {  	_ =	shalt  }
0x69: {  	_ =	shalt  }
0x6a: {  	_ =	shalt  }
0x6b: {  	_ =	shalt  }
0x6c: {  	_ =	shalt  }
0x6d: {  	_ =	shalt  }
0x6e: {  	_ =	shalt  }
0x6f: {  	_ =	shalt  }
0x70: {  	_ =	shalt  }
0x71: {  	_ =	shalt  }
0x72: {  	_ =	shalt  }
0x73: {  	_ =	shalt  }
0x74: {  	_ =	shalt  }
0x75: {  	_ =	shalt  }
0x76: {  	_ =	shalt  }
0x77: {  	_ =	shalt  }
0x78: {  	_ =	shalt  }
0x79: {  	_ =	shalt  }
0x7a: {  	_ =	shalt  }
0x7b: {  	_ =	shalt  }
0x7c: {  	_ =	shalt  }
0x7d: {  	_ =	shalt  }
0x7e: {  	_ =	shalt  }
0x7f: {  	_ =	shalt  }
0x80: {  	_ =	shalt  }
0x81: {  	_ =	shalt  }
0x82: {  	_ =	shalt  }
0x83: {  	_ =	shalt  }
0x84: {  	_ =	shalt  }
0x85: {  	_ =	shalt  }
0x86: {  	_ =	shalt  }
0x87: {  	_ =	shalt  }
.Lfunc_end0:
.L_simem_size_0:
called_computation_lowered:
.L_overlay_start_0:
0x88: {  	s2 =	sld [smem:$0x3FD9]  }
0x89: {  	s3 =	sld [smem:$0x3FFE];
	_ =	sdelay $0x1  }
0x8a: {  	s1 =	srdreg.scid  }
0x8b: {  	s0 =	sand.u32 $0x1, s1  }
0x8c: {  	s16 =	sshll.u32 s0, $0xA;
	s2 =	sadd.s32 s3, s2  }
0x8d: {  	s2 =	sadd.s32 s2, s16  }
0x8e: {  	[smem:$0x3FBE] =	sst s2  }
0x8f: {  	_ = 	snop  }
0x90: {  	(tm) =	ssettm $0x1  }
0x91: {  	s17 =	sld [smem:$0x3FFB];
	_ =	sdelay $0x3  }
0x92: {  	_ =	strace s17  }
0x93: {  	s2 =	sld [smem:$0x3FFC];
	_ =	sdelay $0x3  }
0x94: {  	_ =	strace s2  }
0x95: {  	s2 =	sld [smem:$0x3FFD];
	_ =	sdelay $0x3  }
0x96: {  	_ =	strace s2  }
0x97: {  	_ =	strace $0x8FFFFFFF  }
0x98: {  	s18 =	sld [smem:$0x3FDB];
	_ =	sdelay $0x1  }
0x99: {  	s19 =	simm.s32 $_scs_section_size  }
0x9a: {  	s4 =	simm.s32 $_size__tile_overlayer_lowered;
	s5 =	simm.s32 $_tile_overlayer_lowered  }
0x9b: {  	s22 =	simm.s32 $0x1BFF;
	s21 =	sshll.u32 s5, $0x1;
	s2 =	sadd.s32 s19, s18  }
0x9c: {  	s6 =	simm.s32 $0x0;
	s20 =	sshll.u32 s4, $0x1;
	s4 =	sadd.s32 s21, s2  }
0x9d: {  	[timem:s6], [sflag:s22] =	dma.local [hbm:s4], s20  }
0x9e: {  	_ =	swait.ge [sflag:s22], s20  }
0x9f: {  	s3 =	ssub.s32 $0x0, s20;
	[sflag:s22] =	ssyncset.done $0x0  }
0xa0: {  	[sflag:s22] =	ssyncadd.s32 s3;
	_ =	sdelay $0x1  }
0xa1: {  	s23 =	simm.s32 $0x1B8B  }
0xa2: {  	_ =	swait.ge [sflag:s23], $0x1  }
0xa3: {  	[sflag:s23] =	ssyncset.done $0x0  }
0xa4: {  	s25 =	simm.s32 $0x1B8E;
	s24 =	sld [smem:$0x3FFE];
	[sflag:s23] =	ssyncadd.s32 $0xFFFFFFFF  }
0xa5: {  	s26 =	simm.s32 $execute0_lowered;
	[smem:$0x3FD2] =	sst s25  }
0xa6: {  	s4 =	sshll.u32 s26, $0x1;
	_ =	strace $0x80000046;
	[dreg:$0x1] =	wrdreg $0xFFFFFFFF  }
0xa7: {  	s28 =	simm.s32 $_size_execute0_lowered;
	s2 =	sadd.s32 s2, s4;
	[dreg:$0x0] =	wrdreg $0x0  }
0xa8: {  	s4 =	sshll.u32 s28, $0x1;
	[dreg:$0x2] =	wrdreg s2  }
0xa9: {  	[dreg:$0x3] =	wrdreg s4  }
0xaa: {  	[dreg:$0x4] =	wrdreg $0xC0  }
0xab: {  	_ =	task [dreg:s6], $0x5FFFF  }
0xac: {  	[dreg:$0x1] =	wrdreg $0xFFFFFFFF  }
0xad: {  	[dreg:$0x0] =	wrdreg $0x60  }
0xae: {  	[dreg:$0x2] =	wrdreg s24  }
0xaf: {  	[dreg:$0x3] =	wrdreg $0x42000  }
0xb0: {  	[dreg:$0x4] =	wrdreg $0x9  }
0xb1: {  	_ =	task.clear_ibuf [dreg:s6], $0x5FFFF;
	_ =	strace $0x90000046  }
0xb2: {  	s29 =	simm.s32 $0x9;
	_ =	strace $0x80000048  }
0xb3: {  	_ =	swait.ge [sflag:s29], $0x1  }
0xb4: {  	[sflag:s29] =	ssyncadd.s32 $0xFFFFFFFF  }
0xb5: {  	_ =	strace $0x90000048  }
0xb6: {  	_ =	sfence  }
0xb7: {  	s30 =	sld [smem:$0x0];
	_ =	sdelay $0x2  }
0xb8: {  	s31 =	sshll.u32 s1, $0xD;
	s1 =	sshrl.u32 s1, $0x2  }
0xb9: {  	s3 =	sand.u32 $0x4000, s31;
	s1 =	sadd.s32 s1, s30  }
0xba: {  	s0 =	sor.u32 s3, s0;
	s1 =	sshll.u32 s1, $0x11  }
0xbb: {  	s0 =	sor.u32 s1, s0  }
0xbc: {  	s0 =	sadd.s32 $0x8F2B, s0  }
0xbd: {  	[sflag:s0] =	ssyncadd.remote.s32 $0x1  }
0xbe: {  	_ =	sfence.sel $0xFFFF  }
0xbf: {  	[dreg:$0x0] =	wrdreg $0xFFFFFFFF;
	(pc) =	sbr.abs _section_cstart, $3  }
0xc0: {  	[dreg:$0x1] =	wrdreg $0xFFFFFFFF  }
0xc1: {  	_ =	task.clear_ibuf [dreg:s6], $0x2FFFF;
	_ =	strace $0x9FFFFFFF  }
0xc2: {  	(tm) =	ssettm $0x7FFFFFFF  }
0xc3: {  	_ =	shalt  }
tec
execute0_lowered:
.L_overlay_start_1:
0x0: {  	(tag) =	ssettag $0x1  }
0x1: {  	s6 =	rddreg [dreg:$0x0]  }
0x2: {  	s1 =	rddreg [dreg:$0x1]  }
0x3: {  	s0 =	rddreg [dreg:$0x2];
	s3 =	simm.s32 $0x0;
	s5 =	srdreg.scid  }
0x4: {  	s2 =	stileid.u32;
	s18 =	simm.s32 $0x200;
	s19 =	simm.s32 $0x100  }
0x5: {  	s20 =	simm.s32 $0x180;
	s21 =	simm.s32 $0x2200;
	s22 =	simm.s32 $0x1  }
0x6: {  	s23 =	simm.s32 $0x2;
	s24 =	simm.s32 $0x0;
	[smem:$0x7FF] =	sst s3  }
0x7: {  	s4 =	sadd.s32 $0x16000, s6;
	s7 =	sand.u32 $0x1, s5;
	s8 =	smul.u32 $0xA000, s2  }
0x8: {  	s14 =	sadd.s32 $0xBE00, s6;
	s10 =	sshll.u32 s2, $0x1;
	s15 =	smul.u32 $0x5000, s2  }
0x9: {  	s13 =	sadd.s32 $0x1C00, s6;
	s5 =	sadd.s32 $0x2A000, s6;
	s9 =	smul.u32 $0xA0000, s7  }
0xa: {  	s29 =	sshll.u32 s2, $0x6;
	s10 =	sor.u32 s7, s10;
	s28 =	smul.u32 $0x2800, s7  }
0xb: {  	_ =	strace $0x80000047;
	s11 =	ssub.s32 $0x2, s7;
	s10 =	smul.u32 $0x2800, s10  }
0xc: {  	s12 =	sshrl.u32 s11, $0x1;
	s16 =	sadd.s32 s8, s1;
	s9 =	sadd.s32 s8, s9  }
0xd: {  	s11 =	ssub.s32 s11, s12;
	s12 =	sadd.s32 s28, s15;
	s9 =	sshrl.u32 s9, $0x3  }
0xe: {  	s30 =	sshrl.u32 s10, $0x3;
	s15 =	sor.u32 $0x100, s12;
	s10 =	smax.u32 s11, $0x1  }
0xf: {  	s17 =	sor.u32 $0x80, s12;
	s9 =	sadd.s32 s9, s6;
	s6 =	sor.u32 $0x1C03, s29  }
0x10: {  	s7 =	sadd.s32 s14, s30;
	s8 =	sadd.s32 s13, s30;
	s15 =	sshrl.u32 s15, $0x3  }
0x11: {  	s31 =	sshrl.u32 s17, $0x3;
	s17 =	simm.s32 $0x80;
	s9 =	sadd.s32 $0x2B400, s9  }
0x12: {  	s11 =	sadd.s32 s15, s13;
	s12 =	sadd.s32 s15, s14;
	s13 =	sadd.s32 s31, s13  }
0x13: {  	s14 =	sadd.s32 s31, s14;
	s15 =	sshrl.u32 s16, $0x3;
	s16 =	simm.s32 $0x3  }
.LBB2_1:
0x14: {  	[spmem:s15], [sflag:s6] =	dma.local [hbm:s5], $0x1400  }
0x15: {  	_ =	swait.ge [sflag:s16], $0x1400  }
0x16: {  	[sflag:s16] =	ssyncset.done $0x0  }
0x17: {  	[sflag:s16] =	ssyncadd.s32 $0xFFFFEC00  }
0x18: {  	[bflag:$0x0] =	sbarrier.arrive $0xFFFF  }
0x19: {  	[tilespmem:s3], [sflag:$0x3] =	stream.linear.gather [hbm4b:s7+s3], $0x80, $0x38;
	[tilespmem:$0xE200] =	vst v63  }
0x1a: {  	_ =	swait.ge [sflag:s16], $0x80  }
0x1b: {  	[sflag:s16] =	ssyncset.done $0x0  }
0x1c: {  	[sflag:s16] =	ssyncadd.s32 $0xFFFFFF80  }
0x1d: {  	[tilespmem:s17], [sflag:$0x3] =	stream.linear.gather [hbm4b:s8+s3], $0x80, $0x38;
	[tilespmem:$0xE200] =	vst v63  }
0x1e: {  	_ =	swait.ge [sflag:s16], $0x80  }
0x1f: {  	[sflag:s16] =	ssyncset.done $0x0  }
0x20: {  	[sflag:s16] =	ssyncadd.s32 $0xFFFFFF80  }
0x21: {  	[tilespmem:s18], [sflag:$0x1] =	stream.indirect.gather [hbm4b:s4+s17], $0x40, s3, s17, $0xb8;
	[tilespmem:$0xE200] =	vst v63  }
0x22: {  	s25 =	sadd.s32 $0x0, s14  }
0x23: {  	[tilespmem:s19], [sflag:$0x3] =	stream.linear.gather [hbm4b:s25+s3], $0x80, $0x38;
	[tilespmem:$0xE200] =	vst v63  }
0x24: {  	_ =	swait.ge [sflag:s16], $0x80  }
0x25: {  	[sflag:s16] =	ssyncset.done $0x0  }
0x26: {  	s29 =	sadd.s32 $0x0, s13;
	[sflag:s16] =	ssyncadd.s32 $0xFFFFFF80  }
0x27: {  	[tilespmem:s20], [sflag:$0x3] =	stream.linear.gather [hbm4b:s29+s3], $0x80, $0x38;
	[tilespmem:$0xE200] =	vst v63  }
0x28: {  	_ =	swait.ge [sflag:s16], $0x80  }
0x29: {  	[sflag:s16] =	ssyncset.done $0x0  }
0x2a: {  	[sflag:s16] =	ssyncadd.s32 $0xFFFFFF80  }
0x2b: {  	[tilespmem:s21], [sflag:$0x2] =	stream.indirect.gather [hbm4b:s4+s17], $0x40, s19, s17, $0xb8;
	[tilespmem:$0xE200] =	vst v63  }
0x2c: {  	_ =	swait.ge [sflag:s22], $0x2000  }
0x2d: {  	[sflag:s22] =	ssyncset.done $0x0  }
0x2e: {  	[sflag:s22] =	ssyncadd.s32 $0xFFFFE000  }
0x2f: {  	[spmem:s1] =	stream.indirect.scatter.add.f32 [tilespmem:s18], [sflag:$0x3], $0x40, s17, s17, $0xb8;
	[tilespmem:$0xE200] =	vst v63  }
0x30: {  	_ =	swait.ge [sflag:s16], $0x2000  }
0x31: {  	[sflag:s16] =	ssyncset.done $0x0  }
0x32: {  	s30 =	sadd.s32 $0x0, s12;
	[sflag:s16] =	ssyncadd.s32 $0xFFFFE000  }
0x33: {  	[tilespmem:s3], [sflag:$0x3] =	stream.linear.gather [hbm4b:s30+s3], $0x80, $0x38;
	[tilespmem:$0xE200] =	vst v63  }
0x34: {  	_ =	swait.ge [sflag:s16], $0x80  }
0x35: {  	[sflag:s16] =	ssyncset.done $0x0  }
0x36: {  	s31 =	sadd.s32 $0x0, s11;
	[sflag:s16] =	ssyncadd.s32 $0xFFFFFF80  }
0x37: {  	[tilespmem:s17], [sflag:$0x3] =	stream.linear.gather [hbm4b:s31+s3], $0x80, $0x38;
	[tilespmem:$0xE200] =	vst v63  }
0x38: {  	_ =	swait.ge [sflag:s16], $0x80  }
0x39: {  	[sflag:s16] =	ssyncset.done $0x0  }
0x3a: {  	[sflag:s16] =	ssyncadd.s32 $0xFFFFFF80  }
0x3b: {  	[tilespmem:s18], [sflag:$0x1] =	stream.indirect.gather [hbm4b:s4+s17], $0x40, s3, s17, $0xb8;
	[tilespmem:$0xE200] =	vst v63  }
0x3c: {  	_ =	swait.ge [sflag:s23], $0x2000  }
0x3d: {  	[sflag:s23] =	ssyncset.done $0x0  }
0x3e: {  	[sflag:s23] =	ssyncadd.s32 $0xFFFFE000  }
0x3f: {  	[spmem:s1] =	stream.indirect.scatter.add.f32 [tilespmem:s21], [sflag:$0x3], $0x40, s20, s17, $0xb8;
	[tilespmem:$0xE200] =	vst v63  }
0x40: {  	_ =	swait.ge [sflag:s16], $0x2000  }
0x41: {  	s28 =	simm.s32 $0x40;
	s25 =	simm.s32 $0x20;
	[sflag:s16] =	ssyncset.done $0x0  }
.LBB2_2:
0x42: {  	s29 =	sadd.s32 s25, s14  }
0x43: {  	[sflag:s16] =	ssyncadd.s32 $0xFFFFE000;
	s30 =	smov.u32 s28;
	s26 =	sadd.s32 $0x20, s28  }
0x44: {  	[tilespmem:s19], [sflag:$0x3] =	stream.linear.gather [hbm4b:s29+s3], $0x80, $0x38;
	[tilespmem:$0xE200] =	vst v63  }
0x45: {  	p0 =	sne.s32 s28, $0x4E0;
	_ =	swait.ge [sflag:s16], $0x80  }
0x46: {  	[sflag:s16] =	ssyncset.done $0x0  }
0x47: {  	s28 =	sadd.s32 s25, s13;
	[sflag:s16] =	ssyncadd.s32 $0xFFFFFF80  }
0x48: {  	[tilespmem:s20], [sflag:$0x3] =	stream.linear.gather [hbm4b:s28+s3], $0x80, $0x38;
	[tilespmem:$0xE200] =	vst v63  }
0x49: {  	_ =	swait.ge [sflag:s16], $0x80  }
0x4a: {  	[sflag:s16] =	ssyncset.done $0x0  }
0x4b: {  	[sflag:s16] =	ssyncadd.s32 $0xFFFFFF80  }
0x4c: {  	[tilespmem:s21], [sflag:$0x2] =	stream.indirect.gather [hbm4b:s4+s17], $0x40, s19, s17, $0xb8;
	[tilespmem:$0xE200] =	vst v63  }
0x4d: {  	_ =	swait.ge [sflag:s22], $0x2000  }
0x4e: {  	[sflag:s22] =	ssyncset.done $0x0  }
0x4f: {  	[sflag:s22] =	ssyncadd.s32 $0xFFFFE000  }
0x50: {  	[spmem:s1] =	stream.indirect.scatter.add.f32 [tilespmem:s18], [sflag:$0x3], $0x40, s17, s17, $0xb8;
	[tilespmem:$0xE200] =	vst v63  }
0x51: {  	_ =	swait.ge [sflag:s16], $0x2000  }
0x52: {  	[sflag:s16] =	ssyncset.done $0x0  }
0x53: {  	s28 =	sadd.s32 s25, s12;
	[sflag:s16] =	ssyncadd.s32 $0xFFFFE000  }
0x54: {  	[tilespmem:s3], [sflag:$0x3] =	stream.linear.gather [hbm4b:s28+s3], $0x80, $0x38;
	[tilespmem:$0xE200] =	vst v63  }
0x55: {  	_ =	swait.ge [sflag:s16], $0x80  }
0x56: {  	[sflag:s16] =	ssyncset.done $0x0  }
0x57: {  	s28 =	sadd.s32 s25, s11;
	s25 =	smov.u32 s30;
	[sflag:s16] =	ssyncadd.s32 $0xFFFFFF80  }
0x58: {  	[tilespmem:s17], [sflag:$0x3] =	stream.linear.gather [hbm4b:s28+s3], $0x80, $0x38;
	[tilespmem:$0xE200] =	vst v63  }
0x59: {  	_ =	swait.ge [sflag:s16], $0x80  }
0x5a: {  	[sflag:s16] =	ssyncset.done $0x0  }
0x5b: {  	[sflag:s16] =	ssyncadd.s32 $0xFFFFFF80  }
0x5c: {  	[tilespmem:s18], [sflag:$0x1] =	stream.indirect.gather [hbm4b:s4+s17], $0x40, s3, s17, $0xb8;
	[tilespmem:$0xE200] =	vst v63  }
0x5d: {  	_ =	swait.ge [sflag:s23], $0x2000  }
.Ltmp0:
0x5e: {  	[sflag:s23] =	ssyncset.done $0x0;
	(pc) =	sbr.rel @p0 .LBB2_2-.Ltmp0, $4  }
0x5f: {  	[sflag:s23] =	ssyncadd.s32 $0xFFFFE000  }
0x60: {  	[spmem:s1] =	stream.indirect.scatter.add.f32 [tilespmem:s21], [sflag:$0x3], $0x40, s20, s17, $0xb8;
	[tilespmem:$0xE200] =	vst v63  }
0x61: {  	_ =	swait.ge [sflag:s16], $0x2000  }
0x62: {  	s28 =	smov.u32 s26;
	[sflag:s16] =	ssyncset.done $0x0  }
0x63: {  	s26 =	sadd.s32 s25, s14;
	[sflag:s16] =	ssyncadd.s32 $0xFFFFE000  }
0x64: {  	[tilespmem:s19], [sflag:$0x3] =	stream.linear.gather [hbm4b:s26+s3], $0x80, $0x38;
	[tilespmem:$0xE200] =	vst v63  }
0x65: {  	_ =	swait.ge [sflag:s16], $0x80  }
0x66: {  	[sflag:s16] =	ssyncset.done $0x0  }
0x67: {  	s29 =	sadd.s32 s25, s13;
	[sflag:s16] =	ssyncadd.s32 $0xFFFFFF80  }
0x68: {  	[tilespmem:s20], [sflag:$0x3] =	stream.linear.gather [hbm4b:s29+s3], $0x80, $0x38;
	[tilespmem:$0xE200] =	vst v63  }
0x69: {  	_ =	swait.ge [sflag:s16], $0x80  }
0x6a: {  	[sflag:s16] =	ssyncset.done $0x0  }
0x6b: {  	[sflag:s16] =	ssyncadd.s32 $0xFFFFFF80  }
0x6c: {  	[tilespmem:s21], [sflag:$0x2] =	stream.indirect.gather [hbm4b:s4+s17], $0x40, s19, s17, $0xb8;
	[tilespmem:$0xE200] =	vst v63  }
0x6d: {  	_ =	swait.ge [sflag:s22], $0x2000  }
0x6e: {  	[sflag:s22] =	ssyncset.done $0x0  }
0x6f: {  	[sflag:s22] =	ssyncadd.s32 $0xFFFFE000  }
0x70: {  	[spmem:s1] =	stream.indirect.scatter.add.f32 [tilespmem:s18], [sflag:$0x3], $0x40, s17, s17, $0xb8;
	[tilespmem:$0xE200] =	vst v63  }
0x71: {  	_ =	swait.ge [sflag:s16], $0x2000  }
0x72: {  	[sflag:s16] =	ssyncset.done $0x0  }
0x73: {  	s30 =	sadd.s32 s25, s12;
	[sflag:s16] =	ssyncadd.s32 $0xFFFFE000  }
0x74: {  	[tilespmem:s3], [sflag:$0x3] =	stream.linear.gather [hbm4b:s30+s3], $0x80, $0x38;
	[tilespmem:$0xE200] =	vst v63  }
0x75: {  	_ =	swait.ge [sflag:s16], $0x80  }
0x76: {  	[sflag:s16] =	ssyncset.done $0x0  }
0x77: {  	s31 =	sadd.s32 s25, s11;
	[sflag:s16] =	ssyncadd.s32 $0xFFFFFF80  }
0x78: {  	[tilespmem:s17], [sflag:$0x3] =	stream.linear.gather [hbm4b:s31+s3], $0x80, $0x38;
	[tilespmem:$0xE200] =	vst v63  }
0x79: {  	_ =	swait.ge [sflag:s16], $0x80  }
0x7a: {  	[sflag:s16] =	ssyncset.done $0x0  }
0x7b: {  	[sflag:s16] =	ssyncadd.s32 $0xFFFFFF80  }
0x7c: {  	[tilespmem:s18], [sflag:$0x1] =	stream.indirect.gather [hbm4b:s4+s17], $0x40, s3, s17, $0xb8;
	[tilespmem:$0xE200] =	vst v63  }
0x7d: {  	_ =	swait.ge [sflag:s23], $0x2000  }
0x7e: {  	[sflag:s23] =	ssyncset.done $0x0  }
0x7f: {  	[sflag:s23] =	ssyncadd.s32 $0xFFFFE000  }
0x80: {  	[spmem:s1] =	stream.indirect.scatter.add.f32 [tilespmem:s21], [sflag:$0x3], $0x40, s20, s17, $0xb8;
	[tilespmem:$0xE200] =	vst v63  }
0x81: {  	_ =	swait.ge [sflag:s16], $0x2000  }
0x82: {  	[sflag:s16] =	ssyncset.done $0x0  }
0x83: {  	[sflag:s16] =	ssyncadd.s32 $0xFFFFE000  }
0x84: {  	_ =	swait.ge [sflag:s22], $0x2000  }
0x85: {  	s24 =	sadd.s32 $0x1, s24;
	[sflag:s22] =	ssyncset.done $0x0  }
0x86: {  	p0 =	sne.s32 s24, s10;
	[sflag:s22] =	ssyncadd.s32 $0xFFFFE000  }
.Ltmp1:
0x87: {  	[bflag:$0x0] =	sbarrier.arrive $0xFFFF;
	(pc) =	sbr.rel @p0 .LBB2_1-.Ltmp1, $4  }
0x88: {  	[hbm:s9], [sflag:s6] =	dma.local [spmem:s15], $0x1400  }
0x89: {  	_ =	swait.ge [sflag:s16], $0x1400  }
0x8a: {  	[sflag:s16] =	ssyncset.done $0x0  }
0x8b: {  	[sflag:s16] =	ssyncadd.s32 $0xFFFFEC00  }
0x8c: {  	_ =	sfence.sel $0x180000  }
0x8d: {  	[bflag:$0x0] =	sbarrier.arrive $0xFFFF  }
0x8e: {  	p0 =	sne.s32 s2, $0x0;
	_ =	strace $0x90000047  }
0x8f: {  	s0 =	sadd.s32 @!p0 $0x100000, s0;
	[bflag:$0x2] =	sbarrier.arrive $0xFFFF  }
0x90: {  	[sflag:s0] =	ssyncadd.tile.s32 @!p0 $0x1;
	_ =	shalt  }
.Lfunc_end2:
_tile_overlayer_lowered:
.L_overlay_start_2:
0x91: {  	(tag) =	ssettag $0x2  }
0x92: {  	s0 =	rddreg [dreg:$0x0];
	s2 =	stileid.u32  }
0x93: {  	s1 =	rddreg [dreg:$0x1];
	p0 =	sne.s32 s2, $0x0  }
0x94: {  	s3 =	rddreg [dreg:$0x2];
	[bflag:$0x3] =	sbarrier.arrive $0xFFFF;
	s2 =	simm.s32 @!p0 $0x1C03  }
0x95: {  	[timem:s3], [sflag:s2] =	dma.local @!p0 [hbm:s0], s1  }
0x96: {  	s0 =	simm.s32 @!p0 $0x3  }
0x97: {  	_ =	swait.ge @!p0 [sflag:s0], s1  }
0x98: {  	s1 =	ssub.s32 @!p0 $0x0, s1;
	[sflag:s0] =	ssyncset.done @!p0 $0x0  }
0x99: {  	[sflag:s0] =	ssyncadd.s32 @!p0 s1  }
0x9a: {  	[bflag:$0x3] =	sbarrier.arrive $0xFFFF  }
0x9b: {  	_ =	shalt  }

// kernel: kernel.14.cloned.1.call-start
scs
__scs_entry_jumppad:
0x0: {  	(pc) =	sbr.rel $0x88, $3  }
0x1: {  	(tag) =	ssettag $0x0;
	lr =	simm.s32 $0x1  }
0x2: {  	[smem:$0x3F97] =	sst lr;
	_ =	strace $0xD0000000  }
0x3: {  	_ = 	snop  }
0x4: {  	_ = 	snop  }
0x5: {  	_ = 	snop  }
0x6: {  	_ = 	snop  }
0x7: {  	_ = 	snop  }
__scs_overlays_trampoline_lowered:
0x8: {  	[smem:$0x3FA6] =	sst s0  }
0x9: {  	[smem:$0x3FA7] =	sst s1  }
0xa: {  	[smem:$0x3FA8] =	sst s2  }
0xb: {  	[smem:$0x3FA9] =	sst s3  }
0xc: {  	[smem:$0x3FAA] =	sst s4  }
0xd: {  	[smem:$0x3FAB] =	sst s5  }
0xe: {  	[smem:$0x3FAC] =	sst s6  }
0xf: {  	[smem:$0x3FAD] =	sst s7  }
0x10: {  	[smem:$0x3FAE] =	sst s8  }
0x11: {  	[smem:$0x3FAF] =	sst s9;
	s0 =	simm.s32 @!p0 $0x0  }
0x12: {  	s1 =	sld [smem:$0x3F95];
	s0 =	simm.s32 @p0 $0x1  }
0x13: {  	[smem:$0x3FB0] =	sst s0;
	s0 =	simm.s32 @!p1 $0x0  }
0x14: {  	s2 =	sld [smem:$0x3F94];
	s0 =	simm.s32 @p1 $0x1  }
0x15: {  	[smem:$0x3FB1] =	sst s0;
	s0 =	simm.s32 @!p2 $0x0  }
0x16: {  	s3 =	sld [smem:$0x3FDB];
	s0 =	simm.s32 @p2 $0x1  }
0x17: {  	s4 =	simm.s32 $0x1BF5;
	[smem:$0x3FB3] =	sst s0  }
0x18: {  	s0 =	sld [smem:$0x3F96];
	_ =	swait.ge [sflag:s4], $0x0  }
0x19: {  	s7 =	sld [smem:$0x3F97]  }
0x1a: {  	s8 =	sadd.s32 $0xFFFFE003, lr  }
0x1b: {  	s9 =	sadd.s32 $0xFFFFFEF7, lr;
	s5 =	simm.s32 $0xFFFFFFFF;
	p2 =	slt.u32 s8, $0xFFFFF086  }
0x1c: {  	p1 =	slt.u32 s9, $0xF7A;
	s5 =	simm.s32 @!p2 $0x0  }
0x1d: {  	s5 =	simm.s32 @p1 $0x1;
	p0 =	seq.s32 s7, s2  }
0x1e: {  	s7 =	smul.u32 @!p0 $0xF7A, s2;
	p2 =	seq.s32 @!p0 s5, $0x0  }
0x1f: {  	s9 =	smul.u32 $0xF7A, s1;
	s8 =	simm.s32 @!p0 $0x1BF5;
	p2 =	por !p2, p0  }
0x20: {  	[sflag:s8] =	ssyncset.s32 @!p0 $0xFFFFF086;
	s6 =	sadd.s32 @!p0 s3, s7;
	s7 =	simm.s32 @!p0 $0x108  }
0x21: {  	s3 =	sadd.s32 s3, s9;
	s6 =	sadd.s32 @!p0 $0x88, s6;
	s7 =	simm.s32 @p2 $0x1082  }
0x22: {  	[simem:s7], [sflag:s8] =	dma.local @!p0 [hbm:s6], $0xF7A  }
0x23: {  	s9 =	sor.u32 $0xD0000000, s2;
	s6 =	simm.s32 $0x108;
	_ =	swait.ge @!p0 [sflag:s8], $0x0  }
0x24: {  	s3 =	sadd.s32 $0x88, s3;
	s6 =	simm.s32 @!p1 $0x1082;
	[sflag:s4] =	ssyncset.s32 $0xFFFFF086  }
0x25: {  	[simem:s6], [sflag:s4] =	dma.local [hbm:s3], $0xF7A  }
0x26: {  	[smem:$0x3F97] =	sst s1;
	(tag) =	ssettag s2;
	_ =	strace s9  }
0x27: {  	s1 =	sld [smem:$0x3FA7]  }
0x28: {  	s2 =	sld [smem:$0x3FA8]  }
0x29: {  	s4 =	sld [smem:$0x3FAA]  }
0x2a: {  	p0 =	seq.s32 s5, $0x0;
	s5 =	sld [smem:$0x3FAB]  }
0x2b: {  	s6 =	sld [smem:$0x3FAC]  }
0x2c: {  	s7 =	sld [smem:$0x3FAD]  }
0x2d: {  	s3 =	simm.s32 $0x108;
	s8 =	sld [smem:$0x3FAE]  }
0x2e: {  	s3 =	simm.s32 @!p0 $0x1082;
	s9 =	sld [smem:$0x3FAF]  }
0x2f: {  	lr =	sadd.s32 s0, s3;
	s0 =	sld [smem:$0x3FA6]  }
0x30: {  	s3 =	sld [smem:$0x3FA9]  }
0x31: {  	[smem:$0x3FB2] =	sst s10  }
0x32: {  	s10 =	sld [smem:$0x3FB0];
	_ =	sdelay $0x3  }
0x33: {  	p0 =	seq.s32 s10, $0x1;
	s10 =	sld [smem:$0x3FB2];
	_ =	sdelay $0x3  }
0x34: {  	[smem:$0x3FB2] =	sst s10  }
0x35: {  	s10 =	sld [smem:$0x3FB1];
	_ =	sdelay $0x3  }
0x36: {  	p1 =	seq.s32 s10, $0x1;
	s10 =	sld [smem:$0x3FB2];
	_ =	sdelay $0x3  }
0x37: {  	[smem:$0x3FB2] =	sst s10  }
0x38: {  	s10 =	sld [smem:$0x3FB3]  }
0x39: {  	_ = 	snop;
	(pc) =	sbr.ind lr, $3  }
0x3a: {  	_ = 	snop  }
0x3b: {  	_ = 	snop  }
0x3c: {  	p2 =	seq.s32 s10, $0x1;
	s10 =	sld [smem:$0x3FB2]  }
0x3d: {  	_ =	shalt  }
0x3e: {  	_ =	shalt  }
0x3f: {  	_ =	shalt  }
0x40: {  	_ =	shalt  }
0x41: {  	_ =	shalt  }
0x42: {  	_ =	shalt  }
0x43: {  	_ =	shalt  }
0x44: {  	_ =	shalt  }
0x45: {  	_ =	shalt  }
0x46: {  	_ =	shalt  }
0x47: {  	_ =	shalt  }
0x48: {  	_ =	shalt  }
0x49: {  	_ =	shalt  }
0x4a: {  	_ =	shalt  }
0x4b: {  	_ =	shalt  }
0x4c: {  	_ =	shalt  }
0x4d: {  	_ =	shalt  }
0x4e: {  	_ =	shalt  }
0x4f: {  	_ =	shalt  }
0x50: {  	_ =	shalt  }
0x51: {  	_ =	shalt  }
0x52: {  	_ =	shalt  }
0x53: {  	_ =	shalt  }
0x54: {  	_ =	shalt  }
0x55: {  	_ =	shalt  }
0x56: {  	_ =	shalt  }
0x57: {  	_ =	shalt  }
0x58: {  	_ =	shalt  }
0x59: {  	_ =	shalt  }
0x5a: {  	_ =	shalt  }
0x5b: {  	_ =	shalt  }
0x5c: {  	_ =	shalt  }
0x5d: {  	_ =	shalt  }
0x5e: {  	_ =	shalt  }
0x5f: {  	_ =	shalt  }
0x60: {  	_ =	shalt  }
0x61: {  	_ =	shalt  }
0x62: {  	_ =	shalt  }
0x63: {  	_ =	shalt  }
0x64: {  	_ =	shalt  }
0x65: {  	_ =	shalt  }
0x66: {  	_ =	shalt  }
0x67: {  	_ =	shalt  }
0x68: {  	_ =	shalt  }
0x69: {  	_ =	shalt  }
0x6a: {  	_ =	shalt  }
0x6b: {  	_ =	shalt  }
0x6c: {  	_ =	shalt  }
0x6d: {  	_ =	shalt  }
0x6e: {  	_ =	shalt  }
0x6f: {  	_ =	shalt  }
0x70: {  	_ =	shalt  }
0x71: {  	_ =	shalt  }
0x72: {  	_ =	shalt  }
0x73: {  	_ =	shalt  }
0x74: {  	_ =	shalt  }
0x75: {  	_ =	shalt  }
0x76: {  	_ =	shalt  }
0x77: {  	_ =	shalt  }
0x78: {  	_ =	shalt  }
0x79: {  	_ =	shalt  }
0x7a: {  	_ =	shalt  }
0x7b: {  	_ =	shalt  }
0x7c: {  	_ =	shalt  }
0x7d: {  	_ =	shalt  }
0x7e: {  	_ =	shalt  }
0x7f: {  	_ =	shalt  }
0x80: {  	_ =	shalt  }
0x81: {  	_ =	shalt  }
0x82: {  	_ =	shalt  }
0x83: {  	_ =	shalt  }
0x84: {  	_ =	shalt  }
0x85: {  	_ =	shalt  }
0x86: {  	_ =	shalt  }
0x87: {  	_ =	shalt  }
.Lfunc_end0:
.L_simem_size_0:
called_computation.1_lowered:
.L_overlay_start_0:
0x88: {  	s2 =	sld [smem:$0x3FD9]  }
0x89: {  	s3 =	sld [smem:$0x3FFE];
	_ =	sdelay $0x1  }
0x8a: {  	s1 =	srdreg.scid  }
0x8b: {  	s0 =	sand.u32 $0x1, s1  }
0x8c: {  	s16 =	sshll.u32 s0, $0xA;
	s2 =	sadd.s32 s3, s2  }
0x8d: {  	s2 =	sadd.s32 s2, s16  }
0x8e: {  	[smem:$0x3FBE] =	sst s2  }
0x8f: {  	_ = 	snop  }
0x90: {  	(tm) =	ssettm $0x1  }
0x91: {  	s17 =	sld [smem:$0x3FFB];
	_ =	sdelay $0x3  }
0x92: {  	_ =	strace s17  }
0x93: {  	s2 =	sld [smem:$0x3FFC];
	_ =	sdelay $0x3  }
0x94: {  	_ =	strace s2  }
0x95: {  	s2 =	sld [smem:$0x3FFD];
	_ =	sdelay $0x3  }
0x96: {  	_ =	strace s2  }
0x97: {  	_ =	strace $0x8FFFFFFF  }
0x98: {  	s18 =	sld [smem:$0x3FDB];
	_ =	sdelay $0x1  }
0x99: {  	s19 =	simm.s32 $_scs_section_size  }
0x9a: {  	s4 =	simm.s32 $_size__tile_overlayer_lowered;
	s5 =	simm.s32 $_tile_overlayer_lowered  }
0x9b: {  	s22 =	simm.s32 $0x1BFF;
	s21 =	sshll.u32 s5, $0x1;
	s2 =	sadd.s32 s19, s18  }
0x9c: {  	s6 =	simm.s32 $0x0;
	s20 =	sshll.u32 s4, $0x1;
	s4 =	sadd.s32 s21, s2  }
0x9d: {  	[timem:s6], [sflag:s22] =	dma.local [hbm:s4], s20  }
0x9e: {  	_ =	swait.ge [sflag:s22], s20  }
0x9f: {  	s3 =	ssub.s32 $0x0, s20;
	[sflag:s22] =	ssyncset.done $0x0  }
0xa0: {  	[sflag:s22] =	ssyncadd.s32 s3;
	_ =	sdelay $0x1  }
0xa1: {  	s23 =	simm.s32 $0x1B8B  }
0xa2: {  	_ =	swait.ge [sflag:s23], $0x1  }
0xa3: {  	[sflag:s23] =	ssyncset.done $0x0  }
0xa4: {  	s25 =	simm.s32 $0x1B8E;
	s24 =	sld [smem:$0x3FFE];
	[sflag:s23] =	ssyncadd.s32 $0xFFFFFFFF  }
0xa5: {  	s26 =	simm.s32 $execute0_lowered;
	[smem:$0x3FD2] =	sst s25  }
0xa6: {  	s4 =	sshll.u32 s26, $0x1;
	_ =	strace $0x80000049;
	[dreg:$0x1] =	wrdreg $0xFFFFFFFF  }
0xa7: {  	s28 =	simm.s32 $_size_execute0_lowered;
	s2 =	sadd.s32 s2, s4;
	[dreg:$0x0] =	wrdreg $0x0  }
0xa8: {  	s4 =	sshll.u32 s28, $0x1;
	[dreg:$0x2] =	wrdreg s2  }
0xa9: {  	[dreg:$0x3] =	wrdreg s4  }
0xaa: {  	[dreg:$0x4] =	wrdreg $0xC0  }
0xab: {  	_ =	task [dreg:s6], $0x5FFFF  }
0xac: {  	[dreg:$0x1] =	wrdreg $0xFFFFFFFF  }
0xad: {  	[dreg:$0x0] =	wrdreg $0x60  }
0xae: {  	[dreg:$0x2] =	wrdreg s24  }
0xaf: {  	[dreg:$0x3] =	wrdreg $0x42000  }
0xb0: {  	[dreg:$0x4] =	wrdreg $0x9  }
0xb1: {  	_ =	task.clear_ibuf [dreg:s6], $0x5FFFF;
	_ =	strace $0x90000049  }
0xb2: {  	s29 =	simm.s32 $0x9;
	_ =	strace $0x8000004B  }
0xb3: {  	_ =	swait.ge [sflag:s29], $0x1  }
0xb4: {  	[sflag:s29] =	ssyncadd.s32 $0xFFFFFFFF  }
0xb5: {  	_ =	strace $0x9000004B  }
0xb6: {  	_ =	sfence  }
0xb7: {  	s30 =	sld [smem:$0x0];
	_ =	sdelay $0x2  }
0xb8: {  	s31 =	sshll.u32 s1, $0xD;
	s1 =	sshrl.u32 s1, $0x2  }
0xb9: {  	s3 =	sand.u32 $0x4000, s31;
	s1 =	sadd.s32 s1, s30  }
0xba: {  	s0 =	sor.u32 s3, s0;
	s1 =	sshll.u32 s1, $0x11  }
0xbb: {  	s0 =	sor.u32 s1, s0  }
0xbc: {  	s0 =	sadd.s32 $0x8F2B, s0  }
0xbd: {  	[sflag:s0] =	ssyncadd.remote.s32 $0x1  }
0xbe: {  	_ =	sfence.sel $0xFFFF  }
0xbf: {  	[dreg:$0x0] =	wrdreg $0xFFFFFFFF;
	(pc) =	sbr.abs _section_cstart, $3  }
0xc0: {  	[dreg:$0x1] =	wrdreg $0xFFFFFFFF  }
0xc1: {  	_ =	task.clear_ibuf [dreg:s6], $0x2FFFF;
	_ =	strace $0x9FFFFFFF  }
0xc2: {  	(tm) =	ssettm $0x7FFFFFFF  }
0xc3: {  	_ =	shalt  }
tec
execute0_lowered:
.L_overlay_start_1:
0x0: {  	(tag) =	ssettag $0x1  }
0x1: {  	s6 =	rddreg [dreg:$0x0]  }
0x2: {  	s1 =	rddreg [dreg:$0x1]  }
0x3: {  	s0 =	rddreg [dreg:$0x2];
	s3 =	simm.s32 $0x0;
	s5 =	srdreg.scid  }
0x4: {  	s2 =	stileid.u32;
	s18 =	simm.s32 $0x200;
	s19 =	simm.s32 $0x100  }
0x5: {  	s20 =	simm.s32 $0x180;
	s21 =	simm.s32 $0x2200;
	s22 =	simm.s32 $0x1  }
0x6: {  	s23 =	simm.s32 $0x2;
	s24 =	simm.s32 $0x0;
	[smem:$0x7FF] =	sst s3  }
0x7: {  	s4 =	sadd.s32 $0x16000, s6;
	s7 =	sand.u32 $0x1, s5;
	s8 =	smul.u32 $0xA000, s2  }
0x8: {  	s14 =	sadd.s32 $0xBE00, s6;
	s10 =	sshll.u32 s2, $0x1;
	s15 =	smul.u32 $0x5000, s2  }
0x9: {  	s13 =	sadd.s32 $0x1C00, s6;
	s5 =	sadd.s32 $0x2A000, s6;
	s9 =	smul.u32 $0xA0000, s7  }
0xa: {  	s29 =	sshll.u32 s2, $0x6;
	s10 =	sor.u32 s7, s10;
	s28 =	smul.u32 $0x2800, s7  }
0xb: {  	_ =	strace $0x8000004A;
	s11 =	ssub.s32 $0x2, s7;
	s10 =	smul.u32 $0x2800, s10  }
0xc: {  	s12 =	sshrl.u32 s11, $0x1;
	s16 =	sadd.s32 s8, s1;
	s9 =	sadd.s32 s8, s9  }
0xd: {  	s11 =	ssub.s32 s11, s12;
	s12 =	sadd.s32 s28, s15;
	s9 =	sshrl.u32 s9, $0x3  }
0xe: {  	s30 =	sshrl.u32 s10, $0x3;
	s15 =	sor.u32 $0x100, s12;
	s10 =	smax.u32 s11, $0x1  }
0xf: {  	s17 =	sor.u32 $0x80, s12;
	s9 =	sadd.s32 s9, s6;
	s6 =	sor.u32 $0x1C03, s29  }
0x10: {  	s7 =	sadd.s32 s14, s30;
	s8 =	sadd.s32 s13, s30;
	s15 =	sshrl.u32 s15, $0x3  }
0x11: {  	s31 =	sshrl.u32 s17, $0x3;
	s17 =	simm.s32 $0x80;
	s9 =	sadd.s32 $0x2B400, s9  }
0x12: {  	s11 =	sadd.s32 s15, s13;
	s12 =	sadd.s32 s15, s14;
	s13 =	sadd.s32 s31, s13  }
0x13: {  	s14 =	sadd.s32 s31, s14;
	s15 =	sshrl.u32 s16, $0x3;
	s16 =	simm.s32 $0x3  }
.LBB2_1:
0x14: {  	[spmem:s15], [sflag:s6] =	dma.local [hbm:s5], $0x1400  }
0x15: {  	_ =	swait.ge [sflag:s16], $0x1400  }
0x16: {  	[sflag:s16] =	ssyncset.done $0x0  }
0x17: {  	[sflag:s16] =	ssyncadd.s32 $0xFFFFEC00  }
0x18: {  	[bflag:$0x0] =	sbarrier.arrive $0xFFFF  }
0x19: {  	[tilespmem:s3], [sflag:$0x3] =	stream.linear.gather [hbm4b:s7+s3], $0x80, $0x38;
	[tilespmem:$0xE200] =	vst v63  }
0x1a: {  	_ =	swait.ge [sflag:s16], $0x80  }
0x1b: {  	[sflag:s16] =	ssyncset.done $0x0  }
0x1c: {  	[sflag:s16] =	ssyncadd.s32 $0xFFFFFF80  }
0x1d: {  	[tilespmem:s17], [sflag:$0x3] =	stream.linear.gather [hbm4b:s8+s3], $0x80, $0x38;
	[tilespmem:$0xE200] =	vst v63  }
0x1e: {  	_ =	swait.ge [sflag:s16], $0x80  }
0x1f: {  	[sflag:s16] =	ssyncset.done $0x0  }
0x20: {  	[sflag:s16] =	ssyncadd.s32 $0xFFFFFF80  }
0x21: {  	[tilespmem:s18], [sflag:$0x1] =	stream.indirect.gather [hbm4b:s4+s17], $0x40, s3, s17, $0xb8;
	[tilespmem:$0xE200] =	vst v63  }
0x22: {  	s25 =	sadd.s32 $0x0, s14  }
0x23: {  	[tilespmem:s19], [sflag:$0x3] =	stream.linear.gather [hbm4b:s25+s3], $0x80, $0x38;
	[tilespmem:$0xE200] =	vst v63  }
0x24: {  	_ =	swait.ge [sflag:s16], $0x80  }
0x25: {  	[sflag:s16] =	ssyncset.done $0x0  }
0x26: {  	s29 =	sadd.s32 $0x0, s13;
	[sflag:s16] =	ssyncadd.s32 $0xFFFFFF80  }
0x27: {  	[tilespmem:s20], [sflag:$0x3] =	stream.linear.gather [hbm4b:s29+s3], $0x80, $0x38;
	[tilespmem:$0xE200] =	vst v63  }
0x28: {  	_ =	swait.ge [sflag:s16], $0x80  }
0x29: {  	[sflag:s16] =	ssyncset.done $0x0  }
0x2a: {  	[sflag:s16] =	ssyncadd.s32 $0xFFFFFF80  }
0x2b: {  	[tilespmem:s21], [sflag:$0x2] =	stream.indirect.gather [hbm4b:s4+s17], $0x40, s19, s17, $0xb8;
	[tilespmem:$0xE200] =	vst v63  }
0x2c: {  	_ =	swait.ge [sflag:s22], $0x2000  }
0x2d: {  	[sflag:s22] =	ssyncset.done $0x0  }
0x2e: {  	[sflag:s22] =	ssyncadd.s32 $0xFFFFE000  }
0x2f: {  	[spmem:s1] =	stream.indirect.scatter.add.f32 [tilespmem:s18], [sflag:$0x3], $0x40, s17, s17, $0xb8;
	[tilespmem:$0xE200] =	vst v63  }
0x30: {  	_ =	swait.ge [sflag:s16], $0x2000  }
0x31: {  	[sflag:s16] =	ssyncset.done $0x0  }
0x32: {  	s30 =	sadd.s32 $0x0, s12;
	[sflag:s16] =	ssyncadd.s32 $0xFFFFE000  }
0x33: {  	[tilespmem:s3], [sflag:$0x3] =	stream.linear.gather [hbm4b:s30+s3], $0x80, $0x38;
	[tilespmem:$0xE200] =	vst v63  }
0x34: {  	_ =	swait.ge [sflag:s16], $0x80  }
0x35: {  	[sflag:s16] =	ssyncset.done $0x0  }
0x36: {  	s31 =	sadd.s32 $0x0, s11;
	[sflag:s16] =	ssyncadd.s32 $0xFFFFFF80  }
0x37: {  	[tilespmem:s17], [sflag:$0x3] =	stream.linear.gather [hbm4b:s31+s3], $0x80, $0x38;
	[tilespmem:$0xE200] =	vst v63  }
0x38: {  	_ =	swait.ge [sflag:s16], $0x80  }
0x39: {  	[sflag:s16] =	ssyncset.done $0x0  }
0x3a: {  	[sflag:s16] =	ssyncadd.s32 $0xFFFFFF80  }
0x3b: {  	[tilespmem:s18], [sflag:$0x1] =	stream.indirect.gather [hbm4b:s4+s17], $0x40, s3, s17, $0xb8;
	[tilespmem:$0xE200] =	vst v63  }
0x3c: {  	_ =	swait.ge [sflag:s23], $0x2000  }
0x3d: {  	[sflag:s23] =	ssyncset.done $0x0  }
0x3e: {  	[sflag:s23] =	ssyncadd.s32 $0xFFFFE000  }
0x3f: {  	[spmem:s1] =	stream.indirect.scatter.add.f32 [tilespmem:s21], [sflag:$0x3], $0x40, s20, s17, $0xb8;
	[tilespmem:$0xE200] =	vst v63  }
0x40: {  	_ =	swait.ge [sflag:s16], $0x2000  }
0x41: {  	s28 =	simm.s32 $0x40;
	s25 =	simm.s32 $0x20;
	[sflag:s16] =	ssyncset.done $0x0  }
.LBB2_2:
0x42: {  	s29 =	sadd.s32 s25, s14  }
0x43: {  	[sflag:s16] =	ssyncadd.s32 $0xFFFFE000;
	s30 =	smov.u32 s28;
	s26 =	sadd.s32 $0x20, s28  }
0x44: {  	[tilespmem:s19], [sflag:$0x3] =	stream.linear.gather [hbm4b:s29+s3], $0x80, $0x38;
	[tilespmem:$0xE200] =	vst v63  }
0x45: {  	p0 =	sne.s32 s28, $0x4E0;
	_ =	swait.ge [sflag:s16], $0x80  }
0x46: {  	[sflag:s16] =	ssyncset.done $0x0  }
0x47: {  	s28 =	sadd.s32 s25, s13;
	[sflag:s16] =	ssyncadd.s32 $0xFFFFFF80  }
0x48: {  	[tilespmem:s20], [sflag:$0x3] =	stream.linear.gather [hbm4b:s28+s3], $0x80, $0x38;
	[tilespmem:$0xE200] =	vst v63  }
0x49: {  	_ =	swait.ge [sflag:s16], $0x80  }
0x4a: {  	[sflag:s16] =	ssyncset.done $0x0  }
0x4b: {  	[sflag:s16] =	ssyncadd.s32 $0xFFFFFF80  }
0x4c: {  	[tilespmem:s21], [sflag:$0x2] =	stream.indirect.gather [hbm4b:s4+s17], $0x40, s19, s17, $0xb8;
	[tilespmem:$0xE200] =	vst v63  }
0x4d: {  	_ =	swait.ge [sflag:s22], $0x2000  }
0x4e: {  	[sflag:s22] =	ssyncset.done $0x0  }
0x4f: {  	[sflag:s22] =	ssyncadd.s32 $0xFFFFE000  }
0x50: {  	[spmem:s1] =	stream.indirect.scatter.add.f32 [tilespmem:s18], [sflag:$0x3], $0x40, s17, s17, $0xb8;
	[tilespmem:$0xE200] =	vst v63  }
0x51: {  	_ =	swait.ge [sflag:s16], $0x2000  }
0x52: {  	[sflag:s16] =	ssyncset.done $0x0  }
0x53: {  	s28 =	sadd.s32 s25, s12;
	[sflag:s16] =	ssyncadd.s32 $0xFFFFE000  }
0x54: {  	[tilespmem:s3], [sflag:$0x3] =	stream.linear.gather [hbm4b:s28+s3], $0x80, $0x38;
	[tilespmem:$0xE200] =	vst v63  }
0x55: {  	_ =	swait.ge [sflag:s16], $0x80  }
0x56: {  	[sflag:s16] =	ssyncset.done $0x0  }
0x57: {  	s28 =	sadd.s32 s25, s11;
	s25 =	smov.u32 s30;
	[sflag:s16] =	ssyncadd.s32 $0xFFFFFF80  }
0x58: {  	[tilespmem:s17], [sflag:$0x3] =	stream.linear.gather [hbm4b:s28+s3], $0x80, $0x38;
	[tilespmem:$0xE200] =	vst v63  }
0x59: {  	_ =	swait.ge [sflag:s16], $0x80  }
0x5a: {  	[sflag:s16] =	ssyncset.done $0x0  }
0x5b: {  	[sflag:s16] =	ssyncadd.s32 $0xFFFFFF80  }
0x5c: {  	[tilespmem:s18], [sflag:$0x1] =	stream.indirect.gather [hbm4b:s4+s17], $0x40, s3, s17, $0xb8;
	[tilespmem:$0xE200] =	vst v63  }
0x5d: {  	_ =	swait.ge [sflag:s23], $0x2000  }
.Ltmp0:
0x5e: {  	[sflag:s23] =	ssyncset.done $0x0;
	(pc) =	sbr.rel @p0 .LBB2_2-.Ltmp0, $4  }
0x5f: {  	[sflag:s23] =	ssyncadd.s32 $0xFFFFE000  }
0x60: {  	[spmem:s1] =	stream.indirect.scatter.add.f32 [tilespmem:s21], [sflag:$0x3], $0x40, s20, s17, $0xb8;
	[tilespmem:$0xE200] =	vst v63  }
0x61: {  	_ =	swait.ge [sflag:s16], $0x2000  }
0x62: {  	s28 =	smov.u32 s26;
	[sflag:s16] =	ssyncset.done $0x0  }
0x63: {  	s26 =	sadd.s32 s25, s14;
	[sflag:s16] =	ssyncadd.s32 $0xFFFFE000  }
0x64: {  	[tilespmem:s19], [sflag:$0x3] =	stream.linear.gather [hbm4b:s26+s3], $0x80, $0x38;
	[tilespmem:$0xE200] =	vst v63  }
0x65: {  	_ =	swait.ge [sflag:s16], $0x80  }
0x66: {  	[sflag:s16] =	ssyncset.done $0x0  }
0x67: {  	s29 =	sadd.s32 s25, s13;
	[sflag:s16] =	ssyncadd.s32 $0xFFFFFF80  }
0x68: {  	[tilespmem:s20], [sflag:$0x3] =	stream.linear.gather [hbm4b:s29+s3], $0x80, $0x38;
	[tilespmem:$0xE200] =	vst v63  }
0x69: {  	_ =	swait.ge [sflag:s16], $0x80  }
0x6a: {  	[sflag:s16] =	ssyncset.done $0x0  }
0x6b: {  	[sflag:s16] =	ssyncadd.s32 $0xFFFFFF80  }
0x6c: {  	[tilespmem:s21], [sflag:$0x2] =	stream.indirect.gather [hbm4b:s4+s17], $0x40, s19, s17, $0xb8;
	[tilespmem:$0xE200] =	vst v63  }
0x6d: {  	_ =	swait.ge [sflag:s22], $0x2000  }
0x6e: {  	[sflag:s22] =	ssyncset.done $0x0  }
0x6f: {  	[sflag:s22] =	ssyncadd.s32 $0xFFFFE000  }
0x70: {  	[spmem:s1] =	stream.indirect.scatter.add.f32 [tilespmem:s18], [sflag:$0x3], $0x40, s17, s17, $0xb8;
	[tilespmem:$0xE200] =	vst v63  }
0x71: {  	_ =	swait.ge [sflag:s16], $0x2000  }
0x72: {  	[sflag:s16] =	ssyncset.done $0x0  }
0x73: {  	s30 =	sadd.s32 s25, s12;
	[sflag:s16] =	ssyncadd.s32 $0xFFFFE000  }
0x74: {  	[tilespmem:s3], [sflag:$0x3] =	stream.linear.gather [hbm4b:s30+s3], $0x80, $0x38;
	[tilespmem:$0xE200] =	vst v63  }
0x75: {  	_ =	swait.ge [sflag:s16], $0x80  }
0x76: {  	[sflag:s16] =	ssyncset.done $0x0  }
0x77: {  	s31 =	sadd.s32 s25, s11;
	[sflag:s16] =	ssyncadd.s32 $0xFFFFFF80  }
0x78: {  	[tilespmem:s17], [sflag:$0x3] =	stream.linear.gather [hbm4b:s31+s3], $0x80, $0x38;
	[tilespmem:$0xE200] =	vst v63  }
0x79: {  	_ =	swait.ge [sflag:s16], $0x80  }
0x7a: {  	[sflag:s16] =	ssyncset.done $0x0  }
0x7b: {  	[sflag:s16] =	ssyncadd.s32 $0xFFFFFF80  }
0x7c: {  	[tilespmem:s18], [sflag:$0x1] =	stream.indirect.gather [hbm4b:s4+s17], $0x40, s3, s17, $0xb8;
	[tilespmem:$0xE200] =	vst v63  }
0x7d: {  	_ =	swait.ge [sflag:s23], $0x2000  }
0x7e: {  	[sflag:s23] =	ssyncset.done $0x0  }
0x7f: {  	[sflag:s23] =	ssyncadd.s32 $0xFFFFE000  }
0x80: {  	[spmem:s1] =	stream.indirect.scatter.add.f32 [tilespmem:s21], [sflag:$0x3], $0x40, s20, s17, $0xb8;
	[tilespmem:$0xE200] =	vst v63  }
0x81: {  	_ =	swait.ge [sflag:s16], $0x2000  }
0x82: {  	[sflag:s16] =	ssyncset.done $0x0  }
0x83: {  	[sflag:s16] =	ssyncadd.s32 $0xFFFFE000  }
0x84: {  	_ =	swait.ge [sflag:s22], $0x2000  }
0x85: {  	s24 =	sadd.s32 $0x1, s24;
	[sflag:s22] =	ssyncset.done $0x0  }
0x86: {  	p0 =	sne.s32 s24, s10;
	[sflag:s22] =	ssyncadd.s32 $0xFFFFE000  }
.Ltmp1:
0x87: {  	[bflag:$0x0] =	sbarrier.arrive $0xFFFF;
	(pc) =	sbr.rel @p0 .LBB2_1-.Ltmp1, $4  }
0x88: {  	[hbm:s9], [sflag:s6] =	dma.local [spmem:s15], $0x1400  }
0x89: {  	_ =	swait.ge [sflag:s16], $0x1400  }
0x8a: {  	[sflag:s16] =	ssyncset.done $0x0  }
0x8b: {  	[sflag:s16] =	ssyncadd.s32 $0xFFFFEC00  }
0x8c: {  	_ =	sfence.sel $0x180000  }
0x8d: {  	[bflag:$0x0] =	sbarrier.arrive $0xFFFF  }
0x8e: {  	p0 =	sne.s32 s2, $0x0;
	_ =	strace $0x9000004A  }
0x8f: {  	s0 =	sadd.s32 @!p0 $0x100000, s0;
	[bflag:$0x2] =	sbarrier.arrive $0xFFFF  }
0x90: {  	[sflag:s0] =	ssyncadd.tile.s32 @!p0 $0x1;
	_ =	shalt  }
.Lfunc_end2:
_tile_overlayer_lowered:
.L_overlay_start_2:
0x91: {  	(tag) =	ssettag $0x2  }
0x92: {  	s0 =	rddreg [dreg:$0x0];
	s2 =	stileid.u32  }
0x93: {  	s1 =	rddreg [dreg:$0x1];
	p0 =	sne.s32 s2, $0x0  }
0x94: {  	s3 =	rddreg [dreg:$0x2];
	[bflag:$0x3] =	sbarrier.arrive $0xFFFF;
	s2 =	simm.s32 @!p0 $0x1C03  }
0x95: {  	[timem:s3], [sflag:s2] =	dma.local @!p0 [hbm:s0], s1  }
0x96: {  	s0 =	simm.s32 @!p0 $0x3  }
0x97: {  	_ =	swait.ge @!p0 [sflag:s0], s1  }
0x98: {  	s1 =	ssub.s32 @!p0 $0x0, s1;
	[sflag:s0] =	ssyncset.done @!p0 $0x0  }
0x99: {  	[sflag:s0] =	ssyncadd.s32 @!p0 s1  }
0x9a: {  	[bflag:$0x3] =	sbarrier.arrive $0xFFFF  }
0x9b: {  	_ =	shalt  }

// kernel: kernel.17.cloned.1.call-start
scs
__scs_entry_jumppad:
0x0: {  	(pc) =	sbr.rel $0x88, $3  }
0x1: {  	(tag) =	ssettag $0x0;
	lr =	simm.s32 $0x1  }
0x2: {  	[smem:$0x3F97] =	sst lr;
	_ =	strace $0xD0000000  }
0x3: {  	_ = 	snop  }
0x4: {  	_ = 	snop  }
0x5: {  	_ = 	snop  }
0x6: {  	_ = 	snop  }
0x7: {  	_ = 	snop  }
__scs_overlays_trampoline_lowered:
0x8: {  	[smem:$0x3FA6] =	sst s0  }
0x9: {  	[smem:$0x3FA7] =	sst s1  }
0xa: {  	[smem:$0x3FA8] =	sst s2  }
0xb: {  	[smem:$0x3FA9] =	sst s3  }
0xc: {  	[smem:$0x3FAA] =	sst s4  }
0xd: {  	[smem:$0x3FAB] =	sst s5  }
0xe: {  	[smem:$0x3FAC] =	sst s6  }
0xf: {  	[smem:$0x3FAD] =	sst s7  }
0x10: {  	[smem:$0x3FAE] =	sst s8  }
0x11: {  	[smem:$0x3FAF] =	sst s9;
	s0 =	simm.s32 @!p0 $0x0  }
0x12: {  	s1 =	sld [smem:$0x3F95];
	s0 =	simm.s32 @p0 $0x1  }
0x13: {  	[smem:$0x3FB0] =	sst s0;
	s0 =	simm.s32 @!p1 $0x0  }
0x14: {  	s2 =	sld [smem:$0x3F94];
	s0 =	simm.s32 @p1 $0x1  }
0x15: {  	[smem:$0x3FB1] =	sst s0;
	s0 =	simm.s32 @!p2 $0x0  }
0x16: {  	s3 =	sld [smem:$0x3FDB];
	s0 =	simm.s32 @p2 $0x1  }
0x17: {  	s4 =	simm.s32 $0x1BF5;
	[smem:$0x3FB3] =	sst s0  }
0x18: {  	s0 =	sld [smem:$0x3F96];
	_ =	swait.ge [sflag:s4], $0x0  }
0x19: {  	s7 =	sld [smem:$0x3F97]  }
0x1a: {  	s8 =	sadd.s32 $0xFFFFE003, lr  }
0x1b: {  	s9 =	sadd.s32 $0xFFFFFEF7, lr;
	s5 =	simm.s32 $0xFFFFFFFF;
	p2 =	slt.u32 s8, $0xFFFFF086  }
0x1c: {  	p1 =	slt.u32 s9, $0xF7A;
	s5 =	simm.s32 @!p2 $0x0  }
0x1d: {  	s5 =	simm.s32 @p1 $0x1;
	p0 =	seq.s32 s7, s2  }
0x1e: {  	s7 =	smul.u32 @!p0 $0xF7A, s2;
	p2 =	seq.s32 @!p0 s5, $0x0  }
0x1f: {  	s9 =	smul.u32 $0xF7A, s1;
	s8 =	simm.s32 @!p0 $0x1BF5;
	p2 =	por !p2, p0  }
0x20: {  	[sflag:s8] =	ssyncset.s32 @!p0 $0xFFFFF086;
	s6 =	sadd.s32 @!p0 s3, s7;
	s7 =	simm.s32 @!p0 $0x108  }
0x21: {  	s3 =	sadd.s32 s3, s9;
	s6 =	sadd.s32 @!p0 $0x88, s6;
	s7 =	simm.s32 @p2 $0x1082  }
0x22: {  	[simem:s7], [sflag:s8] =	dma.local @!p0 [hbm:s6], $0xF7A  }
0x23: {  	s9 =	sor.u32 $0xD0000000, s2;
	s6 =	simm.s32 $0x108;
	_ =	swait.ge @!p0 [sflag:s8], $0x0  }
0x24: {  	s3 =	sadd.s32 $0x88, s3;
	s6 =	simm.s32 @!p1 $0x1082;
	[sflag:s4] =	ssyncset.s32 $0xFFFFF086  }
0x25: {  	[simem:s6], [sflag:s4] =	dma.local [hbm:s3], $0xF7A  }
0x26: {  	[smem:$0x3F97] =	sst s1;
	(tag) =	ssettag s2;
	_ =	strace s9  }
0x27: {  	s1 =	sld [smem:$0x3FA7]  }
0x28: {  	s2 =	sld [smem:$0x3FA8]  }
0x29: {  	s4 =	sld [smem:$0x3FAA]  }
0x2a: {  	p0 =	seq.s32 s5, $0x0;
	s5 =	sld [smem:$0x3FAB]  }
0x2b: {  	s6 =	sld [smem:$0x3FAC]  }
0x2c: {  	s7 =	sld [smem:$0x3FAD]  }
0x2d: {  	s3 =	simm.s32 $0x108;
	s8 =	sld [smem:$0x3FAE]  }
0x2e: {  	s3 =	simm.s32 @!p0 $0x1082;
	s9 =	sld [smem:$0x3FAF]  }
0x2f: {  	lr =	sadd.s32 s0, s3;
	s0 =	sld [smem:$0x3FA6]  }
0x30: {  	s3 =	sld [smem:$0x3FA9]  }
0x31: {  	[smem:$0x3FB2] =	sst s10  }
0x32: {  	s10 =	sld [smem:$0x3FB0];
	_ =	sdelay $0x3  }
0x33: {  	p0 =	seq.s32 s10, $0x1;
	s10 =	sld [smem:$0x3FB2];
	_ =	sdelay $0x3  }
0x34: {  	[smem:$0x3FB2] =	sst s10  }
0x35: {  	s10 =	sld [smem:$0x3FB1];
	_ =	sdelay $0x3  }
0x36: {  	p1 =	seq.s32 s10, $0x1;
	s10 =	sld [smem:$0x3FB2];
	_ =	sdelay $0x3  }
0x37: {  	[smem:$0x3FB2] =	sst s10  }
0x38: {  	s10 =	sld [smem:$0x3FB3]  }
0x39: {  	_ = 	snop;
	(pc) =	sbr.ind lr, $3  }
0x3a: {  	_ = 	snop  }
0x3b: {  	_ = 	snop  }
0x3c: {  	p2 =	seq.s32 s10, $0x1;
	s10 =	sld [smem:$0x3FB2]  }
0x3d: {  	_ =	shalt  }
0x3e: {  	_ =	shalt  }
0x3f: {  	_ =	shalt  }
0x40: {  	_ =	shalt  }
0x41: {  	_ =	shalt  }
0x42: {  	_ =	shalt  }
0x43: {  	_ =	shalt  }
0x44: {  	_ =	shalt  }
0x45: {  	_ =	shalt  }
0x46: {  	_ =	shalt  }
0x47: {  	_ =	shalt  }
0x48: {  	_ =	shalt  }
0x49: {  	_ =	shalt  }
0x4a: {  	_ =	shalt  }
0x4b: {  	_ =	shalt  }
0x4c: {  	_ =	shalt  }
0x4d: {  	_ =	shalt  }
0x4e: {  	_ =	shalt  }
0x4f: {  	_ =	shalt  }
0x50: {  	_ =	shalt  }
0x51: {  	_ =	shalt  }
0x52: {  	_ =	shalt  }
0x53: {  	_ =	shalt  }
0x54: {  	_ =	shalt  }
0x55: {  	_ =	shalt  }
0x56: {  	_ =	shalt  }
0x57: {  	_ =	shalt  }
0x58: {  	_ =	shalt  }
0x59: {  	_ =	shalt  }
0x5a: {  	_ =	shalt  }
0x5b: {  	_ =	shalt  }
0x5c: {  	_ =	shalt  }
0x5d: {  	_ =	shalt  }
0x5e: {  	_ =	shalt  }
0x5f: {  	_ =	shalt  }
0x60: {  	_ =	shalt  }
0x61: {  	_ =	shalt  }
0x62: {  	_ =	shalt  }
0x63: {  	_ =	shalt  }
0x64: {  	_ =	shalt  }
0x65: {  	_ =	shalt  }
0x66: {  	_ =	shalt  }
0x67: {  	_ =	shalt  }
0x68: {  	_ =	shalt  }
0x69: {  	_ =	shalt  }
0x6a: {  	_ =	shalt  }
0x6b: {  	_ =	shalt  }
0x6c: {  	_ =	shalt  }
0x6d: {  	_ =	shalt  }
0x6e: {  	_ =	shalt  }
0x6f: {  	_ =	shalt  }
0x70: {  	_ =	shalt  }
0x71: {  	_ =	shalt  }
0x72: {  	_ =	shalt  }
0x73: {  	_ =	shalt  }
0x74: {  	_ =	shalt  }
0x75: {  	_ =	shalt  }
0x76: {  	_ =	shalt  }
0x77: {  	_ =	shalt  }
0x78: {  	_ =	shalt  }
0x79: {  	_ =	shalt  }
0x7a: {  	_ =	shalt  }
0x7b: {  	_ =	shalt  }
0x7c: {  	_ =	shalt  }
0x7d: {  	_ =	shalt  }
0x7e: {  	_ =	shalt  }
0x7f: {  	_ =	shalt  }
0x80: {  	_ =	shalt  }
0x81: {  	_ =	shalt  }
0x82: {  	_ =	shalt  }
0x83: {  	_ =	shalt  }
0x84: {  	_ =	shalt  }
0x85: {  	_ =	shalt  }
0x86: {  	_ =	shalt  }
0x87: {  	_ =	shalt  }
.Lfunc_end0:
.L_simem_size_0:
called_computation.2_lowered:
.L_overlay_start_0:
0x88: {  	s2 =	sld [smem:$0x3FD9]  }
0x89: {  	s3 =	sld [smem:$0x3FFE];
	_ =	sdelay $0x1  }
0x8a: {  	s1 =	srdreg.scid  }
0x8b: {  	s0 =	sand.u32 $0x1, s1  }
0x8c: {  	s16 =	sshll.u32 s0, $0xA;
	s2 =	sadd.s32 s3, s2  }
0x8d: {  	s2 =	sadd.s32 s2, s16  }
0x8e: {  	[smem:$0x3FBE] =	sst s2  }
0x8f: {  	_ = 	snop  }
0x90: {  	(tm) =	ssettm $0x1  }
0x91: {  	s17 =	sld [smem:$0x3FFB];
	_ =	sdelay $0x3  }
0x92: {  	_ =	strace s17  }
0x93: {  	s2 =	sld [smem:$0x3FFC];
	_ =	sdelay $0x3  }
0x94: {  	_ =	strace s2  }
0x95: {  	s2 =	sld [smem:$0x3FFD];
	_ =	sdelay $0x3  }
0x96: {  	_ =	strace s2  }
0x97: {  	_ =	strace $0x8FFFFFFF  }
0x98: {  	s18 =	sld [smem:$0x3FDB];
	_ =	sdelay $0x1  }
0x99: {  	s19 =	simm.s32 $_scs_section_size  }
0x9a: {  	s4 =	simm.s32 $_size__tile_overlayer_lowered;
	s5 =	simm.s32 $_tile_overlayer_lowered  }
0x9b: {  	s22 =	simm.s32 $0x1BFF;
	s21 =	sshll.u32 s5, $0x1;
	s2 =	sadd.s32 s19, s18  }
0x9c: {  	s6 =	simm.s32 $0x0;
	s20 =	sshll.u32 s4, $0x1;
	s4 =	sadd.s32 s21, s2  }
0x9d: {  	[timem:s6], [sflag:s22] =	dma.local [hbm:s4], s20  }
0x9e: {  	_ =	swait.ge [sflag:s22], s20  }
0x9f: {  	s3 =	ssub.s32 $0x0, s20;
	[sflag:s22] =	ssyncset.done $0x0  }
0xa0: {  	[sflag:s22] =	ssyncadd.s32 s3;
	_ =	sdelay $0x1  }
0xa1: {  	s23 =	simm.s32 $0x1B8B  }
0xa2: {  	_ =	swait.ge [sflag:s23], $0x1  }
0xa3: {  	[sflag:s23] =	ssyncset.done $0x0  }
0xa4: {  	s25 =	simm.s32 $0x1B8E;
	s24 =	sld [smem:$0x3FFE];
	[sflag:s23] =	ssyncadd.s32 $0xFFFFFFFF  }
0xa5: {  	s26 =	simm.s32 $execute0_lowered;
	[smem:$0x3FD2] =	sst s25  }
0xa6: {  	s4 =	sshll.u32 s26, $0x1;
	_ =	strace $0x8000004C;
	[dreg:$0x1] =	wrdreg $0xFFFFFFFF  }
0xa7: {  	s28 =	simm.s32 $_size_execute0_lowered;
	s2 =	sadd.s32 s2, s4;
	[dreg:$0x0] =	wrdreg $0x0  }
0xa8: {  	s4 =	sshll.u32 s28, $0x1;
	[dreg:$0x2] =	wrdreg s2  }
0xa9: {  	[dreg:$0x3] =	wrdreg s4  }
0xaa: {  	[dreg:$0x4] =	wrdreg $0xC0  }
0xab: {  	_ =	task [dreg:s6], $0x5FFFF  }
0xac: {  	[dreg:$0x1] =	wrdreg $0xFFFFFFFF  }
0xad: {  	[dreg:$0x0] =	wrdreg $0x60  }
0xae: {  	[dreg:$0x2] =	wrdreg s24  }
0xaf: {  	[dreg:$0x3] =	wrdreg $0x42000  }
0xb0: {  	[dreg:$0x4] =	wrdreg $0x9  }
0xb1: {  	_ =	task.clear_ibuf [dreg:s6], $0x5FFFF;
	_ =	strace $0x9000004C  }
0xb2: {  	s29 =	simm.s32 $0x9;
	_ =	strace $0x8000004E  }
0xb3: {  	_ =	swait.ge [sflag:s29], $0x1  }
0xb4: {  	[sflag:s29] =	ssyncadd.s32 $0xFFFFFFFF  }
0xb5: {  	_ =	strace $0x9000004E  }
0xb6: {  	_ =	sfence  }
0xb7: {  	s30 =	sld [smem:$0x0];
	_ =	sdelay $0x2  }
0xb8: {  	s31 =	sshll.u32 s1, $0xD;
	s1 =	sshrl.u32 s1, $0x2  }
0xb9: {  	s3 =	sand.u32 $0x4000, s31;
	s1 =	sadd.s32 s1, s30  }
0xba: {  	s0 =	sor.u32 s3, s0;
	s1 =	sshll.u32 s1, $0x11  }
0xbb: {  	s0 =	sor.u32 s1, s0  }
0xbc: {  	s0 =	sadd.s32 $0x8F2B, s0  }
0xbd: {  	[sflag:s0] =	ssyncadd.remote.s32 $0x1  }
0xbe: {  	_ =	sfence.sel $0xFFFF  }
0xbf: {  	[dreg:$0x0] =	wrdreg $0xFFFFFFFF;
	(pc) =	sbr.abs _section_cstart, $3  }
0xc0: {  	[dreg:$0x1] =	wrdreg $0xFFFFFFFF  }
0xc1: {  	_ =	task.clear_ibuf [dreg:s6], $0x2FFFF;
	_ =	strace $0x9FFFFFFF  }
0xc2: {  	(tm) =	ssettm $0x7FFFFFFF  }
0xc3: {  	_ =	shalt  }
tec
execute0_lowered:
.L_overlay_start_1:
0x0: {  	(tag) =	ssettag $0x1  }
0x1: {  	s6 =	rddreg [dreg:$0x0]  }
0x2: {  	s1 =	rddreg [dreg:$0x1]  }
0x3: {  	s0 =	rddreg [dreg:$0x2];
	s3 =	simm.s32 $0x0;
	s5 =	srdreg.scid  }
0x4: {  	s2 =	stileid.u32;
	s18 =	simm.s32 $0x200;
	s19 =	simm.s32 $0x100  }
0x5: {  	s20 =	simm.s32 $0x180;
	s21 =	simm.s32 $0x2200;
	s22 =	simm.s32 $0x1  }
0x6: {  	s23 =	simm.s32 $0x2;
	s24 =	simm.s32 $0x0;
	[smem:$0x7FF] =	sst s3  }
0x7: {  	s4 =	sadd.s32 $0x16000, s6;
	s7 =	sand.u32 $0x1, s5;
	s8 =	smul.u32 $0xA000, s2  }
0x8: {  	s14 =	sadd.s32 $0xBE00, s6;
	s10 =	sshll.u32 s2, $0x1;
	s15 =	smul.u32 $0x5000, s2  }
0x9: {  	s13 =	sadd.s32 $0x1C00, s6;
	s5 =	sadd.s32 $0x2A000, s6;
	s9 =	smul.u32 $0xA0000, s7  }
0xa: {  	s29 =	sshll.u32 s2, $0x6;
	s10 =	sor.u32 s7, s10;
	s28 =	smul.u32 $0x2800, s7  }
0xb: {  	_ =	strace $0x8000004D;
	s11 =	ssub.s32 $0x2, s7;
	s10 =	smul.u32 $0x2800, s10  }
0xc: {  	s12 =	sshrl.u32 s11, $0x1;
	s16 =	sadd.s32 s8, s1;
	s9 =	sadd.s32 s8, s9  }
0xd: {  	s11 =	ssub.s32 s11, s12;
	s12 =	sadd.s32 s28, s15;
	s9 =	sshrl.u32 s9, $0x3  }
0xe: {  	s30 =	sshrl.u32 s10, $0x3;
	s15 =	sor.u32 $0x100, s12;
	s10 =	smax.u32 s11, $0x1  }
0xf: {  	s17 =	sor.u32 $0x80, s12;
	s9 =	sadd.s32 s9, s6;
	s6 =	sor.u32 $0x1C03, s29  }
0x10: {  	s7 =	sadd.s32 s14, s30;
	s8 =	sadd.s32 s13, s30;
	s15 =	sshrl.u32 s15, $0x3  }
0x11: {  	s31 =	sshrl.u32 s17, $0x3;
	s17 =	simm.s32 $0x80;
	s9 =	sadd.s32 $0x2B400, s9  }
0x12: {  	s11 =	sadd.s32 s15, s13;
	s12 =	sadd.s32 s15, s14;
	s13 =	sadd.s32 s31, s13  }
0x13: {  	s14 =	sadd.s32 s31, s14;
	s15 =	sshrl.u32 s16, $0x3;
	s16 =	simm.s32 $0x3  }
.LBB2_1:
0x14: {  	[spmem:s15], [sflag:s6] =	dma.local [hbm:s5], $0x1400  }
0x15: {  	_ =	swait.ge [sflag:s16], $0x1400  }
0x16: {  	[sflag:s16] =	ssyncset.done $0x0  }
0x17: {  	[sflag:s16] =	ssyncadd.s32 $0xFFFFEC00  }
0x18: {  	[bflag:$0x0] =	sbarrier.arrive $0xFFFF  }
0x19: {  	[tilespmem:s3], [sflag:$0x3] =	stream.linear.gather [hbm4b:s7+s3], $0x80, $0x38;
	[tilespmem:$0xE200] =	vst v63  }
0x1a: {  	_ =	swait.ge [sflag:s16], $0x80  }
0x1b: {  	[sflag:s16] =	ssyncset.done $0x0  }
0x1c: {  	[sflag:s16] =	ssyncadd.s32 $0xFFFFFF80  }
0x1d: {  	[tilespmem:s17], [sflag:$0x3] =	stream.linear.gather [hbm4b:s8+s3], $0x80, $0x38;
	[tilespmem:$0xE200] =	vst v63  }
0x1e: {  	_ =	swait.ge [sflag:s16], $0x80  }
0x1f: {  	[sflag:s16] =	ssyncset.done $0x0  }
0x20: {  	[sflag:s16] =	ssyncadd.s32 $0xFFFFFF80  }
0x21: {  	[tilespmem:s18], [sflag:$0x1] =	stream.indirect.gather [hbm4b:s4+s17], $0x40, s3, s17, $0xb8;
	[tilespmem:$0xE200] =	vst v63  }
0x22: {  	s25 =	sadd.s32 $0x0, s14  }
0x23: {  	[tilespmem:s19], [sflag:$0x3] =	stream.linear.gather [hbm4b:s25+s3], $0x80, $0x38;
	[tilespmem:$0xE200] =	vst v63  }
0x24: {  	_ =	swait.ge [sflag:s16], $0x80  }
0x25: {  	[sflag:s16] =	ssyncset.done $0x0  }
0x26: {  	s29 =	sadd.s32 $0x0, s13;
	[sflag:s16] =	ssyncadd.s32 $0xFFFFFF80  }
0x27: {  	[tilespmem:s20], [sflag:$0x3] =	stream.linear.gather [hbm4b:s29+s3], $0x80, $0x38;
	[tilespmem:$0xE200] =	vst v63  }
0x28: {  	_ =	swait.ge [sflag:s16], $0x80  }
0x29: {  	[sflag:s16] =	ssyncset.done $0x0  }
0x2a: {  	[sflag:s16] =	ssyncadd.s32 $0xFFFFFF80  }
0x2b: {  	[tilespmem:s21], [sflag:$0x2] =	stream.indirect.gather [hbm4b:s4+s17], $0x40, s19, s17, $0xb8;
	[tilespmem:$0xE200] =	vst v63  }
0x2c: {  	_ =	swait.ge [sflag:s22], $0x2000  }
0x2d: {  	[sflag:s22] =	ssyncset.done $0x0  }
0x2e: {  	[sflag:s22] =	ssyncadd.s32 $0xFFFFE000  }
0x2f: {  	[spmem:s1] =	stream.indirect.scatter.add.f32 [tilespmem:s18], [sflag:$0x3], $0x40, s17, s17, $0xb8;
	[tilespmem:$0xE200] =	vst v63  }
0x30: {  	_ =	swait.ge [sflag:s16], $0x2000  }
0x31: {  	[sflag:s16] =	ssyncset.done $0x0  }
0x32: {  	s30 =	sadd.s32 $0x0, s12;
	[sflag:s16] =	ssyncadd.s32 $0xFFFFE000  }
0x33: {  	[tilespmem:s3], [sflag:$0x3] =	stream.linear.gather [hbm4b:s30+s3], $0x80, $0x38;
	[tilespmem:$0xE200] =	vst v63  }
0x34: {  	_ =	swait.ge [sflag:s16], $0x80  }
0x35: {  	[sflag:s16] =	ssyncset.done $0x0  }
0x36: {  	s31 =	sadd.s32 $0x0, s11;
	[sflag:s16] =	ssyncadd.s32 $0xFFFFFF80  }
0x37: {  	[tilespmem:s17], [sflag:$0x3] =	stream.linear.gather [hbm4b:s31+s3], $0x80, $0x38;
	[tilespmem:$0xE200] =	vst v63  }
0x38: {  	_ =	swait.ge [sflag:s16], $0x80  }
0x39: {  	[sflag:s16] =	ssyncset.done $0x0  }
0x3a: {  	[sflag:s16] =	ssyncadd.s32 $0xFFFFFF80  }
0x3b: {  	[tilespmem:s18], [sflag:$0x1] =	stream.indirect.gather [hbm4b:s4+s17], $0x40, s3, s17, $0xb8;
	[tilespmem:$0xE200] =	vst v63  }
0x3c: {  	_ =	swait.ge [sflag:s23], $0x2000  }
0x3d: {  	[sflag:s23] =	ssyncset.done $0x0  }
0x3e: {  	[sflag:s23] =	ssyncadd.s32 $0xFFFFE000  }
0x3f: {  	[spmem:s1] =	stream.indirect.scatter.add.f32 [tilespmem:s21], [sflag:$0x3], $0x40, s20, s17, $0xb8;
	[tilespmem:$0xE200] =	vst v63  }
0x40: {  	_ =	swait.ge [sflag:s16], $0x2000  }
0x41: {  	s28 =	simm.s32 $0x40;
	s25 =	simm.s32 $0x20;
	[sflag:s16] =	ssyncset.done $0x0  }
.LBB2_2:
0x42: {  	s29 =	sadd.s32 s25, s14  }
0x43: {  	[sflag:s16] =	ssyncadd.s32 $0xFFFFE000;
	s30 =	smov.u32 s28;
	s26 =	sadd.s32 $0x20, s28  }
0x44: {  	[tilespmem:s19], [sflag:$0x3] =	stream.linear.gather [hbm4b:s29+s3], $0x80, $0x38;
	[tilespmem:$0xE200] =	vst v63  }
0x45: {  	p0 =	sne.s32 s28, $0x4E0;
	_ =	swait.ge [sflag:s16], $0x80  }
0x46: {  	[sflag:s16] =	ssyncset.done $0x0  }
0x47: {  	s28 =	sadd.s32 s25, s13;
	[sflag:s16] =	ssyncadd.s32 $0xFFFFFF80  }
0x48: {  	[tilespmem:s20], [sflag:$0x3] =	stream.linear.gather [hbm4b:s28+s3], $0x80, $0x38;
	[tilespmem:$0xE200] =	vst v63  }
0x49: {  	_ =	swait.ge [sflag:s16], $0x80  }
0x4a: {  	[sflag:s16] =	ssyncset.done $0x0  }
0x4b: {  	[sflag:s16] =	ssyncadd.s32 $0xFFFFFF80  }
0x4c: {  	[tilespmem:s21], [sflag:$0x2] =	stream.indirect.gather [hbm4b:s4+s17], $0x40, s19, s17, $0xb8;
	[tilespmem:$0xE200] =	vst v63  }
0x4d: {  	_ =	swait.ge [sflag:s22], $0x2000  }
0x4e: {  	[sflag:s22] =	ssyncset.done $0x0  }
0x4f: {  	[sflag:s22] =	ssyncadd.s32 $0xFFFFE000  }
0x50: {  	[spmem:s1] =	stream.indirect.scatter.add.f32 [tilespmem:s18], [sflag:$0x3], $0x40, s17, s17, $0xb8;
	[tilespmem:$0xE200] =	vst v63  }
0x51: {  	_ =	swait.ge [sflag:s16], $0x2000  }
0x52: {  	[sflag:s16] =	ssyncset.done $0x0  }
0x53: {  	s28 =	sadd.s32 s25, s12;
	[sflag:s16] =	ssyncadd.s32 $0xFFFFE000  }
0x54: {  	[tilespmem:s3], [sflag:$0x3] =	stream.linear.gather [hbm4b:s28+s3], $0x80, $0x38;
	[tilespmem:$0xE200] =	vst v63  }
0x55: {  	_ =	swait.ge [sflag:s16], $0x80  }
0x56: {  	[sflag:s16] =	ssyncset.done $0x0  }
0x57: {  	s28 =	sadd.s32 s25, s11;
	s25 =	smov.u32 s30;
	[sflag:s16] =	ssyncadd.s32 $0xFFFFFF80  }
0x58: {  	[tilespmem:s17], [sflag:$0x3] =	stream.linear.gather [hbm4b:s28+s3], $0x80, $0x38;
	[tilespmem:$0xE200] =	vst v63  }
0x59: {  	_ =	swait.ge [sflag:s16], $0x80  }
0x5a: {  	[sflag:s16] =	ssyncset.done $0x0  }
0x5b: {  	[sflag:s16] =	ssyncadd.s32 $0xFFFFFF80  }
0x5c: {  	[tilespmem:s18], [sflag:$0x1] =	stream.indirect.gather [hbm4b:s4+s17], $0x40, s3, s17, $0xb8;
	[tilespmem:$0xE200] =	vst v63  }
0x5d: {  	_ =	swait.ge [sflag:s23], $0x2000  }
.Ltmp0:
0x5e: {  	[sflag:s23] =	ssyncset.done $0x0;
	(pc) =	sbr.rel @p0 .LBB2_2-.Ltmp0, $4  }
0x5f: {  	[sflag:s23] =	ssyncadd.s32 $0xFFFFE000  }
0x60: {  	[spmem:s1] =	stream.indirect.scatter.add.f32 [tilespmem:s21], [sflag:$0x3], $0x40, s20, s17, $0xb8;
	[tilespmem:$0xE200] =	vst v63  }
0x61: {  	_ =	swait.ge [sflag:s16], $0x2000  }
0x62: {  	s28 =	smov.u32 s26;
	[sflag:s16] =	ssyncset.done $0x0  }
0x63: {  	s26 =	sadd.s32 s25, s14;
	[sflag:s16] =	ssyncadd.s32 $0xFFFFE000  }
0x64: {  	[tilespmem:s19], [sflag:$0x3] =	stream.linear.gather [hbm4b:s26+s3], $0x80, $0x38;
	[tilespmem:$0xE200] =	vst v63  }
0x65: {  	_ =	swait.ge [sflag:s16], $0x80  }
0x66: {  	[sflag:s16] =	ssyncset.done $0x0  }
0x67: {  	s29 =	sadd.s32 s25, s13;
	[sflag:s16] =	ssyncadd.s32 $0xFFFFFF80  }
0x68: {  	[tilespmem:s20], [sflag:$0x3] =	stream.linear.gather [hbm4b:s29+s3], $0x80, $0x38;
	[tilespmem:$0xE200] =	vst v63  }
0x69: {  	_ =	swait.ge [sflag:s16], $0x80  }
0x6a: {  	[sflag:s16] =	ssyncset.done $0x0  }
0x6b: {  	[sflag:s16] =	ssyncadd.s32 $0xFFFFFF80  }
0x6c: {  	[tilespmem:s21], [sflag:$0x2] =	stream.indirect.gather [hbm4b:s4+s17], $0x40, s19, s17, $0xb8;
	[tilespmem:$0xE200] =	vst v63  }
0x6d: {  	_ =	swait.ge [sflag:s22], $0x2000  }
0x6e: {  	[sflag:s22] =	ssyncset.done $0x0  }
0x6f: {  	[sflag:s22] =	ssyncadd.s32 $0xFFFFE000  }
0x70: {  	[spmem:s1] =	stream.indirect.scatter.add.f32 [tilespmem:s18], [sflag:$0x3], $0x40, s17, s17, $0xb8;
	[tilespmem:$0xE200] =	vst v63  }
0x71: {  	_ =	swait.ge [sflag:s16], $0x2000  }
0x72: {  	[sflag:s16] =	ssyncset.done $0x0  }
0x73: {  	s30 =	sadd.s32 s25, s12;
	[sflag:s16] =	ssyncadd.s32 $0xFFFFE000  }
0x74: {  	[tilespmem:s3], [sflag:$0x3] =	stream.linear.gather [hbm4b:s30+s3], $0x80, $0x38;
	[tilespmem:$0xE200] =	vst v63  }
0x75: {  	_ =	swait.ge [sflag:s16], $0x80  }
0x76: {  	[sflag:s16] =	ssyncset.done $0x0  }
0x77: {  	s31 =	sadd.s32 s25, s11;
	[sflag:s16] =	ssyncadd.s32 $0xFFFFFF80  }
0x78: {  	[tilespmem:s17], [sflag:$0x3] =	stream.linear.gather [hbm4b:s31+s3], $0x80, $0x38;
	[tilespmem:$0xE200] =	vst v63  }
0x79: {  	_ =	swait.ge [sflag:s16], $0x80  }
0x7a: {  	[sflag:s16] =	ssyncset.done $0x0  }
0x7b: {  	[sflag:s16] =	ssyncadd.s32 $0xFFFFFF80  }
0x7c: {  	[tilespmem:s18], [sflag:$0x1] =	stream.indirect.gather [hbm4b:s4+s17], $0x40, s3, s17, $0xb8;
	[tilespmem:$0xE200] =	vst v63  }
0x7d: {  	_ =	swait.ge [sflag:s23], $0x2000  }
0x7e: {  	[sflag:s23] =	ssyncset.done $0x0  }
0x7f: {  	[sflag:s23] =	ssyncadd.s32 $0xFFFFE000  }
0x80: {  	[spmem:s1] =	stream.indirect.scatter.add.f32 [tilespmem:s21], [sflag:$0x3], $0x40, s20, s17, $0xb8;
	[tilespmem:$0xE200] =	vst v63  }
0x81: {  	_ =	swait.ge [sflag:s16], $0x2000  }
0x82: {  	[sflag:s16] =	ssyncset.done $0x0  }
0x83: {  	[sflag:s16] =	ssyncadd.s32 $0xFFFFE000  }
0x84: {  	_ =	swait.ge [sflag:s22], $0x2000  }
0x85: {  	s24 =	sadd.s32 $0x1, s24;
	[sflag:s22] =	ssyncset.done $0x0  }
0x86: {  	p0 =	sne.s32 s24, s10;
	[sflag:s22] =	ssyncadd.s32 $0xFFFFE000  }
.Ltmp1:
0x87: {  	[bflag:$0x0] =	sbarrier.arrive $0xFFFF;
	(pc) =	sbr.rel @p0 .LBB2_1-.Ltmp1, $4  }
0x88: {  	[hbm:s9], [sflag:s6] =	dma.local [spmem:s15], $0x1400  }
0x89: {  	_ =	swait.ge [sflag:s16], $0x1400  }
0x8a: {  	[sflag:s16] =	ssyncset.done $0x0  }
0x8b: {  	[sflag:s16] =	ssyncadd.s32 $0xFFFFEC00  }
0x8c: {  	_ =	sfence.sel $0x180000  }
0x8d: {  	[bflag:$0x0] =	sbarrier.arrive $0xFFFF  }
0x8e: {  	p0 =	sne.s32 s2, $0x0;
	_ =	strace $0x9000004D  }
0x8f: {  	s0 =	sadd.s32 @!p0 $0x100000, s0;
	[bflag:$0x2] =	sbarrier.arrive $0xFFFF  }
0x90: {  	[sflag:s0] =	ssyncadd.tile.s32 @!p0 $0x1;
	_ =	shalt  }
.Lfunc_end2:
_tile_overlayer_lowered:
.L_overlay_start_2:
0x91: {  	(tag) =	ssettag $0x2  }
0x92: {  	s0 =	rddreg [dreg:$0x0];
	s2 =	stileid.u32  }
0x93: {  	s1 =	rddreg [dreg:$0x1];
	p0 =	sne.s32 s2, $0x0  }
0x94: {  	s3 =	rddreg [dreg:$0x2];
	[bflag:$0x3] =	sbarrier.arrive $0xFFFF;
	s2 =	simm.s32 @!p0 $0x1C03  }
0x95: {  	[timem:s3], [sflag:s2] =	dma.local @!p0 [hbm:s0], s1  }
0x96: {  	s0 =	simm.s32 @!p0 $0x3  }
0x97: {  	_ =	swait.ge @!p0 [sflag:s0], s1  }
0x98: {  	s1 =	ssub.s32 @!p0 $0x0, s1;
	[sflag:s0] =	ssyncset.done @!p0 $0x0  }
0x99: {  	[sflag:s0] =	ssyncadd.s32 @!p0 s1  }
0x9a: {  	[bflag:$0x3] =	sbarrier.arrive $0xFFFF  }
0x9b: {  	_ =	shalt  }

// kernel: kernel.20.cloned.1.call-start
scs
__scs_entry_jumppad:
0x0: {  	(pc) =	sbr.rel $0x88, $3  }
0x1: {  	(tag) =	ssettag $0x0;
	lr =	simm.s32 $0x1  }
0x2: {  	[smem:$0x3F97] =	sst lr;
	_ =	strace $0xD0000000  }
0x3: {  	_ = 	snop  }
0x4: {  	_ = 	snop  }
0x5: {  	_ = 	snop  }
0x6: {  	_ = 	snop  }
0x7: {  	_ = 	snop  }
__scs_overlays_trampoline_lowered:
0x8: {  	[smem:$0x3FA6] =	sst s0  }
0x9: {  	[smem:$0x3FA7] =	sst s1  }
0xa: {  	[smem:$0x3FA8] =	sst s2  }
0xb: {  	[smem:$0x3FA9] =	sst s3  }
0xc: {  	[smem:$0x3FAA] =	sst s4  }
0xd: {  	[smem:$0x3FAB] =	sst s5  }
0xe: {  	[smem:$0x3FAC] =	sst s6  }
0xf: {  	[smem:$0x3FAD] =	sst s7  }
0x10: {  	[smem:$0x3FAE] =	sst s8  }
0x11: {  	[smem:$0x3FAF] =	sst s9;
	s0 =	simm.s32 @!p0 $0x0  }
0x12: {  	s1 =	sld [smem:$0x3F95];
	s0 =	simm.s32 @p0 $0x1  }
0x13: {  	[smem:$0x3FB0] =	sst s0;
	s0 =	simm.s32 @!p1 $0x0  }
0x14: {  	s2 =	sld [smem:$0x3F94];
	s0 =	simm.s32 @p1 $0x1  }
0x15: {  	[smem:$0x3FB1] =	sst s0;
	s0 =	simm.s32 @!p2 $0x0  }
0x16: {  	s3 =	sld [smem:$0x3FDB];
	s0 =	simm.s32 @p2 $0x1  }
0x17: {  	s4 =	simm.s32 $0x1BF5;
	[smem:$0x3FB3] =	sst s0  }
0x18: {  	s0 =	sld [smem:$0x3F96];
	_ =	swait.ge [sflag:s4], $0x0  }
0x19: {  	s7 =	sld [smem:$0x3F97]  }
0x1a: {  	s8 =	sadd.s32 $0xFFFFE003, lr  }
0x1b: {  	s9 =	sadd.s32 $0xFFFFFEF7, lr;
	s5 =	simm.s32 $0xFFFFFFFF;
	p2 =	slt.u32 s8, $0xFFFFF086  }
0x1c: {  	p1 =	slt.u32 s9, $0xF7A;
	s5 =	simm.s32 @!p2 $0x0  }
0x1d: {  	s5 =	simm.s32 @p1 $0x1;
	p0 =	seq.s32 s7, s2  }
0x1e: {  	s7 =	smul.u32 @!p0 $0xF7A, s2;
	p2 =	seq.s32 @!p0 s5, $0x0  }
0x1f: {  	s9 =	smul.u32 $0xF7A, s1;
	s8 =	simm.s32 @!p0 $0x1BF5;
	p2 =	por !p2, p0  }
0x20: {  	[sflag:s8] =	ssyncset.s32 @!p0 $0xFFFFF086;
	s6 =	sadd.s32 @!p0 s3, s7;
	s7 =	simm.s32 @!p0 $0x108  }
0x21: {  	s3 =	sadd.s32 s3, s9;
	s6 =	sadd.s32 @!p0 $0x88, s6;
	s7 =	simm.s32 @p2 $0x1082  }
0x22: {  	[simem:s7], [sflag:s8] =	dma.local @!p0 [hbm:s6], $0xF7A  }
0x23: {  	s9 =	sor.u32 $0xD0000000, s2;
	s6 =	simm.s32 $0x108;
	_ =	swait.ge @!p0 [sflag:s8], $0x0  }
0x24: {  	s3 =	sadd.s32 $0x88, s3;
	s6 =	simm.s32 @!p1 $0x1082;
	[sflag:s4] =	ssyncset.s32 $0xFFFFF086  }
0x25: {  	[simem:s6], [sflag:s4] =	dma.local [hbm:s3], $0xF7A  }
0x26: {  	[smem:$0x3F97] =	sst s1;
	(tag) =	ssettag s2;
	_ =	strace s9  }
0x27: {  	s1 =	sld [smem:$0x3FA7]  }
0x28: {  	s2 =	sld [smem:$0x3FA8]  }
0x29: {  	s4 =	sld [smem:$0x3FAA]  }
0x2a: {  	p0 =	seq.s32 s5, $0x0;
	s5 =	sld [smem:$0x3FAB]  }
0x2b: {  	s6 =	sld [smem:$0x3FAC]  }
0x2c: {  	s7 =	sld [smem:$0x3FAD]  }
0x2d: {  	s3 =	simm.s32 $0x108;
	s8 =	sld [smem:$0x3FAE]  }
0x2e: {  	s3 =	simm.s32 @!p0 $0x1082;
	s9 =	sld [smem:$0x3FAF]  }
0x2f: {  	lr =	sadd.s32 s0, s3;
	s0 =	sld [smem:$0x3FA6]  }
0x30: {  	s3 =	sld [smem:$0x3FA9]  }
0x31: {  	[smem:$0x3FB2] =	sst s10  }
0x32: {  	s10 =	sld [smem:$0x3FB0];
	_ =	sdelay $0x3  }
0x33: {  	p0 =	seq.s32 s10, $0x1;
	s10 =	sld [smem:$0x3FB2];
	_ =	sdelay $0x3  }
0x34: {  	[smem:$0x3FB2] =	sst s10  }
0x35: {  	s10 =	sld [smem:$0x3FB1];
	_ =	sdelay $0x3  }
0x36: {  	p1 =	seq.s32 s10, $0x1;
	s10 =	sld [smem:$0x3FB2];
	_ =	sdelay $0x3  }
0x37: {  	[smem:$0x3FB2] =	sst s10  }
0x38: {  	s10 =	sld [smem:$0x3FB3]  }
0x39: {  	_ = 	snop;
	(pc) =	sbr.ind lr, $3  }
0x3a: {  	_ = 	snop  }
0x3b: {  	_ = 	snop  }
0x3c: {  	p2 =	seq.s32 s10, $0x1;
	s10 =	sld [smem:$0x3FB2]  }
0x3d: {  	_ =	shalt  }
0x3e: {  	_ =	shalt  }
0x3f: {  	_ =	shalt  }
0x40: {  	_ =	shalt  }
0x41: {  	_ =	shalt  }
0x42: {  	_ =	shalt  }
0x43: {  	_ =	shalt  }
0x44: {  	_ =	shalt  }
0x45: {  	_ =	shalt  }
0x46: {  	_ =	shalt  }
0x47: {  	_ =	shalt  }
0x48: {  	_ =	shalt  }
0x49: {  	_ =	shalt  }
0x4a: {  	_ =	shalt  }
0x4b: {  	_ =	shalt  }
0x4c: {  	_ =	shalt  }
0x4d: {  	_ =	shalt  }
0x4e: {  	_ =	shalt  }
0x4f: {  	_ =	shalt  }
0x50: {  	_ =	shalt  }
0x51: {  	_ =	shalt  }
0x52: {  	_ =	shalt  }
0x53: {  	_ =	shalt  }
0x54: {  	_ =	shalt  }
0x55: {  	_ =	shalt  }
0x56: {  	_ =	shalt  }
0x57: {  	_ =	shalt  }
0x58: {  	_ =	shalt  }
0x59: {  	_ =	shalt  }
0x5a: {  	_ =	shalt  }
0x5b: {  	_ =	shalt  }
0x5c: {  	_ =	shalt  }
0x5d: {  	_ =	shalt  }
0x5e: {  	_ =	shalt  }
0x5f: {  	_ =	shalt  }
0x60: {  	_ =	shalt  }
0x61: {  	_ =	shalt  }
0x62: {  	_ =	shalt  }
0x63: {  	_ =	shalt  }
0x64: {  	_ =	shalt  }
0x65: {  	_ =	shalt  }
0x66: {  	_ =	shalt  }
0x67: {  	_ =	shalt  }
0x68: {  	_ =	shalt  }
0x69: {  	_ =	shalt  }
0x6a: {  	_ =	shalt  }
0x6b: {  	_ =	shalt  }
0x6c: {  	_ =	shalt  }
0x6d: {  	_ =	shalt  }
0x6e: {  	_ =	shalt  }
0x6f: {  	_ =	shalt  }
0x70: {  	_ =	shalt  }
0x71: {  	_ =	shalt  }
0x72: {  	_ =	shalt  }
0x73: {  	_ =	shalt  }
0x74: {  	_ =	shalt  }
0x75: {  	_ =	shalt  }
0x76: {  	_ =	shalt  }
0x77: {  	_ =	shalt  }
0x78: {  	_ =	shalt  }
0x79: {  	_ =	shalt  }
0x7a: {  	_ =	shalt  }
0x7b: {  	_ =	shalt  }
0x7c: {  	_ =	shalt  }
0x7d: {  	_ =	shalt  }
0x7e: {  	_ =	shalt  }
0x7f: {  	_ =	shalt  }
0x80: {  	_ =	shalt  }
0x81: {  	_ =	shalt  }
0x82: {  	_ =	shalt  }
0x83: {  	_ =	shalt  }
0x84: {  	_ =	shalt  }
0x85: {  	_ =	shalt  }
0x86: {  	_ =	shalt  }
0x87: {  	_ =	shalt  }
.Lfunc_end0:
.L_simem_size_0:
called_computation.3_lowered:
.L_overlay_start_0:
0x88: {  	s2 =	sld [smem:$0x3FD9]  }
0x89: {  	s3 =	sld [smem:$0x3FFE];
	_ =	sdelay $0x1  }
0x8a: {  	s1 =	srdreg.scid  }
0x8b: {  	s0 =	sand.u32 $0x1, s1  }
0x8c: {  	s16 =	sshll.u32 s0, $0xA;
	s2 =	sadd.s32 s3, s2  }
0x8d: {  	s2 =	sadd.s32 s2, s16  }
0x8e: {  	[smem:$0x3FBE] =	sst s2  }
0x8f: {  	_ = 	snop  }
0x90: {  	(tm) =	ssettm $0x1  }
0x91: {  	s17 =	sld [smem:$0x3FFB];
	_ =	sdelay $0x3  }
0x92: {  	_ =	strace s17  }
0x93: {  	s2 =	sld [smem:$0x3FFC];
	_ =	sdelay $0x3  }
0x94: {  	_ =	strace s2  }
0x95: {  	s2 =	sld [smem:$0x3FFD];
	_ =	sdelay $0x3  }
0x96: {  	_ =	strace s2  }
0x97: {  	_ =	strace $0x8FFFFFFF  }
0x98: {  	s18 =	sld [smem:$0x3FDB];
	_ =	sdelay $0x1  }
0x99: {  	s19 =	simm.s32 $_scs_section_size  }
0x9a: {  	s4 =	simm.s32 $_size__tile_overlayer_lowered;
	s5 =	simm.s32 $_tile_overlayer_lowered  }
0x9b: {  	s22 =	simm.s32 $0x1BFF;
	s21 =	sshll.u32 s5, $0x1;
	s2 =	sadd.s32 s19, s18  }
0x9c: {  	s6 =	simm.s32 $0x0;
	s20 =	sshll.u32 s4, $0x1;
	s4 =	sadd.s32 s21, s2  }
0x9d: {  	[timem:s6], [sflag:s22] =	dma.local [hbm:s4], s20  }
0x9e: {  	_ =	swait.ge [sflag:s22], s20  }
0x9f: {  	s3 =	ssub.s32 $0x0, s20;
	[sflag:s22] =	ssyncset.done $0x0  }
0xa0: {  	[sflag:s22] =	ssyncadd.s32 s3;
	_ =	sdelay $0x1  }
0xa1: {  	s23 =	simm.s32 $0x1B8B  }
0xa2: {  	_ =	swait.ge [sflag:s23], $0x1  }
0xa3: {  	[sflag:s23] =	ssyncset.done $0x0  }
0xa4: {  	s25 =	simm.s32 $0x1B8E;
	s24 =	sld [smem:$0x3FFE];
	[sflag:s23] =	ssyncadd.s32 $0xFFFFFFFF  }
0xa5: {  	s26 =	simm.s32 $execute0_lowered;
	[smem:$0x3FD2] =	sst s25  }
0xa6: {  	s4 =	sshll.u32 s26, $0x1;
	_ =	strace $0x8000004F;
	[dreg:$0x1] =	wrdreg $0xFFFFFFFF  }
0xa7: {  	s28 =	simm.s32 $_size_execute0_lowered;
	s2 =	sadd.s32 s2, s4;
	[dreg:$0x0] =	wrdreg $0x0  }
0xa8: {  	s4 =	sshll.u32 s28, $0x1;
	[dreg:$0x2] =	wrdreg s2  }
0xa9: {  	[dreg:$0x3] =	wrdreg s4  }
0xaa: {  	[dreg:$0x4] =	wrdreg $0xC0  }
0xab: {  	_ =	task [dreg:s6], $0x5FFFF  }
0xac: {  	[dreg:$0x1] =	wrdreg $0xFFFFFFFF  }
0xad: {  	[dreg:$0x0] =	wrdreg $0x60  }
0xae: {  	[dreg:$0x2] =	wrdreg s24  }
0xaf: {  	[dreg:$0x3] =	wrdreg $0x9  }
0xb0: {  	_ =	task.clear_ibuf [dreg:s6], $0x4FFFF;
	_ =	strace $0x9000004F  }
0xb1: {  	s29 =	simm.s32 $0x9;
	_ =	strace $0x80000051  }
0xb2: {  	_ =	swait.ge [sflag:s29], $0x1  }
0xb3: {  	[sflag:s29] =	ssyncadd.s32 $0xFFFFFFFF  }
0xb4: {  	_ =	strace $0x90000051  }
0xb5: {  	_ =	sfence  }
0xb6: {  	s30 =	sld [smem:$0x0];
	_ =	sdelay $0x2  }
0xb7: {  	s31 =	sshll.u32 s1, $0xD;
	s1 =	sshrl.u32 s1, $0x2  }
0xb8: {  	s3 =	sand.u32 $0x4000, s31;
	s1 =	sadd.s32 s1, s30  }
0xb9: {  	s0 =	sor.u32 s3, s0;
	s1 =	sshll.u32 s1, $0x11  }
0xba: {  	s0 =	sor.u32 s1, s0  }
0xbb: {  	s0 =	sadd.s32 $0x8F2B, s0  }
0xbc: {  	[sflag:s0] =	ssyncadd.remote.s32 $0x1  }
0xbd: {  	_ =	sfence.sel $0xFFFF  }
0xbe: {  	[dreg:$0x0] =	wrdreg $0xFFFFFFFF;
	(pc) =	sbr.abs _section_cstart, $3  }
0xbf: {  	[dreg:$0x1] =	wrdreg $0xFFFFFFFF  }
0xc0: {  	_ =	task.clear_ibuf [dreg:s6], $0x2FFFF;
	_ =	strace $0x9FFFFFFF  }
0xc1: {  	(tm) =	ssettm $0x7FFFFFFF  }
tec
execute0_lowered:
.L_overlay_start_1:
0x0: {  	(tag) =	ssettag $0x1  }
0x1: {  	v0 =	vlaneseq.u32  }
0x2: {  	v42 =	vmul.u32 $0x40, v0;
	_ =	sdelay $0x1  }
0x3: {  	s2 =	simm.s32 $0x0;
	v0 =	vor.u32 $0xC00, v42  }
0x4: {  	[smem:$0x7FF] =	sst s2;
	v49 =	vor.u32 $0x400, v42;
	[tilespmem:$0x1FC10] =	vst v0  }
0x5: {  	s0 =	rddreg [dreg:$0x0];
	v31 =	vor.u32 $0x1, v42;
	_ =	strace $0x80000050;
	[tilespmem:$0x1FC20] =	vst v49  }
0x6: {  	v32 =	vor.u32 $0x401, v42;
	[tilespmem:$0x1FC30] =	vst v31  }
0x7: {  	v1 =	vor.u32 $0x7, v42;
	[tilespmem:$0x1FC40] =	vst v32  }
0x8: {  	v2 =	vor.u32 $0x407, v42;
	[tilespmem:$0x1FC50] =	vst v1  }
0x9: {  	v3 =	vor.u32 $0x807, v42;
	[tilespmem:$0x1FC60] =	vst v2  }
0xa: {  	v0 =	vor.u32 $0x1C05, v42;
	[tilespmem:$0x1FC70] =	vst v3  }
0xb: {  	v33 =	vor.u32 $0x6, v42;
	[tilespmem:$0x1FC80] =	vst v0  }
0xc: {  	v7 =	vor.u32 $0x1C04, v42;
	[tilespmem:$0x1FC90] =	vst v33  }
0xd: {  	v18 =	vor.u32 $0x406, v42;
	[tilespmem:$0x1FCA0] =	vst v7  }
0xe: {  	v5 =	vor.u32 $0x1C03, v42;
	[tilespmem:$0x1FCB0] =	vst v18  }
0xf: {  	v35 =	vor.u32 $0x806, v42;
	[tilespmem:$0x1FCC0] =	vst v5  }
0x10: {  	v4 =	vor.u32 $0x1C02, v42;
	[tilespmem:$0x1FCD0] =	vst v35  }
0x11: {  	v37 =	vor.u32 $0xC06, v42;
	[tilespmem:$0x1FCE0] =	vst v4  }
0x12: {  	v38 =	vor.u32 $0x1006, v42;
	[tilespmem:$0x1FCF0] =	vst v37  }
0x13: {  	v51 =	vor.u32 $0x1406, v42;
	[tilespmem:$0x1FD00] =	vst v38  }
0x14: {  	v52 =	vor.u32 $0x1806, v42;
	[tilespmem:$0x1FD10] =	vst v51  }
0x15: {  	v53 =	vor.u32 $0x1C06, v42;
	[tilespmem:$0x1FD20] =	vst v52  }
0x16: {  	v54 =	vor.u32 $0xC05, v42;
	[tilespmem:$0x1FD30] =	vst v53  }
0x17: {  	v55 =	vor.u32 $0xC07, v42;
	[tilespmem:$0x1FD40] =	vst v54  }
0x18: {  	v56 =	vor.u32 $0x1005, v42;
	[tilespmem:$0x1FD50] =	vst v55  }
0x19: {  	v58 =	vor.u32 $0x1405, v42;
	[tilespmem:$0x1FD60] =	vst v56  }
0x1a: {  	v57 =	vor.u32 $0x1007, v42;
	[tilespmem:$0x1FD70] =	vst v58  }
0x1b: {  	v60 =	vor.u32 $0x1805, v42;
	[tilespmem:$0x1FD80] =	vst v57  }
0x1c: {  	v59 =	vor.u32 $0x1807, v42;
	[tilespmem:$0x1FD90] =	vst v60  }
0x1d: {  	v61 =	vor.u32 $0x1407, v42;
	[tilespmem:$0x1FDA0] =	vst v59  }
0x1e: {  	v27 =	vor.u32 $0x405, v42;
	[tilespmem:$0x1FDB0] =	vst v61  }
0x1f: {  	v8 =	vor.u32 $0x4, v42;
	[tilespmem:$0x1FDC0] =	vst v27  }
0x20: {  	v10 =	vor.u32 $0x804, v42;
	[tilespmem:$0x1FDD0] =	vst v8  }
0x21: {  	v11 =	vor.u32 $0xC04, v42;
	[tilespmem:$0x1FDE0] =	vst v10  }
0x22: {  	v6 =	vor.u32 $0xC01, v42;
	[tilespmem:$0x1FDF0] =	vst v11  }
0x23: {  	v14 =	vor.u32 $0x1404, v42;
	[tilespmem:$0x1FE00] =	vst v6  }
0x24: {  	v16 =	vor.u32 $0x1804, v42;
	[tilespmem:$0x1FE10] =	vst v14  }
0x25: {  	v9 =	vor.u32 $0x404, v42;
	[tilespmem:$0x1FE20] =	vst v16  }
0x26: {  	v13 =	vor.u32 $0x1004, v42;
	[tilespmem:$0x1FE30] =	vst v9  }
0x27: {  	v12 =	vor.u32 $0x3, v42;
	[tilespmem:$0x1FE40] =	vst v13  }
0x28: {  	v15 =	vor.u32 $0x403, v42;
	[tilespmem:$0x1FE50] =	vst v12  }
0x29: {  	v21 =	vor.u32 $0x5, v42;
	[tilespmem:$0x1FE60] =	vst v15  }
0x2a: {  	v17 =	vor.u32 $0x803, v42;
	[tilespmem:$0x1FE70] =	vst v21  }
0x2b: {  	v20 =	vor.u32 $0xC03, v42;
	[tilespmem:$0x1FE80] =	vst v17  }
0x2c: {  	v19 =	vor.u32 $0x2, v42;
	[tilespmem:$0x1FE90] =	vst v20  }
0x2d: {  	v29 =	vor.u32 $0x402, v42;
	[tilespmem:$0x1FEA0] =	vst v19  }
0x2e: {  	v25 =	vor.u32 $0x1801, v42;
	[tilespmem:$0x1FEB0] =	vst v29  }
0x2f: {  	v26 =	vor.u32 $0x1C01, v42;
	[tilespmem:$0x1FEC0] =	vst v25  }
0x30: {  	v30 =	vor.u32 $0x802, v42;
	[tilespmem:$0x1FED0] =	vst v26  }
0x31: {  	v22 =	vor.u32 $0x1400, v42;
	[tilespmem:$0x1FEE0] =	vst v30  }
0x32: {  	v23 =	vor.u32 $0x1800, v42;
	[tilespmem:$0x1FEF0] =	vst v22  }
0x33: {  	v24 =	vor.u32 $0x1C00, v42;
	[tilespmem:$0x1FF00] =	vst v23  }
0x34: {  	v50 =	vor.u32 $0x805, v42;
	[tilespmem:$0x1FF10] =	vst v24  }
0x35: {  	v47 =	vor.u32 $0x1403, v42;
	[tilespmem:$0x1FF20] =	vst v50  }
0x36: {  	v46 =	vor.u32 $0x1003, v42;
	[tilespmem:$0x1FF30] =	vst v47  }
0x37: {  	s3 =	srdreg.scid;
	v45 =	vor.u32 $0x1803, v42;
	[tilespmem:$0x1FF40] =	vst v46  }
0x38: {  	s1 =	stileid.u32;
	s14 =	simm.s32 $0x5;
	s15 =	simm.s32 $0x80;
	v40 =	vor.u32 $0xC02, v42;
	[tilespmem:$0x1FF50] =	vst v45  }
0x39: {  	s16 =	simm.s32 $0x200;
	s17 =	simm.s32 $0x2200;
	s18 =	simm.s32 $0x100;
	v41 =	vor.u32 $0x1002, v42;
	[tilespmem:$0x1FF60] =	vst v40  }
0x3a: {  	s19 =	simm.s32 $0x180;
	s20 =	simm.s32 $0x4200;
	s21 =	simm.s32 $0x6200;
	v43 =	vor.u32 $0x1402, v42;
	[tilespmem:$0x1FF70] =	vst v41  }
0x3b: {  	s22 =	simm.s32 $0x1;
	s23 =	simm.s32 $0x2;
	s24 =	simm.s32 $0x8200;
	v44 =	vor.u32 $0x1802, v42;
	[tilespmem:$0x1FF80] =	vst v43  }
0x3c: {  	s25 =	simm.s32 $0x3;
	s26 =	simm.s32 $0x4;
	s28 =	simm.s32 $0x0;
	v36 =	vor.u32 $0x1401, v42;
	[tilespmem:$0x1FF90] =	vst v44  }
0x3d: {  	s7 =	sand.u32 $0x1, s3;
	s30 =	sshll.u32 s1, $0x1;
	s3 =	sadd.s32 $0x1C00, s0;
	v34 =	vor.u32 $0x1001, v42;
	[tilespmem:$0x1FFA0] =	vst v36  }
0x3e: {  	s5 =	sadd.s32 $0x7B000, s0;
	s4 =	sor.u32 s7, s30;
	s9 =	ssub.s32 $0x2, s7;
	v28 =	vor.u32 $0x1000, v42;
	[tilespmem:$0x1FFB0] =	vst v34  }
0x3f: {  	s6 =	sadd.s32 $0x67200, s0;
	v39 =	vor.u32 $0x801, v42;
	s4 =	smul.u32 $0x4F00, s4;
	s10 =	sshrl.u32 s9, $0x1;
	[tilespmem:$0x1FFC0] =	vst v28  }
0x40: {  	s8 =	sadd.s32 $0x15C00, s0;
	s7 =	sadd.s32 $0x53400, s0;
	s31 =	ssub.s32 s9, s10;
	[tilespmem:$0x1FFD0] =	vst v39  }
0x41: {  	v48 =	vor.u32 $0x800, v42;
	s11 =	sshrl.u32 s4, $0x3;
	s12 =	sadd.s32 $0x100, s4;
	s13 =	smax.u32 s31, $0x1;
	[tilespmem:$0x1FFE0] =	vst v42  }
0x42: {  	[tilespmem:$0x1FFF0] =	vst v48;
	s9 =	sadd.s32 s6, s11;
	s10 =	sadd.s32 s7, s11;
	s11 =	sor.u32 $0x80, s4  }
.LBB2_1:
0x43: {  	[tilespmem:s2], [sflag:$0x5] =	stream.linear.gather [hbm4b:s9+s2], $0x80, $0x38;
	[tilespmem:$0x8280] =	vst v63  }
0x44: {  	_ =	swait.ge [sflag:s14], $0x80  }
0x45: {  	[sflag:s14] =	ssyncset.done $0x0  }
0x46: {  	[sflag:s14] =	ssyncadd.s32 $0xFFFFFF80  }
0x47: {  	[tilespmem:s15], [sflag:$0x5] =	stream.linear.gather [hbm4b:s10+s2], $0x80, $0x38;
	[tilespmem:$0x8280] =	vst v63  }
0x48: {  	_ =	swait.ge [sflag:s14], $0x80  }
0x49: {  	[sflag:s14] =	ssyncset.done $0x0  }
0x4a: {  	[sflag:s14] =	ssyncadd.s32 $0xFFFFFF80  }
0x4b: {  	[tilespmem:s16], [sflag:$0x1] =	stream.indirect.gather [hbm4b:s3+s15], $0x40, s2, s15, $0xb8;
	[tilespmem:$0x8280] =	vst v63  }
0x4c: {  	s29 =	simm.s32 $0x0  }
0x4d: {  	[tilespmem:s17], [sflag:$0x2] =	stream.indirect.gather [hbm4b:s5+s15], $0x40, s15, s15, $0xb8;
	[tilespmem:$0x8280] =	vst v63  }
.LBB2_2:
0x4e: {  	s31 =	sshll.u32 s29, $0x8  }
0x4f: {  	s0 =	sadd.s32 s31, s11  }
0x50: {  	s30 =	sshrl.u32 s0, $0x3  }
0x51: {  	s0 =	sadd.s32 s6, s30  }
0x52: {  	[tilespmem:s18], [sflag:$0x5] =	stream.linear.gather [hbm4b:s0+s2], $0x80, $0x38;
	[tilespmem:$0x8280] =	vst v63  }
0x53: {  	_ =	swait.ge [sflag:s14], $0x80  }
0x54: {  	[sflag:s14] =	ssyncset.done $0x0  }
0x55: {  	s0 =	sadd.s32 s7, s30;
	[sflag:s14] =	ssyncadd.s32 $0xFFFFFF80  }
0x56: {  	[tilespmem:s19], [sflag:$0x5] =	stream.linear.gather [hbm4b:s0+s2], $0x80, $0x38;
	[tilespmem:$0x8280] =	vst v63  }
0x57: {  	_ =	swait.ge [sflag:s14], $0x80  }
0x58: {  	s0 =	simm.s32 $0x0;
	[sflag:s14] =	ssyncset.done $0x0  }
0x59: {  	v0 =	vmov s0;
	[sflag:s14] =	ssyncadd.s32 $0xFFFFFF80  }
0x5a: {  	v0 =	vshrl.u32 v0, $0x3;
	[tilespmem:s20], [sflag:$0x3] =	stream.indirect.gather [hbm4b:s3+s15], $0x40, s18, s15, $0xb8;
	[tilespmem:$0x8280] =	vst v63  }
0x5b: {  	v0 =	vshll.u32 v0, $0x3  }
0x5c: {  	v7 =	vbroadcast v0, $0x0;
	[tilespmem:s21], [sflag:$0x4] =	stream.indirect.gather [hbm4b:s5+s15], $0x40, s19, s15, $0xb8;
	[tilespmem:$0x8280] =	vst v63  }
0x5d: {  	_ =	swait.ge [sflag:s22], $0x2000  }
0x5e: {  	v0 =	vor.u32 v1, v7;
	v1 =	vor.u32 v2, v7;
	v2 =	vor.u32 v3, v7;
	[sflag:s22] =	ssyncset.done $0x0  }
0x5f: {  	[sflag:s22] =	ssyncadd.s32 $0xFFFFE000  }
0x60: {  	v3 =	vor.u32 v55, v7;
	_ =	swait.ge [sflag:s23], $0x2000  }
0x61: {  	[sflag:s23] =	ssyncset.done $0x0  }
0x62: {  	[sflag:s23] =	ssyncadd.s32 $0xFFFFE000  }
0x63: {  	v4 =	vld.idx.msk [tilespmem:v2+s16+$0x0], $0xffff  }
0x64: {  	v28 =	vld.idx.msk [tilespmem:v2+s17+$0x0], $0xffff  }
0x65: {  	v2 =	vld.idx.msk [tilespmem:v3+s16+$0x0], $0xffff;
	_ =	sdelay $0x1  }
0x66: {  	v23 =	vld.idx.msk [tilespmem:v0+s16+$0x0], $0xffff  }
0x67: {  	v22 =	vld.idx.msk [tilespmem:v0+s17+$0x0], $0xffff  }
0x68: {  	v24 =	vld.idx.msk [tilespmem:v1+s16+$0x0], $0xffff  }
0x69: {  	v26 =	vld.idx.msk [tilespmem:v1+s17+$0x0], $0xffff;
	[tilespmem:$0x1F990] =	vst v2  }
0x6a: {  	v2 =	vld.idx.msk [tilespmem:v3+s17+$0x0], $0xffff  }
0x6b: {  	v0 =	vor.u32 v57, v7;
	_ =	sdelay $0x3  }
0x6c: {  	[tilespmem:$0x1F9A0] =	vst v2  }
0x6d: {  	v3 =	vld.idx.msk [tilespmem:v0+s16+$0x0], $0xffff;
	_ =	sdelay $0x4  }
0x6e: {  	[tilespmem:$0x1F9B0] =	vst v3  }
0x6f: {  	v0 =	vld.idx.msk [tilespmem:v0+s17+$0x0], $0xffff  }
0x70: {  	v1 =	vor.u32 v61, v7;
	_ =	sdelay $0x3  }
0x71: {  	[tilespmem:$0x1F9C0] =	vst v0  }
0x72: {  	v0 =	vld.idx.msk [tilespmem:v1+s16+$0x0], $0xffff;
	_ =	sdelay $0x4  }
0x73: {  	[tilespmem:$0x1F9D0] =	vst v0  }
0x74: {  	v1 =	vld.idx.msk [tilespmem:v1+s17+$0x0], $0xffff  }
0x75: {  	v2 =	vor.u32 v59, v7;
	_ =	sdelay $0x3  }
0x76: {  	[tilespmem:$0x1F9E0] =	vst v1  }
0x77: {  	v1 =	vld.idx.msk [tilespmem:v2+s16+$0x0], $0xffff;
	_ =	sdelay $0x4  }
0x78: {  	[tilespmem:$0x1F9F0] =	vst v1  }
0x79: {  	v2 =	vld.idx.msk [tilespmem:v2+s17+$0x0], $0xffff  }
0x7a: {  	v3 =	vor.u32 v33, v7;
	_ =	sdelay $0x3  }
0x7b: {  	[tilespmem:$0x1FA00] =	vst v2  }
0x7c: {  	v2 =	vld.idx.msk [tilespmem:v3+s16+$0x0], $0xffff;
	_ =	sdelay $0x1  }
0x7d: {  	v0 =	vor.u32 v18, v7;
	_ =	sdelay $0x2  }
0x7e: {  	[tilespmem:$0x1FA10] =	vst v2  }
0x7f: {  	v33 =	vld.idx.msk [tilespmem:v3+s17+$0x0], $0xffff  }
0x80: {  	v3 =	vld.idx.msk [tilespmem:v0+s16+$0x0], $0xffff  }
0x81: {  	v1 =	vor.u32 v35, v7;
	_ =	sdelay $0x3  }
0x82: {  	[tilespmem:$0x1FA20] =	vst v3  }
0x83: {  	v3 =	vld.idx.msk [tilespmem:v1+s16+$0x0], $0xffff  }
0x84: {  	v2 =	vor.u32 v37, v7;
	_ =	sdelay $0x3  }
0x85: {  	v35 =	vld.idx.msk [tilespmem:v0+s17+$0x0], $0xffff;
	[tilespmem:$0x1FA30] =	vst v3  }
0x86: {  	v3 =	vld.idx.msk [tilespmem:v2+s16+$0x0], $0xffff  }
0x87: {  	v0 =	vor.u32 v38, v7;
	_ =	sdelay $0x3  }
0x88: {  	v37 =	vld.idx.msk [tilespmem:v1+s17+$0x0], $0xffff;
	[tilespmem:$0x1FA40] =	vst v3  }
0x89: {  	v3 =	vld.idx.msk [tilespmem:v0+s16+$0x0], $0xffff;
	_ =	sdelay $0x4  }
0x8a: {  	v38 =	vld.idx.msk [tilespmem:v2+s17+$0x0], $0xffff;
	[tilespmem:$0x1FA50] =	vst v3  }
0x8b: {  	v0 =	vld.idx.msk [tilespmem:v0+s17+$0x0], $0xffff  }
0x8c: {  	v1 =	vor.u32 v51, v7;
	_ =	sdelay $0x3  }
0x8d: {  	[tilespmem:$0x1FA60] =	vst v0  }
0x8e: {  	v0 =	vld.idx.msk [tilespmem:v1+s16+$0x0], $0xffff;
	_ =	sdelay $0x1  }
0x8f: {  	v2 =	vor.u32 v52, v7;
	_ =	sdelay $0x2  }
0x90: {  	[tilespmem:$0x1FA70] =	vst v0  }
0x91: {  	v51 =	vld.idx.msk [tilespmem:v1+s17+$0x0], $0xffff  }
0x92: {  	v1 =	vld.idx.msk [tilespmem:v2+s16+$0x0], $0xffff;
	_ =	sdelay $0x4  }
0x93: {  	[tilespmem:$0x1FA80] =	vst v1  }
0x94: {  	v2 =	vld.idx.msk [tilespmem:v2+s17+$0x0], $0xffff  }
0x95: {  	v0 =	vor.u32 v27, v7;
	_ =	sdelay $0x1  }
0x96: {  	v3 =	vor.u32 v21, v7;
	_ =	sdelay $0x1  }
0x97: {  	v1 =	vor.u32 v50, v7;
	[tilespmem:$0x1FA90] =	vst v2  }
0x98: {  	v2 =	vor.u32 v54, v7;
	v54 =	vld.idx.msk [tilespmem:v0+s16+$0x0], $0xffff  }
0x99: {  	v55 =	vld.idx.msk [tilespmem:v0+s17+$0x0], $0xffff;
	v0 =	vor.u32 v56, v7  }
0x9a: {  	v52 =	vld.idx.msk [tilespmem:v3+s16+$0x0], $0xffff  }
0x9b: {  	v53 =	vld.idx.msk [tilespmem:v3+s17+$0x0], $0xffff  }
0x9c: {  	v56 =	vld.idx.msk [tilespmem:v1+s16+$0x0], $0xffff  }
0x9d: {  	v57 =	vld.idx.msk [tilespmem:v1+s17+$0x0], $0xffff  }
0x9e: {  	v3 =	vld.idx.msk [tilespmem:v0+s16+$0x0], $0xffff  }
0x9f: {  	v1 =	vor.u32 v58, v7;
	v58 =	vld.idx.msk [tilespmem:v2+s16+$0x0], $0xffff  }
0xa0: {  	v59 =	vld.idx.msk [tilespmem:v2+s17+$0x0], $0xffff;
	v2 =	vor.u32 v60, v7;
	_ =	sdelay $0x2  }
0xa1: {  	[tilespmem:$0x1FAA0] =	vst v3  }
0xa2: {  	v60 =	vld.idx.msk [tilespmem:v0+s17+$0x0], $0xffff  }
0xa3: {  	v0 =	vld.idx.msk [tilespmem:v2+s16+$0x0], $0xffff;
	_ =	sdelay $0x3  }
0xa4: {  	v61 =	vld.idx.msk [tilespmem:v1+s16+$0x0], $0xffff  }
0xa5: {  	v27 =	vld.idx.msk [tilespmem:v1+s17+$0x0], $0xffff;
	[tilespmem:$0x1FAB0] =	vst v0  }
0xa6: {  	v0 =	vld.idx.msk [tilespmem:v2+s17+$0x0], $0xffff  }
0xa7: {  	v3 =	vor.u32 v8, v7;
	_ =	sdelay $0x1  }
0xa8: {  	v50 =	vmov v4;
	v4 =	vor.u32 v9, v7;
	_ =	sdelay $0x1  }
0xa9: {  	v5 =	vor.u32 v10, v7;
	[tilespmem:$0x1FAC0] =	vst v0  }
0xaa: {  	v63 =	vld.idx.msk [tilespmem:v3+s16+$0x0], $0xffff  }
0xab: {  	v8 =	vor.u32 v11, v7;
	v62 =	vld.idx.msk [tilespmem:v3+s17+$0x0], $0xffff  }
0xac: {  	v11 =	vor.u32 v14, v7;
	v14 =	vor.u32 v16, v7;
	v2 =	vld.idx.msk [tilespmem:v4+s16+$0x0], $0xffff  }
0xad: {  	v3 =	vld.idx.msk [tilespmem:v4+s17+$0x0], $0xffff  }
0xae: {  	v10 =	vor.u32 v13, v7;
	v4 =	vld.idx.msk [tilespmem:v5+s16+$0x0], $0xffff  }
0xaf: {  	v5 =	vld.idx.msk [tilespmem:v5+s17+$0x0], $0xffff  }
0xb0: {  	v6 =	vld.idx.msk [tilespmem:v8+s16+$0x0], $0xffff  }
0xb1: {  	v0 =	vld.idx.msk [tilespmem:v14+s16+$0x0], $0xffff  }
0xb2: {  	v8 =	vld.idx.msk [tilespmem:v8+s17+$0x0], $0xffff  }
0xb3: {  	v9 =	vld.idx.msk [tilespmem:v10+s16+$0x0], $0xffff  }
0xb4: {  	v16 =	vor.u32 v12, v7;
	v12 =	vld.idx.msk [tilespmem:v10+s17+$0x0], $0xffff  }
0xb5: {  	v13 =	vld.idx.msk [tilespmem:v11+s16+$0x0], $0xffff  }
0xb6: {  	v10 =	vor.u32 v15, v7;
	v15 =	vld.idx.msk [tilespmem:v11+s17+$0x0], $0xffff;
	[tilespmem:$0x1FAD0] =	vst v0  }
0xb7: {  	v0 =	vld.idx.msk [tilespmem:v14+s17+$0x0], $0xffff  }
0xb8: {  	v11 =	vor.u32 v17, v7;
	_ =	sdelay $0x3  }
0xb9: {  	[tilespmem:$0x1FAE0] =	vst v0  }
0xba: {  	v0 =	vld.idx.msk [tilespmem:v11+s16+$0x0], $0xffff;
	_ =	sdelay $0x1  }
0xbb: {  	v17 =	vld.idx.msk [tilespmem:v16+s16+$0x0], $0xffff  }
0xbc: {  	v18 =	vld.idx.msk [tilespmem:v16+s17+$0x0], $0xffff  }
0xbd: {  	v14 =	vor.u32 v20, v7;
	v20 =	vld.idx.msk [tilespmem:v10+s16+$0x0], $0xffff  }
0xbe: {  	v21 =	vld.idx.msk [tilespmem:v10+s17+$0x0], $0xffff;
	[tilespmem:$0x1FAF0] =	vst v0  }
0xbf: {  	v0 =	vld.idx.msk [tilespmem:v11+s17+$0x0], $0xffff;
	_ =	sdelay $0x4  }
0xc0: {  	[tilespmem:$0x1FB00] =	vst v0  }
0xc1: {  	v0 =	vld.idx.msk [tilespmem:v14+s16+$0x0], $0xffff;
	_ =	sdelay $0x4  }
0xc2: {  	[tilespmem:$0x1FB10] =	vst v0  }
0xc3: {  	v0 =	vld.idx.msk [tilespmem:v14+s17+$0x0], $0xffff  }
0xc4: {  	v10 =	vor.u32 v46, v7;
	_ =	sdelay $0x3  }
0xc5: {  	[tilespmem:$0x1FB20] =	vst v0  }
0xc6: {  	v0 =	vld.idx.msk [tilespmem:v10+s16+$0x0], $0xffff;
	_ =	sdelay $0x4  }
0xc7: {  	[tilespmem:$0x1FB30] =	vst v0  }
0xc8: {  	v0 =	vld.idx.msk [tilespmem:v10+s17+$0x0], $0xffff  }
0xc9: {  	v11 =	vor.u32 v47, v7;
	_ =	sdelay $0x3  }
0xca: {  	[tilespmem:$0x1FB40] =	vst v0  }
0xcb: {  	v0 =	vld.idx.msk [tilespmem:v11+s16+$0x0], $0xffff;
	_ =	sdelay $0x4  }
0xcc: {  	[tilespmem:$0x1FB50] =	vst v0  }
0xcd: {  	v0 =	vld.idx.msk [tilespmem:v11+s17+$0x0], $0xffff  }
0xce: {  	v14 =	vor.u32 v45, v7;
	_ =	sdelay $0x3  }
0xcf: {  	[tilespmem:$0x1FB60] =	vst v0  }
0xd0: {  	v0 =	vld.idx.msk [tilespmem:v14+s16+$0x0], $0xffff;
	_ =	sdelay $0x4  }
0xd1: {  	[tilespmem:$0x1FB70] =	vst v0  }
0xd2: {  	v0 =	vld.idx.msk [tilespmem:v14+s17+$0x0], $0xffff  }
0xd3: {  	v10 =	vor.u32 v19, v7;
	_ =	sdelay $0x1  }
0xd4: {  	v16 =	vor.u32 v29, v7;
	_ =	sdelay $0x1  }
0xd5: {  	v19 =	vor.u32 v30, v7;
	[tilespmem:$0x1FB80] =	vst v0  }
0xd6: {  	v11 =	vld.idx.msk [tilespmem:v10+s16+$0x0], $0xffff  }
0xd7: {  	v47 =	vmov v24;
	v24 =	vor.u32 v40, v7;
	v29 =	vld.idx.msk [tilespmem:v10+s17+$0x0], $0xffff  }
0xd8: {  	v0 =	vimm.f32 $0.0e+00;
	v30 =	vld.idx.msk [tilespmem:v16+s16+$0x0], $0xffff  }
0xd9: {  	v14 =	vld.idx.msk [tilespmem:v16+s17+$0x0], $0xffff;
	[tilespmem:$0x1FB90] =	vst v0  }
0xda: {  	v46 =	vmov v22;
	v0 =	vimm.f32 $0.0e+00;
	v22 =	vld.idx.msk [tilespmem:v19+s16+$0x0], $0xffff  }
0xdb: {  	v25 =	vld.idx.msk [tilespmem:v19+s17+$0x0], $0xffff;
	[tilespmem:$0x1FBA0] =	vst v0;
	v0 =	vimm.f32 $0.0e+00  }
0xdc: {  	v16 =	vor.u32 v43, v7;
	v43 =	vmov v23;
	v23 =	vld.idx.msk [tilespmem:v24+s16+$0x0], $0xffff;
	[tilespmem:$0x1FBB0] =	vst v0;
	v0 =	vimm.f32 $0.0e+00  }
0xdd: {  	v10 =	vor.u32 v41, v7;
	[tilespmem:$0x1FBC0] =	vst v0;
	v0 =	vimm.f32 $0.0e+00  }
0xde: {  	[tilespmem:$0x1FBD0] =	vst v0;
	v0 =	vimm.f32 $0.0e+00  }
0xdf: {  	v19 =	vor.u32 v44, v7;
	v44 =	vmov v26;
	v26 =	vld.idx.msk [tilespmem:v24+s17+$0x0], $0xffff;
	[tilespmem:$0x1FBE0] =	vst v0;
	v0 =	vimm.f32 $0.0e+00  }
0xe0: {  	[tilespmem:$0x1FBF0] =	vst v0;
	v0 =	vimm.f32 $0.0e+00  }
0xe1: {  	[tilespmem:$0x1FC00] =	vst v0  }
.LBB2_3:
0xe2: {  	v0 =	vld.idx.msk [tilespmem:v10+s16+$0x0], $0xffff;
	_ =	sdelay $0x4  }
0xe3: {  	[tilespmem:$0x1F860] =	vst v0;
	v0 =	vld.idx.msk [tilespmem:v10+s17+$0x0], $0xffff;
	_ =	sdelay $0x4  }
0xe4: {  	[tilespmem:$0x1F870] =	vst v0;
	v0 =	vld.idx.msk [tilespmem:v16+s16+$0x0], $0xffff;
	_ =	sdelay $0x4  }
0xe5: {  	[tilespmem:$0x1F880] =	vst v0;
	v0 =	vld.idx.msk [tilespmem:v16+s17+$0x0], $0xffff;
	_ =	sdelay $0x4  }
0xe6: {  	[tilespmem:$0x1F890] =	vst v0;
	v0 =	vld.idx.msk [tilespmem:v19+s16+$0x0], $0xffff;
	_ =	sdelay $0x4  }
0xe7: {  	[tilespmem:$0x1F8E0] =	vst v0;
	v0 =	vld.idx.msk [tilespmem:v19+s17+$0x0], $0xffff;
	_ =	sdelay $0x3  }
0xe8: {  	s0 =	sadd.s32 $0x8, s0  }
0xe9: {  	v24 =	vmov s0;
	[tilespmem:$0x1F8F0] =	vst v0;
	v0 =	vld [tilespmem:$0x1FC50]  }
0xea: {  	v10 =	vshrl.u32 v24, $0x3  }
0xeb: {  	v10 =	vshll.u32 v10, $0x3  }
0xec: {  	v10 =	vbroadcast v10, $0x0;
	_ =	sdelay $0x1  }
0xed: {  	v19 =	vor.u32 v0, v10;
	v0 =	vld [tilespmem:$0x1FC60];
	_ =	sdelay $0x4  }
0xee: {  	v0 =	vor.u32 v0, v10  }
0xef: {  	[tilespmem:$0x1F900] =	vst v0;
	v0 =	vld [tilespmem:$0x1FC70];
	_ =	sdelay $0x4  }
0xf0: {  	v0 =	vor.u32 v0, v10  }
0xf1: {  	[tilespmem:$0x1F920] =	vst v0;
	v0 =	vld [tilespmem:$0x1FD50];
	_ =	sdelay $0x4  }
0xf2: {  	v0 =	vor.u32 v0, v10  }
0xf3: {  	[tilespmem:$0x1F940] =	vst v0;
	v0 =	vld [tilespmem:$0x1FD80];
	_ =	sdelay $0x4  }
0xf4: {  	v0 =	vor.u32 v0, v10  }
0xf5: {  	[tilespmem:$0x1F970] =	vst v0;
	v0 =	vld [tilespmem:$0x1FDB0];
	_ =	sdelay $0x4  }
0xf6: {  	v0 =	vor.u32 v0, v10  }
0xf7: {  	[tilespmem:$0x1F980] =	vst v0;
	v0 =	vmul.f32 v46, v43  }
0xf8: {  	v45 =	vmov v28;
	v28 =	vor.u32 v31, v7  }
0xf9: {  	[tilespmem:$0x1F8A0] =	vst v0;
	v0 =	vmul.f32 v44, v47  }
0xfa: {  	v31 =	vor.u32 v32, v7  }
0xfb: {  	[tilespmem:$0x1F8B0] =	vst v0;
	v0 =	vld [tilespmem:$0x1FD30]  }
0xfc: {  	v1 =	vor.u32 $0x1C07, v42  }
0xfd: {  	v34 =	vld.idx.msk [tilespmem:v28+s16+$0x0], $0xffff  }
0xfe: {  	v36 =	vor.u32 v42, v7;
	v32 =	vor.u32 v39, v7;
	v40 =	vld.idx.msk [tilespmem:v28+s17+$0x0], $0xffff  }
0xff: {  	[tilespmem:$0x1F850] =	vst v1;
	v41 =	vld.idx.msk [tilespmem:v31+s16+$0x0], $0xffff;
	v28 =	vor.u32 v1, v7;
	v1 =	vmov v39;
	v39 =	vor.u32 v49, v7  }
0x100: {  	v49 =	vmov v42;
	v42 =	vld.idx.msk [tilespmem:v31+s17+$0x0], $0xffff;
	v31 =	vor.u32 v0, v7;
	v0 =	vmul.f32 v45, v50  }
0x101: {  	v50 =	vld [tilespmem:$0x1F9A0]  }
0x102: {  	[tilespmem:$0x1F8C0] =	vst v0;
	v0 =	vld [tilespmem:$0x1F990];
	_ =	sdelay $0x4  }
0x103: {  	v0 =	vmul.f32 v50, v0  }
0x104: {  	v46 =	vld [tilespmem:$0x1F9C0]  }
0x105: {  	[tilespmem:$0x1F8D0] =	vst v0;
	v0 =	vld [tilespmem:$0x1F9B0];
	_ =	sdelay $0x4  }
0x106: {  	v0 =	vmul.f32 v46, v0  }
0x107: {  	v47 =	vld [tilespmem:$0x1F9E0]  }
0x108: {  	[tilespmem:$0x1F950] =	vst v0;
	v0 =	vld [tilespmem:$0x1F9D0];
	_ =	sdelay $0x2  }
0x109: {  	v24 =	vld [tilespmem:$0x1FA60]  }
0x10a: {  	v16 =	vld [tilespmem:$0x1FA50]  }
0x10b: {  	v0 =	vmul.f32 v47, v0;
	_ =	sdelay $0x1  }
0x10c: {  	[tilespmem:$0x1F960] =	vst v0;
	v0 =	vld [tilespmem:$0x1FC80];
	_ =	sdelay $0x1  }
0x10d: {  	v24 =	vmul.f32 v24, v16;
	v16 =	vld [tilespmem:$0x1FA70]  }
0x10e: {  	v43 =	vld.idx.msk [tilespmem:v32+s16+$0x0], $0xffff  }
0x10f: {  	v45 =	vld.idx.msk [tilespmem:v32+s17+$0x0], $0xffff  }
0x110: {  	v32 =	vor.u32 v0, v7;
	v0 =	vld [tilespmem:$0x1FA10];
	_ =	sdelay $0x2  }
0x111: {  	v3 =	vmul.f32 v3, v2;
	v2 =	vld [tilespmem:$0x1FFA0]  }
0x112: {  	v52 =	vmul.f32 v53, v52;
	v53 =	vmul.f32 v55, v54;
	v55 =	vld [tilespmem:$0x1FCC0];
	v44 =	vor.u32 v48, v7  }
0x113: {  	v16 =	vmul.f32 v51, v16;
	v33 =	vmul.f32 v33, v0;
	v0 =	vld [tilespmem:$0x1FA20]  }
0x114: {  	v51 =	vld [tilespmem:$0x1FE00]  }
0x115: {  	[tilespmem:$0x1F930] =	vst v16;
	v16 =	vld [tilespmem:$0x1FAA0]  }
0x116: {  	v62 =	vmul.f32 v62, v63;
	v63 =	vor.u32 v2, v7;
	v2 =	vld [tilespmem:$0x1FEC0]  }
0x117: {  	v54 =	vld.idx.msk [tilespmem:v44+s16+$0x0], $0xffff  }
0x118: {  	v35 =	vmul.f32 v35, v0;
	v0 =	vmov v48;
	v48 =	vld [tilespmem:$0x1FC10]  }
0x119: {  	v56 =	vmul.f32 v57, v56;
	v57 =	vmul.f32 v59, v58;
	v51 =	vor.u32 v51, v7;
	v58 =	vld.idx.msk [tilespmem:v44+s17+$0x0], $0xffff  }
0x11a: {  	v44 =	vmul.f32 v60, v16;
	v16 =	vmul.f32 v27, v61;
	v27 =	vld [tilespmem:$0x1FCE0]  }
0x11b: {  	v59 =	vld [tilespmem:$0x1FFB0];
	v4 =	vmul.f32 v5, v4;
	v5 =	vmul.f32 v8, v6  }
0x11c: {  	v8 =	vor.u32 v2, v7;
	v2 =	vmul.f32 v15, v13;
	v13 =	vmul.f32 v18, v17;
	v17 =	vld [tilespmem:$0x1FFC0]  }
0x11d: {  	v15 =	vmul.f32 v21, v20;
	v20 =	vld [tilespmem:$0x1FEF0];
	v48 =	vor.u32 v48, v7  }
0x11e: {  	v6 =	vld.idx.msk [tilespmem:v51+s16+$0x0], $0xffff  }
0x11f: {  	v61 =	vor.u32 v27, v7;
	v27 =	vmul.f32 v12, v9;
	v9 =	vld.idx.msk [tilespmem:v51+s17+$0x0], $0xffff  }
0x120: {  	v12 =	vld [tilespmem:$0x1FED0]  }
0x121: {  	v51 =	vld [tilespmem:$0x1FF00]  }
0x122: {  	v60 =	vld.idx.msk [tilespmem:v48+s16+$0x0], $0xffff  }
0x123: {  	v48 =	vld.idx.msk [tilespmem:v48+s17+$0x0], $0xffff  }
0x124: {  	v50 =	vld [tilespmem:$0x1FA30]  }
0x125: {  	v46 =	vld.idx.msk [tilespmem:v36+s16+$0x0], $0xffff  }
0x126: {  	v47 =	vld.idx.msk [tilespmem:v36+s17+$0x0], $0xffff  }
0x127: {  	v36 =	vld [tilespmem:$0x1FCA0]  }
0x128: {  	v54 =	vmul.f32 v58, v54;
	v58 =	vmul.f32 v48, v60;
	v48 =	vmov v0;
	v0 =	vld [tilespmem:$0x1FF10];
	_ =	sdelay $0x1  }
0x129: {  	v37 =	vmul.f32 v37, v50;
	v50 =	vld [tilespmem:$0x1FA40]  }
0x12a: {  	v55 =	vor.u32 v55, v7;
	v59 =	vor.u32 v59, v7;
	v21 =	vmul.f32 v40, v34  }
0x12b: {  	v17 =	vor.u32 v17, v7;
	v20 =	vor.u32 v20, v7;
	v12 =	vor.u32 v12, v7  }
0x12c: {  	v40 =	vor.u32 v51, v7;
	v36 =	vor.u32 v36, v7;
	v7 =	vor.u32 v0, v7;
	v0 =	vld [tilespmem:$0x1FB90];
	_ =	sdelay $0x1  }
0x12d: {  	v38 =	vmul.f32 v38, v50;
	v50 =	vld.idx.msk [tilespmem:v39+s16+$0x0], $0xffff  }
0x12e: {  	v39 =	vld.idx.msk [tilespmem:v39+s17+$0x0], $0xffff;
	v34 =	vmul.f32 v47, v46;
	_ =	sdelay $0x1  }
0x12f: {  	v34 =	vadd.f32 v34, v0;
	v0 =	vld [tilespmem:$0x1FBA0];
	_ =	sdelay $0x2  }
0x130: {  	v39 =	vmul.f32 v39, v50;
	_ =	sdelay $0x1  }
0x131: {  	[tilespmem:$0x1F910] =	vst v16;
	v16 =	vadd.f32 v39, v0;
	v0 =	vld [tilespmem:$0x1FBB0]  }
0x132: {  	v14 =	vmul.f32 v14, v30;
	v30 =	vld.idx.msk [tilespmem:v59+s17+$0x0], $0xffff  }
0x133: {  	v18 =	vld.idx.msk [tilespmem:v59+s16+$0x0], $0xffff  }
0x134: {  	v11 =	vmul.f32 v29, v11;
	v29 =	vmul.f32 v42, v41;
	v41 =	vld.idx.msk [tilespmem:v63+s16+$0x0], $0xffff  }
0x135: {  	v59 =	vld.idx.msk [tilespmem:v63+s17+$0x0], $0xffff  }
0x136: {  	v63 =	vadd.f32 v54, v0;
	v0 =	vld [tilespmem:$0x1FBC0];
	_ =	sdelay $0x3  }
0x137: {  	v39 =	vmov v1;
	v1 =	vld [tilespmem:$0x1FB00]  }
0x138: {  	v46 =	vadd.f32 v58, v0;
	v0 =	vld [tilespmem:$0x1FAF0];
	_ =	sdelay $0x2  }
0x139: {  	v21 =	vadd.f32 v21, v34;
	_ =	sdelay $0x1  }
0x13a: {  	v11 =	vadd.f32 v11, v21;
	v21 =	vmul.f32 v1, v0;
	v0 =	vld [tilespmem:$0x1FB10]  }
0x13b: {  	v1 =	vld [tilespmem:$0x1FB20]  }
0x13c: {  	v6 =	vmul.f32 v9, v6;
	_ =	sdelay $0x1  }
0x13d: {  	v23 =	vmul.f32 v26, v23;
	v6 =	vadd.f32 v6, v46;
	_ =	sdelay $0x1  }
0x13e: {  	v6 =	vadd.f32 v23, v6;
	v23 =	vmul.f32 v1, v0;
	v0 =	vld [tilespmem:$0x1FB30]  }
0x13f: {  	v1 =	vld [tilespmem:$0x1FB40]  }
0x140: {  	v29 =	vadd.f32 v29, v16;
	_ =	sdelay $0x1  }
0x141: {  	v14 =	vadd.f32 v14, v29  }
0x142: {  	v43 =	vmul.f32 v45, v43  }
0x143: {  	v11 =	vadd.f32 v13, v11;
	v13 =	vadd.f32 v15, v14;
	v14 =	vmul.f32 v1, v0;
	v0 =	vld [tilespmem:$0x1FB50]  }
0x144: {  	v1 =	vld [tilespmem:$0x1FB60]  }
0x145: {  	v22 =	vmul.f32 v25, v22;
	v25 =	vadd.f32 v43, v63;
	_ =	sdelay $0x1  }
0x146: {  	v22 =	vadd.f32 v22, v25;
	_ =	sdelay $0x1  }
0x147: {  	v21 =	vadd.f32 v21, v22;
	v22 =	vmul.f32 v1, v0;
	v0 =	vld [tilespmem:$0x1F860]  }
0x148: {  	v1 =	vld [tilespmem:$0x1F870];
	_ =	sdelay $0x4  }
0x149: {  	v29 =	vmul.f32 v1, v0;
	v0 =	vld [tilespmem:$0x1F880]  }
0x14a: {  	v1 =	vld [tilespmem:$0x1F890];
	_ =	sdelay $0x3  }
0x14b: {  	v11 =	vadd.f32 v62, v11  }
0x14c: {  	v3 =	vadd.f32 v3, v13;
	v13 =	vmul.f32 v1, v0;
	v0 =	vld [tilespmem:$0x1F8A0]  }
0x14d: {  	v11 =	vadd.f32 v52, v11;
	_ =	sdelay $0x1  }
0x14e: {  	v11 =	vadd.f32 v33, v11;
	_ =	sdelay $0x1  }
0x14f: {  	v0 =	vadd.f32 v0, v11;
	_ =	sdelay $0x1  }
0x150: {  	[tilespmem:$0x1FB90] =	vst v0;
	v0 =	vld [tilespmem:$0x1F8B0]  }
0x151: {  	v3 =	vadd.f32 v53, v3;
	_ =	sdelay $0x1  }
0x152: {  	v3 =	vadd.f32 v35, v3;
	_ =	sdelay $0x1  }
0x153: {  	v0 =	vadd.f32 v0, v3  }
0x154: {  	v4 =	vadd.f32 v4, v21  }
0x155: {  	[tilespmem:$0x1FBA0] =	vst v0;
	v0 =	vld [tilespmem:$0x1F8C0]  }
0x156: {  	v4 =	vadd.f32 v56, v4;
	_ =	sdelay $0x1  }
0x157: {  	v4 =	vadd.f32 v37, v4  }
0x158: {  	v6 =	vadd.f32 v23, v6  }
0x159: {  	v0 =	vadd.f32 v0, v4  }
0x15a: {  	v5 =	vadd.f32 v5, v6  }
0x15b: {  	[tilespmem:$0x1FBB0] =	vst v0;
	v0 =	vld [tilespmem:$0x1F8D0]  }
0x15c: {  	v5 =	vadd.f32 v57, v5;
	_ =	sdelay $0x1  }
0x15d: {  	v5 =	vadd.f32 v38, v5  }
0x15e: {  	v9 =	vld.idx.msk [tilespmem:v17+s16+$0x0], $0xffff  }
0x15f: {  	v17 =	vld.idx.msk [tilespmem:v17+s17+$0x0], $0xffff;
	v0 =	vadd.f32 v0, v5;
	_ =	sdelay $0x1  }
0x160: {  	[tilespmem:$0x1FBC0] =	vst v0;
	v0 =	vld [tilespmem:$0x1FBD0];
	_ =	sdelay $0x1  }
0x161: {  	v26 =	vld.idx.msk [tilespmem:v20+s16+$0x0], $0xffff  }
0x162: {  	v20 =	vld.idx.msk [tilespmem:v20+s17+$0x0], $0xffff;
	v9 =	vmul.f32 v17, v9;
	_ =	sdelay $0x1  }
0x163: {  	v4 =	vadd.f32 v9, v0;
	v0 =	vld [tilespmem:$0x1FBE0];
	_ =	sdelay $0x1  }
0x164: {  	v15 =	vld.idx.msk [tilespmem:v40+s17+$0x0], $0xffff  }
0x165: {  	v20 =	vmul.f32 v20, v26;
	v25 =	vld.idx.msk [tilespmem:v40+s16+$0x0], $0xffff;
	_ =	sdelay $0x1  }
0x166: {  	v5 =	vadd.f32 v20, v0;
	v0 =	vld [tilespmem:$0x1FBF0];
	_ =	sdelay $0x1  }
0x167: {  	v23 =	vld.idx.msk [tilespmem:v7+s16+$0x0], $0xffff  }
0x168: {  	v15 =	vmul.f32 v15, v25;
	v7 =	vld.idx.msk [tilespmem:v7+s17+$0x0], $0xffff;
	_ =	sdelay $0x1  }
0x169: {  	v11 =	vadd.f32 v15, v0;
	v0 =	vld [tilespmem:$0x1FC00];
	_ =	sdelay $0x2  }
0x16a: {  	v3 =	vmul.f32 v7, v23  }
0x16b: {  	v1 =	vld [tilespmem:$0x1F8F0]  }
0x16c: {  	v3 =	vadd.f32 v3, v0;
	v0 =	vld [tilespmem:$0x1F8E0];
	_ =	sdelay $0x2  }
0x16d: {  	v60 =	vld.idx.msk [tilespmem:v8+s16+$0x0], $0xffff;
	v6 =	vmul.f32 v30, v18  }
0x16e: {  	v8 =	vld.idx.msk [tilespmem:v8+s17+$0x0], $0xffff  }
0x16f: {  	v4 =	vadd.f32 v6, v4;
	v6 =	vmul.f32 v1, v0;
	v0 =	vld [tilespmem:$0x1FB70]  }
0x170: {  	v1 =	vld [tilespmem:$0x1FB80]  }
0x171: {  	v16 =	vld.idx.msk [tilespmem:v12+s16+$0x0], $0xffff;
	v18 =	vmul.f32 v59, v41  }
0x172: {  	v12 =	vld.idx.msk [tilespmem:v12+s17+$0x0], $0xffff  }
0x173: {  	v17 =	vld.idx.msk [tilespmem:v61+s16+$0x0], $0xffff;
	v5 =	vadd.f32 v18, v5  }
0x174: {  	v21 =	vld.idx.msk [tilespmem:v61+s17+$0x0], $0xffff  }
0x175: {  	v5 =	vadd.f32 v13, v5;
	v13 =	vmul.f32 v1, v0;
	v0 =	vld [tilespmem:$0x1FAD0]  }
0x176: {  	v1 =	vld [tilespmem:$0x1FAE0]  }
0x177: {  	v8 =	vmul.f32 v8, v60;
	v12 =	vmul.f32 v12, v16  }
0x178: {  	v4 =	vadd.f32 v29, v4  }
0x179: {  	v8 =	vadd.f32 v8, v11;
	v11 =	vmul.f32 v21, v17;
	v3 =	vadd.f32 v12, v3  }
0x17a: {  	v4 =	vadd.f32 v14, v4  }
0x17b: {  	v3 =	vadd.f32 v11, v3;
	v11 =	vmul.f32 v1, v0;
	v0 =	vld [tilespmem:$0x1FAB0]  }
0x17c: {  	v1 =	vadd.f32 v27, v4;
	v4 =	vld [tilespmem:$0x1FAC0]  }
0x17d: {  	v17 =	vld.idx.msk [tilespmem:v31+s16+$0x0], $0xffff;
	v6 =	vadd.f32 v6, v8  }
0x17e: {  	v8 =	vld.idx.msk [tilespmem:v31+s17+$0x0], $0xffff  }
0x17f: {  	v5 =	vadd.f32 v22, v5;
	v6 =	vadd.f32 v13, v6;
	_ =	sdelay $0x1  }
0x180: {  	v25 =	vld.idx.msk [tilespmem:v55+s16+$0x0], $0xffff;
	v2 =	vadd.f32 v2, v5;
	v5 =	vadd.f32 v11, v6;
	v4 =	vmul.f32 v4, v0  }
0x181: {  	v7 =	vld.idx.msk [tilespmem:v55+s17+$0x0], $0xffff  }
0x182: {  	v4 =	vadd.f32 v4, v5;
	v5 =	vmul.f32 v8, v17;
	v8 =	vld [tilespmem:$0x1F920]  }
0x183: {  	v9 =	vld.idx.msk [tilespmem:v36+s16+$0x0], $0xffff  }
0x184: {  	v15 =	vld.idx.msk [tilespmem:v36+s17+$0x0], $0xffff;
	_ =	sdelay $0x1  }
0x185: {  	v16 =	vld.idx.msk [tilespmem:v32+s16+$0x0], $0xffff  }
0x186: {  	v7 =	vmul.f32 v7, v25;
	v14 =	vld.idx.msk [tilespmem:v28+s16+$0x0], $0xffff  }
0x187: {  	v12 =	vld.idx.msk [tilespmem:v32+s17+$0x0], $0xffff  }
0x188: {  	v3 =	vadd.f32 v7, v3;
	v7 =	vmul.f32 v15, v9;
	v9 =	vld.idx.msk [tilespmem:v28+s17+$0x0], $0xffff  }
0x189: {  	v50 =	vld.idx.msk [tilespmem:v8+s16+$0x0], $0xffff  }
0x18a: {  	v28 =	vld.idx.msk [tilespmem:v8+s17+$0x0], $0xffff  }
0x18b: {  	v8 =	vld [tilespmem:$0x1F940];
	_ =	sdelay $0x3  }
0x18c: {  	v3 =	vadd.f32 v7, v3;
	v6 =	vmul.f32 v12, v16;
	_ =	sdelay $0x1  }
0x18d: {  	v3 =	vadd.f32 v6, v3  }
0x18e: {  	v0 =	vld [tilespmem:$0x1F910]  }
0x18f: {  	v3 =	vadd.f32 v5, v3;
	v5 =	vld.idx.msk [tilespmem:v8+s16+$0x0], $0xffff;
	_ =	sdelay $0x1  }
0x190: {  	v7 =	vld [tilespmem:$0x1FA90]  }
0x191: {  	v6 =	vld [tilespmem:$0x1F930]  }
0x192: {  	v0 =	vadd.f32 v0, v2;
	v2 =	vld [tilespmem:$0x1FA80]  }
0x193: {  	[tilespmem:$0x1F990] =	vst v5;
	v5 =	vld [tilespmem:$0x1F950]  }
0x194: {  	v1 =	vadd.f32 v44, v1;
	_ =	sdelay $0x1  }
0x195: {  	v1 =	vadd.f32 v24, v1  }
0x196: {  	v0 =	vadd.f32 v6, v0;
	v6 =	vld [tilespmem:$0x1F9F0]  }
0x197: {  	v2 =	vmul.f32 v7, v2;
	v7 =	vld [tilespmem:$0x1FA00];
	v1 =	vadd.f32 v5, v1;
	_ =	sdelay $0x1  }
0x198: {  	[tilespmem:$0x1FBD0] =	vst v1;
	v1 =	vld [tilespmem:$0x1F960];
	_ =	sdelay $0x2  }
0x199: {  	v2 =	vadd.f32 v2, v4;
	v6 =	vmul.f32 v7, v6;
	_ =	sdelay $0x1  }
0x19a: {  	v0 =	vadd.f32 v1, v0;
	v1 =	vadd.f32 v6, v2;
	v2 =	vld [tilespmem:$0x1F970];
	_ =	sdelay $0x3  }
0x19b: {  	v4 =	vmul.f32 v9, v14  }
0x19c: {  	[tilespmem:$0x1FBE0] =	vst v0;
	v0 =	vld.idx.msk [tilespmem:v8+s17+$0x0], $0xffff  }
0x19d: {  	[tilespmem:$0x1FBF0] =	vst v1;
	v1 =	vadd.f32 v4, v3;
	v3 =	vld [tilespmem:$0x1F980];
	_ =	sdelay $0x1  }
0x19e: {  	[tilespmem:$0x1FC00] =	vst v1;
	v1 =	vld.idx.msk [tilespmem:v2+s16+$0x0], $0xffff  }
0x19f: {  	v2 =	vld.idx.msk [tilespmem:v2+s17+$0x0], $0xffff  }
0x1a0: {  	[tilespmem:$0x1F9A0] =	vst v0;
	v0 =	vld [tilespmem:$0x1FDA0];
	_ =	sdelay $0x3  }
0x1a1: {  	v7 =	vmov v10;
	[tilespmem:$0x1F9C0] =	vst v2;
	v2 =	vld.idx.msk [tilespmem:v3+s16+$0x0], $0xffff  }
0x1a2: {  	v0 =	vor.u32 v0, v7;
	v3 =	vld.idx.msk [tilespmem:v3+s17+$0x0], $0xffff  }
0x1a3: {  	[tilespmem:$0x1F9B0] =	vst v1;
	v1 =	vld [tilespmem:$0x1FC90];
	_ =	sdelay $0x3  }
0x1a4: {  	[tilespmem:$0x1F9E0] =	vst v3;
	v3 =	vld.idx.msk [tilespmem:v0+s16+$0x0], $0xffff  }
0x1a5: {  	v1 =	vor.u32 v1, v7;
	v0 =	vld.idx.msk [tilespmem:v0+s17+$0x0], $0xffff  }
0x1a6: {  	[tilespmem:$0x1F9D0] =	vst v2;
	v2 =	vld [tilespmem:$0x1FCB0];
	_ =	sdelay $0x3  }
0x1a7: {  	[tilespmem:$0x1FA00] =	vst v0;
	v0 =	vld.idx.msk [tilespmem:v1+s16+$0x0], $0xffff  }
0x1a8: {  	v2 =	vor.u32 v2, v7  }
0x1a9: {  	[tilespmem:$0x1F9F0] =	vst v3;
	v3 =	vld [tilespmem:$0x1FCD0];
	_ =	sdelay $0x1  }
0x1aa: {  	v33 =	vld.idx.msk [tilespmem:v1+s17+$0x0], $0xffff  }
0x1ab: {  	[tilespmem:$0x1FA10] =	vst v0;
	v0 =	vld [tilespmem:$0x1FCF0]  }
0x1ac: {  	v1 =	vld.idx.msk [tilespmem:v2+s16+$0x0], $0xffff  }
0x1ad: {  	v3 =	vor.u32 v3, v7;
	_ =	sdelay $0x2  }
0x1ae: {  	v35 =	vld.idx.msk [tilespmem:v2+s17+$0x0], $0xffff  }
0x1af: {  	v0 =	vor.u32 v0, v7;
	[tilespmem:$0x1FA20] =	vst v1;
	v1 =	vld [tilespmem:$0x1FD00]  }
0x1b0: {  	v2 =	vld.idx.msk [tilespmem:v3+s16+$0x0], $0xffff;
	_ =	sdelay $0x2  }
0x1b1: {  	v37 =	vld.idx.msk [tilespmem:v3+s17+$0x0], $0xffff  }
0x1b2: {  	v1 =	vor.u32 v1, v7;
	v3 =	vld.idx.msk [tilespmem:v0+s16+$0x0], $0xffff  }
0x1b3: {  	[tilespmem:$0x1FA30] =	vst v2;
	v2 =	vld [tilespmem:$0x1FD10];
	_ =	sdelay $0x1  }
0x1b4: {  	v38 =	vld.idx.msk [tilespmem:v0+s17+$0x0], $0xffff  }
0x1b5: {  	v0 =	vld [tilespmem:$0x1FD20]  }
0x1b6: {  	[tilespmem:$0x1FA40] =	vst v3;
	v3 =	vld.idx.msk [tilespmem:v1+s16+$0x0], $0xffff  }
0x1b7: {  	v2 =	vor.u32 v2, v7;
	v1 =	vld.idx.msk [tilespmem:v1+s17+$0x0], $0xffff;
	_ =	sdelay $0x2  }
0x1b8: {  	v0 =	vor.u32 v0, v7;
	_ =	sdelay $0x1  }
0x1b9: {  	[tilespmem:$0x1FA60] =	vst v1;
	v1 =	vld.idx.msk [tilespmem:v2+s16+$0x0], $0xffff;
	_ =	sdelay $0x1  }
0x1ba: {  	v51 =	vld.idx.msk [tilespmem:v2+s17+$0x0], $0xffff  }
0x1bb: {  	v2 =	vld.idx.msk [tilespmem:v0+s16+$0x0], $0xffff  }
0x1bc: {  	v0 =	vld.idx.msk [tilespmem:v0+s17+$0x0], $0xffff  }
0x1bd: {  	[tilespmem:$0x1FA70] =	vst v1;
	v1 =	vld [tilespmem:$0x1FDC0];
	_ =	sdelay $0x4  }
0x1be: {  	[tilespmem:$0x1FA90] =	vst v0;
	v0 =	vld [tilespmem:$0x1FD40];
	v1 =	vor.u32 v1, v7;
	_ =	sdelay $0x3  }
0x1bf: {  	[tilespmem:$0x1FA50] =	vst v3;
	v3 =	vld [tilespmem:$0x1FE70]  }
0x1c0: {  	v0 =	vor.u32 v0, v7;
	v54 =	vld.idx.msk [tilespmem:v1+s16+$0x0], $0xffff  }
0x1c1: {  	v55 =	vld.idx.msk [tilespmem:v1+s17+$0x0], $0xffff  }
0x1c2: {  	v1 =	vld [tilespmem:$0x1FD60];
	_ =	sdelay $0x2  }
0x1c3: {  	v3 =	vor.u32 v3, v7;
	v58 =	vld.idx.msk [tilespmem:v0+s16+$0x0], $0xffff  }
0x1c4: {  	v59 =	vld.idx.msk [tilespmem:v0+s17+$0x0], $0xffff  }
0x1c5: {  	v0 =	vld [tilespmem:$0x1FD90];
	v1 =	vor.u32 v1, v7;
	_ =	sdelay $0x2  }
0x1c6: {  	v52 =	vld.idx.msk [tilespmem:v3+s16+$0x0], $0xffff  }
0x1c7: {  	v53 =	vld.idx.msk [tilespmem:v3+s17+$0x0], $0xffff  }
0x1c8: {  	v3 =	vor.u32 v0, v7;
	v0 =	vld.idx.msk [tilespmem:v1+s16+$0x0], $0xffff;
	_ =	sdelay $0x4  }
0x1c9: {  	[tilespmem:$0x1FAA0] =	vst v0;
	v0 =	vld [tilespmem:$0x1FDD0];
	_ =	sdelay $0x4  }
0x1ca: {  	v4 =	vor.u32 v0, v7;
	v0 =	vld [tilespmem:$0x1FE30];
	_ =	sdelay $0x4  }
0x1cb: {  	v5 =	vor.u32 v0, v7;
	v0 =	vld.idx.msk [tilespmem:v3+s16+$0x0], $0xffff;
	_ =	sdelay $0x4  }
0x1cc: {  	[tilespmem:$0x1FAB0] =	vst v0;
	v0 =	vld [tilespmem:$0x1FDE0];
	_ =	sdelay $0x4  }
0x1cd: {  	v6 =	vor.u32 v0, v7;
	v0 =	vld.idx.msk [tilespmem:v3+s17+$0x0], $0xffff;
	_ =	sdelay $0x4  }
0x1ce: {  	[tilespmem:$0x1FAC0] =	vst v0;
	v0 =	vld [tilespmem:$0x1FDF0];
	_ =	sdelay $0x3  }
0x1cf: {  	v11 =	vld [tilespmem:$0x1F900]  }
0x1d0: {  	v8 =	vor.u32 v0, v7;
	v0 =	vld [tilespmem:$0x1FE40];
	_ =	sdelay $0x4  }
0x1d1: {  	v10 =	vor.u32 v0, v7;
	v0 =	vld [tilespmem:$0x1FE10];
	_ =	sdelay $0x2  }
0x1d2: {  	v47 =	vld.idx.msk [tilespmem:v11+s16+$0x0], $0xffff  }
0x1d3: {  	v44 =	vld.idx.msk [tilespmem:v11+s17+$0x0], $0xffff  }
0x1d4: {  	v11 =	vor.u32 v0, v7;
	v0 =	vld [tilespmem:$0x1FE20];
	_ =	sdelay $0x4  }
0x1d5: {  	v14 =	vor.u32 v0, v7;
	v0 =	vld [tilespmem:$0x1FE50];
	_ =	sdelay $0x4  }
0x1d6: {  	v16 =	vor.u32 v0, v7;
	v0 =	vld [tilespmem:$0x1FE60];
	_ =	sdelay $0x2  }
0x1d7: {  	v9 =	vld.idx.msk [tilespmem:v10+s16+$0x0], $0xffff  }
0x1d8: {  	v12 =	vld.idx.msk [tilespmem:v10+s17+$0x0], $0xffff  }
0x1d9: {  	v10 =	vor.u32 v0, v7;
	v0 =	vld.idx.msk [tilespmem:v14+s16+$0x0], $0xffff;
	_ =	sdelay $0x4  }
0x1da: {  	[tilespmem:$0x1FAD0] =	vst v0;
	v0 =	vld [tilespmem:$0x1FE80];
	_ =	sdelay $0x2  }
0x1db: {  	v13 =	vld.idx.msk [tilespmem:v11+s16+$0x0], $0xffff  }
0x1dc: {  	v15 =	vld.idx.msk [tilespmem:v11+s17+$0x0], $0xffff  }
0x1dd: {  	v11 =	vor.u32 v0, v7;
	v0 =	vld.idx.msk [tilespmem:v14+s17+$0x0], $0xffff;
	_ =	sdelay $0x4  }
0x1de: {  	[tilespmem:$0x1FAE0] =	vst v0;
	v0 =	vld [tilespmem:$0x1FE90];
	_ =	sdelay $0x4  }
0x1df: {  	v14 =	vor.u32 v0, v7;
	v0 =	vld [tilespmem:$0x1FF40];
	_ =	sdelay $0x2  }
0x1e0: {  	v20 =	vld.idx.msk [tilespmem:v10+s16+$0x0], $0xffff  }
0x1e1: {  	v21 =	vld.idx.msk [tilespmem:v10+s17+$0x0], $0xffff  }
0x1e2: {  	v10 =	vor.u32 v0, v7;
	v0 =	vld.idx.msk [tilespmem:v11+s16+$0x0], $0xffff;
	_ =	sdelay $0x4  }
0x1e3: {  	[tilespmem:$0x1FAF0] =	vst v0;
	v0 =	vld.idx.msk [tilespmem:v11+s17+$0x0], $0xffff;
	_ =	sdelay $0x4  }
0x1e4: {  	[tilespmem:$0x1FB00] =	vst v0;
	v0 =	vld [tilespmem:$0x1FF30];
	_ =	sdelay $0x4  }
0x1e5: {  	v11 =	vor.u32 v0, v7;
	v0 =	vld.idx.msk [tilespmem:v14+s16+$0x0], $0xffff;
	_ =	sdelay $0x4  }
0x1e6: {  	[tilespmem:$0x1FB10] =	vst v0;
	v0 =	vld.idx.msk [tilespmem:v14+s17+$0x0], $0xffff;
	_ =	sdelay $0x4  }
0x1e7: {  	[tilespmem:$0x1FB20] =	vst v0;
	v0 =	vld [tilespmem:$0x1FF50];
	_ =	sdelay $0x4  }
0x1e8: {  	v14 =	vor.u32 v0, v7;
	v0 =	vld.idx.msk [tilespmem:v10+s16+$0x0], $0xffff;
	_ =	sdelay $0x4  }
0x1e9: {  	[tilespmem:$0x1FB30] =	vst v0;
	v0 =	vld [tilespmem:$0x1FEA0];
	_ =	sdelay $0x2  }
0x1ea: {  	v17 =	vld.idx.msk [tilespmem:v16+s16+$0x0], $0xffff  }
0x1eb: {  	v18 =	vld.idx.msk [tilespmem:v16+s17+$0x0], $0xffff  }
0x1ec: {  	v16 =	vor.u32 v0, v7;
	v0 =	vld.idx.msk [tilespmem:v10+s17+$0x0], $0xffff;
	_ =	sdelay $0x4  }
0x1ed: {  	[tilespmem:$0x1FB40] =	vst v0;
	v0 =	vld.idx.msk [tilespmem:v11+s16+$0x0], $0xffff;
	_ =	sdelay $0x4  }
0x1ee: {  	[tilespmem:$0x1FB50] =	vst v0;
	v0 =	vld [tilespmem:$0x1FEB0];
	_ =	sdelay $0x1  }
0x1ef: {  	[tilespmem:$0x1FA80] =	vst v2;
	v2 =	vld [tilespmem:$0x1FF20];
	_ =	sdelay $0x2  }
0x1f0: {  	v10 =	vor.u32 v0, v7;
	v0 =	vld.idx.msk [tilespmem:v11+s17+$0x0], $0xffff;
	_ =	sdelay $0x1  }
0x1f1: {  	v2 =	vor.u32 v2, v7;
	_ =	sdelay $0x2  }
0x1f2: {  	[tilespmem:$0x1FB60] =	vst v0;
	v0 =	vld.idx.msk [tilespmem:v14+s16+$0x0], $0xffff;
	_ =	sdelay $0x1  }
0x1f3: {  	v56 =	vld.idx.msk [tilespmem:v2+s16+$0x0], $0xffff  }
0x1f4: {  	v57 =	vld.idx.msk [tilespmem:v2+s17+$0x0], $0xffff  }
0x1f5: {  	v2 =	vld [tilespmem:$0x1FD70]  }
0x1f6: {  	[tilespmem:$0x1FB70] =	vst v0;
	v0 =	vld [tilespmem:$0x1FEE0];
	_ =	sdelay $0x1  }
0x1f7: {  	v42 =	vmov v49;
	v49 =	vld [tilespmem:$0x1FC20]  }
0x1f8: {  	v43 =	vld.idx.msk [tilespmem:v19+s16+$0x0], $0xffff  }
0x1f9: {  	v46 =	vld.idx.msk [tilespmem:v19+s17+$0x0], $0xffff;
	v2 =	vor.u32 v2, v7  }
0x1fa: {  	v19 =	vor.u32 v0, v7;
	v0 =	vld.idx.msk [tilespmem:v14+s17+$0x0], $0xffff  }
0x1fb: {  	v32 =	vld [tilespmem:$0x1FC40]  }
0x1fc: {  	v31 =	vld [tilespmem:$0x1FC30]  }
0x1fd: {  	v60 =	vld.idx.msk [tilespmem:v1+s17+$0x0], $0xffff  }
0x1fe: {  	v61 =	vld.idx.msk [tilespmem:v2+s16+$0x0], $0xffff  }
0x1ff: {  	[tilespmem:$0x1FB80] =	vst v0;
	v0 =	vld [tilespmem:$0x1FF60]  }
0x200: {  	v27 =	vld.idx.msk [tilespmem:v2+s17+$0x0], $0xffff  }
0x201: {  	v63 =	vld.idx.msk [tilespmem:v4+s16+$0x0], $0xffff  }
0x202: {  	v62 =	vld.idx.msk [tilespmem:v4+s17+$0x0], $0xffff  }
0x203: {  	v2 =	vld.idx.msk [tilespmem:v5+s16+$0x0], $0xffff  }
0x204: {  	v24 =	vor.u32 v0, v7;
	v0 =	vld [tilespmem:$0x1FF70]  }
0x205: {  	v3 =	vld.idx.msk [tilespmem:v5+s17+$0x0], $0xffff  }
0x206: {  	v4 =	vld.idx.msk [tilespmem:v6+s16+$0x0], $0xffff  }
0x207: {  	v30 =	vld.idx.msk [tilespmem:v10+s16+$0x0], $0xffff  }
0x208: {  	v14 =	vld.idx.msk [tilespmem:v10+s17+$0x0], $0xffff  }
0x209: {  	v10 =	vor.u32 v0, v7;
	v0 =	vld [tilespmem:$0x1FF80]  }
0x20a: {  	v5 =	vld.idx.msk [tilespmem:v6+s17+$0x0], $0xffff  }
0x20b: {  	v6 =	vld.idx.msk [tilespmem:v8+s16+$0x0], $0xffff  }
0x20c: {  	v29 =	vld.idx.msk [tilespmem:v16+s17+$0x0], $0xffff  }
0x20d: {  	v11 =	vld.idx.msk [tilespmem:v16+s16+$0x0], $0xffff  }
0x20e: {  	p0 =	slt.u32 s0, $0x38;
	v16 =	vor.u32 v0, v7;
	v0 =	vld [tilespmem:$0x1FF90]  }
.Ltmp0:
0x20f: {  	v8 =	vld.idx.msk [tilespmem:v8+s17+$0x0], $0xffff;
	(pc) =	sbr.rel @p0 .LBB2_3-.Ltmp0, $4  }
0x210: {  	v22 =	vld.idx.msk [tilespmem:v19+s16+$0x0], $0xffff  }
0x211: {  	v25 =	vld.idx.msk [tilespmem:v19+s17+$0x0], $0xffff  }
0x212: {  	v23 =	vld.idx.msk [tilespmem:v24+s16+$0x0], $0xffff  }
0x213: {  	v26 =	vld.idx.msk [tilespmem:v24+s17+$0x0], $0xffff;
	v19 =	vor.u32 v0, v7  }
0x214: {  	v24 =	vor.u32 v31, v7;
	_ =	sdelay $0x3  }
0x215: {  	v1 =	vld [tilespmem:$0x1F990]  }
0x216: {  	v40 =	vld.idx.msk [tilespmem:v24+s16+$0x0], $0xffff  }
0x217: {  	v41 =	vld.idx.msk [tilespmem:v24+s17+$0x0], $0xffff  }
0x218: {  	v24 =	vld [tilespmem:$0x1F9A0];
	_ =	sdelay $0x4  }
0x219: {  	v0 =	vor.u32 v32, v7;
	v32 =	vmul.f32 v28, v50;
	v28 =	vmul.f32 v24, v1;
	v1 =	vld [tilespmem:$0x1F9B0]  }
0x21a: {  	v24 =	vld [tilespmem:$0x1F9C0];
	_ =	sdelay $0x3  }
0x21b: {  	v34 =	vld.idx.msk [tilespmem:v10+s16+$0x0], $0xffff  }
0x21c: {  	v36 =	vld.idx.msk [tilespmem:v10+s17+$0x0], $0xffff;
	v1 =	vmul.f32 v24, v1  }
0x21d: {  	v31 =	vmul.f32 v46, v43;
	v43 =	vld.idx.msk [tilespmem:v0+s16+$0x0], $0xffff  }
0x21e: {  	[tilespmem:$0x1F5F0] =	vst v1;
	v1 =	vld [tilespmem:$0x1F9E0]  }
0x21f: {  	v10 =	vmul.f32 v44, v47;
	v44 =	vld.idx.msk [tilespmem:v0+s17+$0x0], $0xffff  }
0x220: {  	v0 =	vld [tilespmem:$0x1F9D0];
	_ =	sdelay $0x4  }
0x221: {  	v0 =	vmul.f32 v1, v0;
	_ =	sdelay $0x1  }
0x222: {  	[tilespmem:$0x1F600] =	vst v0;
	v0 =	vld [tilespmem:$0x1FA10];
	_ =	sdelay $0x4  }
0x223: {  	v46 =	vmul.f32 v33, v0;
	v0 =	vld [tilespmem:$0x1FA20];
	_ =	sdelay $0x4  }
0x224: {  	v35 =	vmul.f32 v35, v0;
	v0 =	vld [tilespmem:$0x1FA30];
	_ =	sdelay $0x4  }
0x225: {  	v37 =	vmul.f32 v37, v0;
	v0 =	vld [tilespmem:$0x1FA40];
	_ =	sdelay $0x3  }
0x226: {  	v1 =	vld [tilespmem:$0x1FA60]  }
0x227: {  	v38 =	vmul.f32 v38, v0;
	v0 =	vld [tilespmem:$0x1FA50];
	_ =	sdelay $0x4  }
0x228: {  	v24 =	vmul.f32 v1, v0;
	v0 =	vld [tilespmem:$0x1FA70];
	_ =	sdelay $0x2  }
0x229: {  	v39 =	vor.u32 v39, v7;
	_ =	sdelay $0x1  }
0x22a: {  	v33 =	vmul.f32 v51, v0;
	v0 =	vld [tilespmem:$0x1FC10]  }
0x22b: {  	v42 =	vor.u32 v42, v7;
	_ =	sdelay $0x1  }
0x22c: {  	v48 =	vor.u32 v48, v7;
	v47 =	vld.idx.msk [tilespmem:v39+s16+$0x0], $0xffff  }
0x22d: {  	v39 =	vld.idx.msk [tilespmem:v39+s17+$0x0], $0xffff  }
0x22e: {  	v51 =	vmul.f32 v53, v52;
	v52 =	vor.u32 v0, v7;
	v0 =	vld [tilespmem:$0x1FAA0]  }
0x22f: {  	v50 =	vld.idx.msk [tilespmem:v42+s16+$0x0], $0xffff  }
0x230: {  	v42 =	vld.idx.msk [tilespmem:v42+s17+$0x0], $0xffff  }
0x231: {  	v62 =	vmul.f32 v62, v63;
	v63 =	vld.idx.msk [tilespmem:v48+s16+$0x0], $0xffff  }
0x232: {  	v4 =	vmul.f32 v5, v4;
	v5 =	vld.idx.msk [tilespmem:v48+s17+$0x0], $0xffff  }
0x233: {  	v45 =	vor.u32 v49, v7;
	v49 =	vmul.f32 v60, v0;
	v0 =	vld [tilespmem:$0x1FE00]  }
0x234: {  	v14 =	vmul.f32 v14, v30;
	v30 =	vld.idx.msk [tilespmem:v16+s16+$0x0], $0xffff  }
0x235: {  	v6 =	vmul.f32 v8, v6;
	v8 =	vld.idx.msk [tilespmem:v52+s16+$0x0], $0xffff  }
0x236: {  	v3 =	vmul.f32 v3, v2;
	v2 =	vmul.f32 v12, v9;
	v12 =	vld.idx.msk [tilespmem:v52+s17+$0x0], $0xffff  }
0x237: {  	v16 =	vld.idx.msk [tilespmem:v16+s17+$0x0], $0xffff  }
0x238: {  	v60 =	vor.u32 v0, v7;
	v0 =	vmul.f32 v27, v61;
	v27 =	vld [tilespmem:$0x1FFA0]  }
0x239: {  	v1 =	vmul.f32 v15, v13;
	v13 =	vmul.f32 v21, v20;
	v20 =	vld [tilespmem:$0x1FFB0]  }
0x23a: {  	v53 =	vmul.f32 v55, v54;
	v55 =	vld.idx.msk [tilespmem:v45+s16+$0x0], $0xffff  }
0x23b: {  	v8 =	vmul.f32 v12, v8;
	v12 =	vld [tilespmem:$0x1FB90]  }
0x23c: {  	v45 =	vld.idx.msk [tilespmem:v45+s17+$0x0], $0xffff  }
0x23d: {  	v21 =	vmul.f32 v42, v50;
	v50 =	vor.u32 v27, v7;
	v27 =	vld [tilespmem:$0x1FBB0]  }
0x23e: {  	v54 =	vmul.f32 v57, v56;
	v20 =	vor.u32 v20, v7;
	v57 =	vld [tilespmem:$0x1FB60]  }
0x23f: {  	v15 =	vld.idx.msk [tilespmem:v60+s16+$0x0], $0xffff  }
0x240: {  	v5 =	vmul.f32 v5, v63;
	v12 =	vadd.f32 v21, v12;
	v21 =	vld [tilespmem:$0x1FBA0]  }
0x241: {  	v9 =	vmul.f32 v18, v17;
	v17 =	vmul.f32 v41, v40;
	v18 =	vld.idx.msk [tilespmem:v60+s17+$0x0], $0xffff  }
0x242: {  	v5 =	vadd.f32 v5, v27;
	v27 =	vld [tilespmem:$0x1FEC0]  }
0x243: {  	v11 =	vmul.f32 v29, v11;
	v29 =	vmul.f32 v45, v55;
	v12 =	vadd.f32 v17, v12;
	v17 =	vld.idx.msk [tilespmem:v20+s16+$0x0], $0xffff  }
0x244: {  	v20 =	vld.idx.msk [tilespmem:v20+s17+$0x0], $0xffff  }
0x245: {  	v21 =	vadd.f32 v29, v21;
	v29 =	vld.idx.msk [tilespmem:v19+s16+$0x0], $0xffff  }
0x246: {  	v48 =	vmul.f32 v44, v43;
	v19 =	vld.idx.msk [tilespmem:v19+s17+$0x0], $0xffff  }
0x247: {  	v52 =	vor.u32 v27, v7;
	v27 =	vld [tilespmem:$0x1FBC0]  }
0x248: {  	v15 =	vmul.f32 v18, v15;
	v18 =	vadd.f32 v48, v21;
	v21 =	vmul.f32 v25, v22;
	v22 =	vld [tilespmem:$0x1FFC0]  }
0x249: {  	v25 =	vld [tilespmem:$0x1FAF0]  }
0x24a: {  	v11 =	vadd.f32 v11, v12;
	v12 =	vadd.f32 v14, v18;
	v14 =	vld.idx.msk [tilespmem:v50+s17+$0x0], $0xffff  }
0x24b: {  	v39 =	vmul.f32 v39, v47;
	v18 =	vld [tilespmem:$0x1FEF0]  }
0x24c: {  	v12 =	vadd.f32 v13, v12;
	v13 =	vld [tilespmem:$0x1FB30];
	v8 =	vadd.f32 v8, v27  }
0x24d: {  	v5 =	vadd.f32 v39, v5;
	v27 =	vld [tilespmem:$0x1FB40]  }
0x24e: {  	v8 =	vadd.f32 v15, v8;
	v15 =	vmul.f32 v26, v23;
	v26 =	vld [tilespmem:$0x1FB00]  }
0x24f: {  	v5 =	vadd.f32 v21, v5;
	v21 =	vld [tilespmem:$0x1FB10]  }
0x250: {  	v22 =	vor.u32 v22, v7;
	v3 =	vadd.f32 v3, v12;
	v12 =	vld [tilespmem:$0x1FC80]  }
0x251: {  	v9 =	vadd.f32 v9, v11;
	v11 =	vld.idx.msk [tilespmem:v52+s17+$0x0], $0xffff  }
0x252: {  	v13 =	vmul.f32 v27, v13;
	v27 =	vld [tilespmem:$0x1FB50]  }
0x253: {  	v25 =	vmul.f32 v26, v25;
	v26 =	vld [tilespmem:$0x1FB20]  }
0x254: {  	v23 =	vld.idx.msk [tilespmem:v50+s16+$0x0], $0xffff  }
0x255: {  	v18 =	vor.u32 v18, v7;
	v55 =	vld.idx.msk [tilespmem:v22+s16+$0x0], $0xffff  }
0x256: {  	v22 =	vld.idx.msk [tilespmem:v22+s17+$0x0], $0xffff  }
0x257: {  	v40 =	vmul.f32 v57, v27;
	v27 =	vld [tilespmem:$0x1FD30]  }
0x258: {  	v21 =	vmul.f32 v26, v21;
	v26 =	vld [tilespmem:$0x1FF00]  }
0x259: {  	v8 =	vadd.f32 v15, v8;
	v15 =	vld.idx.msk [tilespmem:v52+s16+$0x0], $0xffff  }
0x25a: {  	v60 =	vld.idx.msk [tilespmem:v18+s16+$0x0], $0xffff  }
0x25b: {  	v8 =	vadd.f32 v21, v8;
	v21 =	vld [tilespmem:$0x1FF10]  }
0x25c: {  	v56 =	vmul.f32 v59, v58;
	v59 =	vor.u32 v27, v7;
	v27 =	vld [tilespmem:$0x1FED0]  }
0x25d: {  	v18 =	vld.idx.msk [tilespmem:v18+s17+$0x0], $0xffff;
	v5 =	vadd.f32 v25, v5;
	v26 =	vor.u32 v26, v7  }
0x25e: {  	v25 =	vld [tilespmem:$0x1F850]  }
0x25f: {  	v4 =	vadd.f32 v4, v5;
	v5 =	vld [tilespmem:$0x1FCA0]  }
0x260: {  	v6 =	vadd.f32 v6, v8;
	v8 =	vld [tilespmem:$0x1FCE0];
	v21 =	vor.u32 v21, v7  }
0x261: {  	v61 =	vor.u32 v27, v7;
	v27 =	vld [tilespmem:$0x1FCC0]  }
0x262: {  	v16 =	vmul.f32 v16, v30;
	v30 =	vld.idx.msk [tilespmem:v26+s16+$0x0], $0xffff  }
0x263: {  	v3 =	vadd.f32 v53, v3;
	v26 =	vld.idx.msk [tilespmem:v26+s17+$0x0], $0xffff  }
0x264: {  	v11 =	vmul.f32 v11, v15;
	v15 =	vld [tilespmem:$0x1FBF0]  }
0x265: {  	v9 =	vadd.f32 v62, v9;
	v3 =	vadd.f32 v35, v3;
	v62 =	vld.idx.msk [tilespmem:v21+s16+$0x0], $0xffff  }
0x266: {  	v17 =	vmul.f32 v20, v17;
	v8 =	vor.u32 v8, v7;
	v21 =	vld.idx.msk [tilespmem:v21+s17+$0x0], $0xffff  }
0x267: {  	v12 =	vor.u32 v12, v7;
	v3 =	vadd.f32 v10, v3;
	v25 =	vor.u32 v25, v7;
	v20 =	vld.idx.msk [tilespmem:v61+s16+$0x0], $0xffff  }
0x268: {  	v5 =	vor.u32 v5, v7;
	v7 =	vor.u32 v27, v7;
	v10 =	vmul.f32 v26, v30;
	v26 =	vld [tilespmem:$0x1FBD0]  }
0x269: {  	v27 =	vld [tilespmem:$0x1FBE0]  }
0x26a: {  	v14 =	vmul.f32 v14, v23;
	v23 =	vld.idx.msk [tilespmem:v61+s17+$0x0], $0xffff  }
0x26b: {  	v22 =	vmul.f32 v22, v55;
	v63 =	vld.idx.msk [tilespmem:v8+s16+$0x0], $0xffff  }
0x26c: {  	v18 =	vmul.f32 v18, v60;
	v8 =	vld.idx.msk [tilespmem:v8+s17+$0x0], $0xffff  }
0x26d: {  	v22 =	vadd.f32 v22, v26;
	v26 =	vld.idx.msk [tilespmem:v7+s16+$0x0], $0xffff  }
0x26e: {  	v18 =	vadd.f32 v18, v27;
	v7 =	vld.idx.msk [tilespmem:v7+s17+$0x0], $0xffff  }
0x26f: {  	v10 =	vadd.f32 v10, v15;
	v15 =	vadd.f32 v17, v22;
	v22 =	vld [tilespmem:$0x1FC00]  }
0x270: {  	v14 =	vadd.f32 v14, v18;
	v17 =	vld.idx.msk [tilespmem:v5+s16+$0x0], $0xffff  }
0x271: {  	v34 =	vmul.f32 v36, v34;
	v10 =	vadd.f32 v11, v10;
	v18 =	vmul.f32 v19, v29;
	v5 =	vld.idx.msk [tilespmem:v5+s17+$0x0], $0xffff  }
0x272: {  	v21 =	vmul.f32 v21, v62;
	v14 =	vadd.f32 v16, v14;
	v16 =	vld [tilespmem:$0x1FB70]  }
0x273: {  	v10 =	vadd.f32 v18, v10;
	v18 =	vld.idx.msk [tilespmem:v59+s17+$0x0], $0xffff;
	v11 =	vadd.f32 v34, v15  }
0x274: {  	v20 =	vmul.f32 v23, v20;
	v15 =	vld.idx.msk [tilespmem:v12+s16+$0x0], $0xffff;
	v21 =	vadd.f32 v21, v22  }
0x275: {  	v12 =	vld.idx.msk [tilespmem:v12+s17+$0x0], $0xffff;
	v11 =	vadd.f32 v13, v11  }
0x276: {  	v9 =	vadd.f32 v51, v9;
	v8 =	vmul.f32 v8, v63;
	v13 =	vld.idx.msk [tilespmem:v59+s16+$0x0], $0xffff;
	v19 =	vadd.f32 v20, v21  }
0x277: {  	v2 =	vadd.f32 v2, v11;
	v11 =	vld.idx.msk [tilespmem:v25+s16+$0x0], $0xffff  }
0x278: {  	v9 =	vadd.f32 v46, v9;
	v7 =	vmul.f32 v7, v26;
	v20 =	vld [tilespmem:$0x1FB80];
	v8 =	vadd.f32 v8, v19  }
0x279: {  	v19 =	vld [tilespmem:$0x1FAD0]  }
0x27a: {  	v9 =	vadd.f32 v31, v9;
	v7 =	vadd.f32 v7, v8;
	v8 =	vld.idx.msk [tilespmem:v25+s17+$0x0], $0xffff  }
0x27b: {  	[tilespmem:$0x8210] =	vst v3;
	v3 =	vld [tilespmem:$0x1F9F0]  }
0x27c: {  	v4 =	vadd.f32 v54, v4;
	v14 =	vadd.f32 v40, v14;
	[tilespmem:$0x8200] =	vst v9;
	v9 =	vld [tilespmem:$0x1FA00]  }
0x27d: {  	v5 =	vmul.f32 v5, v17;
	v16 =	vmul.f32 v20, v16;
	v20 =	vld [tilespmem:$0x1FAE0]  }
0x27e: {  	v4 =	vadd.f32 v37, v4;
	v1 =	vadd.f32 v1, v14;
	v14 =	vld [tilespmem:$0x1FAB0]  }
0x27f: {  	v5 =	vadd.f32 v5, v7;
	v7 =	vmul.f32 v12, v15;
	v10 =	vadd.f32 v16, v10;
	v16 =	vld [tilespmem:$0x1FAC0]  }
0x280: {  	v6 =	vadd.f32 v56, v6;
	v0 =	vadd.f32 v0, v1;
	v1 =	vld [tilespmem:$0x1FA80]  }
0x281: {  	v4 =	vadd.f32 v32, v4;
	v12 =	vld [tilespmem:$0x1FA90];
	v5 =	vadd.f32 v7, v5;
	v7 =	vmul.f32 v18, v13  }
0x282: {  	v6 =	vadd.f32 v38, v6;
	v3 =	vmul.f32 v9, v3;
	v9 =	vld [tilespmem:$0x1F5F0];
	v19 =	vmul.f32 v20, v19  }
0x283: {  	v2 =	vadd.f32 v49, v2;
	[tilespmem:$0x8220] =	vst v4;
	v4 =	vadd.f32 v7, v5;
	v7 =	vld [tilespmem:$0x1F600]  }
0x284: {  	v14 =	vmul.f32 v16, v14;
	v10 =	vadd.f32 v19, v10  }
0x285: {  	v6 =	vadd.f32 v28, v6;
	v2 =	vadd.f32 v24, v2  }
0x286: {  	v0 =	vadd.f32 v33, v0;
	v1 =	vmul.f32 v12, v1;
	v10 =	vadd.f32 v14, v10  }
0x287: {  	v5 =	vmul.f32 v8, v11;
	v2 =	vadd.f32 v9, v2  }
0x288: {  	[tilespmem:$0x8230] =	vst v6;
	v0 =	vadd.f32 v7, v0;
	v1 =	vadd.f32 v1, v10  }
0x289: {  	[tilespmem:$0x8240] =	vst v2;
	v2 =	vadd.f32 v5, v4  }
0x28a: {  	s0 =	sadd.s32 s4, s31;
	[tilespmem:$0x8250] =	vst v0;
	v1 =	vadd.f32 v3, v1  }
0x28b: {  	s0 =	sshrl.u32 s0, $0x3;
	[tilespmem:$0x8270] =	vst v2  }
0x28c: {  	s0 =	sadd.s32 s8, s0;
	[tilespmem:$0x8260] =	vst v1  }
0x28d: {  	[hbm4b:s0+s2] =	stream.linear.scatter [tilespmem:s24], [sflag:$0x5], $0x80, $0x38;
	[tilespmem:$0x8280] =	vst v63  }
0x28e: {  	s31 =	sadd.s32 s31, s12;
	_ =	swait.ge [sflag:s14], $0x80  }
0x28f: {  	s0 =	sshrl.u32 s31, $0x3;
	[sflag:s14] =	ssyncset.done $0x0  }
0x290: {  	s31 =	sadd.s32 s6, s0;
	[sflag:s14] =	ssyncadd.s32 $0xFFFFFF80  }
0x291: {  	[tilespmem:s2], [sflag:$0x5] =	stream.linear.gather [hbm4b:s31+s2], $0x80, $0x38;
	[tilespmem:$0x8280] =	vst v63  }
0x292: {  	_ =	swait.ge [sflag:s14], $0x80  }
0x293: {  	[sflag:s14] =	ssyncset.done $0x0  }
0x294: {  	s0 =	sadd.s32 s7, s0;
	[sflag:s14] =	ssyncadd.s32 $0xFFFFFF80  }
0x295: {  	[tilespmem:s15], [sflag:$0x5] =	stream.linear.gather [hbm4b:s0+s2], $0x80, $0x38;
	[tilespmem:$0x8280] =	vst v63  }
0x296: {  	_ =	swait.ge [sflag:s14], $0x80  }
0x297: {  	[sflag:s14] =	ssyncset.done $0x0  }
0x298: {  	s0 =	simm.s32 $0x0;
	[sflag:s14] =	ssyncadd.s32 $0xFFFFFF80  }
0x299: {  	[tilespmem:s16], [sflag:$0x1] =	stream.indirect.gather [hbm4b:s3+s15], $0x40, s2, s15, $0xb8;
	[tilespmem:$0x8280] =	vst v63  }
0x29a: {  	v0 =	vmov s0  }
0x29b: {  	v0 =	vshrl.u32 v0, $0x3;
	[tilespmem:s17], [sflag:$0x2] =	stream.indirect.gather [hbm4b:s5+s15], $0x40, s15, s15, $0xb8;
	[tilespmem:$0x8280] =	vst v63  }
0x29c: {  	v0 =	vshll.u32 v0, $0x3;
	_ =	swait.ge [sflag:s25], $0x2000  }
0x29d: {  	v5 =	vbroadcast v0, $0x0;
	v0 =	vld [tilespmem:$0x1FC50];
	_ =	sdelay $0x4  }
0x29e: {  	[sflag:s25] =	ssyncset.done $0x0;
	v0 =	vor.u32 v0, v5  }
0x29f: {  	[sflag:s25] =	ssyncadd.s32 $0xFFFFE000  }
0x2a0: {  	_ =	swait.ge [sflag:s26], $0x2000  }
0x2a1: {  	v1 =	vld [tilespmem:$0x1FC60];
	[sflag:s26] =	ssyncset.done $0x0  }
0x2a2: {  	v3 =	vld [tilespmem:$0x1FD50];
	[sflag:s26] =	ssyncadd.s32 $0xFFFFE000  }
0x2a3: {  	v37 =	vld.idx.msk [tilespmem:v0+s20+$0x0], $0xffff  }
0x2a4: {  	v43 =	vld.idx.msk [tilespmem:v0+s21+$0x0], $0xffff  }
0x2a5: {  	v0 =	vld [tilespmem:$0x1FD80];
	_ =	sdelay $0x1  }
0x2a6: {  	v1 =	vor.u32 v1, v5  }
0x2a7: {  	v3 =	vor.u32 v3, v5  }
0x2a8: {  	v2 =	vld [tilespmem:$0x1FC70]  }
0x2a9: {  	v0 =	vor.u32 v0, v5;
	_ =	sdelay $0x1  }
0x2aa: {  	v45 =	vld.idx.msk [tilespmem:v1+s20+$0x0], $0xffff  }
0x2ab: {  	v48 =	vld.idx.msk [tilespmem:v3+s20+$0x0], $0xffff  }
0x2ac: {  	v2 =	vor.u32 v2, v5;
	v32 =	vld.idx.msk [tilespmem:v3+s21+$0x0], $0xffff  }
0x2ad: {  	v3 =	vld.idx.msk [tilespmem:v0+s20+$0x0], $0xffff  }
0x2ae: {  	v44 =	vld.idx.msk [tilespmem:v1+s21+$0x0], $0xffff  }
0x2af: {  	v1 =	vld [tilespmem:$0x1FDB0];
	_ =	sdelay $0x1  }
0x2b0: {  	v46 =	vld.idx.msk [tilespmem:v2+s20+$0x0], $0xffff  }
0x2b1: {  	v47 =	vld.idx.msk [tilespmem:v2+s21+$0x0], $0xffff;
	[tilespmem:$0x1F610] =	vst v3  }
0x2b2: {  	v0 =	vld.idx.msk [tilespmem:v0+s21+$0x0], $0xffff  }
0x2b3: {  	v1 =	vor.u32 v1, v5;
	_ =	sdelay $0x3  }
0x2b4: {  	[tilespmem:$0x1F620] =	vst v0  }
0x2b5: {  	v0 =	vld.idx.msk [tilespmem:v1+s20+$0x0], $0xffff;
	_ =	sdelay $0x1  }
0x2b6: {  	v2 =	vld [tilespmem:$0x1FDA0];
	_ =	sdelay $0x2  }
0x2b7: {  	[tilespmem:$0x1F630] =	vst v0  }
0x2b8: {  	v1 =	vld.idx.msk [tilespmem:v1+s21+$0x0], $0xffff  }
0x2b9: {  	v2 =	vor.u32 v2, v5;
	_ =	sdelay $0x3  }
0x2ba: {  	[tilespmem:$0x1F640] =	vst v1  }
0x2bb: {  	v1 =	vld.idx.msk [tilespmem:v2+s20+$0x0], $0xffff;
	_ =	sdelay $0x1  }
0x2bc: {  	v3 =	vld [tilespmem:$0x1FC90];
	_ =	sdelay $0x2  }
0x2bd: {  	[tilespmem:$0x1F650] =	vst v1  }
0x2be: {  	v2 =	vld.idx.msk [tilespmem:v2+s21+$0x0], $0xffff  }
0x2bf: {  	v3 =	vor.u32 v3, v5;
	_ =	sdelay $0x3  }
0x2c0: {  	[tilespmem:$0x1F660] =	vst v2  }
0x2c1: {  	v2 =	vld.idx.msk [tilespmem:v3+s20+$0x0], $0xffff;
	_ =	sdelay $0x1  }
0x2c2: {  	v0 =	vld [tilespmem:$0x1FCB0];
	_ =	sdelay $0x2  }
0x2c3: {  	[tilespmem:$0x1F670] =	vst v2  }
0x2c4: {  	v2 =	vld.idx.msk [tilespmem:v3+s21+$0x0], $0xffff  }
0x2c5: {  	v0 =	vor.u32 v0, v5  }
0x2c6: {  	v1 =	vld [tilespmem:$0x1FCD0];
	_ =	sdelay $0x2  }
0x2c7: {  	[tilespmem:$0x1F680] =	vst v2  }
0x2c8: {  	v3 =	vld.idx.msk [tilespmem:v0+s20+$0x0], $0xffff  }
0x2c9: {  	v1 =	vor.u32 v1, v5;
	_ =	sdelay $0x3  }
0x2ca: {  	[tilespmem:$0x1F690] =	vst v3  }
0x2cb: {  	v3 =	vld.idx.msk [tilespmem:v1+s20+$0x0], $0xffff  }
0x2cc: {  	v35 =	vld.idx.msk [tilespmem:v0+s21+$0x0], $0xffff  }
0x2cd: {  	v0 =	vld [tilespmem:$0x1FD00];
	_ =	sdelay $0x2  }
0x2ce: {  	v2 =	vld [tilespmem:$0x1FCF0];
	[tilespmem:$0x1F6A0] =	vst v3  }
0x2cf: {  	v1 =	vld.idx.msk [tilespmem:v1+s21+$0x0], $0xffff  }
0x2d0: {  	v0 =	vor.u32 v0, v5;
	_ =	sdelay $0x3  }
0x2d1: {  	v2 =	vor.u32 v2, v5;
	[tilespmem:$0x1F6B0] =	vst v1  }
0x2d2: {  	v3 =	vld.idx.msk [tilespmem:v0+s20+$0x0], $0xffff;
	_ =	sdelay $0x1  }
0x2d3: {  	v1 =	vld [tilespmem:$0x1FD10];
	_ =	sdelay $0x1  }
0x2d4: {  	v38 =	vld.idx.msk [tilespmem:v2+s20+$0x0], $0xffff  }
0x2d5: {  	v36 =	vld.idx.msk [tilespmem:v2+s21+$0x0], $0xffff;
	[tilespmem:$0x1F6C0] =	vst v3  }
0x2d6: {  	v0 =	vld.idx.msk [tilespmem:v0+s21+$0x0], $0xffff  }
0x2d7: {  	v1 =	vor.u32 v1, v5;
	_ =	sdelay $0x1  }
0x2d8: {  	v2 =	vld [tilespmem:$0x1FD20];
	_ =	sdelay $0x1  }
0x2d9: {  	[tilespmem:$0x1F6D0] =	vst v0  }
0x2da: {  	v0 =	vld.idx.msk [tilespmem:v1+s20+$0x0], $0xffff;
	_ =	sdelay $0x1  }
0x2db: {  	v2 =	vor.u32 v2, v5;
	_ =	sdelay $0x2  }
0x2dc: {  	[tilespmem:$0x1F6E0] =	vst v0  }
0x2dd: {  	v49 =	vld.idx.msk [tilespmem:v1+s21+$0x0], $0xffff  }
0x2de: {  	v1 =	vld.idx.msk [tilespmem:v2+s20+$0x0], $0xffff;
	_ =	sdelay $0x2  }
0x2df: {  	v0 =	vld [tilespmem:$0x1FDC0];
	_ =	sdelay $0x1  }
0x2e0: {  	[tilespmem:$0x1F6F0] =	vst v1  }
0x2e1: {  	v2 =	vld.idx.msk [tilespmem:v2+s21+$0x0], $0xffff;
	_ =	sdelay $0x1  }
0x2e2: {  	v0 =	vor.u32 v0, v5;
	v1 =	vld [tilespmem:$0x1FF20];
	_ =	sdelay $0x2  }
0x2e3: {  	[tilespmem:$0x1F700] =	vst v2;
	v2 =	vld [tilespmem:$0x1FD40];
	_ =	sdelay $0x1  }
0x2e4: {  	v1 =	vor.u32 v1, v5;
	v54 =	vld.idx.msk [tilespmem:v0+s20+$0x0], $0xffff  }
0x2e5: {  	v55 =	vld.idx.msk [tilespmem:v0+s21+$0x0], $0xffff  }
0x2e6: {  	v0 =	vld [tilespmem:$0x1FD60]  }
0x2e7: {  	v2 =	vor.u32 v2, v5;
	_ =	sdelay $0x1  }
0x2e8: {  	v56 =	vld.idx.msk [tilespmem:v1+s20+$0x0], $0xffff  }
0x2e9: {  	v57 =	vld.idx.msk [tilespmem:v1+s21+$0x0], $0xffff  }
0x2ea: {  	v1 =	vld [tilespmem:$0x1FD70];
	v0 =	vor.u32 v0, v5  }
0x2eb: {  	v58 =	vld.idx.msk [tilespmem:v2+s20+$0x0], $0xffff  }
0x2ec: {  	v59 =	vld.idx.msk [tilespmem:v2+s21+$0x0], $0xffff  }
0x2ed: {  	v2 =	vld [tilespmem:$0x1FD90]  }
0x2ee: {  	v3 =	vld [tilespmem:$0x1FE70]  }
0x2ef: {  	v60 =	vld.idx.msk [tilespmem:v0+s20+$0x0], $0xffff  }
0x2f0: {  	v1 =	vor.u32 v1, v5;
	v62 =	vld.idx.msk [tilespmem:v0+s21+$0x0], $0xffff  }
0x2f1: {  	v0 =	vld [tilespmem:$0x1FE30]  }
0x2f2: {  	v2 =	vor.u32 v2, v5;
	_ =	sdelay $0x2  }
0x2f3: {  	v3 =	vor.u32 v3, v5;
	v61 =	vld.idx.msk [tilespmem:v1+s20+$0x0], $0xffff  }
0x2f4: {  	v4 =	vor.u32 v0, v5;
	v0 =	vld.idx.msk [tilespmem:v1+s21+$0x0], $0xffff  }
0x2f5: {  	v1 =	vld.idx.msk [tilespmem:v2+s20+$0x0], $0xffff;
	_ =	sdelay $0x2  }
0x2f6: {  	v52 =	vld.idx.msk [tilespmem:v3+s20+$0x0], $0xffff  }
0x2f7: {  	v53 =	vld.idx.msk [tilespmem:v3+s21+$0x0], $0xffff  }
0x2f8: {  	[tilespmem:$0x1F710] =	vst v1;
	v1 =	vld [tilespmem:$0x1FDE0]  }
0x2f9: {  	v3 =	vld [tilespmem:$0x1FDD0];
	_ =	sdelay $0x3  }
0x2fa: {  	v6 =	vor.u32 v1, v5;
	v1 =	vld.idx.msk [tilespmem:v2+s21+$0x0], $0xffff  }
0x2fb: {  	v3 =	vor.u32 v3, v5  }
0x2fc: {  	v7 =	vld [tilespmem:$0x1FE10]  }
0x2fd: {  	v2 =	vld [tilespmem:$0x1FDF0];
	_ =	sdelay $0x1  }
0x2fe: {  	v9 =	vld [tilespmem:$0x1FE20];
	[tilespmem:$0x1F720] =	vst v1  }
0x2ff: {  	v63 =	vld.idx.msk [tilespmem:v3+s20+$0x0], $0xffff  }
0x300: {  	v1 =	vld.idx.msk [tilespmem:v3+s21+$0x0], $0xffff  }
0x301: {  	v11 =	vor.u32 v7, v5;
	v8 =	vor.u32 v2, v5;
	v2 =	vld.idx.msk [tilespmem:v4+s20+$0x0], $0xffff  }
0x302: {  	v3 =	vld.idx.msk [tilespmem:v4+s21+$0x0], $0xffff  }
0x303: {  	v14 =	vor.u32 v9, v5;
	v4 =	vld [tilespmem:$0x1FE40];
	_ =	sdelay $0x1  }
0x304: {  	v12 =	vld [tilespmem:$0x1FE50]  }
0x305: {  	v13 =	vld.idx.msk [tilespmem:v11+s20+$0x0], $0xffff  }
0x306: {  	v15 =	vld.idx.msk [tilespmem:v11+s21+$0x0], $0xffff  }
0x307: {  	v11 =	vld.idx.msk [tilespmem:v14+s20+$0x0], $0xffff;
	v10 =	vor.u32 v4, v5  }
0x308: {  	v7 =	vld.idx.msk [tilespmem:v8+s20+$0x0], $0xffff  }
0x309: {  	v8 =	vld.idx.msk [tilespmem:v8+s21+$0x0], $0xffff  }
0x30a: {  	v4 =	vld.idx.msk [tilespmem:v6+s20+$0x0], $0xffff  }
0x30b: {  	v6 =	vld.idx.msk [tilespmem:v6+s21+$0x0], $0xffff  }
0x30c: {  	v9 =	vld.idx.msk [tilespmem:v10+s20+$0x0], $0xffff  }
0x30d: {  	v16 =	vor.u32 v12, v5;
	v12 =	vld.idx.msk [tilespmem:v10+s21+$0x0], $0xffff  }
0x30e: {  	v10 =	vld [tilespmem:$0x1FE60]  }
0x30f: {  	[tilespmem:$0x1F730] =	vst v11;
	v11 =	vld [tilespmem:$0x1FE80]  }
0x310: {  	v14 =	vld.idx.msk [tilespmem:v14+s21+$0x0], $0xffff;
	_ =	sdelay $0x2  }
0x311: {  	v10 =	vor.u32 v10, v5  }
0x312: {  	v11 =	vor.u32 v11, v5  }
0x313: {  	[tilespmem:$0x1F740] =	vst v14;
	v14 =	vld [tilespmem:$0x1FE90]  }
0x314: {  	v17 =	vld.idx.msk [tilespmem:v16+s20+$0x0], $0xffff  }
0x315: {  	v18 =	vld.idx.msk [tilespmem:v16+s21+$0x0], $0xffff  }
0x316: {  	v20 =	vld.idx.msk [tilespmem:v10+s20+$0x0], $0xffff  }
0x317: {  	v16 =	vld.idx.msk [tilespmem:v11+s20+$0x0], $0xffff  }
0x318: {  	v21 =	vld.idx.msk [tilespmem:v10+s21+$0x0], $0xffff;
	v14 =	vor.u32 v14, v5  }
0x319: {  	v10 =	vld [tilespmem:$0x1FF40];
	_ =	sdelay $0x2  }
0x31a: {  	[tilespmem:$0x1F750] =	vst v16  }
0x31b: {  	v16 =	vld.idx.msk [tilespmem:v14+s20+$0x0], $0xffff  }
0x31c: {  	v10 =	vor.u32 v10, v5;
	_ =	sdelay $0x3  }
0x31d: {  	v51 =	vld.idx.msk [tilespmem:v11+s21+$0x0], $0xffff;
	[tilespmem:$0x1F760] =	vst v16  }
0x31e: {  	v16 =	vld.idx.msk [tilespmem:v10+s20+$0x0], $0xffff;
	_ =	sdelay $0x1  }
0x31f: {  	v11 =	vld [tilespmem:$0x1FF30];
	_ =	sdelay $0x2  }
0x320: {  	v50 =	vld.idx.msk [tilespmem:v14+s21+$0x0], $0xffff;
	[tilespmem:$0x1F770] =	vst v16  }
0x321: {  	v10 =	vld.idx.msk [tilespmem:v10+s21+$0x0], $0xffff  }
0x322: {  	v11 =	vor.u32 v11, v5;
	_ =	sdelay $0x3  }
0x323: {  	[tilespmem:$0x1F780] =	vst v10  }
0x324: {  	v16 =	vld.idx.msk [tilespmem:v11+s20+$0x0], $0xffff;
	_ =	sdelay $0x4  }
0x325: {  	v14 =	vld [tilespmem:$0x1FF50];
	[tilespmem:$0x1F790] =	vst v16  }
0x326: {  	v11 =	vld.idx.msk [tilespmem:v11+s21+$0x0], $0xffff;
	_ =	sdelay $0x4  }
0x327: {  	v14 =	vor.u32 v14, v5;
	[tilespmem:$0x1F7A0] =	vst v11;
	v11 =	vld [tilespmem:$0x1FEB0];
	_ =	sdelay $0x4  }
0x328: {  	v16 =	vor.u32 v11, v5;
	v11 =	vld.idx.msk [tilespmem:v14+s20+$0x0], $0xffff;
	_ =	sdelay $0x1  }
0x329: {  	v10 =	vld [tilespmem:$0x1FEA0];
	_ =	sdelay $0x2  }
0x32a: {  	[tilespmem:$0x1F7B0] =	vst v11  }
0x32b: {  	v11 =	vld.idx.msk [tilespmem:v14+s21+$0x0], $0xffff  }
0x32c: {  	v10 =	vor.u32 v10, v5;
	_ =	sdelay $0x3  }
0x32d: {  	[tilespmem:$0x1F7C0] =	vst v11;
	v11 =	vld [tilespmem:$0x1FEE0]  }
0x32e: {  	v29 =	vld.idx.msk [tilespmem:v10+s21+$0x0], $0xffff  }
0x32f: {  	v30 =	vld.idx.msk [tilespmem:v16+s20+$0x0], $0xffff  }
0x330: {  	v14 =	vld.idx.msk [tilespmem:v16+s21+$0x0], $0xffff  }
0x331: {  	v16 =	vld [tilespmem:$0x1FF80]  }
0x332: {  	v23 =	vor.u32 v11, v5;
	v11 =	vld.idx.msk [tilespmem:v10+s20+$0x0], $0xffff  }
0x333: {  	v10 =	vld [tilespmem:$0x1FF60];
	_ =	sdelay $0x2  }
0x334: {  	v31 =	vor.u32 v16, v5;
	v16 =	vld [tilespmem:$0x1FF90];
	_ =	sdelay $0x1  }
0x335: {  	v19 =	vor.u32 v10, v5  }
0x336: {  	v10 =	vimm.f32 $0.0e+00  }
0x337: {  	[tilespmem:$0x1F7D0] =	vst v10;
	v10 =	vld [tilespmem:$0x1FF70]  }
0x338: {  	v28 =	vor.u32 v16, v5;
	v16 =	vimm.f32 $0.0e+00;
	v22 =	vld.idx.msk [tilespmem:v23+s20+$0x0], $0xffff  }
0x339: {  	v25 =	vld.idx.msk [tilespmem:v23+s21+$0x0], $0xffff;
	[tilespmem:$0x1F7E0] =	vst v16;
	v16 =	vimm.f32 $0.0e+00  }
0x33a: {  	v23 =	vld.idx.msk [tilespmem:v19+s20+$0x0], $0xffff;
	[tilespmem:$0x1F7F0] =	vst v16;
	v16 =	vimm.f32 $0.0e+00  }
0x33b: {  	[tilespmem:$0x1F800] =	vst v16;
	v16 =	vimm.f32 $0.0e+00  }
0x33c: {  	[tilespmem:$0x1F810] =	vst v16;
	v16 =	vimm.f32 $0.0e+00  }
0x33d: {  	v26 =	vld.idx.msk [tilespmem:v19+s21+$0x0], $0xffff;
	[tilespmem:$0x1F820] =	vst v16;
	v16 =	vimm.f32 $0.0e+00  }
0x33e: {  	[tilespmem:$0x1F830] =	vst v16;
	v16 =	vimm.f32 $0.0e+00  }
0x33f: {  	v10 =	vor.u32 v10, v5;
	[tilespmem:$0x1F840] =	vst v16  }
.LBB2_5:
0x340: {  	_ =	sdelay $0x3  }
0x341: {  	v16 =	vld.idx.msk [tilespmem:v10+s20+$0x0], $0xffff  }
0x342: {  	v10 =	vld.idx.msk [tilespmem:v10+s21+$0x0], $0xffff;
	_ =	sdelay $0x2  }
0x343: {  	s0 =	sadd.s32 $0x8, s0  }
0x344: {  	[tilespmem:$0x1F4D0] =	vst v16;
	v16 =	vmov s0  }
0x345: {  	[tilespmem:$0x1F4E0] =	vst v10;
	v10 =	vshrl.u32 v16, $0x3;
	v16 =	vld.idx.msk [tilespmem:v31+s20+$0x0], $0xffff;
	_ =	sdelay $0x4  }
0x346: {  	[tilespmem:$0x1F4F0] =	vst v16;
	v16 =	vld [tilespmem:$0x1FC40];
	_ =	sdelay $0x4  }
0x347: {  	v33 =	vor.u32 v16, v5;
	v16 =	vld.idx.msk [tilespmem:v31+s21+$0x0], $0xffff;
	_ =	sdelay $0x4  }
0x348: {  	[tilespmem:$0x1F500] =	vst v16;
	v16 =	vld.idx.msk [tilespmem:v28+s20+$0x0], $0xffff;
	_ =	sdelay $0x4  }
0x349: {  	[tilespmem:$0x1F550] =	vst v16;
	v16 =	vld [tilespmem:$0x1FFD0];
	_ =	sdelay $0x4  }
0x34a: {  	v34 =	vor.u32 v16, v5;
	v16 =	vld.idx.msk [tilespmem:v28+s21+$0x0], $0xffff;
	_ =	sdelay $0x4  }
0x34b: {  	[tilespmem:$0x1F560] =	vst v16;
	v16 =	vld [tilespmem:$0x1FC50]  }
0x34c: {  	v19 =	vld [tilespmem:$0x1FC30]  }
0x34d: {  	v10 =	vshll.u32 v10, $0x3  }
0x34e: {  	v10 =	vbroadcast v10, $0x0;
	_ =	sdelay $0x1  }
0x34f: {  	v27 =	vor.u32 v16, v10;
	v16 =	vld [tilespmem:$0x1FC60]  }
0x350: {  	v42 =	vmov v32;
	v32 =	vor.u32 v19, v5;
	v19 =	vld [tilespmem:$0x1FC70];
	_ =	sdelay $0x3  }
0x351: {  	v56 =	vmul.f32 v57, v56;
	v57 =	vmul.f32 v59, v58;
	v59 =	vld [tilespmem:$0x1FFB0];
	v16 =	vor.u32 v16, v10  }
0x352: {  	[tilespmem:$0x1F570] =	vst v16;
	v16 =	vor.u32 v19, v10;
	v19 =	vld [tilespmem:$0x1FD50]  }
0x353: {  	v24 =	vld [tilespmem:$0x1FD80]  }
0x354: {  	v52 =	vmul.f32 v53, v52  }
0x355: {  	v53 =	vmul.f32 v55, v54;
	v55 =	vld [tilespmem:$0x1FCC0];
	v0 =	vmul.f32 v0, v61  }
0x356: {  	v61 =	vld [tilespmem:$0x1FCE0];
	v3 =	vmul.f32 v3, v2;
	v2 =	vmul.f32 v15, v13  }
0x357: {  	v13 =	vmul.f32 v18, v17;
	v17 =	vld [tilespmem:$0x1FFC0];
	v59 =	vor.u32 v59, v5;
	[tilespmem:$0x1F580] =	vst v16;
	v16 =	vor.u32 v19, v10  }
0x358: {  	[tilespmem:$0x1F5A0] =	vst v16;
	v16 =	vor.u32 v24, v10;
	v24 =	vld [tilespmem:$0x1FDB0]  }
0x359: {  	v15 =	vmul.f32 v21, v20;
	v20 =	vld [tilespmem:$0x1FEF0]  }
0x35a: {  	v19 =	vld [tilespmem:$0x1FFE0]  }
0x35b: {  	v39 =	vld.idx.msk [tilespmem:v32+s20+$0x0], $0xffff  }
0x35c: {  	v18 =	vld.idx.msk [tilespmem:v59+s20+$0x0], $0xffff  }
0x35d: {  	[tilespmem:$0x1F5D0] =	vst v16;
	v16 =	vor.u32 v24, v10;
	v24 =	vld [tilespmem:$0x1F850]  }
0x35e: {  	v31 =	vmov v37;
	v40 =	vld.idx.msk [tilespmem:v33+s20+$0x0], $0xffff  }
0x35f: {  	v37 =	vor.u32 v19, v5;
	v19 =	vld.idx.msk [tilespmem:v32+s21+$0x0], $0xffff;
	[tilespmem:$0x1F5E0] =	vst v16;
	v16 =	vmul.f32 v43, v31  }
0x360: {  	v43 =	vld.idx.msk [tilespmem:v34+s20+$0x0], $0xffff  }
0x361: {  	v31 =	vld [tilespmem:$0x1FD30];
	[tilespmem:$0x1F510] =	vst v16;
	v16 =	vmul.f32 v44, v45  }
0x362: {  	v28 =	vor.u32 v24, v5;
	v24 =	vld [tilespmem:$0x1FC20]  }
0x363: {  	[tilespmem:$0x1F520] =	vst v16;
	v16 =	vmul.f32 v47, v46;
	v46 =	vld [tilespmem:$0x1FFF0]  }
0x364: {  	v47 =	vld [tilespmem:$0x1F610]  }
0x365: {  	[tilespmem:$0x1F530] =	vst v16;
	v16 =	vmul.f32 v42, v48;
	v48 =	vld [tilespmem:$0x1F620]  }
0x366: {  	v45 =	vld [tilespmem:$0x1F640]  }
0x367: {  	v42 =	vld [tilespmem:$0x1F630]  }
0x368: {  	v41 =	vor.u32 v24, v5;
	v24 =	vld.idx.msk [tilespmem:v33+s21+$0x0], $0xffff  }
0x369: {  	v44 =	vor.u32 v46, v5;
	v46 =	vld [tilespmem:$0x1FC80]  }
0x36a: {  	[tilespmem:$0x1F540] =	vst v16;
	v16 =	vmul.f32 v48, v47;
	v47 =	vld [tilespmem:$0x1F670]  }
0x36b: {  	v48 =	vld [tilespmem:$0x1F680]  }
0x36c: {  	[tilespmem:$0x1F5B0] =	vst v16;
	v16 =	vmul.f32 v45, v42;
	v45 =	vld.idx.msk [tilespmem:v37+s20+$0x0], $0xffff  }
0x36d: {  	v42 =	vld.idx.msk [tilespmem:v37+s21+$0x0], $0xffff  }
0x36e: {  	v37 =	vld [tilespmem:$0x1F6A0]  }
0x36f: {  	v32 =	vor.u32 v46, v5;
	v46 =	vld [tilespmem:$0x1F690]  }
0x370: {  	v33 =	vmul.f32 v48, v47;
	v48 =	vld [tilespmem:$0x1F6B0]  }
0x371: {  	v47 =	vld [tilespmem:$0x1FC10]  }
0x372: {  	v54 =	vld.idx.msk [tilespmem:v44+s20+$0x0], $0xffff  }
0x373: {  	v58 =	vld.idx.msk [tilespmem:v44+s21+$0x0], $0xffff  }
0x374: {  	v44 =	vmul.f32 v62, v60;
	v62 =	vmul.f32 v1, v63;
	v1 =	vld [tilespmem:$0x1FFA0]  }
0x375: {  	v37 =	vmul.f32 v48, v37;
	v48 =	vld [tilespmem:$0x1FCA0]  }
0x376: {  	v21 =	vmul.f32 v24, v40;
	v24 =	vld.idx.msk [tilespmem:v59+s21+$0x0], $0xffff;
	v35 =	vmul.f32 v35, v46;
	v46 =	vor.u32 v47, v5  }
0x377: {  	v59 =	vld [tilespmem:$0x1FF00]  }
0x378: {  	[tilespmem:$0x1F5C0] =	vst v16;
	v16 =	vld [tilespmem:$0x1F6D0]  }
0x379: {  	v63 =	vor.u32 v1, v5;
	v1 =	vld [tilespmem:$0x1FEC0]  }
0x37a: {  	v38 =	vmul.f32 v36, v38;
	v36 =	vor.u32 v48, v5;
	v48 =	vld [tilespmem:$0x1F6C0]  }
0x37b: {  	v60 =	vld.idx.msk [tilespmem:v46+s20+$0x0], $0xffff  }
0x37c: {  	v46 =	vld.idx.msk [tilespmem:v46+s21+$0x0], $0xffff  }
0x37d: {  	v47 =	vld.idx.msk [tilespmem:v41+s20+$0x0], $0xffff  }
0x37e: {  	v4 =	vmul.f32 v6, v4;
	v41 =	vld.idx.msk [tilespmem:v41+s21+$0x0], $0xffff  }
0x37f: {  	v6 =	vmul.f32 v8, v7;
	v8 =	vor.u32 v1, v5;
	v1 =	vmul.f32 v12, v9;
	v12 =	vld [tilespmem:$0x1FED0]  }
0x380: {  	v11 =	vmul.f32 v29, v11;
	v16 =	vmul.f32 v16, v48;
	v48 =	vld [tilespmem:$0x1FE00]  }
0x381: {  	v29 =	vmul.f32 v42, v45;
	v42 =	vmul.f32 v46, v60;
	v60 =	vld [tilespmem:$0x1FF10]  }
0x382: {  	v14 =	vmul.f32 v14, v30;
	v34 =	vld.idx.msk [tilespmem:v34+s21+$0x0], $0xffff  }
0x383: {  	v55 =	vor.u32 v55, v5;
	v61 =	vor.u32 v61, v5;
	v17 =	vor.u32 v17, v5;
	[tilespmem:$0x1F590] =	vst v16;
	v16 =	vld [tilespmem:$0x1F6E0]  }
0x384: {  	v20 =	vor.u32 v20, v5;
	v30 =	vmul.f32 v41, v47;
	v41 =	vmul.f32 v58, v54;
	v54 =	vld [tilespmem:$0x1F7D0]  }
0x385: {  	v19 =	vmul.f32 v19, v39;
	v31 =	vor.u32 v31, v5;
	v39 =	vor.u32 v59, v5;
	v58 =	vld [tilespmem:$0x1F7E0]  }
0x386: {  	v12 =	vor.u32 v12, v5;
	v48 =	vor.u32 v48, v5;
	v5 =	vor.u32 v60, v5;
	v60 =	vld [tilespmem:$0x1F7F0];
	_ =	sdelay $0x1  }
0x387: {  	v49 =	vmul.f32 v49, v16;
	v16 =	vld [tilespmem:$0x1F750]  }
0x388: {  	v29 =	vadd.f32 v29, v54  }
0x389: {  	v30 =	vadd.f32 v30, v58  }
0x38a: {  	v34 =	vmul.f32 v34, v43;
	v19 =	vadd.f32 v19, v29;
	v41 =	vadd.f32 v41, v60  }
0x38b: {  	v22 =	vmul.f32 v25, v22;
	v21 =	vadd.f32 v21, v30  }
0x38c: {  	v11 =	vadd.f32 v11, v19;
	v25 =	vadd.f32 v34, v41;
	v19 =	vmul.f32 v51, v16;
	v16 =	vld [tilespmem:$0x1F760];
	_ =	sdelay $0x1  }
0x38d: {  	v14 =	vadd.f32 v14, v21;
	v21 =	vadd.f32 v22, v25;
	_ =	sdelay $0x1  }
0x38e: {  	v19 =	vadd.f32 v19, v21;
	v21 =	vld [tilespmem:$0x1F790]  }
0x38f: {  	v22 =	vmul.f32 v50, v16;
	v16 =	vld [tilespmem:$0x1F7A0];
	_ =	sdelay $0x3  }
0x390: {  	v25 =	vld [tilespmem:$0x1F4E0]  }
0x391: {  	v21 =	vmul.f32 v16, v21;
	v16 =	vld [tilespmem:$0x1F4D0];
	_ =	sdelay $0x1  }
0x392: {  	v11 =	vadd.f32 v13, v11;
	v13 =	vadd.f32 v15, v14;
	_ =	sdelay $0x1  }
0x393: {  	v3 =	vadd.f32 v3, v13;
	v13 =	vld [tilespmem:$0x1F4F0]  }
0x394: {  	v25 =	vmul.f32 v25, v16;
	v16 =	vld [tilespmem:$0x1F500];
	_ =	sdelay $0x1  }
0x395: {  	v23 =	vmul.f32 v26, v23;
	v26 =	vld.idx.msk [tilespmem:v20+s20+$0x0], $0xffff  }
0x396: {  	v20 =	vld.idx.msk [tilespmem:v20+s21+$0x0], $0xffff  }
0x397: {  	v40 =	vld.idx.msk [tilespmem:v63+s20+$0x0], $0xffff;
	v11 =	vadd.f32 v62, v11  }
0x398: {  	v13 =	vmul.f32 v16, v13;
	v16 =	vld [tilespmem:$0x1F510]  }
0x399: {  	v59 =	vld.idx.msk [tilespmem:v8+s20+$0x0], $0xffff;
	v11 =	vadd.f32 v52, v11  }
0x39a: {  	v7 =	vld.idx.msk [tilespmem:v48+s20+$0x0], $0xffff  }
0x39b: {  	v9 =	vld.idx.msk [tilespmem:v48+s21+$0x0], $0xffff;
	v11 =	vadd.f32 v33, v11  }
0x39c: {  	v48 =	vld.idx.msk [tilespmem:v63+s21+$0x0], $0xffff  }
0x39d: {  	v63 =	vld [tilespmem:$0x1F800];
	v11 =	vadd.f32 v16, v11  }
0x39e: {  	v14 =	vld [tilespmem:$0x1F770]  }
0x39f: {  	[tilespmem:$0x1F7D0] =	vst v11;
	v11 =	vld [tilespmem:$0x1F520]  }
0x3a0: {  	v15 =	vld [tilespmem:$0x1F780];
	v3 =	vadd.f32 v53, v3  }
0x3a1: {  	v7 =	vmul.f32 v9, v7;
	v9 =	vld.idx.msk [tilespmem:v17+s20+$0x0], $0xffff  }
0x3a2: {  	v3 =	vadd.f32 v35, v3;
	v42 =	vadd.f32 v42, v63;
	v17 =	vld.idx.msk [tilespmem:v17+s21+$0x0], $0xffff  }
0x3a3: {  	v8 =	vld.idx.msk [tilespmem:v8+s21+$0x0], $0xffff;
	v4 =	vadd.f32 v4, v19  }
0x3a4: {  	v7 =	vadd.f32 v7, v42;
	v3 =	vadd.f32 v11, v3;
	v11 =	vld [tilespmem:$0x1F530]  }
0x3a5: {  	v14 =	vmul.f32 v15, v14;
	v15 =	vld.idx.msk [tilespmem:v39+s21+$0x0], $0xffff;
	v4 =	vadd.f32 v56, v4  }
0x3a6: {  	v7 =	vadd.f32 v23, v7;
	v23 =	vld.idx.msk [tilespmem:v39+s20+$0x0], $0xffff  }
0x3a7: {  	v9 =	vmul.f32 v17, v9;
	v17 =	vld.idx.msk [tilespmem:v61+s20+$0x0], $0xffff;
	v4 =	vadd.f32 v37, v4  }
0x3a8: {  	v7 =	vadd.f32 v22, v7;
	v22 =	vld.idx.msk [tilespmem:v5+s20+$0x0], $0xffff  }
0x3a9: {  	v5 =	vld.idx.msk [tilespmem:v5+s21+$0x0], $0xffff;
	v4 =	vadd.f32 v11, v4  }
0x3aa: {  	v6 =	vadd.f32 v6, v7;
	v11 =	vld [tilespmem:$0x1F830]  }
0x3ab: {  	[tilespmem:$0x1F7F0] =	vst v4;
	v4 =	vld [tilespmem:$0x1F540]  }
0x3ac: {  	v7 =	vmul.f32 v24, v18;
	v18 =	vld.idx.msk [tilespmem:v12+s20+$0x0], $0xffff;
	v6 =	vadd.f32 v57, v6  }
0x3ad: {  	v12 =	vld.idx.msk [tilespmem:v12+s21+$0x0], $0xffff  }
0x3ae: {  	v24 =	vld.idx.msk [tilespmem:v61+s21+$0x0], $0xffff;
	v15 =	vmul.f32 v15, v23;
	v6 =	vadd.f32 v38, v6  }
0x3af: {  	v23 =	vld.idx.msk [tilespmem:v55+s20+$0x0], $0xffff  }
0x3b0: {  	v11 =	vadd.f32 v15, v11;
	v15 =	vld [tilespmem:$0x1F840];
	v4 =	vadd.f32 v4, v6  }
0x3b1: {  	v6 =	vld [tilespmem:$0x1F820]  }
0x3b2: {  	[tilespmem:$0x1F800] =	vst v4;
	v4 =	vld [tilespmem:$0x1F810]  }
0x3b3: {  	v8 =	vmul.f32 v8, v59;
	v12 =	vmul.f32 v12, v18;
	v18 =	vld.idx.msk [tilespmem:v32+s20+$0x0], $0xffff  }
0x3b4: {  	v20 =	vmul.f32 v20, v26;
	v16 =	vld [tilespmem:$0x1F560];
	[tilespmem:$0x1F7E0] =	vst v3;
	v3 =	vmul.f32 v5, v22  }
0x3b5: {  	v19 =	vmul.f32 v48, v40;
	v5 =	vld.idx.msk [tilespmem:v55+s21+$0x0], $0xffff;
	v8 =	vadd.f32 v8, v11  }
0x3b6: {  	v11 =	vmul.f32 v24, v17;
	v17 =	vld [tilespmem:$0x1F7C0];
	v3 =	vadd.f32 v3, v15;
	v6 =	vadd.f32 v20, v6  }
0x3b7: {  	v15 =	vld.idx.msk [tilespmem:v36+s21+$0x0], $0xffff;
	v4 =	vadd.f32 v9, v4  }
0x3b8: {  	v3 =	vadd.f32 v12, v3;
	v12 =	vld.idx.msk [tilespmem:v32+s21+$0x0], $0xffff;
	v6 =	vadd.f32 v19, v6  }
0x3b9: {  	v4 =	vadd.f32 v7, v4;
	v7 =	vld [tilespmem:$0x1F550]  }
0x3ba: {  	v9 =	vld.idx.msk [tilespmem:v36+s20+$0x0], $0xffff;
	v6 =	vadd.f32 v13, v6  }
0x3bb: {  	v13 =	vld [tilespmem:$0x1F7B0];
	v4 =	vadd.f32 v25, v4  }
0x3bc: {  	v3 =	vadd.f32 v11, v3;
	v11 =	vld [tilespmem:$0x1F730];
	v6 =	vadd.f32 v21, v6  }
0x3bd: {  	v4 =	vadd.f32 v14, v4;
	v14 =	vld [tilespmem:$0x1F740]  }
0x3be: {  	v2 =	vadd.f32 v2, v6;
	v6 =	vld [tilespmem:$0x1F720];
	v7 =	vmul.f32 v16, v7  }
0x3bf: {  	v5 =	vmul.f32 v5, v23;
	v1 =	vadd.f32 v1, v4;
	v4 =	vld [tilespmem:$0x1F710]  }
0x3c0: {  	v13 =	vmul.f32 v17, v13;
	v17 =	vld.idx.msk [tilespmem:v31+s20+$0x0], $0xffff;
	v7 =	vadd.f32 v7, v8  }
0x3c1: {  	v3 =	vadd.f32 v5, v3;
	v5 =	vmul.f32 v15, v9;
	v8 =	vld.idx.msk [tilespmem:v31+s21+$0x0], $0xffff  }
0x3c2: {  	v11 =	vmul.f32 v14, v11;
	v7 =	vadd.f32 v13, v7  }
0x3c3: {  	v3 =	vadd.f32 v5, v3  }
0x3c4: {  	v5 =	vmul.f32 v12, v18;
	v4 =	vmul.f32 v6, v4;
	v6 =	vadd.f32 v11, v7  }
0x3c5: {  	v0 =	vadd.f32 v0, v2;
	v2 =	vld [tilespmem:$0x1F6F0]  }
0x3c6: {  	v3 =	vadd.f32 v5, v3;
	v5 =	vmul.f32 v8, v17;
	v4 =	vadd.f32 v4, v6;
	v6 =	vld [tilespmem:$0x1F590]  }
0x3c7: {  	v7 =	vld [tilespmem:$0x1F700]  }
0x3c8: {  	v3 =	vadd.f32 v5, v3;
	v5 =	vld [tilespmem:$0x1F5B0]  }
0x3c9: {  	v1 =	vadd.f32 v44, v1;
	_ =	sdelay $0x1  }
0x3ca: {  	v1 =	vadd.f32 v6, v1  }
0x3cb: {  	v2 =	vmul.f32 v7, v2;
	v7 =	vld [tilespmem:$0x1F660]  }
0x3cc: {  	v6 =	vld [tilespmem:$0x1F650];
	v1 =	vadd.f32 v5, v1;
	_ =	sdelay $0x1  }
0x3cd: {  	[tilespmem:$0x1F810] =	vst v1;
	v1 =	vld [tilespmem:$0x1F5C0];
	_ =	sdelay $0x2  }
0x3ce: {  	v9 =	vld.idx.msk [tilespmem:v28+s21+$0x0], $0xffff;
	v0 =	vadd.f32 v49, v0;
	v2 =	vadd.f32 v2, v4;
	v6 =	vmul.f32 v7, v6  }
0x3cf: {  	v14 =	vld.idx.msk [tilespmem:v28+s20+$0x0], $0xffff  }
0x3d0: {  	v0 =	vadd.f32 v1, v0;
	v1 =	vadd.f32 v6, v2;
	v2 =	vld [tilespmem:$0x1F5D0];
	_ =	sdelay $0x3  }
0x3d1: {  	v4 =	vmul.f32 v9, v14;
	_ =	sdelay $0x1  }
0x3d2: {  	[tilespmem:$0x1F830] =	vst v1;
	v1 =	vadd.f32 v4, v3;
	v3 =	vld [tilespmem:$0x1F5E0];
	_ =	sdelay $0x1  }
0x3d3: {  	[tilespmem:$0x1F840] =	vst v1;
	v1 =	vld.idx.msk [tilespmem:v2+s20+$0x0], $0xffff  }
0x3d4: {  	v2 =	vld.idx.msk [tilespmem:v2+s21+$0x0], $0xffff  }
0x3d5: {  	[tilespmem:$0x1F820] =	vst v0;
	v0 =	vld [tilespmem:$0x1FDA0];
	_ =	sdelay $0x3  }
0x3d6: {  	v5 =	vmov v10;
	[tilespmem:$0x1F620] =	vst v2;
	v2 =	vld.idx.msk [tilespmem:v3+s20+$0x0], $0xffff  }
0x3d7: {  	v0 =	vor.u32 v0, v5;
	v3 =	vld.idx.msk [tilespmem:v3+s21+$0x0], $0xffff  }
0x3d8: {  	[tilespmem:$0x1F610] =	vst v1;
	v1 =	vld [tilespmem:$0x1FC90];
	_ =	sdelay $0x3  }
0x3d9: {  	[tilespmem:$0x1F640] =	vst v3;
	v3 =	vld.idx.msk [tilespmem:v0+s20+$0x0], $0xffff  }
0x3da: {  	v1 =	vor.u32 v1, v5;
	v0 =	vld.idx.msk [tilespmem:v0+s21+$0x0], $0xffff;
	_ =	sdelay $0x1  }
0x3db: {  	[tilespmem:$0x1F630] =	vst v2;
	v2 =	vld [tilespmem:$0x1FCB0];
	_ =	sdelay $0x1  }
0x3dc: {  	[tilespmem:$0x1F650] =	vst v3;
	v3 =	vld [tilespmem:$0x1FCD0]  }
0x3dd: {  	[tilespmem:$0x1F660] =	vst v0;
	v0 =	vld.idx.msk [tilespmem:v1+s20+$0x0], $0xffff;
	_ =	sdelay $0x1  }
0x3de: {  	v2 =	vor.u32 v2, v5;
	_ =	sdelay $0x1  }
0x3df: {  	v3 =	vor.u32 v3, v5  }
0x3e0: {  	[tilespmem:$0x1F670] =	vst v0;
	v0 =	vld.idx.msk [tilespmem:v1+s21+$0x0], $0xffff;
	_ =	sdelay $0x1  }
0x3e1: {  	v1 =	vld.idx.msk [tilespmem:v2+s20+$0x0], $0xffff  }
0x3e2: {  	v35 =	vld.idx.msk [tilespmem:v2+s21+$0x0], $0xffff  }
0x3e3: {  	v2 =	vld.idx.msk [tilespmem:v3+s20+$0x0], $0xffff  }
0x3e4: {  	[tilespmem:$0x1F680] =	vst v0;
	v0 =	vld [tilespmem:$0x1FCF0];
	_ =	sdelay $0x2  }
0x3e5: {  	[tilespmem:$0x1F690] =	vst v1;
	v1 =	vld [tilespmem:$0x1FD00]  }
0x3e6: {  	[tilespmem:$0x1F6A0] =	vst v2;
	v2 =	vld.idx.msk [tilespmem:v3+s21+$0x0], $0xffff  }
0x3e7: {  	v0 =	vor.u32 v0, v5;
	_ =	sdelay $0x3  }
0x3e8: {  	v1 =	vor.u32 v1, v5;
	[tilespmem:$0x1F6B0] =	vst v2;
	v2 =	vld [tilespmem:$0x1FD10]  }
0x3e9: {  	v38 =	vld.idx.msk [tilespmem:v0+s20+$0x0], $0xffff  }
0x3ea: {  	v36 =	vld.idx.msk [tilespmem:v0+s21+$0x0], $0xffff  }
0x3eb: {  	v0 =	vld [tilespmem:$0x1FD20];
	_ =	sdelay $0x1  }
0x3ec: {  	v3 =	vld.idx.msk [tilespmem:v1+s20+$0x0], $0xffff  }
0x3ed: {  	v1 =	vld.idx.msk [tilespmem:v1+s21+$0x0], $0xffff;
	v2 =	vor.u32 v2, v5;
	_ =	sdelay $0x1  }
0x3ee: {  	v0 =	vor.u32 v0, v5;
	_ =	sdelay $0x2  }
0x3ef: {  	[tilespmem:$0x1F6D0] =	vst v1;
	v1 =	vld.idx.msk [tilespmem:v2+s20+$0x0], $0xffff  }
0x3f0: {  	v49 =	vld.idx.msk [tilespmem:v2+s21+$0x0], $0xffff  }
0x3f1: {  	v2 =	vld.idx.msk [tilespmem:v0+s20+$0x0], $0xffff  }
0x3f2: {  	v0 =	vld.idx.msk [tilespmem:v0+s21+$0x0], $0xffff;
	_ =	sdelay $0x1  }
0x3f3: {  	[tilespmem:$0x1F6E0] =	vst v1;
	v1 =	vld [tilespmem:$0x1FDC0];
	_ =	sdelay $0x2  }
0x3f4: {  	[tilespmem:$0x1F700] =	vst v0;
	v0 =	vld [tilespmem:$0x1FD40];
	_ =	sdelay $0x1  }
0x3f5: {  	v1 =	vor.u32 v1, v5;
	_ =	sdelay $0x2  }
0x3f6: {  	[tilespmem:$0x1F6C0] =	vst v3;
	v3 =	vld [tilespmem:$0x1FE70];
	v0 =	vor.u32 v0, v5  }
0x3f7: {  	[tilespmem:$0x1F6F0] =	vst v2;
	v2 =	vld [tilespmem:$0x1FF20]  }
0x3f8: {  	v54 =	vld.idx.msk [tilespmem:v1+s20+$0x0], $0xffff  }
0x3f9: {  	v55 =	vld.idx.msk [tilespmem:v1+s21+$0x0], $0xffff  }
0x3fa: {  	v1 =	vld [tilespmem:$0x1FD60]  }
0x3fb: {  	v58 =	vld.idx.msk [tilespmem:v0+s20+$0x0], $0xffff  }
0x3fc: {  	v3 =	vor.u32 v3, v5;
	v59 =	vld.idx.msk [tilespmem:v0+s21+$0x0], $0xffff  }
0x3fd: {  	v0 =	vld [tilespmem:$0x1FD90]  }
0x3fe: {  	v2 =	vor.u32 v2, v5  }
0x3ff: {  	v8 =	vld [tilespmem:$0x1F580]  }
0x400: {  	v7 =	vld [tilespmem:$0x1F5A0];
	v1 =	vor.u32 v1, v5  }
0x401: {  	v52 =	vld.idx.msk [tilespmem:v3+s20+$0x0], $0xffff  }
0x402: {  	v53 =	vld.idx.msk [tilespmem:v3+s21+$0x0], $0xffff;
	v3 =	vor.u32 v0, v5  }
0x403: {  	v56 =	vld.idx.msk [tilespmem:v2+s20+$0x0], $0xffff  }
0x404: {  	v57 =	vld.idx.msk [tilespmem:v2+s21+$0x0], $0xffff  }
0x405: {  	v60 =	vld.idx.msk [tilespmem:v1+s20+$0x0], $0xffff  }
0x406: {  	v62 =	vld.idx.msk [tilespmem:v1+s21+$0x0], $0xffff  }
0x407: {  	v1 =	vld.idx.msk [tilespmem:v3+s20+$0x0], $0xffff  }
0x408: {  	v2 =	vld [tilespmem:$0x1FD70]  }
0x409: {  	v0 =	vld [tilespmem:$0x1FDD0];
	_ =	sdelay $0x1  }
0x40a: {  	v11 =	vld [tilespmem:$0x1F570]  }
0x40b: {  	[tilespmem:$0x1F710] =	vst v1;
	v1 =	vld [tilespmem:$0x1FDE0]  }
0x40c: {  	v46 =	vld.idx.msk [tilespmem:v8+s20+$0x0], $0xffff;
	v2 =	vor.u32 v2, v5  }
0x40d: {  	v4 =	vor.u32 v0, v5;
	v0 =	vld [tilespmem:$0x1FE30]  }
0x40e: {  	v48 =	vld.idx.msk [tilespmem:v7+s20+$0x0], $0xffff  }
0x40f: {  	v32 =	vld.idx.msk [tilespmem:v7+s21+$0x0], $0xffff  }
0x410: {  	v7 =	vor.u32 v1, v5;
	v1 =	vld.idx.msk [tilespmem:v3+s21+$0x0], $0xffff  }
0x411: {  	v61 =	vld.idx.msk [tilespmem:v2+s20+$0x0], $0xffff  }
0x412: {  	v6 =	vor.u32 v0, v5;
	v0 =	vld.idx.msk [tilespmem:v2+s21+$0x0], $0xffff  }
0x413: {  	v2 =	vld [tilespmem:$0x1FDF0]  }
0x414: {  	v63 =	vld.idx.msk [tilespmem:v4+s20+$0x0], $0xffff  }
0x415: {  	[tilespmem:$0x1F720] =	vst v1;
	v1 =	vld.idx.msk [tilespmem:v4+s21+$0x0], $0xffff  }
0x416: {  	v4 =	vld [tilespmem:$0x1FE40]  }
0x417: {  	v47 =	vld.idx.msk [tilespmem:v8+s21+$0x0], $0xffff  }
0x418: {  	v8 =	vor.u32 v2, v5;
	v2 =	vld.idx.msk [tilespmem:v6+s20+$0x0], $0xffff  }
0x419: {  	v3 =	vld.idx.msk [tilespmem:v6+s21+$0x0], $0xffff  }
0x41a: {  	v6 =	vld.idx.msk [tilespmem:v7+s21+$0x0], $0xffff  }
0x41b: {  	v10 =	vor.u32 v4, v5;
	v4 =	vld.idx.msk [tilespmem:v7+s20+$0x0], $0xffff  }
0x41c: {  	v7 =	vld [tilespmem:$0x1FE10];
	_ =	sdelay $0x1  }
0x41d: {  	v9 =	vld [tilespmem:$0x1FE20];
	_ =	sdelay $0x1  }
0x41e: {  	v45 =	vld.idx.msk [tilespmem:v11+s20+$0x0], $0xffff  }
0x41f: {  	v44 =	vld.idx.msk [tilespmem:v11+s21+$0x0], $0xffff;
	v11 =	vor.u32 v7, v5;
	_ =	sdelay $0x1  }
0x420: {  	v14 =	vor.u32 v9, v5  }
0x421: {  	v12 =	vld [tilespmem:$0x1FE50]  }
0x422: {  	v9 =	vld.idx.msk [tilespmem:v10+s20+$0x0], $0xffff  }
0x423: {  	v13 =	vld.idx.msk [tilespmem:v11+s20+$0x0], $0xffff  }
0x424: {  	v15 =	vld.idx.msk [tilespmem:v11+s21+$0x0], $0xffff  }
0x425: {  	v11 =	vld.idx.msk [tilespmem:v14+s20+$0x0], $0xffff  }
0x426: {  	v16 =	vor.u32 v12, v5;
	v12 =	vld.idx.msk [tilespmem:v10+s21+$0x0], $0xffff  }
0x427: {  	v10 =	vld [tilespmem:$0x1FE60];
	_ =	sdelay $0x1  }
0x428: {  	v14 =	vld.idx.msk [tilespmem:v14+s21+$0x0], $0xffff  }
0x429: {  	[tilespmem:$0x1F730] =	vst v11;
	v11 =	vld [tilespmem:$0x1FE80];
	_ =	sdelay $0x1  }
0x42a: {  	v10 =	vor.u32 v10, v5;
	_ =	sdelay $0x1  }
0x42b: {  	v17 =	vld.idx.msk [tilespmem:v16+s20+$0x0], $0xffff  }
0x42c: {  	[tilespmem:$0x1F740] =	vst v14;
	v14 =	vld [tilespmem:$0x1FE90];
	v11 =	vor.u32 v11, v5  }
0x42d: {  	v18 =	vld.idx.msk [tilespmem:v16+s21+$0x0], $0xffff  }
0x42e: {  	v20 =	vld.idx.msk [tilespmem:v10+s20+$0x0], $0xffff  }
0x42f: {  	v21 =	vld.idx.msk [tilespmem:v10+s21+$0x0], $0xffff  }
0x430: {  	v10 =	vld [tilespmem:$0x1FF40]  }
0x431: {  	v14 =	vor.u32 v14, v5;
	v16 =	vld.idx.msk [tilespmem:v11+s20+$0x0], $0xffff;
	_ =	sdelay $0x3  }
0x432: {  	v51 =	vld.idx.msk [tilespmem:v11+s21+$0x0], $0xffff  }
0x433: {  	v10 =	vor.u32 v10, v5;
	[tilespmem:$0x1F750] =	vst v16;
	v16 =	vld.idx.msk [tilespmem:v14+s20+$0x0], $0xffff  }
0x434: {  	v11 =	vld [tilespmem:$0x1FF30];
	_ =	sdelay $0x2  }
0x435: {  	v50 =	vld.idx.msk [tilespmem:v14+s21+$0x0], $0xffff  }
0x436: {  	[tilespmem:$0x1F760] =	vst v16;
	v16 =	vld.idx.msk [tilespmem:v10+s20+$0x0], $0xffff  }
0x437: {  	v11 =	vor.u32 v11, v5;
	v10 =	vld.idx.msk [tilespmem:v10+s21+$0x0], $0xffff  }
0x438: {  	v14 =	vld [tilespmem:$0x1FF50];
	_ =	sdelay $0x3  }
0x439: {  	[tilespmem:$0x1F780] =	vst v10;
	v10 =	vld.idx.msk [tilespmem:v11+s20+$0x0], $0xffff  }
0x43a: {  	v14 =	vor.u32 v14, v5;
	v11 =	vld.idx.msk [tilespmem:v11+s21+$0x0], $0xffff;
	_ =	sdelay $0x4  }
0x43b: {  	[tilespmem:$0x1F7A0] =	vst v11;
	v11 =	vld.idx.msk [tilespmem:v14+s20+$0x0], $0xffff;
	_ =	sdelay $0x2  }
0x43c: {  	[tilespmem:$0x1F770] =	vst v16;
	v16 =	vld [tilespmem:$0x1FEA0]  }
0x43d: {  	[tilespmem:$0x1F790] =	vst v10;
	v10 =	vld [tilespmem:$0x1FEB0]  }
0x43e: {  	[tilespmem:$0x1F7B0] =	vst v11;
	v11 =	vld [tilespmem:$0x1FEE0];
	_ =	sdelay $0x2  }
0x43f: {  	v16 =	vor.u32 v16, v5  }
0x440: {  	v10 =	vor.u32 v10, v5  }
0x441: {  	v19 =	vor.u32 v11, v5;
	v11 =	vld.idx.msk [tilespmem:v14+s21+$0x0], $0xffff  }
0x442: {  	v14 =	vld [tilespmem:$0x1FF60];
	_ =	sdelay $0x1  }
0x443: {  	v29 =	vld.idx.msk [tilespmem:v16+s21+$0x0], $0xffff  }
0x444: {  	v30 =	vld.idx.msk [tilespmem:v10+s20+$0x0], $0xffff  }
0x445: {  	[tilespmem:$0x1F7C0] =	vst v11;
	v11 =	vld.idx.msk [tilespmem:v16+s20+$0x0], $0xffff  }
0x446: {  	v16 =	vor.u32 v14, v5;
	v14 =	vld.idx.msk [tilespmem:v10+s21+$0x0], $0xffff  }
0x447: {  	v10 =	vld [tilespmem:$0x1FF70]  }
0x448: {  	v22 =	vld.idx.msk [tilespmem:v19+s20+$0x0], $0xffff  }
0x449: {  	v25 =	vld.idx.msk [tilespmem:v19+s21+$0x0], $0xffff  }
0x44a: {  	v19 =	vld [tilespmem:$0x1FF80]  }
0x44b: {  	v23 =	vld.idx.msk [tilespmem:v16+s20+$0x0], $0xffff  }
0x44c: {  	v26 =	vld.idx.msk [tilespmem:v16+s21+$0x0], $0xffff  }
0x44d: {  	p0 =	slt.u32 s0, $0x38;
	v16 =	vld [tilespmem:$0x1FF90]  }
.Ltmp1:
0x44e: {  	_ = 	snop;
	(pc) =	sbr.rel @p0 .LBB2_5-.Ltmp1, $4  }
0x44f: {  	v43 =	vld.idx.msk [tilespmem:v27+s21+$0x0], $0xffff  }
0x450: {  	v37 =	vld.idx.msk [tilespmem:v27+s20+$0x0], $0xffff  }
0x451: {  	v7 =	vld.idx.msk [tilespmem:v8+s20+$0x0], $0xffff  }
0x452: {  	v8 =	vld.idx.msk [tilespmem:v8+s21+$0x0], $0xffff;
	v10 =	vor.u32 v10, v5;
	v31 =	vor.u32 v19, v5;
	v28 =	vor.u32 v16, v5  }
0x453: {  	_ =	sdelay $0x2  }
0x454: {  	v16 =	vld [tilespmem:$0x1FC30]  }
0x455: {  	v24 =	vld.idx.msk [tilespmem:v10+s20+$0x0], $0xffff  }
0x456: {  	v33 =	vld.idx.msk [tilespmem:v10+s21+$0x0], $0xffff  }
0x457: {  	v10 =	vld [tilespmem:$0x1FFD0];
	_ =	sdelay $0x3  }
0x458: {  	v16 =	vor.u32 v16, v5  }
0x459: {  	v27 =	vor.u32 v10, v5;
	v10 =	vld [tilespmem:$0x1FFE0];
	_ =	sdelay $0x1  }
0x45a: {  	v19 =	vld [tilespmem:$0x1FC40];
	_ =	sdelay $0x1  }
0x45b: {  	v34 =	vld.idx.msk [tilespmem:v16+s20+$0x0], $0xffff  }
0x45c: {  	v39 =	vld.idx.msk [tilespmem:v16+s21+$0x0], $0xffff;
	v40 =	vor.u32 v10, v5;
	v10 =	vmul.f32 v47, v46  }
0x45d: {  	v16 =	vld [tilespmem:$0x1F620]  }
0x45e: {  	v19 =	vor.u32 v19, v5;
	[tilespmem:$0x1F490] =	vst v10;
	v10 =	vld [tilespmem:$0x1F610];
	_ =	sdelay $0x4  }
0x45f: {  	v42 =	vmul.f32 v43, v37;
	v43 =	vld.idx.msk [tilespmem:v19+s20+$0x0], $0xffff;
	v10 =	vmul.f32 v16, v10  }
0x460: {  	v16 =	vld [tilespmem:$0x1F640]  }
0x461: {  	[tilespmem:$0x1F4B0] =	vst v10;
	v10 =	vld [tilespmem:$0x1F630];
	_ =	sdelay $0x4  }
0x462: {  	v41 =	vmul.f32 v44, v45;
	v45 =	vld.idx.msk [tilespmem:v19+s21+$0x0], $0xffff;
	v10 =	vmul.f32 v16, v10  }
0x463: {  	v16 =	vld [tilespmem:$0x1F680]  }
0x464: {  	[tilespmem:$0x1F4C0] =	vst v10;
	v10 =	vld [tilespmem:$0x1F670];
	_ =	sdelay $0x4  }
0x465: {  	v47 =	vmul.f32 v16, v10;
	v10 =	vld [tilespmem:$0x1F690];
	_ =	sdelay $0x3  }
0x466: {  	v16 =	vld [tilespmem:$0x1F6B0]  }
0x467: {  	v35 =	vmul.f32 v35, v10;
	v10 =	vld [tilespmem:$0x1F6A0]  }
0x468: {  	v44 =	vmul.f32 v32, v48;
	v32 =	vld [tilespmem:$0x1FFF0]  }
0x469: {  	v36 =	vmul.f32 v36, v38;
	v38 =	vld [tilespmem:$0x1F6D0]  }
0x46a: {  	v58 =	vmul.f32 v59, v58;
	v59 =	vld [tilespmem:$0x1FE00]  }
0x46b: {  	v48 =	vld.idx.msk [tilespmem:v27+s20+$0x0], $0xffff  }
0x46c: {  	v10 =	vmul.f32 v16, v10;
	v16 =	vld.idx.msk [tilespmem:v27+s21+$0x0], $0xffff  }
0x46d: {  	v55 =	vmul.f32 v55, v54;
	v27 =	vld [tilespmem:$0x1F6C0]  }
0x46e: {  	v54 =	vmul.f32 v62, v60;
	v60 =	vmul.f32 v1, v63;
	v63 =	vld [tilespmem:$0x1FFB0]  }
0x46f: {  	v37 =	vld [tilespmem:$0x1FC20]  }
0x470: {  	v0 =	vmul.f32 v0, v61;
	v61 =	vld [tilespmem:$0x1F820]  }
0x471: {  	v3 =	vmul.f32 v3, v2;
	v62 =	vld [tilespmem:$0x1FD30]  }
0x472: {  	v2 =	vmul.f32 v12, v9;
	v27 =	vmul.f32 v38, v27;
	v38 =	vld [tilespmem:$0x1F6E0]  }
0x473: {  	v9 =	vmul.f32 v18, v17;
	v17 =	vmul.f32 v39, v34;
	v34 =	vld [tilespmem:$0x1FFA0]  }
0x474: {  	v46 =	vor.u32 v37, v5;
	v39 =	vld [tilespmem:$0x1FFC0]  }
0x475: {  	v16 =	vmul.f32 v16, v48;
	v48 =	vld [tilespmem:$0x1FEF0];
	[tilespmem:$0x1F4A0] =	vst v27  }
0x476: {  	v19 =	vor.u32 v32, v5;
	v27 =	vld.idx.msk [tilespmem:v40+s20+$0x0], $0xffff  }
0x477: {  	v59 =	vor.u32 v59, v5;
	v49 =	vmul.f32 v49, v38;
	v38 =	vld [tilespmem:$0x1FC10]  }
0x478: {  	v52 =	vmul.f32 v53, v52;
	v53 =	vld.idx.msk [tilespmem:v40+s21+$0x0], $0xffff  }
0x479: {  	v56 =	vmul.f32 v57, v56;
	v57 =	vld.idx.msk [tilespmem:v46+s20+$0x0], $0xffff  }
0x47a: {  	v46 =	vld.idx.msk [tilespmem:v46+s21+$0x0], $0xffff  }
0x47b: {  	v4 =	vmul.f32 v6, v4;
	v6 =	vld.idx.msk [tilespmem:v19+s21+$0x0], $0xffff  }
0x47c: {  	v1 =	vmul.f32 v15, v13;
	v15 =	vld.idx.msk [tilespmem:v59+s20+$0x0], $0xffff;
	v40 =	vor.u32 v38, v5  }
0x47d: {  	v18 =	vld.idx.msk [tilespmem:v59+s21+$0x0], $0xffff  }
0x47e: {  	v14 =	vmul.f32 v14, v30;
	v30 =	vld.idx.msk [tilespmem:v31+s21+$0x0], $0xffff  }
0x47f: {  	v38 =	vld.idx.msk [tilespmem:v19+s20+$0x0], $0xffff  }
0x480: {  	v59 =	vld [tilespmem:$0x1FCA0]  }
0x481: {  	v7 =	vmul.f32 v8, v7;
	v8 =	vld.idx.msk [tilespmem:v40+s20+$0x0], $0xffff  }
0x482: {  	v12 =	vld.idx.msk [tilespmem:v40+s21+$0x0], $0xffff  }
0x483: {  	v13 =	vmul.f32 v21, v20;
	v20 =	vmul.f32 v53, v27;
	v27 =	vld.idx.msk [tilespmem:v31+s20+$0x0], $0xffff  }
0x484: {  	v6 =	vmul.f32 v6, v38;
	v38 =	vld [tilespmem:$0x1F7F0]  }
0x485: {  	v21 =	vmul.f32 v46, v57;
	v46 =	vld [tilespmem:$0x1F800]  }
0x486: {  	v31 =	vor.u32 v34, v5;
	v53 =	vld [tilespmem:$0x1FF10]  }
0x487: {  	v8 =	vmul.f32 v12, v8;
	v12 =	vld [tilespmem:$0x1F7D0]  }
0x488: {  	v57 =	vld [tilespmem:$0x1FCE0]  }
0x489: {  	v11 =	vmul.f32 v29, v11;
	v19 =	vor.u32 v63, v5;
	v63 =	vld [tilespmem:$0x1F840];
	v6 =	vadd.f32 v6, v38  }
0x48a: {  	v29 =	vmul.f32 v45, v43;
	v45 =	vor.u32 v39, v5;
	v27 =	vmul.f32 v30, v27;
	v30 =	vld [tilespmem:$0x1FED0]  }
0x48b: {  	v15 =	vmul.f32 v18, v15;
	v8 =	vadd.f32 v8, v46;
	v6 =	vadd.f32 v16, v6;
	v16 =	vld.idx.msk [tilespmem:v31+s20+$0x0], $0xffff  }
0x48c: {  	v12 =	vadd.f32 v20, v12;
	v20 =	vld [tilespmem:$0x1F7E0]  }
0x48d: {  	v8 =	vadd.f32 v15, v8;
	v15 =	vmul.f32 v26, v23;
	v23 =	vld [tilespmem:$0x1F750]  }
0x48e: {  	v26 =	vld [tilespmem:$0x1F780]  }
0x48f: {  	v8 =	vadd.f32 v15, v8;
	v15 =	vld.idx.msk [tilespmem:v45+s20+$0x0], $0xffff  }
0x490: {  	v12 =	vadd.f32 v17, v12;
	v17 =	vld.idx.msk [tilespmem:v19+s20+$0x0], $0xffff  }
0x491: {  	v19 =	vld.idx.msk [tilespmem:v19+s21+$0x0], $0xffff;
	v20 =	vadd.f32 v21, v20  }
0x492: {  	v11 =	vadd.f32 v11, v12;
	v21 =	vld.idx.msk [tilespmem:v28+s20+$0x0], $0xffff  }
0x493: {  	v28 =	vld.idx.msk [tilespmem:v28+s21+$0x0], $0xffff;
	v18 =	vadd.f32 v29, v20  }
0x494: {  	v9 =	vadd.f32 v9, v11;
	v11 =	vld.idx.msk [tilespmem:v45+s21+$0x0], $0xffff;
	v20 =	vmul.f32 v25, v22;
	v22 =	vor.u32 v48, v5  }
0x495: {  	v12 =	vadd.f32 v14, v18;
	v14 =	vld.idx.msk [tilespmem:v31+s21+$0x0], $0xffff  }
0x496: {  	v6 =	vadd.f32 v20, v6;
	v20 =	vld [tilespmem:$0x1F760]  }
0x497: {  	v23 =	vmul.f32 v51, v23;
	v31 =	vld [tilespmem:$0x1FF00]  }
0x498: {  	v12 =	vadd.f32 v13, v12;
	v13 =	vld [tilespmem:$0x1F770]  }
0x499: {  	v6 =	vadd.f32 v23, v6;
	v23 =	vld.idx.msk [tilespmem:v22+s20+$0x0], $0xffff  }
0x49a: {  	v22 =	vld.idx.msk [tilespmem:v22+s21+$0x0], $0xffff  }
0x49b: {  	v25 =	vor.u32 v53, v5;
	v29 =	vld [tilespmem:$0x1FEC0];
	v20 =	vmul.f32 v50, v20  }
0x49c: {  	v9 =	vadd.f32 v60, v9;
	v60 =	vld [tilespmem:$0x1FC80]  }
0x49d: {  	v4 =	vadd.f32 v4, v6;
	v6 =	vor.u32 v30, v5;
	v8 =	vadd.f32 v20, v8;
	v20 =	vld [tilespmem:$0x1F790]  }
0x49e: {  	v13 =	vmul.f32 v26, v13;
	v26 =	vld [tilespmem:$0x1F7A0]  }
0x49f: {  	v18 =	vor.u32 v31, v5;
	v22 =	vmul.f32 v22, v23;
	v23 =	vld [tilespmem:$0x1F810]  }
0x4a0: {  	v4 =	vadd.f32 v56, v4;
	v7 =	vadd.f32 v7, v8;
	v8 =	vmul.f32 v19, v17;
	v17 =	vld.idx.msk [tilespmem:v25+s20+$0x0], $0xffff  }
0x4a1: {  	v19 =	vld.idx.msk [tilespmem:v25+s21+$0x0], $0xffff  }
0x4a2: {  	v4 =	vadd.f32 v10, v4;
	v10 =	vld.idx.msk [tilespmem:v6+s20+$0x0], $0xffff  }
0x4a3: {  	v6 =	vld.idx.msk [tilespmem:v6+s21+$0x0], $0xffff;
	v20 =	vmul.f32 v26, v20;
	v26 =	vor.u32 v29, v5  }
0x4a4: {  	v11 =	vmul.f32 v11, v15;
	v3 =	vadd.f32 v3, v12;
	v12 =	vld.idx.msk [tilespmem:v18+s20+$0x0], $0xffff  }
0x4a5: {  	v18 =	vld.idx.msk [tilespmem:v18+s21+$0x0], $0xffff  }
0x4a6: {  	v7 =	vadd.f32 v58, v7;
	v58 =	vld [tilespmem:$0x1FCC0];
	v11 =	vadd.f32 v11, v23;
	v23 =	vor.u32 v60, v5  }
0x4a7: {  	v14 =	vmul.f32 v14, v16;
	v16 =	vor.u32 v57, v5;
	v17 =	vmul.f32 v19, v17;
	v19 =	vld [tilespmem:$0x1F490]  }
0x4a8: {  	v15 =	vld.idx.msk [tilespmem:v26+s20+$0x0], $0xffff  }
0x4a9: {  	v22 =	vadd.f32 v22, v61;
	v6 =	vmul.f32 v6, v10;
	v17 =	vadd.f32 v17, v63;
	v26 =	vld.idx.msk [tilespmem:v26+s21+$0x0], $0xffff  }
0x4aa: {  	v8 =	vadd.f32 v8, v11;
	v11 =	vld [tilespmem:$0x1F850]  }
0x4ab: {  	v24 =	vmul.f32 v33, v24;
	v10 =	vadd.f32 v14, v22;
	v6 =	vadd.f32 v6, v17;
	v17 =	vld.idx.msk [tilespmem:v23+s20+$0x0], $0xffff  }
0x4ac: {  	v12 =	vmul.f32 v18, v12;
	v18 =	vor.u32 v59, v5;
	v4 =	vadd.f32 v19, v4;
	v19 =	vld.idx.msk [tilespmem:v16+s20+$0x0], $0xffff  }
0x4ad: {  	v10 =	vadd.f32 v27, v10;
	v16 =	vld.idx.msk [tilespmem:v16+s21+$0x0], $0xffff  }
0x4ae: {  	v25 =	vor.u32 v58, v5;
	v8 =	vadd.f32 v24, v8;
	v15 =	vmul.f32 v26, v15;
	v26 =	vld [tilespmem:$0x1F830]  }
0x4af: {  	v10 =	vadd.f32 v20, v10;
	v20 =	vld [tilespmem:$0x1F730]  }
0x4b0: {  	v8 =	vadd.f32 v13, v8;
	v13 =	vld.idx.msk [tilespmem:v23+s21+$0x0], $0xffff  }
0x4b1: {  	v14 =	vld.idx.msk [tilespmem:v18+s20+$0x0], $0xffff  }
0x4b2: {  	v16 =	vmul.f32 v16, v19;
	v19 =	vld [tilespmem:$0x1F7C0]  }
0x4b3: {  	v11 =	vor.u32 v11, v5;
	v12 =	vadd.f32 v12, v26;
	v26 =	vld.idx.msk [tilespmem:v25+s20+$0x0], $0xffff  }
0x4b4: {  	v25 =	vld.idx.msk [tilespmem:v25+s21+$0x0], $0xffff  }
0x4b5: {  	v1 =	vadd.f32 v1, v10;
	v12 =	vadd.f32 v15, v12;
	v15 =	vld.idx.msk [tilespmem:v18+s21+$0x0], $0xffff  }
0x4b6: {  	v5 =	vor.u32 v62, v5;
	v18 =	vld [tilespmem:$0x1F7B0]  }
0x4b7: {  	v0 =	vadd.f32 v0, v1;
	v1 =	vld [tilespmem:$0x1F6F0]  }
0x4b8: {  	v21 =	vmul.f32 v28, v21;
	v10 =	vld.idx.msk [tilespmem:v11+s20+$0x0], $0xffff  }
0x4b9: {  	v11 =	vld.idx.msk [tilespmem:v11+s21+$0x0], $0xffff  }
0x4ba: {  	v3 =	vadd.f32 v55, v3;
	v12 =	vadd.f32 v21, v12;
	v21 =	vld [tilespmem:$0x1F740]  }
0x4bb: {  	v6 =	vadd.f32 v16, v6;
	v16 =	vmul.f32 v25, v26;
	v18 =	vmul.f32 v19, v18;
	v19 =	vld.idx.msk [tilespmem:v5+s20+$0x0], $0xffff  }
0x4bc: {  	v3 =	vadd.f32 v35, v3;
	v5 =	vld.idx.msk [tilespmem:v5+s21+$0x0], $0xffff  }
0x4bd: {  	v2 =	vadd.f32 v2, v8;
	v6 =	vadd.f32 v16, v6;
	v8 =	vmul.f32 v15, v14;
	v14 =	vld [tilespmem:$0x1F710]  }
0x4be: {  	v3 =	vadd.f32 v41, v3;
	v15 =	vld [tilespmem:$0x1F720]  }
0x4bf: {  	v6 =	vadd.f32 v8, v6;
	v8 =	vmul.f32 v13, v17;
	v13 =	vld [tilespmem:$0x1F700]  }
0x4c0: {  	[tilespmem:$0x8210] =	vst v3;
	v3 =	vld [tilespmem:$0x1F650]  }
0x4c1: {  	v6 =	vadd.f32 v8, v6;
	v8 =	vld [tilespmem:$0x1F660]  }
0x4c2: {  	v20 =	vmul.f32 v21, v20;
	v12 =	vadd.f32 v18, v12  }
0x4c3: {  	v9 =	vadd.f32 v52, v9  }
0x4c4: {  	v12 =	vadd.f32 v20, v12;
	v14 =	vmul.f32 v15, v14;
	v1 =	vmul.f32 v13, v1;
	v13 =	vld [tilespmem:$0x1F4A0]  }
0x4c5: {  	v9 =	vadd.f32 v47, v9;
	v5 =	vmul.f32 v5, v19  }
0x4c6: {  	v7 =	vadd.f32 v36, v7;
	v12 =	vadd.f32 v14, v12;
	v3 =	vmul.f32 v8, v3;
	v8 =	vld [tilespmem:$0x1F4B0]  }
0x4c7: {  	v2 =	vadd.f32 v54, v2;
	[tilespmem:$0x8220] =	vst v4;
	v4 =	vadd.f32 v5, v6;
	v6 =	vld [tilespmem:$0x1F4C0]  }
0x4c8: {  	v9 =	vadd.f32 v42, v9;
	v1 =	vadd.f32 v1, v12  }
0x4c9: {  	v7 =	vadd.f32 v44, v7;
	v2 =	vadd.f32 v13, v2  }
0x4ca: {  	v0 =	vadd.f32 v49, v0;
	[tilespmem:$0x8200] =	vst v9;
	v1 =	vadd.f32 v3, v1  }
0x4cb: {  	[tilespmem:$0x8230] =	vst v7;
	v5 =	vmul.f32 v11, v10;
	v2 =	vadd.f32 v8, v2  }
0x4cc: {  	v0 =	vadd.f32 v6, v0;
	[tilespmem:$0x8260] =	vst v1  }
0x4cd: {  	[tilespmem:$0x8240] =	vst v2;
	v2 =	vadd.f32 v5, v4  }
0x4ce: {  	[tilespmem:$0x8250] =	vst v0  }
0x4cf: {  	s0 =	sadd.s32 s8, s30;
	[tilespmem:$0x8270] =	vst v2  }
0x4d0: {  	[hbm4b:s0+s2] =	stream.linear.scatter [tilespmem:s24], [sflag:$0x5], $0x80, $0x38;
	[tilespmem:$0x8280] =	vst v63  }
0x4d1: {  	_ =	swait.ge [sflag:s14], $0x80  }
0x4d2: {  	v42 =	vld [tilespmem:$0x1FFE0]  }
0x4d3: {  	v31 =	vld [tilespmem:$0x1FC30]  }
0x4d4: {  	v48 =	vmov v32;
	v32 =	vld [tilespmem:$0x1FC40]  }
0x4d5: {  	v39 =	vld [tilespmem:$0x1FFD0]  }
0x4d6: {  	v19 =	vld [tilespmem:$0x1FEA0]  }
0x4d7: {  	v29 =	vld [tilespmem:$0x1FEB0]  }
0x4d8: {  	v30 =	vld [tilespmem:$0x1FEE0]  }
0x4d9: {  	v40 =	vld [tilespmem:$0x1FF60]  }
0x4da: {  	v41 =	vld [tilespmem:$0x1FF70]  }
0x4db: {  	v43 =	vld [tilespmem:$0x1FF80]  }
0x4dc: {  	v44 =	vld [tilespmem:$0x1FF90]  }
0x4dd: {  	v12 =	vld [tilespmem:$0x1FE50]  }
0x4de: {  	v15 =	vld [tilespmem:$0x1FE60]  }
0x4df: {  	v17 =	vld [tilespmem:$0x1FE80]  }
0x4e0: {  	v20 =	vld [tilespmem:$0x1FE90]  }
0x4e1: {  	v46 =	vld [tilespmem:$0x1FF40]  }
0x4e2: {  	v47 =	vld [tilespmem:$0x1FF30]  }
0x4e3: {  	v45 =	vld [tilespmem:$0x1FF50]  }
0x4e4: {  	v8 =	vld [tilespmem:$0x1FDD0]  }
0x4e5: {  	v9 =	vld [tilespmem:$0x1FE30]  }
0x4e6: {  	v10 =	vld [tilespmem:$0x1FDE0]  }
0x4e7: {  	v11 =	vld [tilespmem:$0x1FDF0]  }
0x4e8: {  	v13 =	vld [tilespmem:$0x1FE40]  }
0x4e9: {  	v14 =	vld [tilespmem:$0x1FE10]  }
0x4ea: {  	v16 =	vld [tilespmem:$0x1FE20]  }
0x4eb: {  	v21 =	vld [tilespmem:$0x1FE70]  }
0x4ec: {  	v27 =	vld [tilespmem:$0x1FDC0]  }
0x4ed: {  	v50 =	vld [tilespmem:$0x1FF20]  }
0x4ee: {  	v54 =	vld [tilespmem:$0x1FD40]  }
0x4ef: {  	v56 =	vld [tilespmem:$0x1FD60]  }
0x4f0: {  	v58 =	vld [tilespmem:$0x1FD70]  }
0x4f1: {  	v60 =	vld [tilespmem:$0x1FD90]  }
0x4f2: {  	v33 =	vld [tilespmem:$0x1FC90]  }
0x4f3: {  	v18 =	vld [tilespmem:$0x1FCB0]  }
0x4f4: {  	v35 =	vld [tilespmem:$0x1FCD0]  }
0x4f5: {  	v49 =	vmov v37;
	v37 =	vld [tilespmem:$0x1FCF0]  }
0x4f6: {  	v38 =	vld [tilespmem:$0x1FD00]  }
0x4f7: {  	v51 =	vld [tilespmem:$0x1FD10]  }
0x4f8: {  	v52 =	vld [tilespmem:$0x1FD20]  }
0x4f9: {  	s29 =	sadd.s32 $0x1, s29;
	v1 =	vld [tilespmem:$0x1FC50]  }
0x4fa: {  	p0 =	sne.s32 s29, $0x4F;
	v2 =	vld [tilespmem:$0x1FC60]  }
.Ltmp2:
0x4fb: {  	v3 =	vld [tilespmem:$0x1FC70];
	(pc) =	sbr.rel @p0 .LBB2_2-.Ltmp2, $4  }
0x4fc: {  	v55 =	vld [tilespmem:$0x1FD50]  }
0x4fd: {  	v57 =	vld [tilespmem:$0x1FD80]  }
0x4fe: {  	[sflag:s14] =	ssyncset.done $0x0;
	v61 =	vld [tilespmem:$0x1FDB0]  }
0x4ff: {  	v59 =	vld [tilespmem:$0x1FDA0];
	[sflag:s14] =	ssyncadd.s32 $0xFFFFFF80  }
0x500: {  	s28 =	sadd.s32 $0x1, s28  }
0x501: {  	_ =	swait.ge [sflag:s22], $0x2000;
	p0 =	sne.s32 s28, s13  }
.Ltmp3:
0x502: {  	[sflag:s22] =	ssyncset.done $0x0;
	(pc) =	sbr.rel @p0 .LBB2_1-.Ltmp3, $4  }
0x503: {  	[sflag:s22] =	ssyncadd.s32 $0xFFFFE000  }
0x504: {  	_ =	swait.ge [sflag:s23], $0x2000  }
0x505: {  	[sflag:s23] =	ssyncset.done $0x0  }
0x506: {  	[sflag:s23] =	ssyncadd.s32 $0xFFFFE000  }
0x507: {  	_ =	sfence.sel $0x180000  }
0x508: {  	[bflag:$0x0] =	sbarrier.arrive $0xFFFF  }
0x509: {  	_ =	strace $0x90000050  }
0x50a: {  	[bflag:$0x2] =	sbarrier.arrive $0xFFFF  }
0x50b: {  	p0 =	sne.s32 s1, $0x0;
	s0 =	rddreg [dreg:$0x1]  }
0x50c: {  	s0 =	sadd.s32 @!p0 $0x100000, s0  }
0x50d: {  	[sflag:s0] =	ssyncadd.tile.s32 @!p0 $0x1;
	_ =	shalt  }
.Lfunc_end2:
_tile_overlayer_lowered:
.L_overlay_start_2:
0x50e: {  	(tag) =	ssettag $0x2  }
0x50f: {  	s0 =	rddreg [dreg:$0x0];
	s2 =	stileid.u32  }
0x510: {  	s1 =	rddreg [dreg:$0x1];
	p0 =	sne.s32 s2, $0x0  }
0x511: {  	s3 =	rddreg [dreg:$0x2];
	[bflag:$0x3] =	sbarrier.arrive $0xFFFF;
	s2 =	simm.s32 @!p0 $0x1C05  }
0x512: {  	[timem:s3], [sflag:s2] =	dma.local @!p0 [hbm:s0], s1  }
0x513: {  	s0 =	simm.s32 @!p0 $0x5  }
0x514: {  	_ =	swait.ge @!p0 [sflag:s0], s1  }
0x515: {  	s1 =	ssub.s32 @!p0 $0x0, s1;
	[sflag:s0] =	ssyncset.done @!p0 $0x0  }
0x516: {  	[sflag:s0] =	ssyncadd.s32 @!p0 s1  }
0x517: {  	[bflag:$0x3] =	sbarrier.arrive $0xFFFF  }
0x518: {  	_ =	shalt  }

</sc_bundles>
